<compile_context>
chip_gen: v7x
topology: tpu7x:2x2x1
jax: 0.10.2.dev20260603
libtpu: 0.0.44.dev20260713+nightly
codegen_flags: <defaults>
</compile_context>

<pallas_src>
import functools

import jax
import jax.numpy as jnp
from jax import lax
from jax.experimental import pallas as pl
from jax.experimental.pallas import tpu as pltpu
from jax.experimental.pallas import tpu_sc as plsc

N = 10000
E = 320000
G = 64
NP = 10240
NB = NP // 16
NC = 2
NW = 32
CH = 128
ER = E // CH
RPT = ER // NW
XTR = ER - RPT * NW

_MESH = dict(core_axis_name="c", subcore_axis_name="s")


def _sc_agg_build(D):
    K = 8 if D == 64 else 12
    NG = RPT // K
    R = RPT - NG * K

    @functools.partial(
        pl.kernel,
        mesh=plsc.VectorSubcoreMesh(**_MESH),
        compiler_params=pltpu.CompilerParams(use_tc_tiling_on_sc=False),
        out_type=jax.ShapeDtypeStruct((NC, NP, D), jnp.float32),
        scratch_types=[
            pltpu.VMEM(((RPT + 1) * CH,), jnp.int32),
            pltpu.VMEM((RPT + 1, CH), jnp.int32),
            [pltpu.VMEM((CH, D), jnp.float32) for _ in range(K)],
            pltpu.VMEM_SHARED((NP, D), jnp.float32),
            [pltpu.SemaphoreType.DMA for _ in range(K)],
            [pltpu.SemaphoreType.DMA for _ in range(K)],
        ],
    )
    def k(g_hbm, src_hbm, dst2_hbm, z_hbm, out_hbm,
          srcs, dsts, rows, acc, sg, ssem):
        c = lax.axis_index("c")
        s = lax.axis_index("s")
        wid = s * NC + c

        row0 = wid * RPT + jnp.minimum(wid, XTR)
        has_extra = wid < XTR
        hsrc = pltpu.async_copy(src_hbm.at[pl.ds(row0 * CH, RPT * CH)],
                                srcs.at[pl.ds(0, RPT * CH)], sg[0])
        hdst = pltpu.async_copy(dst2_hbm.at[pl.ds(row0, RPT)],
                                dsts.at[pl.ds(0, RPT)], sg[1])

        @pl.when(has_extra)
        def _():
            pltpu.sync_copy(src_hbm.at[pl.ds((row0 + RPT) * CH, CH)],
                            srcs.at[pl.ds(RPT * CH, CH)])
            pltpu.sync_copy(dst2_hbm.at[pl.ds(row0 + RPT, 1)],
                            dsts.at[pl.ds(RPT, 1)])

        pltpu.sync_copy(z_hbm, rows[0])
        for z in range(5):
            pltpu.sync_copy(rows[0], acc.at[pl.ds(s * NB + z * (NB // 5),
                                                  NB // 5)])
        hsrc.wait()
        hdst.wait()
        plsc.subcore_barrier()

        def group_body(c0, n):
            hs = [pltpu.async_copy(
                      g_hbm.at[srcs.at[pl.ds((c0 + i) * CH, CH)]],
                      rows[i], sg[i]) for i in range(n)]
            ws = []
            for i in range(n):
                hs[i].wait()
                ws.append(pltpu.async_copy(rows[i], acc.at[dsts.at[c0 + i]],
                                           ssem[i], add=True))
            for w in ws:
                w.wait()

        def group(jg, carry):
            group_body(jg * K, K)
            return carry

        lax.fori_loop(0, NG, group, 0)
        if R:
            group_body(NG * K, R)

        @pl.when(has_extra)
        def _():
            pltpu.async_copy(g_hbm.at[srcs.at[pl.ds(RPT * CH, CH)]],
                             rows[0], sg[0]).wait()
            pltpu.sync_copy(rows[0], acc.at[dsts.at[RPT]], add=True)

        plsc.subcore_barrier()
        pltpu.sync_copy(acc.at[pl.ds(s * NB, NB)],
                        out_hbm.at[c, pl.ds(s * NB, NB)])

    return k


_sc_agg64 = _sc_agg_build(64)
_sc_agg32 = _sc_agg_build(32)


@functools.partial(
    pl.kernel,
    mesh=plsc.VectorSubcoreMesh(**_MESH),
    compiler_params=pltpu.CompilerParams(use_tc_tiling_on_sc=False),
    out_type=jax.ShapeDtypeStruct((NC, NP), jnp.float32),
    scratch_types=[
        pltpu.VMEM((RPT + 1, CH), jnp.int32),
        pltpu.VMEM((CH,), jnp.float32),
        pltpu.VMEM((NB,), jnp.float32),
        pltpu.VMEM_SHARED((NP,), jnp.float32),
        [pltpu.SemaphoreType.DMA for _ in range(6)],
    ],
)
def _sc_deg(dst2_hbm, ones_hbm, z_hbm, out_hbm, dsts, ones_v, zbuf, acc, sems):
    c = lax.axis_index("c")
    s = lax.axis_index("s")
    wid = s * NC + c
    row0 = wid * RPT + jnp.minimum(wid, XTR)
    has_extra = wid < XTR

    pltpu.sync_copy(dst2_hbm.at[pl.ds(row0, RPT)], dsts.at[pl.ds(0, RPT)])

    @pl.when(has_extra)
    def _():
        pltpu.sync_copy(dst2_hbm.at[pl.ds(row0 + RPT, 1)],
                        dsts.at[pl.ds(RPT, 1)])

    pltpu.sync_copy(z_hbm, zbuf)
    pltpu.sync_copy(zbuf, acc.at[pl.ds(s * NB, NB)])
    pltpu.sync_copy(ones_hbm, ones_v)
    plsc.subcore_barrier()

    def add_group(c0, n):
        hs = [pltpu.async_copy(ones_v, acc.at[dsts.at[c0 + i]], sems[i],
                               add=True) for i in range(n)]
        for h in hs:
            h.wait()

    def step(j, carry):
        add_group(j * 6, 6)
        return carry

    lax.fori_loop(0, RPT // 6, step, 0)

    @pl.when(has_extra)
    def _():
        pltpu.sync_copy(ones_v, acc.at[dsts.at[RPT]], add=True)

    plsc.subcore_barrier()
    pltpu.sync_copy(acc.at[pl.ds(s * NB, NB)], out_hbm.at[c, pl.ds(s * NB, NB)])


_BR = 2000


def _tc_prep_body(x_ref, w_ref, d_ref, g_ref, dinv_ref):
    deg = d_ref[0] + d_ref[1] + 1.0
    dinv = lax.rsqrt(deg)
    g_ref[...] = jnp.dot(x_ref[...], w_ref[...],
                         preferred_element_type=jnp.float32) * dinv
    dinv_ref[...] = dinv


def _tc_prep(x, W1, deg_r):
    return pl.pallas_call(
        _tc_prep_body,
        grid=(N // _BR,),
        in_specs=[
            pl.BlockSpec((_BR, 128), lambda i: (i, 0)),
            pl.BlockSpec((128, 64), lambda i: (0, 0)),
            pl.BlockSpec((2, _BR, 1), lambda i: (0, i, 0)),
        ],
        out_specs=(
            pl.BlockSpec((_BR, 64), lambda i: (i, 0)),
            pl.BlockSpec((_BR, 1), lambda i: (i, 0)),
        ),
        out_shape=(
            jax.ShapeDtypeStruct((N, 64), jnp.float32),
            jax.ShapeDtypeStruct((N, 1), jnp.float32),
        ),
    )(x, W1, deg_r)


def _tc_layer_body(sp_ref, g_ref, dinv_ref, w_ref, b_ref, out_ref):
    dinv = dinv_ref[...]
    h = jnp.maximum(dinv * (sp_ref[0] + sp_ref[1] + g_ref[...]) + b_ref[...],
                    0.0)
    out_ref[...] = jnp.dot(h, w_ref[...],
                           preferred_element_type=jnp.float32) * dinv


def _tc_layer(S, g, dinv, W, b_r, dout):
    return pl.pallas_call(
        _tc_layer_body,
        grid=(N // _BR,),
        in_specs=[
            pl.BlockSpec((2, _BR, 64), lambda i: (0, i, 0)),
            pl.BlockSpec((_BR, 64), lambda i: (i, 0)),
            pl.BlockSpec((_BR, 1), lambda i: (i, 0)),
            pl.BlockSpec((64, dout), lambda i: (0, 0)),
            pl.BlockSpec((1, 64), lambda i: (0, 0)),
        ],
        out_specs=pl.BlockSpec((_BR, dout), lambda i: (i, 0)),
        out_shape=jax.ShapeDtypeStruct((N, dout), jnp.float32),
    )(S, g, dinv, W, b_r)


def _tc_head_body(sp_ref, g_ref, dinv_ref, b3_ref, batch_ref,
                  wc1, bc1, wc2, bc2, wc3, bc3, out_ref):
    h3 = dinv_ref[...] * (sp_ref[0, :N] + sp_ref[1, :N] + g_ref[...]) \
        + b3_ref[...]
    gids = lax.broadcasted_iota(jnp.int32, (G, N), 0)
    mask = (gids == batch_ref[...]).astype(jnp.float32)
    cnt = jnp.sum(mask, axis=1, keepdims=True)
    summ = jnp.dot(mask, h3, preferred_element_type=jnp.float32)
    emb = summ / jnp.maximum(cnt, 1.0)
    h = jnp.maximum(jnp.dot(emb, wc1[...],
                            preferred_element_type=jnp.float32) + bc1[...], 0.0)
    h = jnp.maximum(jnp.dot(h, wc2[...],
                            preferred_element_type=jnp.float32) + bc2[...], 0.0)
    out_ref[...] = jnp.dot(h, wc3[...],
                           preferred_element_type=jnp.float32) + bc3[...]


def _tc_head(S3, g3, dinv, b3_r, batch_r, Wc1, bc1_r, Wc2, bc2_r, Wc3, bc3_r):
    return pl.pallas_call(
        _tc_head_body,
        grid=(1,),
        in_specs=[
            pl.BlockSpec((2, NP, 32), lambda i: (0, 0, 0)),
            pl.BlockSpec((N, 32), lambda i: (0, 0)),
            pl.BlockSpec((N, 1), lambda i: (0, 0)),
            pl.BlockSpec((1, 32), lambda i: (0, 0)),
            pl.BlockSpec((1, N), lambda i: (0, 0)),
            pl.BlockSpec((32, 64), lambda i: (0, 0)),
            pl.BlockSpec((1, 64), lambda i: (0, 0)),
            pl.BlockSpec((64, 32), lambda i: (0, 0)),
            pl.BlockSpec((1, 32), lambda i: (0, 0)),
            pl.BlockSpec((32, 2), lambda i: (0, 0)),
            pl.BlockSpec((1, 2), lambda i: (0, 0)),
        ],
        out_specs=pl.BlockSpec((G, 2), lambda i: (0, 0)),
        out_shape=jax.ShapeDtypeStruct((G, 2), jnp.float32),
    )(S3, g3, dinv, b3_r, batch_r, Wc1, bc1_r, Wc2, bc2_r, Wc3, bc3_r)


def kernel(x, edge_index, batch, W1, b1, W2, b2, W3, b3,
           Wc1, bc1, Wc2, bc2, Wc3, bc3):
    f32 = jnp.float32
    z64 = jnp.zeros((NB // 5, 64), f32)
    z32 = jnp.zeros((NB // 5, 32), f32)
    z1 = jnp.zeros((NB,), f32)
    ones = jnp.ones((CH,), f32)
    src = edge_index[0]
    dst2 = edge_index[1].reshape(ER, CH)

    deg_p = _sc_deg(dst2, ones, z1)
    deg_r = deg_p.reshape(NC, NP, 1)
    g1, dinv = _tc_prep(x, W1, deg_r)
    S1 = _sc_agg64(g1, src, dst2, z64)
    g2 = _tc_layer(S1, g1, dinv, W2, b1.reshape(1, 64), 64)
    S2 = _sc_agg64(g2, src, dst2, z64)
    g3 = _tc_layer(S2, g2, dinv, W3, b2.reshape(1, 64), 32)
    S3 = _sc_agg32(g3, src, dst2, z32)
    return _tc_head(S3, g3, dinv, b3.reshape(1, 32), batch.reshape(1, N),
                    Wc1, bc1.reshape(1, 64), Wc2, bc2.reshape(1, 32),
                    Wc3, bc3.reshape(1, 2))

# --- scband reference (transcript-rebuilt; emitter-appended) ---
"""Pipeline reference for scband-gnnclassifier-35605278883841 (READ-ONLY COPY).

The authoritative reference and input builder live on the scoring server;
editing this copy changes nothing except your own understanding.
"""

import jax, jax.numpy as jnp
import numpy as np

N = 10000
E = 320000
G = 64
D_IN, D_HID, D_EMB, N_CLS = 128, 64, 32, 2


def setup_inputs(seed: int = 0) -> dict:
    key = jax.random.key(seed)
    ks = jax.random.split(key, 16)

    def w(k, shape, fan_in):
        return jax.random.normal(k, shape, jnp.float32) * (1.0 / np.sqrt(fan_in))

    inp = {}
    inp["x"] = jax.random.normal(ks[0], (N, D_IN), jnp.float32)
    inp["edge_index"] = jax.random.randint(ks[1], (2, E), 0, N, dtype=jnp.int32)
    inp["batch"] = jnp.sort(jax.random.randint(ks[2], (N,), 0, G, dtype=jnp.int32))
    inp["W1"] = w(ks[3], (D_IN, D_HID), D_IN)
    inp["b1"] = jnp.zeros((D_HID,), jnp.float32)
    inp["W2"] = w(ks[4], (D_HID, D_HID), D_HID)
    inp["b2"] = jnp.zeros((D_HID,), jnp.float32)
    inp["W3"] = w(ks[5], (D_HID, D_EMB), D_HID)
    inp["b3"] = jnp.zeros((D_EMB,), jnp.float32)
    inp["Wc1"] = w(ks[6], (D_EMB, D_HID), D_EMB)
    inp["bc1"] = jnp.zeros((D_HID,), jnp.float32)
    inp["Wc2"] = w(ks[7], (D_HID, D_HID // 2), D_HID)
    inp["bc2"] = jnp.zeros((D_HID // 2,), jnp.float32)
    inp["Wc3"] = w(ks[8], (D_HID // 2, N_CLS), D_HID // 2)
    inp["bc3"] = jnp.zeros((N_CLS,), jnp.float32)
    return inp


def _gcn(h, W, b, src, dst, norm, n):
    # GCNConv: linear transform, then symmetric-normalized scatter-add aggregation
    hw = h @ W
    msg = hw[src] * norm[:, None]
    agg = jax.ops.segment_sum(msg, dst, num_segments=n)
    return agg + b


def _encode(x, edge_index, batch, W1, b1, W2, b2, W3, b3):
    n = x.shape[0]
    loops = jnp.arange(n, dtype=edge_index.dtype)
    src = jnp.concatenate([edge_index[0], loops])
    dst = jnp.concatenate([edge_index[1], loops])
    deg = jax.ops.segment_sum(jnp.ones(src.shape[0], jnp.float32), dst, num_segments=n)
    dinv = jnp.where(deg > 0, jax.lax.rsqrt(jnp.maximum(deg, 1e-12)), 0.0)
    norm = dinv[src] * dinv[dst]
    h = jax.nn.relu(_gcn(x, W1, b1, src, dst, norm, n))
    h = jax.nn.relu(_gcn(h, W2, b2, src, dst, norm, n))
    h = _gcn(h, W3, b3, src, dst, norm, n)
    # global mean pool over graphs (dropout is identity in eval mode)
    cnt = jax.ops.segment_sum(jnp.ones(n, jnp.float32), batch, num_segments=G)
    summ = jax.ops.segment_sum(h, batch, num_segments=G)
    return summ / jnp.maximum(cnt, 1.0)[:, None]


def reference(x, edge_index, batch, W1, b1, W2, b2, W3, b3, Wc1, bc1, Wc2, bc2, Wc3, bc3):
    emb = _encode(x, edge_index, batch, W1, b1, W2, b2, W3, b3)
    h = jax.nn.relu(emb @ Wc1 + bc1)
    h = jax.nn.relu(h @ Wc2 + bc2)
    logits = h @ Wc3 + bc3
    return logits

if __name__ == "__main__":
    import jax
    _d = setup_inputs()
    print(jax.jit(kernel)(*tuple(_d.values())))

</pallas_src>

<mosaic_0001>
#map = affine_map<(d0, d1) -> (0, 0)>
#map1 = affine_map<(d0, d1) -> (0)>
#map2 = affine_map<(d0, d1) -> (0, 0, 0)>
module attributes {stable_mosaic.version = 14 : i64} {
  func.func @k(%arg0: i32, %arg1: i32, %arg2: memref<10000x64xf32, #tpu.memory_space<hbm>>, %arg3: memref<320000xi32, #tpu.memory_space<hbm>>, %arg4: memref<2500x128xi32, #tpu.memory_space<hbm>>, %arg5: memref<128x64xf32, #tpu.memory_space<hbm>>, %arg6: memref<2x10240x64xf32, #tpu.memory_space<hbm>>, %arg7: memref<10112xi32, #tpu.memory_space<vmem>>, %arg8: memref<79x128xi32, #tpu.memory_space<vmem>>, %arg9: memref<128x64xf32, #tpu.memory_space<vmem>>, %arg10: memref<128x64xf32, #tpu.memory_space<vmem>>, %arg11: memref<128x64xf32, #tpu.memory_space<vmem>>, %arg12: memref<128x64xf32, #tpu.memory_space<vmem>>, %arg13: memref<128x64xf32, #tpu.memory_space<vmem>>, %arg14: memref<128x64xf32, #tpu.memory_space<vmem>>, %arg15: memref<128x64xf32, #tpu.memory_space<vmem>>, %arg16: memref<128x64xf32, #tpu.memory_space<vmem>>, %arg17: memref<10240x64xf32, #tpu.memory_space<vmem_shared>>, %arg18: memref<!tpu.dma_semaphore, #tpu.memory_space<semaphore_mem>>, %arg19: memref<!tpu.dma_semaphore, #tpu.memory_space<semaphore_mem>>, %arg20: memref<!tpu.dma_semaphore, #tpu.memory_space<semaphore_mem>>, %arg21: memref<!tpu.dma_semaphore, #tpu.memory_space<semaphore_mem>>, %arg22: memref<!tpu.dma_semaphore, #tpu.memory_space<semaphore_mem>>, %arg23: memref<!tpu.dma_semaphore, #tpu.memory_space<semaphore_mem>>, %arg24: memref<!tpu.dma_semaphore, #tpu.memory_space<semaphore_mem>>, %arg25: memref<!tpu.dma_semaphore, #tpu.memory_space<semaphore_mem>>, %arg26: memref<!tpu.dma_semaphore, #tpu.memory_space<semaphore_mem>>, %arg27: memref<!tpu.dma_semaphore, #tpu.memory_space<semaphore_mem>>, %arg28: memref<!tpu.dma_semaphore, #tpu.memory_space<semaphore_mem>>, %arg29: memref<!tpu.dma_semaphore, #tpu.memory_space<semaphore_mem>>, %arg30: memref<!tpu.dma_semaphore, #tpu.memory_space<semaphore_mem>>, %arg31: memref<!tpu.dma_semaphore, #tpu.memory_space<semaphore_mem>>, %arg32: memref<!tpu.dma_semaphore, #tpu.memory_space<semaphore_mem>>, %arg33: memref<!tpu.dma_semaphore, #tpu.memory_space<semaphore_mem>>) attributes {dimension_semantics = [#tpu.dimension_semantics<core_parallel>, #tpu.dimension_semantics<subcore_parallel>], iteration_bounds = array<i64: 2, 16>, scalar_prefetch = 0 : i64, scratch_operands = 27 : i64, tpu.core_type = #tpu.core_type<sc_vector_subcore>, window_params = [{transform_indices = #map}, {transform_indices = #map1}, {transform_indices = #map}, {transform_indices = #map}, {transform_indices = #map2}]} {
    %mul3A = arith.constant 2 : i32
    %mul3A_0 = arith.muli %arg1, %mul3A : i32
    %add3A = arith.addi %mul3A_0, %arg0 : i32
    %mul3A_1 = arith.constant 78 : i32
    %mul3A_2 = arith.muli %add3A, %mul3A_1 : i32
    %min3A = arith.constant 4 : i32
    %min3A_3 = arith.minsi %add3A, %min3A : i32
    %add3A_4 = arith.addi %mul3A_2, %min3A_3 : i32
    %lt3A = arith.constant 4 : i32
    %lt3A_5 = arith.cmpi slt, %add3A, %lt3A : i32
    %mul3A_6 = arith.constant 128 : i32
    %mul3A_7 = arith.muli %add3A_4, %mul3A_6 : i32
    %dma_start3A = arith.constant 0 : i32
    %dma_start3A_8 = tpu.memref_slice %arg7[%dma_start3A] : memref<10112xi32, #tpu.memory_space<vmem>> -> memref<9984xi32, #tpu.memory_space<vmem>>
    %dma_start3A_9 = tpu.memref_slice %arg3[%mul3A_7] : memref<320000xi32, #tpu.memory_space<hbm>> -> memref<9984xi32, #tpu.memory_space<hbm>>
    %dma_start3A_10 = arith.constant 0 : i32
    %dma_start3A_11 = tpu.memref_slice %arg7[%dma_start3A_10] : memref<10112xi32, #tpu.memory_space<vmem>> -> memref<9984xi32, #tpu.memory_space<vmem>>
    %dma_start3A_12 = tpu.memref_slice %arg3[%mul3A_7] : memref<320000xi32, #tpu.memory_space<hbm>> -> memref<9984xi32, #tpu.memory_space<hbm>>
    tpu.enqueue_dma source(%dma_start3A_12 : memref<9984xi32, #tpu.memory_space<hbm>>) target(%dma_start3A_11 : memref<9984xi32, #tpu.memory_space<vmem>>) target_semaphore(%arg18 : memref<!tpu.dma_semaphore, #tpu.memory_space<semaphore_mem>>)
    %dma_start3A_13 = arith.constant 0 : i32
    %dma_start3A_14 = arith.constant 0 : i32
    %dma_start3A_15 = tpu.memref_slice %arg8[%dma_start3A_13, %dma_start3A_14] : memref<79x128xi32, #tpu.memory_space<vmem>> -> memref<78x128xi32, #tpu.memory_space<vmem>>
    %dma_start3A_16 = arith.constant 0 : i32
    %dma_start3A_17 = tpu.memref_slice %arg4[%add3A_4, %dma_start3A_16] : memref<2500x128xi32, #tpu.memory_space<hbm>> -> memref<78x128xi32, #tpu.memory_space<hbm>>
    %dma_start3A_18 = arith.constant 0 : i32
    %dma_start3A_19 = arith.constant 0 : i32
    %dma_start3A_20 = tpu.memref_slice %arg8[%dma_start3A_18, %dma_start3A_19] : memref<79x128xi32, #tpu.memory_space<vmem>> -> memref<78x128xi32, #tpu.memory_space<vmem>>
    %dma_start3A_21 = arith.constant 0 : i32
    %dma_start3A_22 = tpu.memref_slice %arg4[%add3A_4, %dma_start3A_21] : memref<2500x128xi32, #tpu.memory_space<hbm>> -> memref<78x128xi32, #tpu.memory_space<hbm>>
    tpu.enqueue_dma source(%dma_start3A_22 : memref<78x128xi32, #tpu.memory_space<hbm>>) target(%dma_start3A_20 : memref<78x128xi32, #tpu.memory_space<vmem>>) target_semaphore(%arg19 : memref<!tpu.dma_semaphore, #tpu.memory_space<semaphore_mem>>)
    %convert_element_type3A = arith.extui %lt3A_5 : i1 to i32
    %cond3A = arith.constant 0 : i32
    %cond3A_23 = arith.cmpi ne, %convert_element_type3A, %cond3A : i32
    scf.if %cond3A_23 {
      %add3A_216 = arith.constant 78 : i32
      %add3A_217 = arith.addi %add3A_4, %add3A_216 : i32
      %mul3A_218 = arith.constant 128 : i32
      %mul3A_219 = arith.muli %add3A_217, %mul3A_218 : i32
      "tpu.region"() ({
        %run_scoped3A = tpu.sem_alloc : memref<!tpu.dma_semaphore, #tpu.memory_space<semaphore_mem>>
        %dma_start3A_222 = arith.constant 9984 : i32
        %dma_start3A_223 = tpu.memref_slice %arg7[%dma_start3A_222] : memref<10112xi32, #tpu.memory_space<vmem>> -> memref<128xi32, #tpu.memory_space<vmem>>
        %dma_start3A_224 = tpu.memref_slice %arg3[%mul3A_219] : memref<320000xi32, #tpu.memory_space<hbm>> -> memref<128xi32, #tpu.memory_space<hbm>>
        %dma_start3A_225 = arith.constant 9984 : i32
        %dma_start3A_226 = tpu.memref_slice %arg7[%dma_start3A_225] : memref<10112xi32, #tpu.memory_space<vmem>> -> memref<128xi32, #tpu.memory_space<vmem>>
        %dma_start3A_227 = tpu.memref_slice %arg3[%mul3A_219] : memref<320000xi32, #tpu.memory_space<hbm>> -> memref<128xi32, #tpu.memory_space<hbm>>
        tpu.enqueue_dma source(%dma_start3A_227 : memref<128xi32, #tpu.memory_space<hbm>>) target(%dma_start3A_226 : memref<128xi32, #tpu.memory_space<vmem>>) target_semaphore(%run_scoped3A : memref<!tpu.dma_semaphore, #tpu.memory_space<semaphore_mem>>)
        %dma_wait3A_228 = arith.constant 9984 : i32
        %dma_wait3A_229 = tpu.memref_slice %arg7[%dma_wait3A_228] : memref<10112xi32, #tpu.memory_space<vmem>> -> memref<128xi32, #tpu.memory_space<vmem>>
        %dma_wait3A_230 = tpu.memref_slice %arg3[%mul3A_219] : memref<320000xi32, #tpu.memory_space<hbm>> -> memref<128xi32, #tpu.memory_space<hbm>>
        %dma_wait3A_231 = arith.constant 9984 : i32
        %dma_wait3A_232 = tpu.memref_slice %arg7[%dma_wait3A_231] : memref<10112xi32, #tpu.memory_space<vmem>> -> memref<128xi32, #tpu.memory_space<vmem>>
        %dma_wait3A_233 = tpu.memref_slice %arg3[%mul3A_219] : memref<320000xi32, #tpu.memory_space<hbm>> -> memref<128xi32, #tpu.memory_space<hbm>>
        tpu.wait_dma2 semaphore(%run_scoped3A : memref<!tpu.dma_semaphore, #tpu.memory_space<semaphore_mem>>) src(%dma_wait3A_233 : memref<128xi32, #tpu.memory_space<hbm>>) dst(%dma_wait3A_232 : memref<128xi32, #tpu.memory_space<vmem>>)
        tpu.yield
      }) : () -> ()
      %add3A_220 = arith.constant 78 : i32
      %add3A_221 = arith.addi %add3A_4, %add3A_220 : i32
      "tpu.region"() ({
        %run_scoped3A = tpu.sem_alloc : memref<!tpu.dma_semaphore, #tpu.memory_space<semaphore_mem>>
        %dma_start3A_222 = arith.constant 78 : i32
        %dma_start3A_223 = arith.constant 0 : i32
        %dma_start3A_224 = tpu.memref_slice %arg8[%dma_start3A_222, %dma_start3A_223] : memref<79x128xi32, #tpu.memory_space<vmem>> -> memref<1x128xi32, #tpu.memory_space<vmem>>
        %dma_start3A_225 = arith.constant 0 : i32
        %dma_start3A_226 = tpu.memref_slice %arg4[%add3A_221, %dma_start3A_225] : memref<2500x128xi32, #tpu.memory_space<hbm>> -> memref<1x128xi32, #tpu.memory_space<hbm>>
        %dma_start3A_227 = arith.constant 78 : i32
        %dma_start3A_228 = arith.constant 0 : i32
        %dma_start3A_229 = tpu.memref_slice %arg8[%dma_start3A_227, %dma_start3A_228] : memref<79x128xi32, #tpu.memory_space<vmem>> -> memref<1x128xi32, #tpu.memory_space<vmem>>
        %dma_start3A_230 = arith.constant 0 : i32
        %dma_start3A_231 = tpu.memref_slice %arg4[%add3A_221, %dma_start3A_230] : memref<2500x128xi32, #tpu.memory_space<hbm>> -> memref<1x128xi32, #tpu.memory_space<hbm>>
        tpu.enqueue_dma source(%dma_start3A_231 : memref<1x128xi32, #tpu.memory_space<hbm>>) target(%dma_start3A_229 : memref<1x128xi32, #tpu.memory_space<vmem>>) target_semaphore(%run_scoped3A : memref<!tpu.dma_semaphore, #tpu.memory_space<semaphore_mem>>)
        %dma_wait3A_232 = arith.constant 78 : i32
        %dma_wait3A_233 = arith.constant 0 : i32
        %dma_wait3A_234 = tpu.memref_slice %arg8[%dma_wait3A_232, %dma_wait3A_233] : memref<79x128xi32, #tpu.memory_space<vmem>> -> memref<1x128xi32, #tpu.memory_space<vmem>>
        %dma_wait3A_235 = arith.constant 0 : i32
        %dma_wait3A_236 = tpu.memref_slice %arg4[%add3A_221, %dma_wait3A_235] : memref<2500x128xi32, #tpu.memory_space<hbm>> -> memref<1x128xi32, #tpu.memory_space<hbm>>
        %dma_wait3A_237 = arith.constant 78 : i32
        %dma_wait3A_238 = arith.constant 0 : i32
        %dma_wait3A_239 = tpu.memref_slice %arg8[%dma_wait3A_237, %dma_wait3A_238] : memref<79x128xi32, #tpu.memory_space<vmem>> -> memref<1x128xi32, #tpu.memory_space<vmem>>
        %dma_wait3A_240 = arith.constant 0 : i32
        %dma_wait3A_241 = tpu.memref_slice %arg4[%add3A_221, %dma_wait3A_240] : memref<2500x128xi32, #tpu.memory_space<hbm>> -> memref<1x128xi32, #tpu.memory_space<hbm>>
        tpu.wait_dma2 semaphore(%run_scoped3A : memref<!tpu.dma_semaphore, #tpu.memory_space<semaphore_mem>>) src(%dma_wait3A_241 : memref<1x128xi32, #tpu.memory_space<hbm>>) dst(%dma_wait3A_239 : memref<1x128xi32, #tpu.memory_space<vmem>>)
        tpu.yield
      }) : () -> ()
    } else {
    }
    "tpu.region"() ({
      %run_scoped3A = tpu.sem_alloc : memref<!tpu.dma_semaphore, #tpu.memory_space<semaphore_mem>>
      tpu.enqueue_dma source(%arg5 : memref<128x64xf32, #tpu.memory_space<hbm>>) target(%arg9 : memref<128x64xf32, #tpu.memory_space<vmem>>) target_semaphore(%run_scoped3A : memref<!tpu.dma_semaphore, #tpu.memory_space<semaphore_mem>>)
      tpu.wait_dma2 semaphore(%run_scoped3A : memref<!tpu.dma_semaphore, #tpu.memory_space<semaphore_mem>>) src(%arg5 : memref<128x64xf32, #tpu.memory_space<hbm>>) dst(%arg9 : memref<128x64xf32, #tpu.memory_space<vmem>>)
      tpu.yield
    }) : () -> ()
    %mul3A_24 = arith.constant 640 : i32
    %mul3A_25 = arith.muli %arg1, %mul3A_24 : i32
    %add3A_26 = arith.constant 0 : i32
    %add3A_27 = arith.addi %mul3A_25, %add3A_26 : i32
    "tpu.region"() ({
      %run_scoped3A = tpu.sem_alloc : memref<!tpu.dma_semaphore, #tpu.memory_space<semaphore_mem>>
      %dma_start3A_216 = arith.constant 0 : i32
      %dma_start3A_217 = tpu.memref_slice %arg17[%add3A_27, %dma_start3A_216] : memref<10240x64xf32, #tpu.memory_space<vmem_shared>> -> memref<128x64xf32, #tpu.memory_space<vmem_shared>>
      %dma_start3A_218 = arith.constant 0 : i32
      %dma_start3A_219 = tpu.memref_slice %arg17[%add3A_27, %dma_start3A_218] : memref<10240x64xf32, #tpu.memory_space<vmem_shared>> -> memref<128x64xf32, #tpu.memory_space<vmem_shared>>
      tpu.enqueue_dma source(%arg9 : memref<128x64xf32, #tpu.memory_space<vmem>>) target(%dma_start3A_219 : memref<128x64xf32, #tpu.memory_space<vmem_shared>>) target_semaphore(%run_scoped3A : memref<!tpu.dma_semaphore, #tpu.memory_space<semaphore_mem>>)
      %dma_wait3A_220 = arith.constant 0 : i32
      %dma_wait3A_221 = tpu.memref_slice %arg17[%add3A_27, %dma_wait3A_220] : memref<10240x64xf32, #tpu.memory_space<vmem_shared>> -> memref<128x64xf32, #tpu.memory_space<vmem_shared>>
      %dma_wait3A_222 = arith.constant 0 : i32
      %dma_wait3A_223 = tpu.memref_slice %arg17[%add3A_27, %dma_wait3A_222] : memref<10240x64xf32, #tpu.memory_space<vmem_shared>> -> memref<128x64xf32, #tpu.memory_space<vmem_shared>>
      tpu.wait_dma2 semaphore(%run_scoped3A : memref<!tpu.dma_semaphore, #tpu.memory_space<semaphore_mem>>) src(%arg9 : memref<128x64xf32, #tpu.memory_space<vmem>>) dst(%dma_wait3A_223 : memref<128x64xf32, #tpu.memory_space<vmem_shared>>)
      tpu.yield
    }) : () -> ()
    %mul3A_28 = arith.constant 640 : i32
    %mul3A_29 = arith.muli %arg1, %mul3A_28 : i32
    %add3A_30 = arith.constant 128 : i32
    %add3A_31 = arith.addi %mul3A_29, %add3A_30 : i32
    "tpu.region"() ({
      %run_scoped3A = tpu.sem_alloc : memref<!tpu.dma_semaphore, #tpu.memory_space<semaphore_mem>>
      %dma_start3A_216 = arith.constant 0 : i32
      %dma_start3A_217 = tpu.memref_slice %arg17[%add3A_31, %dma_start3A_216] : memref<10240x64xf32, #tpu.memory_space<vmem_shared>> -> memref<128x64xf32, #tpu.memory_space<vmem_shared>>
      %dma_start3A_218 = arith.constant 0 : i32
      %dma_start3A_219 = tpu.memref_slice %arg17[%add3A_31, %dma_start3A_218] : memref<10240x64xf32, #tpu.memory_space<vmem_shared>> -> memref<128x64xf32, #tpu.memory_space<vmem_shared>>
      tpu.enqueue_dma source(%arg9 : memref<128x64xf32, #tpu.memory_space<vmem>>) target(%dma_start3A_219 : memref<128x64xf32, #tpu.memory_space<vmem_shared>>) target_semaphore(%run_scoped3A : memref<!tpu.dma_semaphore, #tpu.memory_space<semaphore_mem>>)
      %dma_wait3A_220 = arith.constant 0 : i32
      %dma_wait3A_221 = tpu.memref_slice %arg17[%add3A_31, %dma_wait3A_220] : memref<10240x64xf32, #tpu.memory_space<vmem_shared>> -> memref<128x64xf32, #tpu.memory_space<vmem_shared>>
      %dma_wait3A_222 = arith.constant 0 : i32
      %dma_wait3A_223 = tpu.memref_slice %arg17[%add3A_31, %dma_wait3A_222] : memref<10240x64xf32, #tpu.memory_space<vmem_shared>> -> memref<128x64xf32, #tpu.memory_space<vmem_shared>>
      tpu.wait_dma2 semaphore(%run_scoped3A : memref<!tpu.dma_semaphore, #tpu.memory_space<semaphore_mem>>) src(%arg9 : memref<128x64xf32, #tpu.memory_space<vmem>>) dst(%dma_wait3A_223 : memref<128x64xf32, #tpu.memory_space<vmem_shared>>)
      tpu.yield
    }) : () -> ()
    %mul3A_32 = arith.constant 640 : i32
    %mul3A_33 = arith.muli %arg1, %mul3A_32 : i32
    %add3A_34 = arith.constant 256 : i32
    %add3A_35 = arith.addi %mul3A_33, %add3A_34 : i32
    "tpu.region"() ({
      %run_scoped3A = tpu.sem_alloc : memref<!tpu.dma_semaphore, #tpu.memory_space<semaphore_mem>>
      %dma_start3A_216 = arith.constant 0 : i32
      %dma_start3A_217 = tpu.memref_slice %arg17[%add3A_35, %dma_start3A_216] : memref<10240x64xf32, #tpu.memory_space<vmem_shared>> -> memref<128x64xf32, #tpu.memory_space<vmem_shared>>
      %dma_start3A_218 = arith.constant 0 : i32
      %dma_start3A_219 = tpu.memref_slice %arg17[%add3A_35, %dma_start3A_218] : memref<10240x64xf32, #tpu.memory_space<vmem_shared>> -> memref<128x64xf32, #tpu.memory_space<vmem_shared>>
      tpu.enqueue_dma source(%arg9 : memref<128x64xf32, #tpu.memory_space<vmem>>) target(%dma_start3A_219 : memref<128x64xf32, #tpu.memory_space<vmem_shared>>) target_semaphore(%run_scoped3A : memref<!tpu.dma_semaphore, #tpu.memory_space<semaphore_mem>>)
      %dma_wait3A_220 = arith.constant 0 : i32
      %dma_wait3A_221 = tpu.memref_slice %arg17[%add3A_35, %dma_wait3A_220] : memref<10240x64xf32, #tpu.memory_space<vmem_shared>> -> memref<128x64xf32, #tpu.memory_space<vmem_shared>>
      %dma_wait3A_222 = arith.constant 0 : i32
      %dma_wait3A_223 = tpu.memref_slice %arg17[%add3A_35, %dma_wait3A_222] : memref<10240x64xf32, #tpu.memory_space<vmem_shared>> -> memref<128x64xf32, #tpu.memory_space<vmem_shared>>
      tpu.wait_dma2 semaphore(%run_scoped3A : memref<!tpu.dma_semaphore, #tpu.memory_space<semaphore_mem>>) src(%arg9 : memref<128x64xf32, #tpu.memory_space<vmem>>) dst(%dma_wait3A_223 : memref<128x64xf32, #tpu.memory_space<vmem_shared>>)
      tpu.yield
    }) : () -> ()
    %mul3A_36 = arith.constant 640 : i32
    %mul3A_37 = arith.muli %arg1, %mul3A_36 : i32
    %add3A_38 = arith.constant 384 : i32
    %add3A_39 = arith.addi %mul3A_37, %add3A_38 : i32
    "tpu.region"() ({
      %run_scoped3A = tpu.sem_alloc : memref<!tpu.dma_semaphore, #tpu.memory_space<semaphore_mem>>
      %dma_start3A_216 = arith.constant 0 : i32
      %dma_start3A_217 = tpu.memref_slice %arg17[%add3A_39, %dma_start3A_216] : memref<10240x64xf32, #tpu.memory_space<vmem_shared>> -> memref<128x64xf32, #tpu.memory_space<vmem_shared>>
      %dma_start3A_218 = arith.constant 0 : i32
      %dma_start3A_219 = tpu.memref_slice %arg17[%add3A_39, %dma_start3A_218] : memref<10240x64xf32, #tpu.memory_space<vmem_shared>> -> memref<128x64xf32, #tpu.memory_space<vmem_shared>>
      tpu.enqueue_dma source(%arg9 : memref<128x64xf32, #tpu.memory_space<vmem>>) target(%dma_start3A_219 : memref<128x64xf32, #tpu.memory_space<vmem_shared>>) target_semaphore(%run_scoped3A : memref<!tpu.dma_semaphore, #tpu.memory_space<semaphore_mem>>)
      %dma_wait3A_220 = arith.constant 0 : i32
      %dma_wait3A_221 = tpu.memref_slice %arg17[%add3A_39, %dma_wait3A_220] : memref<10240x64xf32, #tpu.memory_space<vmem_shared>> -> memref<128x64xf32, #tpu.memory_space<vmem_shared>>
      %dma_wait3A_222 = arith.constant 0 : i32
      %dma_wait3A_223 = tpu.memref_slice %arg17[%add3A_39, %dma_wait3A_222] : memref<10240x64xf32, #tpu.memory_space<vmem_shared>> -> memref<128x64xf32, #tpu.memory_space<vmem_shared>>
      tpu.wait_dma2 semaphore(%run_scoped3A : memref<!tpu.dma_semaphore, #tpu.memory_space<semaphore_mem>>) src(%arg9 : memref<128x64xf32, #tpu.memory_space<vmem>>) dst(%dma_wait3A_223 : memref<128x64xf32, #tpu.memory_space<vmem_shared>>)
      tpu.yield
    }) : () -> ()
    %mul3A_40 = arith.constant 640 : i32
    %mul3A_41 = arith.muli %arg1, %mul3A_40 : i32
    %add3A_42 = arith.constant 512 : i32
    %add3A_43 = arith.addi %mul3A_41, %add3A_42 : i32
    "tpu.region"() ({
      %run_scoped3A = tpu.sem_alloc : memref<!tpu.dma_semaphore, #tpu.memory_space<semaphore_mem>>
      %dma_start3A_216 = arith.constant 0 : i32
      %dma_start3A_217 = tpu.memref_slice %arg17[%add3A_43, %dma_start3A_216] : memref<10240x64xf32, #tpu.memory_space<vmem_shared>> -> memref<128x64xf32, #tpu.memory_space<vmem_shared>>
      %dma_start3A_218 = arith.constant 0 : i32
      %dma_start3A_219 = tpu.memref_slice %arg17[%add3A_43, %dma_start3A_218] : memref<10240x64xf32, #tpu.memory_space<vmem_shared>> -> memref<128x64xf32, #tpu.memory_space<vmem_shared>>
      tpu.enqueue_dma source(%arg9 : memref<128x64xf32, #tpu.memory_space<vmem>>) target(%dma_start3A_219 : memref<128x64xf32, #tpu.memory_space<vmem_shared>>) target_semaphore(%run_scoped3A : memref<!tpu.dma_semaphore, #tpu.memory_space<semaphore_mem>>)
      %dma_wait3A_220 = arith.constant 0 : i32
      %dma_wait3A_221 = tpu.memref_slice %arg17[%add3A_43, %dma_wait3A_220] : memref<10240x64xf32, #tpu.memory_space<vmem_shared>> -> memref<128x64xf32, #tpu.memory_space<vmem_shared>>
      %dma_wait3A_222 = arith.constant 0 : i32
      %dma_wait3A_223 = tpu.memref_slice %arg17[%add3A_43, %dma_wait3A_222] : memref<10240x64xf32, #tpu.memory_space<vmem_shared>> -> memref<128x64xf32, #tpu.memory_space<vmem_shared>>
      tpu.wait_dma2 semaphore(%run_scoped3A : memref<!tpu.dma_semaphore, #tpu.memory_space<semaphore_mem>>) src(%arg9 : memref<128x64xf32, #tpu.memory_space<vmem>>) dst(%dma_wait3A_223 : memref<128x64xf32, #tpu.memory_space<vmem_shared>>)
      tpu.yield
    }) : () -> ()
    %dma_wait3A = arith.constant 0 : i32
    %dma_wait3A_44 = tpu.memref_slice %arg7[%dma_wait3A] : memref<10112xi32, #tpu.memory_space<vmem>> -> memref<9984xi32, #tpu.memory_space<vmem>>
    %dma_wait3A_45 = tpu.memref_slice %arg3[%mul3A_7] : memref<320000xi32, #tpu.memory_space<hbm>> -> memref<9984xi32, #tpu.memory_space<hbm>>
    %dma_wait3A_46 = arith.constant 0 : i32
    %dma_wait3A_47 = tpu.memref_slice %arg7[%dma_wait3A_46] : memref<10112xi32, #tpu.memory_space<vmem>> -> memref<9984xi32, #tpu.memory_space<vmem>>
    %dma_wait3A_48 = tpu.memref_slice %arg3[%mul3A_7] : memref<320000xi32, #tpu.memory_space<hbm>> -> memref<9984xi32, #tpu.memory_space<hbm>>
    tpu.wait_dma2 semaphore(%arg18 : memref<!tpu.dma_semaphore, #tpu.memory_space<semaphore_mem>>) src(%dma_wait3A_48 : memref<9984xi32, #tpu.memory_space<hbm>>) dst(%dma_wait3A_47 : memref<9984xi32, #tpu.memory_space<vmem>>)
    %dma_wait3A_49 = arith.constant 0 : i32
    %dma_wait3A_50 = arith.constant 0 : i32
    %dma_wait3A_51 = tpu.memref_slice %arg8[%dma_wait3A_49, %dma_wait3A_50] : memref<79x128xi32, #tpu.memory_space<vmem>> -> memref<78x128xi32, #tpu.memory_space<vmem>>
    %dma_wait3A_52 = arith.constant 0 : i32
    %dma_wait3A_53 = tpu.memref_slice %arg4[%add3A_4, %dma_wait3A_52] : memref<2500x128xi32, #tpu.memory_space<hbm>> -> memref<78x128xi32, #tpu.memory_space<hbm>>
    %dma_wait3A_54 = arith.constant 0 : i32
    %dma_wait3A_55 = arith.constant 0 : i32
    %dma_wait3A_56 = tpu.memref_slice %arg8[%dma_wait3A_54, %dma_wait3A_55] : memref<79x128xi32, #tpu.memory_space<vmem>> -> memref<78x128xi32, #tpu.memory_space<vmem>>
    %dma_wait3A_57 = arith.constant 0 : i32
    %dma_wait3A_58 = tpu.memref_slice %arg4[%add3A_4, %dma_wait3A_57] : memref<2500x128xi32, #tpu.memory_space<hbm>> -> memref<78x128xi32, #tpu.memory_space<hbm>>
    tpu.wait_dma2 semaphore(%arg19 : memref<!tpu.dma_semaphore, #tpu.memory_space<semaphore_mem>>) src(%dma_wait3A_58 : memref<78x128xi32, #tpu.memory_space<hbm>>) dst(%dma_wait3A_56 : memref<78x128xi32, #tpu.memory_space<vmem>>)
    %barrier3A = arith.constant 0 : index
    tpu.barrier barrier_id(%barrier3A)
    %scan3A = arith.constant 0 : i32
    %scan3A_59 = arith.constant 0 : i32
    %scan3A_60 = arith.constant 9 : i32
    %scan3A_61 = arith.addi %scan3A_59, %scan3A_60 : i32
    %scan3A_62 = arith.constant 1 : i32
    scf.for %scan3A_216 = %scan3A_59 to %scan3A_61 step %scan3A_62  : i32 {
      %mul3A_217 = arith.constant 8 : i32
      %mul3A_218 = arith.muli %scan3A_216, %mul3A_217 : i32
      %add3A_219 = arith.constant 0 : i32
      %add3A_220 = arith.addi %mul3A_218, %add3A_219 : i32
      %mul3A_221 = arith.constant 128 : i32
      %mul3A_222 = arith.muli %add3A_220, %mul3A_221 : i32
      %dma_start3A_223 = tpu.memref_slice %arg7[%mul3A_222] : memref<10112xi32, #tpu.memory_space<vmem>> -> memref<128xi32, #tpu.memory_space<vmem>>
      %dma_start3A_224 = arith.constant 0 : i32
      %dma_start3A_225 = arith.constant 0 : i32
      %dma_start3A_226 = tpu.memref_slice %arg2[%dma_start3A_224, %dma_start3A_225] : memref<10000x64xf32, #tpu.memory_space<hbm>> -> memref<10000x64xf32, #tpu.memory_space<hbm>>
      tpu.enqueue_indirect_dma source(%dma_start3A_226 : memref<10000x64xf32, #tpu.memory_space<hbm>>) target(%arg9 : memref<128x64xf32, #tpu.memory_space<vmem>>) offsets(%dma_start3A_223 : memref<128xi32, #tpu.memory_space<vmem>>) semaphore(%arg18 : memref<!tpu.dma_semaphore, #tpu.memory_space<semaphore_mem>>)
      %add3A_227 = arith.constant 1 : i32
      %add3A_228 = arith.addi %mul3A_218, %add3A_227 : i32
      %mul3A_229 = arith.constant 128 : i32
      %mul3A_230 = arith.muli %add3A_228, %mul3A_229 : i32
      %dma_start3A_231 = tpu.memref_slice %arg7[%mul3A_230] : memref<10112xi32, #tpu.memory_space<vmem>> -> memref<128xi32, #tpu.memory_space<vmem>>
      %dma_start3A_232 = arith.constant 0 : i32
      %dma_start3A_233 = arith.constant 0 : i32
      %dma_start3A_234 = tpu.memref_slice %arg2[%dma_start3A_232, %dma_start3A_233] : memref<10000x64xf32, #tpu.memory_space<hbm>> -> memref<10000x64xf32, #tpu.memory_space<hbm>>
      tpu.enqueue_indirect_dma source(%dma_start3A_234 : memref<10000x64xf32, #tpu.memory_space<hbm>>) target(%arg10 : memref<128x64xf32, #tpu.memory_space<vmem>>) offsets(%dma_start3A_231 : memref<128xi32, #tpu.memory_space<vmem>>) semaphore(%arg19 : memref<!tpu.dma_semaphore, #tpu.memory_space<semaphore_mem>>)
      %add3A_235 = arith.constant 2 : i32
      %add3A_236 = arith.addi %mul3A_218, %add3A_235 : i32
      %mul3A_237 = arith.constant 128 : i32
      %mul3A_238 = arith.muli %add3A_236, %mul3A_237 : i32
      %dma_start3A_239 = tpu.memref_slice %arg7[%mul3A_238] : memref<10112xi32, #tpu.memory_space<vmem>> -> memref<128xi32, #tpu.memory_space<vmem>>
      %dma_start3A_240 = arith.constant 0 : i32
      %dma_start3A_241 = arith.constant 0 : i32
      %dma_start3A_242 = tpu.memref_slice %arg2[%dma_start3A_240, %dma_start3A_241] : memref<10000x64xf32, #tpu.memory_space<hbm>> -> memref<10000x64xf32, #tpu.memory_space<hbm>>
      tpu.enqueue_indirect_dma source(%dma_start3A_242 : memref<10000x64xf32, #tpu.memory_space<hbm>>) target(%arg11 : memref<128x64xf32, #tpu.memory_space<vmem>>) offsets(%dma_start3A_239 : memref<128xi32, #tpu.memory_space<vmem>>) semaphore(%arg20 : memref<!tpu.dma_semaphore, #tpu.memory_space<semaphore_mem>>)
      %add3A_243 = arith.constant 3 : i32
      %add3A_244 = arith.addi %mul3A_218, %add3A_243 : i32
      %mul3A_245 = arith.constant 128 : i32
      %mul3A_246 = arith.muli %add3A_244, %mul3A_245 : i32
      %dma_start3A_247 = tpu.memref_slice %arg7[%mul3A_246] : memref<10112xi32, #tpu.memory_space<vmem>> -> memref<128xi32, #tpu.memory_space<vmem>>
      %dma_start3A_248 = arith.constant 0 : i32
      %dma_start3A_249 = arith.constant 0 : i32
      %dma_start3A_250 = tpu.memref_slice %arg2[%dma_start3A_248, %dma_start3A_249] : memref<10000x64xf32, #tpu.memory_space<hbm>> -> memref<10000x64xf32, #tpu.memory_space<hbm>>
      tpu.enqueue_indirect_dma source(%dma_start3A_250 : memref<10000x64xf32, #tpu.memory_space<hbm>>) target(%arg12 : memref<128x64xf32, #tpu.memory_space<vmem>>) offsets(%dma_start3A_247 : memref<128xi32, #tpu.memory_space<vmem>>) semaphore(%arg21 : memref<!tpu.dma_semaphore, #tpu.memory_space<semaphore_mem>>)
      %add3A_251 = arith.constant 4 : i32
      %add3A_252 = arith.addi %mul3A_218, %add3A_251 : i32
      %mul3A_253 = arith.constant 128 : i32
      %mul3A_254 = arith.muli %add3A_252, %mul3A_253 : i32
      %dma_start3A_255 = tpu.memref_slice %arg7[%mul3A_254] : memref<10112xi32, #tpu.memory_space<vmem>> -> memref<128xi32, #tpu.memory_space<vmem>>
      %dma_start3A_256 = arith.constant 0 : i32
      %dma_start3A_257 = arith.constant 0 : i32
      %dma_start3A_258 = tpu.memref_slice %arg2[%dma_start3A_256, %dma_start3A_257] : memref<10000x64xf32, #tpu.memory_space<hbm>> -> memref<10000x64xf32, #tpu.memory_space<hbm>>
      tpu.enqueue_indirect_dma source(%dma_start3A_258 : memref<10000x64xf32, #tpu.memory_space<hbm>>) target(%arg13 : memref<128x64xf32, #tpu.memory_space<vmem>>) offsets(%dma_start3A_255 : memref<128xi32, #tpu.memory_space<vmem>>) semaphore(%arg22 : memref<!tpu.dma_semaphore, #tpu.memory_space<semaphore_mem>>)
      %add3A_259 = arith.constant 5 : i32
      %add3A_260 = arith.addi %mul3A_218, %add3A_259 : i32
      %mul3A_261 = arith.constant 128 : i32
      %mul3A_262 = arith.muli %add3A_260, %mul3A_261 : i32
      %dma_start3A_263 = tpu.memref_slice %arg7[%mul3A_262] : memref<10112xi32, #tpu.memory_space<vmem>> -> memref<128xi32, #tpu.memory_space<vmem>>
      %dma_start3A_264 = arith.constant 0 : i32
      %dma_start3A_265 = arith.constant 0 : i32
      %dma_start3A_266 = tpu.memref_slice %arg2[%dma_start3A_264, %dma_start3A_265] : memref<10000x64xf32, #tpu.memory_space<hbm>> -> memref<10000x64xf32, #tpu.memory_space<hbm>>
      tpu.enqueue_indirect_dma source(%dma_start3A_266 : memref<10000x64xf32, #tpu.memory_space<hbm>>) target(%arg14 : memref<128x64xf32, #tpu.memory_space<vmem>>) offsets(%dma_start3A_263 : memref<128xi32, #tpu.memory_space<vmem>>) semaphore(%arg23 : memref<!tpu.dma_semaphore, #tpu.memory_space<semaphore_mem>>)
      %add3A_267 = arith.constant 6 : i32
      %add3A_268 = arith.addi %mul3A_218, %add3A_267 : i32
      %mul3A_269 = arith.constant 128 : i32
      %mul3A_270 = arith.muli %add3A_268, %mul3A_269 : i32
      %dma_start3A_271 = tpu.memref_slice %arg7[%mul3A_270] : memref<10112xi32, #tpu.memory_space<vmem>> -> memref<128xi32, #tpu.memory_space<vmem>>
      %dma_start3A_272 = arith.constant 0 : i32
      %dma_start3A_273 = arith.constant 0 : i32
      %dma_start3A_274 = tpu.memref_slice %arg2[%dma_start3A_272, %dma_start3A_273] : memref<10000x64xf32, #tpu.memory_space<hbm>> -> memref<10000x64xf32, #tpu.memory_space<hbm>>
      tpu.enqueue_indirect_dma source(%dma_start3A_274 : memref<10000x64xf32, #tpu.memory_space<hbm>>) target(%arg15 : memref<128x64xf32, #tpu.memory_space<vmem>>) offsets(%dma_start3A_271 : memref<128xi32, #tpu.memory_space<vmem>>) semaphore(%arg24 : memref<!tpu.dma_semaphore, #tpu.memory_space<semaphore_mem>>)
      %add3A_275 = arith.constant 7 : i32
      %add3A_276 = arith.addi %mul3A_218, %add3A_275 : i32
      %mul3A_277 = arith.constant 128 : i32
      %mul3A_278 = arith.muli %add3A_276, %mul3A_277 : i32
      %dma_start3A_279 = tpu.memref_slice %arg7[%mul3A_278] : memref<10112xi32, #tpu.memory_space<vmem>> -> memref<128xi32, #tpu.memory_space<vmem>>
      %dma_start3A_280 = arith.constant 0 : i32
      %dma_start3A_281 = arith.constant 0 : i32
      %dma_start3A_282 = tpu.memref_slice %arg2[%dma_start3A_280, %dma_start3A_281] : memref<10000x64xf32, #tpu.memory_space<hbm>> -> memref<10000x64xf32, #tpu.memory_space<hbm>>
      tpu.enqueue_indirect_dma source(%dma_start3A_282 : memref<10000x64xf32, #tpu.memory_space<hbm>>) target(%arg16 : memref<128x64xf32, #tpu.memory_space<vmem>>) offsets(%dma_start3A_279 : memref<128xi32, #tpu.memory_space<vmem>>) semaphore(%arg25 : memref<!tpu.dma_semaphore, #tpu.memory_space<semaphore_mem>>)
      %dma_wait3A_283 = tpu.memref_slice %arg7[%mul3A_222] : memref<10112xi32, #tpu.memory_space<vmem>> -> memref<128xi32, #tpu.memory_space<vmem>>
      %dma_wait3A_284 = arith.constant 0 : i32
      %dma_wait3A_285 = arith.constant 0 : i32
      %dma_wait3A_286 = tpu.memref_slice %arg2[%dma_wait3A_284, %dma_wait3A_285] : memref<10000x64xf32, #tpu.memory_space<hbm>> -> memref<10000x64xf32, #tpu.memory_space<hbm>>
      tpu.wait_indirect_dma semaphore(%arg18 : memref<!tpu.dma_semaphore, #tpu.memory_space<semaphore_mem>>) src(%dma_wait3A_286 : memref<10000x64xf32, #tpu.memory_space<hbm>>) dst(%arg9 : memref<128x64xf32, #tpu.memory_space<vmem>>)
      %add3A_287 = arith.constant 0 : i32
      %add3A_288 = arith.addi %mul3A_218, %add3A_287 : i32
      %dma_start3A_289 = arith.constant 0 : i32
      %dma_start3A_290 = tpu.memref_slice %arg8[%add3A_288, %dma_start3A_289] : memref<79x128xi32, #tpu.memory_space<vmem>> -> memref<1x128xi32, #tpu.memory_space<vmem>>
      %dma_start3A_291 = tpu.memref_squeeze %dma_start3A_290 : memref<1x128xi32, #tpu.memory_space<vmem>> -> memref<128xi32, #tpu.memory_space<vmem>>
      %dma_start3A_292 = arith.constant 0 : i32
      %dma_start3A_293 = arith.constant 0 : i32
      %dma_start3A_294 = tpu.memref_slice %arg17[%dma_start3A_292, %dma_start3A_293] : memref<10240x64xf32, #tpu.memory_space<vmem_shared>> -> memref<10240x64xf32, #tpu.memory_space<vmem_shared>>
      tpu.enqueue_indirect_dma source(%arg9 : memref<128x64xf32, #tpu.memory_space<vmem>>) target(%dma_start3A_294 : memref<10240x64xf32, #tpu.memory_space<vmem_shared>>) offsets(%dma_start3A_291 : memref<128xi32, #tpu.memory_space<vmem>>) semaphore(%arg26 : memref<!tpu.dma_semaphore, #tpu.memory_space<semaphore_mem>>) {add = true}
      %dma_wait3A_295 = tpu.memref_slice %arg7[%mul3A_230] : memref<10112xi32, #tpu.memory_space<vmem>> -> memref<128xi32, #tpu.memory_space<vmem>>
      %dma_wait3A_296 = arith.constant 0 : i32
      %dma_wait3A_297 = arith.constant 0 : i32
      %dma_wait3A_298 = tpu.memref_slice %arg2[%dma_wait3A_296, %dma_wait3A_297] : memref<10000x64xf32, #tpu.memory_space<hbm>> -> memref<10000x64xf32, #tpu.memory_space<hbm>>
      tpu.wait_indirect_dma semaphore(%arg19 : memref<!tpu.dma_semaphore, #tpu.memory_space<semaphore_mem>>) src(%dma_wait3A_298 : memref<10000x64xf32, #tpu.memory_space<hbm>>) dst(%arg10 : memref<128x64xf32, #tpu.memory_space<vmem>>)
      %add3A_299 = arith.constant 1 : i32
      %add3A_300 = arith.addi %mul3A_218, %add3A_299 : i32
      %dma_start3A_301 = arith.constant 0 : i32
      %dma_start3A_302 = tpu.memref_slice %arg8[%add3A_300, %dma_start3A_301] : memref<79x128xi32, #tpu.memory_space<vmem>> -> memref<1x128xi32, #tpu.memory_space<vmem>>
      %dma_start3A_303 = tpu.memref_squeeze %dma_start3A_302 : memref<1x128xi32, #tpu.memory_space<vmem>> -> memref<128xi32, #tpu.memory_space<vmem>>
      %dma_start3A_304 = arith.constant 0 : i32
      %dma_start3A_305 = arith.constant 0 : i32
      %dma_start3A_306 = tpu.memref_slice %arg17[%dma_start3A_304, %dma_start3A_305] : memref<10240x64xf32, #tpu.memory_space<vmem_shared>> -> memref<10240x64xf32, #tpu.memory_space<vmem_shared>>
      tpu.enqueue_indirect_dma source(%arg10 : memref<128x64xf32, #tpu.memory_space<vmem>>) target(%dma_start3A_306 : memref<10240x64xf32, #tpu.memory_space<vmem_shared>>) offsets(%dma_start3A_303 : memref<128xi32, #tpu.memory_space<vmem>>) semaphore(%arg27 : memref<!tpu.dma_semaphore, #tpu.memory_space<semaphore_mem>>) {add = true}
      %dma_wait3A_307 = tpu.memref_slice %arg7[%mul3A_238] : memref<10112xi32, #tpu.memory_space<vmem>> -> memref<128xi32, #tpu.memory_space<vmem>>
      %dma_wait3A_308 = arith.constant 0 : i32
      %dma_wait3A_309 = arith.constant 0 : i32
      %dma_wait3A_310 = tpu.memref_slice %arg2[%dma_wait3A_308, %dma_wait3A_309] : memref<10000x64xf32, #tpu.memory_space<hbm>> -> memref<10000x64xf32, #tpu.memory_space<hbm>>
      tpu.wait_indirect_dma semaphore(%arg20 : memref<!tpu.dma_semaphore, #tpu.memory_space<semaphore_mem>>) src(%dma_wait3A_310 : memref<10000x64xf32, #tpu.memory_space<hbm>>) dst(%arg11 : memref<128x64xf32, #tpu.memory_space<vmem>>)
      %add3A_311 = arith.constant 2 : i32
      %add3A_312 = arith.addi %mul3A_218, %add3A_311 : i32
      %dma_start3A_313 = arith.constant 0 : i32
      %dma_start3A_314 = tpu.memref_slice %arg8[%add3A_312, %dma_start3A_313] : memref<79x128xi32, #tpu.memory_space<vmem>> -> memref<1x128xi32, #tpu.memory_space<vmem>>
      %dma_start3A_315 = tpu.memref_squeeze %dma_start3A_314 : memref<1x128xi32, #tpu.memory_space<vmem>> -> memref<128xi32, #tpu.memory_space<vmem>>
      %dma_start3A_316 = arith.constant 0 : i32
      %dma_start3A_317 = arith.constant 0 : i32
      %dma_start3A_318 = tpu.memref_slice %arg17[%dma_start3A_316, %dma_start3A_317] : memref<10240x64xf32, #tpu.memory_space<vmem_shared>> -> memref<10240x64xf32, #tpu.memory_space<vmem_shared>>
      tpu.enqueue_indirect_dma source(%arg11 : memref<128x64xf32, #tpu.memory_space<vmem>>) target(%dma_start3A_318 : memref<10240x64xf32, #tpu.memory_space<vmem_shared>>) offsets(%dma_start3A_315 : memref<128xi32, #tpu.memory_space<vmem>>) semaphore(%arg28 : memref<!tpu.dma_semaphore, #tpu.memory_space<semaphore_mem>>) {add = true}
      %dma_wait3A_319 = tpu.memref_slice %arg7[%mul3A_246] : memref<10112xi32, #tpu.memory_space<vmem>> -> memref<128xi32, #tpu.memory_space<vmem>>
      %dma_wait3A_320 = arith.constant 0 : i32
      %dma_wait3A_321 = arith.constant 0 : i32
      %dma_wait3A_322 = tpu.memref_slice %arg2[%dma_wait3A_320, %dma_wait3A_321] : memref<10000x64xf32, #tpu.memory_space<hbm>> -> memref<10000x64xf32, #tpu.memory_space<hbm>>
      tpu.wait_indirect_dma semaphore(%arg21 : memref<!tpu.dma_semaphore, #tpu.memory_space<semaphore_mem>>) src(%dma_wait3A_322 : memref<10000x64xf32, #tpu.memory_space<hbm>>) dst(%arg12 : memref<128x64xf32, #tpu.memory_space<vmem>>)
      %add3A_323 = arith.constant 3 : i32
      %add3A_324 = arith.addi %mul3A_218, %add3A_323 : i32
      %dma_start3A_325 = arith.constant 0 : i32
      %dma_start3A_326 = tpu.memref_slice %arg8[%add3A_324, %dma_start3A_325] : memref<79x128xi32, #tpu.memory_space<vmem>> -> memref<1x128xi32, #tpu.memory_space<vmem>>
      %dma_start3A_327 = tpu.memref_squeeze %dma_start3A_326 : memref<1x128xi32, #tpu.memory_space<vmem>> -> memref<128xi32, #tpu.memory_space<vmem>>
      %dma_start3A_328 = arith.constant 0 : i32
      %dma_start3A_329 = arith.constant 0 : i32
      %dma_start3A_330 = tpu.memref_slice %arg17[%dma_start3A_328, %dma_start3A_329] : memref<10240x64xf32, #tpu.memory_space<vmem_shared>> -> memref<10240x64xf32, #tpu.memory_space<vmem_shared>>
      tpu.enqueue_indirect_dma source(%arg12 : memref<128x64xf32, #tpu.memory_space<vmem>>) target(%dma_start3A_330 : memref<10240x64xf32, #tpu.memory_space<vmem_shared>>) offsets(%dma_start3A_327 : memref<128xi32, #tpu.memory_space<vmem>>) semaphore(%arg29 : memref<!tpu.dma_semaphore, #tpu.memory_space<semaphore_mem>>) {add = true}
      %dma_wait3A_331 = tpu.memref_slice %arg7[%mul3A_254] : memref<10112xi32, #tpu.memory_space<vmem>> -> memref<128xi32, #tpu.memory_space<vmem>>
      %dma_wait3A_332 = arith.constant 0 : i32
      %dma_wait3A_333 = arith.constant 0 : i32
      %dma_wait3A_334 = tpu.memref_slice %arg2[%dma_wait3A_332, %dma_wait3A_333] : memref<10000x64xf32, #tpu.memory_space<hbm>> -> memref<10000x64xf32, #tpu.memory_space<hbm>>
      tpu.wait_indirect_dma semaphore(%arg22 : memref<!tpu.dma_semaphore, #tpu.memory_space<semaphore_mem>>) src(%dma_wait3A_334 : memref<10000x64xf32, #tpu.memory_space<hbm>>) dst(%arg13 : memref<128x64xf32, #tpu.memory_space<vmem>>)
      %add3A_335 = arith.constant 4 : i32
      %add3A_336 = arith.addi %mul3A_218, %add3A_335 : i32
      %dma_start3A_337 = arith.constant 0 : i32
      %dma_start3A_338 = tpu.memref_slice %arg8[%add3A_336, %dma_start3A_337] : memref<79x128xi32, #tpu.memory_space<vmem>> -> memref<1x128xi32, #tpu.memory_space<vmem>>
      %dma_start3A_339 = tpu.memref_squeeze %dma_start3A_338 : memref<1x128xi32, #tpu.memory_space<vmem>> -> memref<128xi32, #tpu.memory_space<vmem>>
      %dma_start3A_340 = arith.constant 0 : i32
      %dma_start3A_341 = arith.constant 0 : i32
      %dma_start3A_342 = tpu.memref_slice %arg17[%dma_start3A_340, %dma_start3A_341] : memref<10240x64xf32, #tpu.memory_space<vmem_shared>> -> memref<10240x64xf32, #tpu.memory_space<vmem_shared>>
      tpu.enqueue_indirect_dma source(%arg13 : memref<128x64xf32, #tpu.memory_space<vmem>>) target(%dma_start3A_342 : memref<10240x64xf32, #tpu.memory_space<vmem_shared>>) offsets(%dma_start3A_339 : memref<128xi32, #tpu.memory_space<vmem>>) semaphore(%arg30 : memref<!tpu.dma_semaphore, #tpu.memory_space<semaphore_mem>>) {add = true}
      %dma_wait3A_343 = tpu.memref_slice %arg7[%mul3A_262] : memref<10112xi32, #tpu.memory_space<vmem>> -> memref<128xi32, #tpu.memory_space<vmem>>
      %dma_wait3A_344 = arith.constant 0 : i32
      %dma_wait3A_345 = arith.constant 0 : i32
      %dma_wait3A_346 = tpu.memref_slice %arg2[%dma_wait3A_344, %dma_wait3A_345] : memref<10000x64xf32, #tpu.memory_space<hbm>> -> memref<10000x64xf32, #tpu.memory_space<hbm>>
      tpu.wait_indirect_dma semaphore(%arg23 : memref<!tpu.dma_semaphore, #tpu.memory_space<semaphore_mem>>) src(%dma_wait3A_346 : memref<10000x64xf32, #tpu.memory_space<hbm>>) dst(%arg14 : memref<128x64xf32, #tpu.memory_space<vmem>>)
      %add3A_347 = arith.constant 5 : i32
      %add3A_348 = arith.addi %mul3A_218, %add3A_347 : i32
      %dma_start3A_349 = arith.constant 0 : i32
      %dma_start3A_350 = tpu.memref_slice %arg8[%add3A_348, %dma_start3A_349] : memref<79x128xi32, #tpu.memory_space<vmem>> -> memref<1x128xi32, #tpu.memory_space<vmem>>
      %dma_start3A_351 = tpu.memref_squeeze %dma_start3A_350 : memref<1x128xi32, #tpu.memory_space<vmem>> -> memref<128xi32, #tpu.memory_space<vmem>>
      %dma_start3A_352 = arith.constant 0 : i32
      %dma_start3A_353 = arith.constant 0 : i32
      %dma_start3A_354 = tpu.memref_slice %arg17[%dma_start3A_352, %dma_start3A_353] : memref<10240x64xf32, #tpu.memory_space<vmem_shared>> -> memref<10240x64xf32, #tpu.memory_space<vmem_shared>>
      tpu.enqueue_indirect_dma source(%arg14 : memref<128x64xf32, #tpu.memory_space<vmem>>) target(%dma_start3A_354 : memref<10240x64xf32, #tpu.memory_space<vmem_shared>>) offsets(%dma_start3A_351 : memref<128xi32, #tpu.memory_space<vmem>>) semaphore(%arg31 : memref<!tpu.dma_semaphore, #tpu.memory_space<semaphore_mem>>) {add = true}
      %dma_wait3A_355 = tpu.memref_slice %arg7[%mul3A_270] : memref<10112xi32, #tpu.memory_space<vmem>> -> memref<128xi32, #tpu.memory_space<vmem>>
      %dma_wait3A_356 = arith.constant 0 : i32
      %dma_wait3A_357 = arith.constant 0 : i32
      %dma_wait3A_358 = tpu.memref_slice %arg2[%dma_wait3A_356, %dma_wait3A_357] : memref<10000x64xf32, #tpu.memory_space<hbm>> -> memref<10000x64xf32, #tpu.memory_space<hbm>>
      tpu.wait_indirect_dma semaphore(%arg24 : memref<!tpu.dma_semaphore, #tpu.memory_space<semaphore_mem>>) src(%dma_wait3A_358 : memref<10000x64xf32, #tpu.memory_space<hbm>>) dst(%arg15 : memref<128x64xf32, #tpu.memory_space<vmem>>)
      %add3A_359 = arith.constant 6 : i32
      %add3A_360 = arith.addi %mul3A_218, %add3A_359 : i32
      %dma_start3A_361 = arith.constant 0 : i32
      %dma_start3A_362 = tpu.memref_slice %arg8[%add3A_360, %dma_start3A_361] : memref<79x128xi32, #tpu.memory_space<vmem>> -> memref<1x128xi32, #tpu.memory_space<vmem>>
      %dma_start3A_363 = tpu.memref_squeeze %dma_start3A_362 : memref<1x128xi32, #tpu.memory_space<vmem>> -> memref<128xi32, #tpu.memory_space<vmem>>
      %dma_start3A_364 = arith.constant 0 : i32
      %dma_start3A_365 = arith.constant 0 : i32
      %dma_start3A_366 = tpu.memref_slice %arg17[%dma_start3A_364, %dma_start3A_365] : memref<10240x64xf32, #tpu.memory_space<vmem_shared>> -> memref<10240x64xf32, #tpu.memory_space<vmem_shared>>
      tpu.enqueue_indirect_dma source(%arg15 : memref<128x64xf32, #tpu.memory_space<vmem>>) target(%dma_start3A_366 : memref<10240x64xf32, #tpu.memory_space<vmem_shared>>) offsets(%dma_start3A_363 : memref<128xi32, #tpu.memory_space<vmem>>) semaphore(%arg32 : memref<!tpu.dma_semaphore, #tpu.memory_space<semaphore_mem>>) {add = true}
      %dma_wait3A_367 = tpu.memref_slice %arg7[%mul3A_278] : memref<10112xi32, #tpu.memory_space<vmem>> -> memref<128xi32, #tpu.memory_space<vmem>>
      %dma_wait3A_368 = arith.constant 0 : i32
      %dma_wait3A_369 = arith.constant 0 : i32
      %dma_wait3A_370 = tpu.memref_slice %arg2[%dma_wait3A_368, %dma_wait3A_369] : memref<10000x64xf32, #tpu.memory_space<hbm>> -> memref<10000x64xf32, #tpu.memory_space<hbm>>
      tpu.wait_indirect_dma semaphore(%arg25 : memref<!tpu.dma_semaphore, #tpu.memory_space<semaphore_mem>>) src(%dma_wait3A_370 : memref<10000x64xf32, #tpu.memory_space<hbm>>) dst(%arg16 : memref<128x64xf32, #tpu.memory_space<vmem>>)
      %add3A_371 = arith.constant 7 : i32
      %add3A_372 = arith.addi %mul3A_218, %add3A_371 : i32
      %dma_start3A_373 = arith.constant 0 : i32
      %dma_start3A_374 = tpu.memref_slice %arg8[%add3A_372, %dma_start3A_373] : memref<79x128xi32, #tpu.memory_space<vmem>> -> memref<1x128xi32, #tpu.memory_space<vmem>>
      %dma_start3A_375 = tpu.memref_squeeze %dma_start3A_374 : memref<1x128xi32, #tpu.memory_space<vmem>> -> memref<128xi32, #tpu.memory_space<vmem>>
      %dma_start3A_376 = arith.constant 0 : i32
      %dma_start3A_377 = arith.constant 0 : i32
      %dma_start3A_378 = tpu.memref_slice %arg17[%dma_start3A_376, %dma_start3A_377] : memref<10240x64xf32, #tpu.memory_space<vmem_shared>> -> memref<10240x64xf32, #tpu.memory_space<vmem_shared>>
      tpu.enqueue_indirect_dma source(%arg16 : memref<128x64xf32, #tpu.memory_space<vmem>>) target(%dma_start3A_378 : memref<10240x64xf32, #tpu.memory_space<vmem_shared>>) offsets(%dma_start3A_375 : memref<128xi32, #tpu.memory_space<vmem>>) semaphore(%arg33 : memref<!tpu.dma_semaphore, #tpu.memory_space<semaphore_mem>>) {add = true}
      %dma_wait3A_379 = arith.constant 0 : i32
      %dma_wait3A_380 = tpu.memref_slice %arg8[%add3A_288, %dma_wait3A_379] : memref<79x128xi32, #tpu.memory_space<vmem>> -> memref<1x128xi32, #tpu.memory_space<vmem>>
      %dma_wait3A_381 = tpu.memref_squeeze %dma_wait3A_380 : memref<1x128xi32, #tpu.memory_space<vmem>> -> memref<128xi32, #tpu.memory_space<vmem>>
      %dma_wait3A_382 = arith.constant 0 : i32
      %dma_wait3A_383 = arith.constant 0 : i32
      %dma_wait3A_384 = tpu.memref_slice %arg17[%dma_wait3A_382, %dma_wait3A_383] : memref<10240x64xf32, #tpu.memory_space<vmem_shared>> -> memref<10240x64xf32, #tpu.memory_space<vmem_shared>>
      tpu.wait_indirect_dma semaphore(%arg26 : memref<!tpu.dma_semaphore, #tpu.memory_space<semaphore_mem>>) src(%arg9 : memref<128x64xf32, #tpu.memory_space<vmem>>) dst(%dma_wait3A_384 : memref<10240x64xf32, #tpu.memory_space<vmem_shared>>)
      %dma_wait3A_385 = arith.constant 0 : i32
      %dma_wait3A_386 = tpu.memref_slice %arg8[%add3A_300, %dma_wait3A_385] : memref<79x128xi32, #tpu.memory_space<vmem>> -> memref<1x128xi32, #tpu.memory_space<vmem>>
      %dma_wait3A_387 = tpu.memref_squeeze %dma_wait3A_386 : memref<1x128xi32, #tpu.memory_space<vmem>> -> memref<128xi32, #tpu.memory_space<vmem>>
      %dma_wait3A_388 = arith.constant 0 : i32
      %dma_wait3A_389 = arith.constant 0 : i32
      %dma_wait3A_390 = tpu.memref_slice %arg17[%dma_wait3A_388, %dma_wait3A_389] : memref<10240x64xf32, #tpu.memory_space<vmem_shared>> -> memref<10240x64xf32, #tpu.memory_space<vmem_shared>>
      tpu.wait_indirect_dma semaphore(%arg27 : memref<!tpu.dma_semaphore, #tpu.memory_space<semaphore_mem>>) src(%arg10 : memref<128x64xf32, #tpu.memory_space<vmem>>) dst(%dma_wait3A_390 : memref<10240x64xf32, #tpu.memory_space<vmem_shared>>)
      %dma_wait3A_391 = arith.constant 0 : i32
      %dma_wait3A_392 = tpu.memref_slice %arg8[%add3A_312, %dma_wait3A_391] : memref<79x128xi32, #tpu.memory_space<vmem>> -> memref<1x128xi32, #tpu.memory_space<vmem>>
      %dma_wait3A_393 = tpu.memref_squeeze %dma_wait3A_392 : memref<1x128xi32, #tpu.memory_space<vmem>> -> memref<128xi32, #tpu.memory_space<vmem>>
      %dma_wait3A_394 = arith.constant 0 : i32
      %dma_wait3A_395 = arith.constant 0 : i32
      %dma_wait3A_396 = tpu.memref_slice %arg17[%dma_wait3A_394, %dma_wait3A_395] : memref<10240x64xf32, #tpu.memory_space<vmem_shared>> -> memref<10240x64xf32, #tpu.memory_space<vmem_shared>>
      tpu.wait_indirect_dma semaphore(%arg28 : memref<!tpu.dma_semaphore, #tpu.memory_space<semaphore_mem>>) src(%arg11 : memref<128x64xf32, #tpu.memory_space<vmem>>) dst(%dma_wait3A_396 : memref<10240x64xf32, #tpu.memory_space<vmem_shared>>)
      %dma_wait3A_397 = arith.constant 0 : i32
      %dma_wait3A_398 = tpu.memref_slice %arg8[%add3A_324, %dma_wait3A_397] : memref<79x128xi32, #tpu.memory_space<vmem>> -> memref<1x128xi32, #tpu.memory_space<vmem>>
      %dma_wait3A_399 = tpu.memref_squeeze %dma_wait3A_398 : memref<1x128xi32, #tpu.memory_space<vmem>> -> memref<128xi32, #tpu.memory_space<vmem>>
      %dma_wait3A_400 = arith.constant 0 : i32
      %dma_wait3A_401 = arith.constant 0 : i32
      %dma_wait3A_402 = tpu.memref_slice %arg17[%dma_wait3A_400, %dma_wait3A_401] : memref<10240x64xf32, #tpu.memory_space<vmem_shared>> -> memref<10240x64xf32, #tpu.memory_space<vmem_shared>>
      tpu.wait_indirect_dma semaphore(%arg29 : memref<!tpu.dma_semaphore, #tpu.memory_space<semaphore_mem>>) src(%arg12 : memref<128x64xf32, #tpu.memory_space<vmem>>) dst(%dma_wait3A_402 : memref<10240x64xf32, #tpu.memory_space<vmem_shared>>)
      %dma_wait3A_403 = arith.constant 0 : i32
      %dma_wait3A_404 = tpu.memref_slice %arg8[%add3A_336, %dma_wait3A_403] : memref<79x128xi32, #tpu.memory_space<vmem>> -> memref<1x128xi32, #tpu.memory_space<vmem>>
      %dma_wait3A_405 = tpu.memref_squeeze %dma_wait3A_404 : memref<1x128xi32, #tpu.memory_space<vmem>> -> memref<128xi32, #tpu.memory_space<vmem>>
      %dma_wait3A_406 = arith.constant 0 : i32
      %dma_wait3A_407 = arith.constant 0 : i32
      %dma_wait3A_408 = tpu.memref_slice %arg17[%dma_wait3A_406, %dma_wait3A_407] : memref<10240x64xf32, #tpu.memory_space<vmem_shared>> -> memref<10240x64xf32, #tpu.memory_space<vmem_shared>>
      tpu.wait_indirect_dma semaphore(%arg30 : memref<!tpu.dma_semaphore, #tpu.memory_space<semaphore_mem>>) src(%arg13 : memref<128x64xf32, #tpu.memory_space<vmem>>) dst(%dma_wait3A_408 : memref<10240x64xf32, #tpu.memory_space<vmem_shared>>)
      %dma_wait3A_409 = arith.constant 0 : i32
      %dma_wait3A_410 = tpu.memref_slice %arg8[%add3A_348, %dma_wait3A_409] : memref<79x128xi32, #tpu.memory_space<vmem>> -> memref<1x128xi32, #tpu.memory_space<vmem>>
      %dma_wait3A_411 = tpu.memref_squeeze %dma_wait3A_410 : memref<1x128xi32, #tpu.memory_space<vmem>> -> memref<128xi32, #tpu.memory_space<vmem>>
      %dma_wait3A_412 = arith.constant 0 : i32
      %dma_wait3A_413 = arith.constant 0 : i32
      %dma_wait3A_414 = tpu.memref_slice %arg17[%dma_wait3A_412, %dma_wait3A_413] : memref<10240x64xf32, #tpu.memory_space<vmem_shared>> -> memref<10240x64xf32, #tpu.memory_space<vmem_shared>>
      tpu.wait_indirect_dma semaphore(%arg31 : memref<!tpu.dma_semaphore, #tpu.memory_space<semaphore_mem>>) src(%arg14 : memref<128x64xf32, #tpu.memory_space<vmem>>) dst(%dma_wait3A_414 : memref<10240x64xf32, #tpu.memory_space<vmem_shared>>)
      %dma_wait3A_415 = arith.constant 0 : i32
      %dma_wait3A_416 = tpu.memref_slice %arg8[%add3A_360, %dma_wait3A_415] : memref<79x128xi32, #tpu.memory_space<vmem>> -> memref<1x128xi32, #tpu.memory_space<vmem>>
      %dma_wait3A_417 = tpu.memref_squeeze %dma_wait3A_416 : memref<1x128xi32, #tpu.memory_space<vmem>> -> memref<128xi32, #tpu.memory_space<vmem>>
      %dma_wait3A_418 = arith.constant 0 : i32
      %dma_wait3A_419 = arith.constant 0 : i32
      %dma_wait3A_420 = tpu.memref_slice %arg17[%dma_wait3A_418, %dma_wait3A_419] : memref<10240x64xf32, #tpu.memory_space<vmem_shared>> -> memref<10240x64xf32, #tpu.memory_space<vmem_shared>>
      tpu.wait_indirect_dma semaphore(%arg32 : memref<!tpu.dma_semaphore, #tpu.memory_space<semaphore_mem>>) src(%arg15 : memref<128x64xf32, #tpu.memory_space<vmem>>) dst(%dma_wait3A_420 : memref<10240x64xf32, #tpu.memory_space<vmem_shared>>)
      %dma_wait3A_421 = arith.constant 0 : i32
      %dma_wait3A_422 = tpu.memref_slice %arg8[%add3A_372, %dma_wait3A_421] : memref<79x128xi32, #tpu.memory_space<vmem>> -> memref<1x128xi32, #tpu.memory_space<vmem>>
      %dma_wait3A_423 = tpu.memref_squeeze %dma_wait3A_422 : memref<1x128xi32, #tpu.memory_space<vmem>> -> memref<128xi32, #tpu.memory_space<vmem>>
      %dma_wait3A_424 = arith.constant 0 : i32
      %dma_wait3A_425 = arith.constant 0 : i32
      %dma_wait3A_426 = tpu.memref_slice %arg17[%dma_wait3A_424, %dma_wait3A_425] : memref<10240x64xf32, #tpu.memory_space<vmem_shared>> -> memref<10240x64xf32, #tpu.memory_space<vmem_shared>>
      tpu.wait_indirect_dma semaphore(%arg33 : memref<!tpu.dma_semaphore, #tpu.memory_space<semaphore_mem>>) src(%arg16 : memref<128x64xf32, #tpu.memory_space<vmem>>) dst(%dma_wait3A_426 : memref<10240x64xf32, #tpu.memory_space<vmem_shared>>)
    }
    %scan3A_63 = arith.constant 9 : i32
    %dma_start3A_64 = arith.constant 9216 : i32
    %dma_start3A_65 = tpu.memref_slice %arg7[%dma_start3A_64] : memref<10112xi32, #tpu.memory_space<vmem>> -> memref<128xi32, #tpu.memory_space<vmem>>
    %dma_start3A_66 = arith.constant 0 : i32
    %dma_start3A_67 = arith.constant 0 : i32
    %dma_start3A_68 = tpu.memref_slice %arg2[%dma_start3A_66, %dma_start3A_67] : memref<10000x64xf32, #tpu.memory_space<hbm>> -> memref<10000x64xf32, #tpu.memory_space<hbm>>
    tpu.enqueue_indirect_dma source(%dma_start3A_68 : memref<10000x64xf32, #tpu.memory_space<hbm>>) target(%arg9 : memref<128x64xf32, #tpu.memory_space<vmem>>) offsets(%dma_start3A_65 : memref<128xi32, #tpu.memory_space<vmem>>) semaphore(%arg18 : memref<!tpu.dma_semaphore, #tpu.memory_space<semaphore_mem>>)
    %dma_start3A_69 = arith.constant 9344 : i32
    %dma_start3A_70 = tpu.memref_slice %arg7[%dma_start3A_69] : memref<10112xi32, #tpu.memory_space<vmem>> -> memref<128xi32, #tpu.memory_space<vmem>>
    %dma_start3A_71 = arith.constant 0 : i32
    %dma_start3A_72 = arith.constant 0 : i32
    %dma_start3A_73 = tpu.memref_slice %arg2[%dma_start3A_71, %dma_start3A_72] : memref<10000x64xf32, #tpu.memory_space<hbm>> -> memref<10000x64xf32, #tpu.memory_space<hbm>>
    tpu.enqueue_indirect_dma source(%dma_start3A_73 : memref<10000x64xf32, #tpu.memory_space<hbm>>) target(%arg10 : memref<128x64xf32, #tpu.memory_space<vmem>>) offsets(%dma_start3A_70 : memref<128xi32, #tpu.memory_space<vmem>>) semaphore(%arg19 : memref<!tpu.dma_semaphore, #tpu.memory_space<semaphore_mem>>)
    %dma_start3A_74 = arith.constant 9472 : i32
    %dma_start3A_75 = tpu.memref_slice %arg7[%dma_start3A_74] : memref<10112xi32, #tpu.memory_space<vmem>> -> memref<128xi32, #tpu.memory_space<vmem>>
    %dma_start3A_76 = arith.constant 0 : i32
    %dma_start3A_77 = arith.constant 0 : i32
    %dma_start3A_78 = tpu.memref_slice %arg2[%dma_start3A_76, %dma_start3A_77] : memref<10000x64xf32, #tpu.memory_space<hbm>> -> memref<10000x64xf32, #tpu.memory_space<hbm>>
    tpu.enqueue_indirect_dma source(%dma_start3A_78 : memref<10000x64xf32, #tpu.memory_space<hbm>>) target(%arg11 : memref<128x64xf32, #tpu.memory_space<vmem>>) offsets(%dma_start3A_75 : memref<128xi32, #tpu.memory_space<vmem>>) semaphore(%arg20 : memref<!tpu.dma_semaphore, #tpu.memory_space<semaphore_mem>>)
    %dma_start3A_79 = arith.constant 9600 : i32
    %dma_start3A_80 = tpu.memref_slice %arg7[%dma_start3A_79] : memref<10112xi32, #tpu.memory_space<vmem>> -> memref<128xi32, #tpu.memory_space<vmem>>
    %dma_start3A_81 = arith.constant 0 : i32
    %dma_start3A_82 = arith.constant 0 : i32
    %dma_start3A_83 = tpu.memref_slice %arg2[%dma_start3A_81, %dma_start3A_82] : memref<10000x64xf32, #tpu.memory_space<hbm>> -> memref<10000x64xf32, #tpu.memory_space<hbm>>
    tpu.enqueue_indirect_dma source(%dma_start3A_83 : memref<10000x64xf32, #tpu.memory_space<hbm>>) target(%arg12 : memref<128x64xf32, #tpu.memory_space<vmem>>) offsets(%dma_start3A_80 : memref<128xi32, #tpu.memory_space<vmem>>) semaphore(%arg21 : memref<!tpu.dma_semaphore, #tpu.memory_space<semaphore_mem>>)
    %dma_start3A_84 = arith.constant 9728 : i32
    %dma_start3A_85 = tpu.memref_slice %arg7[%dma_start3A_84] : memref<10112xi32, #tpu.memory_space<vmem>> -> memref<128xi32, #tpu.memory_space<vmem>>
    %dma_start3A_86 = arith.constant 0 : i32
    %dma_start3A_87 = arith.constant 0 : i32
    %dma_start3A_88 = tpu.memref_slice %arg2[%dma_start3A_86, %dma_start3A_87] : memref<10000x64xf32, #tpu.memory_space<hbm>> -> memref<10000x64xf32, #tpu.memory_space<hbm>>
    tpu.enqueue_indirect_dma source(%dma_start3A_88 : memref<10000x64xf32, #tpu.memory_space<hbm>>) target(%arg13 : memref<128x64xf32, #tpu.memory_space<vmem>>) offsets(%dma_start3A_85 : memref<128xi32, #tpu.memory_space<vmem>>) semaphore(%arg22 : memref<!tpu.dma_semaphore, #tpu.memory_space<semaphore_mem>>)
    %dma_start3A_89 = arith.constant 9856 : i32
    %dma_start3A_90 = tpu.memref_slice %arg7[%dma_start3A_89] : memref<10112xi32, #tpu.memory_space<vmem>> -> memref<128xi32, #tpu.memory_space<vmem>>
    %dma_start3A_91 = arith.constant 0 : i32
    %dma_start3A_92 = arith.constant 0 : i32
    %dma_start3A_93 = tpu.memref_slice %arg2[%dma_start3A_91, %dma_start3A_92] : memref<10000x64xf32, #tpu.memory_space<hbm>> -> memref<10000x64xf32, #tpu.memory_space<hbm>>
    tpu.enqueue_indirect_dma source(%dma_start3A_93 : memref<10000x64xf32, #tpu.memory_space<hbm>>) target(%arg14 : memref<128x64xf32, #tpu.memory_space<vmem>>) offsets(%dma_start3A_90 : memref<128xi32, #tpu.memory_space<vmem>>) semaphore(%arg23 : memref<!tpu.dma_semaphore, #tpu.memory_space<semaphore_mem>>)
    %dma_wait3A_94 = arith.constant 9216 : i32
    %dma_wait3A_95 = tpu.memref_slice %arg7[%dma_wait3A_94] : memref<10112xi32, #tpu.memory_space<vmem>> -> memref<128xi32, #tpu.memory_space<vmem>>
    %dma_wait3A_96 = arith.constant 0 : i32
    %dma_wait3A_97 = arith.constant 0 : i32
    %dma_wait3A_98 = tpu.memref_slice %arg2[%dma_wait3A_96, %dma_wait3A_97] : memref<10000x64xf32, #tpu.memory_space<hbm>> -> memref<10000x64xf32, #tpu.memory_space<hbm>>
    tpu.wait_indirect_dma semaphore(%arg18 : memref<!tpu.dma_semaphore, #tpu.memory_space<semaphore_mem>>) src(%dma_wait3A_98 : memref<10000x64xf32, #tpu.memory_space<hbm>>) dst(%arg9 : memref<128x64xf32, #tpu.memory_space<vmem>>)
    %dma_start3A_99 = arith.constant 72 : i32
    %dma_start3A_100 = arith.constant 0 : i32
    %dma_start3A_101 = tpu.memref_slice %arg8[%dma_start3A_99, %dma_start3A_100] : memref<79x128xi32, #tpu.memory_space<vmem>> -> memref<1x128xi32, #tpu.memory_space<vmem>>
    %dma_start3A_102 = tpu.memref_squeeze %dma_start3A_101 : memref<1x128xi32, #tpu.memory_space<vmem>> -> memref<128xi32, #tpu.memory_space<vmem>>
    %dma_start3A_103 = arith.constant 0 : i32
    %dma_start3A_104 = arith.constant 0 : i32
    %dma_start3A_105 = tpu.memref_slice %arg17[%dma_start3A_103, %dma_start3A_104] : memref<10240x64xf32, #tpu.memory_space<vmem_shared>> -> memref<10240x64xf32, #tpu.memory_space<vmem_shared>>
    tpu.enqueue_indirect_dma source(%arg9 : memref<128x64xf32, #tpu.memory_space<vmem>>) target(%dma_start3A_105 : memref<10240x64xf32, #tpu.memory_space<vmem_shared>>) offsets(%dma_start3A_102 : memref<128xi32, #tpu.memory_space<vmem>>) semaphore(%arg26 : memref<!tpu.dma_semaphore, #tpu.memory_space<semaphore_mem>>) {add = true}
    %dma_wait3A_106 = arith.constant 9344 : i32
    %dma_wait3A_107 = tpu.memref_slice %arg7[%dma_wait3A_106] : memref<10112xi32, #tpu.memory_space<vmem>> -> memref<128xi32, #tpu.memory_space<vmem>>
    %dma_wait3A_108 = arith.constant 0 : i32
    %dma_wait3A_109 = arith.constant 0 : i32
    %dma_wait3A_110 = tpu.memref_slice %arg2[%dma_wait3A_108, %dma_wait3A_109] : memref<10000x64xf32, #tpu.memory_space<hbm>> -> memref<10000x64xf32, #tpu.memory_space<hbm>>
    tpu.wait_indirect_dma semaphore(%arg19 : memref<!tpu.dma_semaphore, #tpu.memory_space<semaphore_mem>>) src(%dma_wait3A_110 : memref<10000x64xf32, #tpu.memory_space<hbm>>) dst(%arg10 : memref<128x64xf32, #tpu.memory_space<vmem>>)
    %dma_start3A_111 = arith.constant 73 : i32
    %dma_start3A_112 = arith.constant 0 : i32
    %dma_start3A_113 = tpu.memref_slice %arg8[%dma_start3A_111, %dma_start3A_112] : memref<79x128xi32, #tpu.memory_space<vmem>> -> memref<1x128xi32, #tpu.memory_space<vmem>>
    %dma_start3A_114 = tpu.memref_squeeze %dma_start3A_113 : memref<1x128xi32, #tpu.memory_space<vmem>> -> memref<128xi32, #tpu.memory_space<vmem>>
    %dma_start3A_115 = arith.constant 0 : i32
    %dma_start3A_116 = arith.constant 0 : i32
    %dma_start3A_117 = tpu.memref_slice %arg17[%dma_start3A_115, %dma_start3A_116] : memref<10240x64xf32, #tpu.memory_space<vmem_shared>> -> memref<10240x64xf32, #tpu.memory_space<vmem_shared>>
    tpu.enqueue_indirect_dma source(%arg10 : memref<128x64xf32, #tpu.memory_space<vmem>>) target(%dma_start3A_117 : memref<10240x64xf32, #tpu.memory_space<vmem_shared>>) offsets(%dma_start3A_114 : memref<128xi32, #tpu.memory_space<vmem>>) semaphore(%arg27 : memref<!tpu.dma_semaphore, #tpu.memory_space<semaphore_mem>>) {add = true}
    %dma_wait3A_118 = arith.constant 9472 : i32
    %dma_wait3A_119 = tpu.memref_slice %arg7[%dma_wait3A_118] : memref<10112xi32, #tpu.memory_space<vmem>> -> memref<128xi32, #tpu.memory_space<vmem>>
    %dma_wait3A_120 = arith.constant 0 : i32
    %dma_wait3A_121 = arith.constant 0 : i32
    %dma_wait3A_122 = tpu.memref_slice %arg2[%dma_wait3A_120, %dma_wait3A_121] : memref<10000x64xf32, #tpu.memory_space<hbm>> -> memref<10000x64xf32, #tpu.memory_space<hbm>>
    tpu.wait_indirect_dma semaphore(%arg20 : memref<!tpu.dma_semaphore, #tpu.memory_space<semaphore_mem>>) src(%dma_wait3A_122 : memref<10000x64xf32, #tpu.memory_space<hbm>>) dst(%arg11 : memref<128x64xf32, #tpu.memory_space<vmem>>)
    %dma_start3A_123 = arith.constant 74 : i32
    %dma_start3A_124 = arith.constant 0 : i32
    %dma_start3A_125 = tpu.memref_slice %arg8[%dma_start3A_123, %dma_start3A_124] : memref<79x128xi32, #tpu.memory_space<vmem>> -> memref<1x128xi32, #tpu.memory_space<vmem>>
    %dma_start3A_126 = tpu.memref_squeeze %dma_start3A_125 : memref<1x128xi32, #tpu.memory_space<vmem>> -> memref<128xi32, #tpu.memory_space<vmem>>
    %dma_start3A_127 = arith.constant 0 : i32
    %dma_start3A_128 = arith.constant 0 : i32
    %dma_start3A_129 = tpu.memref_slice %arg17[%dma_start3A_127, %dma_start3A_128] : memref<10240x64xf32, #tpu.memory_space<vmem_shared>> -> memref<10240x64xf32, #tpu.memory_space<vmem_shared>>
    tpu.enqueue_indirect_dma source(%arg11 : memref<128x64xf32, #tpu.memory_space<vmem>>) target(%dma_start3A_129 : memref<10240x64xf32, #tpu.memory_space<vmem_shared>>) offsets(%dma_start3A_126 : memref<128xi32, #tpu.memory_space<vmem>>) semaphore(%arg28 : memref<!tpu.dma_semaphore, #tpu.memory_space<semaphore_mem>>) {add = true}
    %dma_wait3A_130 = arith.constant 9600 : i32
    %dma_wait3A_131 = tpu.memref_slice %arg7[%dma_wait3A_130] : memref<10112xi32, #tpu.memory_space<vmem>> -> memref<128xi32, #tpu.memory_space<vmem>>
    %dma_wait3A_132 = arith.constant 0 : i32
    %dma_wait3A_133 = arith.constant 0 : i32
    %dma_wait3A_134 = tpu.memref_slice %arg2[%dma_wait3A_132, %dma_wait3A_133] : memref<10000x64xf32, #tpu.memory_space<hbm>> -> memref<10000x64xf32, #tpu.memory_space<hbm>>
    tpu.wait_indirect_dma semaphore(%arg21 : memref<!tpu.dma_semaphore, #tpu.memory_space<semaphore_mem>>) src(%dma_wait3A_134 : memref<10000x64xf32, #tpu.memory_space<hbm>>) dst(%arg12 : memref<128x64xf32, #tpu.memory_space<vmem>>)
    %dma_start3A_135 = arith.constant 75 : i32
    %dma_start3A_136 = arith.constant 0 : i32
    %dma_start3A_137 = tpu.memref_slice %arg8[%dma_start3A_135, %dma_start3A_136] : memref<79x128xi32, #tpu.memory_space<vmem>> -> memref<1x128xi32, #tpu.memory_space<vmem>>
    %dma_start3A_138 = tpu.memref_squeeze %dma_start3A_137 : memref<1x128xi32, #tpu.memory_space<vmem>> -> memref<128xi32, #tpu.memory_space<vmem>>
    %dma_start3A_139 = arith.constant 0 : i32
    %dma_start3A_140 = arith.constant 0 : i32
    %dma_start3A_141 = tpu.memref_slice %arg17[%dma_start3A_139, %dma_start3A_140] : memref<10240x64xf32, #tpu.memory_space<vmem_shared>> -> memref<10240x64xf32, #tpu.memory_space<vmem_shared>>
    tpu.enqueue_indirect_dma source(%arg12 : memref<128x64xf32, #tpu.memory_space<vmem>>) target(%dma_start3A_141 : memref<10240x64xf32, #tpu.memory_space<vmem_shared>>) offsets(%dma_start3A_138 : memref<128xi32, #tpu.memory_space<vmem>>) semaphore(%arg29 : memref<!tpu.dma_semaphore, #tpu.memory_space<semaphore_mem>>) {add = true}
    %dma_wait3A_142 = arith.constant 9728 : i32
    %dma_wait3A_143 = tpu.memref_slice %arg7[%dma_wait3A_142] : memref<10112xi32, #tpu.memory_space<vmem>> -> memref<128xi32, #tpu.memory_space<vmem>>
    %dma_wait3A_144 = arith.constant 0 : i32
    %dma_wait3A_145 = arith.constant 0 : i32
    %dma_wait3A_146 = tpu.memref_slice %arg2[%dma_wait3A_144, %dma_wait3A_145] : memref<10000x64xf32, #tpu.memory_space<hbm>> -> memref<10000x64xf32, #tpu.memory_space<hbm>>
    tpu.wait_indirect_dma semaphore(%arg22 : memref<!tpu.dma_semaphore, #tpu.memory_space<semaphore_mem>>) src(%dma_wait3A_146 : memref<10000x64xf32, #tpu.memory_space<hbm>>) dst(%arg13 : memref<128x64xf32, #tpu.memory_space<vmem>>)
    %dma_start3A_147 = arith.constant 76 : i32
    %dma_start3A_148 = arith.constant 0 : i32
    %dma_start3A_149 = tpu.memref_slice %arg8[%dma_start3A_147, %dma_start3A_148] : memref<79x128xi32, #tpu.memory_space<vmem>> -> memref<1x128xi32, #tpu.memory_space<vmem>>
    %dma_start3A_150 = tpu.memref_squeeze %dma_start3A_149 : memref<1x128xi32, #tpu.memory_space<vmem>> -> memref<128xi32, #tpu.memory_space<vmem>>
    %dma_start3A_151 = arith.constant 0 : i32
    %dma_start3A_152 = arith.constant 0 : i32
    %dma_start3A_153 = tpu.memref_slice %arg17[%dma_start3A_151, %dma_start3A_152] : memref<10240x64xf32, #tpu.memory_space<vmem_shared>> -> memref<10240x64xf32, #tpu.memory_space<vmem_shared>>
    tpu.enqueue_indirect_dma source(%arg13 : memref<128x64xf32, #tpu.memory_space<vmem>>) target(%dma_start3A_153 : memref<10240x64xf32, #tpu.memory_space<vmem_shared>>) offsets(%dma_start3A_150 : memref<128xi32, #tpu.memory_space<vmem>>) semaphore(%arg30 : memref<!tpu.dma_semaphore, #tpu.memory_space<semaphore_mem>>) {add = true}
    %dma_wait3A_154 = arith.constant 9856 : i32
    %dma_wait3A_155 = tpu.memref_slice %arg7[%dma_wait3A_154] : memref<10112xi32, #tpu.memory_space<vmem>> -> memref<128xi32, #tpu.memory_space<vmem>>
    %dma_wait3A_156 = arith.constant 0 : i32
    %dma_wait3A_157 = arith.constant 0 : i32
    %dma_wait3A_158 = tpu.memref_slice %arg2[%dma_wait3A_156, %dma_wait3A_157] : memref<10000x64xf32, #tpu.memory_space<hbm>> -> memref<10000x64xf32, #tpu.memory_space<hbm>>
    tpu.wait_indirect_dma semaphore(%arg23 : memref<!tpu.dma_semaphore, #tpu.memory_space<semaphore_mem>>) src(%dma_wait3A_158 : memref<10000x64xf32, #tpu.memory_space<hbm>>) dst(%arg14 : memref<128x64xf32, #tpu.memory_space<vmem>>)
    %dma_start3A_159 = arith.constant 77 : i32
    %dma_start3A_160 = arith.constant 0 : i32
    %dma_start3A_161 = tpu.memref_slice %arg8[%dma_start3A_159, %dma_start3A_160] : memref<79x128xi32, #tpu.memory_space<vmem>> -> memref<1x128xi32, #tpu.memory_space<vmem>>
    %dma_start3A_162 = tpu.memref_squeeze %dma_start3A_161 : memref<1x128xi32, #tpu.memory_space<vmem>> -> memref<128xi32, #tpu.memory_space<vmem>>
    %dma_start3A_163 = arith.constant 0 : i32
    %dma_start3A_164 = arith.constant 0 : i32
    %dma_start3A_165 = tpu.memref_slice %arg17[%dma_start3A_163, %dma_start3A_164] : memref<10240x64xf32, #tpu.memory_space<vmem_shared>> -> memref<10240x64xf32, #tpu.memory_space<vmem_shared>>
    tpu.enqueue_indirect_dma source(%arg14 : memref<128x64xf32, #tpu.memory_space<vmem>>) target(%dma_start3A_165 : memref<10240x64xf32, #tpu.memory_space<vmem_shared>>) offsets(%dma_start3A_162 : memref<128xi32, #tpu.memory_space<vmem>>) semaphore(%arg31 : memref<!tpu.dma_semaphore, #tpu.memory_space<semaphore_mem>>) {add = true}
    %dma_wait3A_166 = arith.constant 72 : i32
    %dma_wait3A_167 = arith.constant 0 : i32
    %dma_wait3A_168 = tpu.memref_slice %arg8[%dma_wait3A_166, %dma_wait3A_167] : memref<79x128xi32, #tpu.memory_space<vmem>> -> memref<1x128xi32, #tpu.memory_space<vmem>>
    %dma_wait3A_169 = tpu.memref_squeeze %dma_wait3A_168 : memref<1x128xi32, #tpu.memory_space<vmem>> -> memref<128xi32, #tpu.memory_space<vmem>>
    %dma_wait3A_170 = arith.constant 0 : i32
    %dma_wait3A_171 = arith.constant 0 : i32
    %dma_wait3A_172 = tpu.memref_slice %arg17[%dma_wait3A_170, %dma_wait3A_171] : memref<10240x64xf32, #tpu.memory_space<vmem_shared>> -> memref<10240x64xf32, #tpu.memory_space<vmem_shared>>
    tpu.wait_indirect_dma semaphore(%arg26 : memref<!tpu.dma_semaphore, #tpu.memory_space<semaphore_mem>>) src(%arg9 : memref<128x64xf32, #tpu.memory_space<vmem>>) dst(%dma_wait3A_172 : memref<10240x64xf32, #tpu.memory_space<vmem_shared>>)
    %dma_wait3A_173 = arith.constant 73 : i32
    %dma_wait3A_174 = arith.constant 0 : i32
    %dma_wait3A_175 = tpu.memref_slice %arg8[%dma_wait3A_173, %dma_wait3A_174] : memref<79x128xi32, #tpu.memory_space<vmem>> -> memref<1x128xi32, #tpu.memory_space<vmem>>
    %dma_wait3A_176 = tpu.memref_squeeze %dma_wait3A_175 : memref<1x128xi32, #tpu.memory_space<vmem>> -> memref<128xi32, #tpu.memory_space<vmem>>
    %dma_wait3A_177 = arith.constant 0 : i32
    %dma_wait3A_178 = arith.constant 0 : i32
    %dma_wait3A_179 = tpu.memref_slice %arg17[%dma_wait3A_177, %dma_wait3A_178] : memref<10240x64xf32, #tpu.memory_space<vmem_shared>> -> memref<10240x64xf32, #tpu.memory_space<vmem_shared>>
    tpu.wait_indirect_dma semaphore(%arg27 : memref<!tpu.dma_semaphore, #tpu.memory_space<semaphore_mem>>) src(%arg10 : memref<128x64xf32, #tpu.memory_space<vmem>>) dst(%dma_wait3A_179 : memref<10240x64xf32, #tpu.memory_space<vmem_shared>>)
    %dma_wait3A_180 = arith.constant 74 : i32
    %dma_wait3A_181 = arith.constant 0 : i32
    %dma_wait3A_182 = tpu.memref_slice %arg8[%dma_wait3A_180, %dma_wait3A_181] : memref<79x128xi32, #tpu.memory_space<vmem>> -> memref<1x128xi32, #tpu.memory_space<vmem>>
    %dma_wait3A_183 = tpu.memref_squeeze %dma_wait3A_182 : memref<1x128xi32, #tpu.memory_space<vmem>> -> memref<128xi32, #tpu.memory_space<vmem>>
    %dma_wait3A_184 = arith.constant 0 : i32
    %dma_wait3A_185 = arith.constant 0 : i32
    %dma_wait3A_186 = tpu.memref_slice %arg17[%dma_wait3A_184, %dma_wait3A_185] : memref<10240x64xf32, #tpu.memory_space<vmem_shared>> -> memref<10240x64xf32, #tpu.memory_space<vmem_shared>>
    tpu.wait_indirect_dma semaphore(%arg28 : memref<!tpu.dma_semaphore, #tpu.memory_space<semaphore_mem>>) src(%arg11 : memref<128x64xf32, #tpu.memory_space<vmem>>) dst(%dma_wait3A_186 : memref<10240x64xf32, #tpu.memory_space<vmem_shared>>)
    %dma_wait3A_187 = arith.constant 75 : i32
    %dma_wait3A_188 = arith.constant 0 : i32
    %dma_wait3A_189 = tpu.memref_slice %arg8[%dma_wait3A_187, %dma_wait3A_188] : memref<79x128xi32, #tpu.memory_space<vmem>> -> memref<1x128xi32, #tpu.memory_space<vmem>>
    %dma_wait3A_190 = tpu.memref_squeeze %dma_wait3A_189 : memref<1x128xi32, #tpu.memory_space<vmem>> -> memref<128xi32, #tpu.memory_space<vmem>>
    %dma_wait3A_191 = arith.constant 0 : i32
    %dma_wait3A_192 = arith.constant 0 : i32
    %dma_wait3A_193 = tpu.memref_slice %arg17[%dma_wait3A_191, %dma_wait3A_192] : memref<10240x64xf32, #tpu.memory_space<vmem_shared>> -> memref<10240x64xf32, #tpu.memory_space<vmem_shared>>
    tpu.wait_indirect_dma semaphore(%arg29 : memref<!tpu.dma_semaphore, #tpu.memory_space<semaphore_mem>>) src(%arg12 : memref<128x64xf32, #tpu.memory_space<vmem>>) dst(%dma_wait3A_193 : memref<10240x64xf32, #tpu.memory_space<vmem_shared>>)
    %dma_wait3A_194 = arith.constant 76 : i32
    %dma_wait3A_195 = arith.constant 0 : i32
    %dma_wait3A_196 = tpu.memref_slice %arg8[%dma_wait3A_194, %dma_wait3A_195] : memref<79x128xi32, #tpu.memory_space<vmem>> -> memref<1x128xi32, #tpu.memory_space<vmem>>
    %dma_wait3A_197 = tpu.memref_squeeze %dma_wait3A_196 : memref<1x128xi32, #tpu.memory_space<vmem>> -> memref<128xi32, #tpu.memory_space<vmem>>
    %dma_wait3A_198 = arith.constant 0 : i32
    %dma_wait3A_199 = arith.constant 0 : i32
    %dma_wait3A_200 = tpu.memref_slice %arg17[%dma_wait3A_198, %dma_wait3A_199] : memref<10240x64xf32, #tpu.memory_space<vmem_shared>> -> memref<10240x64xf32, #tpu.memory_space<vmem_shared>>
    tpu.wait_indirect_dma semaphore(%arg30 : memref<!tpu.dma_semaphore, #tpu.memory_space<semaphore_mem>>) src(%arg13 : memref<128x64xf32, #tpu.memory_space<vmem>>) dst(%dma_wait3A_200 : memref<10240x64xf32, #tpu.memory_space<vmem_shared>>)
    %dma_wait3A_201 = arith.constant 77 : i32
    %dma_wait3A_202 = arith.constant 0 : i32
    %dma_wait3A_203 = tpu.memref_slice %arg8[%dma_wait3A_201, %dma_wait3A_202] : memref<79x128xi32, #tpu.memory_space<vmem>> -> memref<1x128xi32, #tpu.memory_space<vmem>>
    %dma_wait3A_204 = tpu.memref_squeeze %dma_wait3A_203 : memref<1x128xi32, #tpu.memory_space<vmem>> -> memref<128xi32, #tpu.memory_space<vmem>>
    %dma_wait3A_205 = arith.constant 0 : i32
    %dma_wait3A_206 = arith.constant 0 : i32
    %dma_wait3A_207 = tpu.memref_slice %arg17[%dma_wait3A_205, %dma_wait3A_206] : memref<10240x64xf32, #tpu.memory_space<vmem_shared>> -> memref<10240x64xf32, #tpu.memory_space<vmem_shared>>
    tpu.wait_indirect_dma semaphore(%arg31 : memref<!tpu.dma_semaphore, #tpu.memory_space<semaphore_mem>>) src(%arg14 : memref<128x64xf32, #tpu.memory_space<vmem>>) dst(%dma_wait3A_207 : memref<10240x64xf32, #tpu.memory_space<vmem_shared>>)
    %convert_element_type3A_208 = arith.extui %lt3A_5 : i1 to i32
    %cond3A_209 = arith.constant 0 : i32
    %cond3A_210 = arith.cmpi ne, %convert_element_type3A_208, %cond3A_209 : i32
    scf.if %cond3A_210 {
      %dma_start3A_216 = arith.constant 9984 : i32
      %dma_start3A_217 = tpu.memref_slice %arg7[%dma_start3A_216] : memref<10112xi32, #tpu.memory_space<vmem>> -> memref<128xi32, #tpu.memory_space<vmem>>
      %dma_start3A_218 = arith.constant 0 : i32
      %dma_start3A_219 = arith.constant 0 : i32
      %dma_start3A_220 = tpu.memref_slice %arg2[%dma_start3A_218, %dma_start3A_219] : memref<10000x64xf32, #tpu.memory_space<hbm>> -> memref<10000x64xf32, #tpu.memory_space<hbm>>
      tpu.enqueue_indirect_dma source(%dma_start3A_220 : memref<10000x64xf32, #tpu.memory_space<hbm>>) target(%arg9 : memref<128x64xf32, #tpu.memory_space<vmem>>) offsets(%dma_start3A_217 : memref<128xi32, #tpu.memory_space<vmem>>) semaphore(%arg18 : memref<!tpu.dma_semaphore, #tpu.memory_space<semaphore_mem>>)
      %dma_wait3A_221 = arith.constant 9984 : i32
      %dma_wait3A_222 = tpu.memref_slice %arg7[%dma_wait3A_221] : memref<10112xi32, #tpu.memory_space<vmem>> -> memref<128xi32, #tpu.memory_space<vmem>>
      %dma_wait3A_223 = arith.constant 0 : i32
      %dma_wait3A_224 = arith.constant 0 : i32
      %dma_wait3A_225 = tpu.memref_slice %arg2[%dma_wait3A_223, %dma_wait3A_224] : memref<10000x64xf32, #tpu.memory_space<hbm>> -> memref<10000x64xf32, #tpu.memory_space<hbm>>
      tpu.wait_indirect_dma semaphore(%arg18 : memref<!tpu.dma_semaphore, #tpu.memory_space<semaphore_mem>>) src(%dma_wait3A_225 : memref<10000x64xf32, #tpu.memory_space<hbm>>) dst(%arg9 : memref<128x64xf32, #tpu.memory_space<vmem>>)
      %run_scoped3A = arith.constant 78 : i32
      "tpu.region"() ({
        %run_scoped3A_226 = tpu.sem_alloc : memref<!tpu.dma_semaphore, #tpu.memory_space<semaphore_mem>>
        %dma_start3A_227 = arith.constant 0 : i32
        %dma_start3A_228 = tpu.memref_slice %arg8[%run_scoped3A, %dma_start3A_227] : memref<79x128xi32, #tpu.memory_space<vmem>> -> memref<1x128xi32, #tpu.memory_space<vmem>>
        %dma_start3A_229 = tpu.memref_squeeze %dma_start3A_228 : memref<1x128xi32, #tpu.memory_space<vmem>> -> memref<128xi32, #tpu.memory_space<vmem>>
        %dma_start3A_230 = arith.constant 0 : i32
        %dma_start3A_231 = arith.constant 0 : i32
        %dma_start3A_232 = tpu.memref_slice %arg17[%dma_start3A_230, %dma_start3A_231] : memref<10240x64xf32, #tpu.memory_space<vmem_shared>> -> memref<10240x64xf32, #tpu.memory_space<vmem_shared>>
        tpu.enqueue_indirect_dma source(%arg9 : memref<128x64xf32, #tpu.memory_space<vmem>>) target(%dma_start3A_232 : memref<10240x64xf32, #tpu.memory_space<vmem_shared>>) offsets(%dma_start3A_229 : memref<128xi32, #tpu.memory_space<vmem>>) semaphore(%run_scoped3A_226 : memref<!tpu.dma_semaphore, #tpu.memory_space<semaphore_mem>>) {add = true}
        %dma_wait3A_233 = arith.constant 0 : i32
        %dma_wait3A_234 = tpu.memref_slice %arg8[%run_scoped3A, %dma_wait3A_233] : memref<79x128xi32, #tpu.memory_space<vmem>> -> memref<1x128xi32, #tpu.memory_space<vmem>>
        %dma_wait3A_235 = tpu.memref_squeeze %dma_wait3A_234 : memref<1x128xi32, #tpu.memory_space<vmem>> -> memref<128xi32, #tpu.memory_space<vmem>>
        %dma_wait3A_236 = arith.constant 0 : i32
        %dma_wait3A_237 = arith.constant 0 : i32
        %dma_wait3A_238 = tpu.memref_slice %arg17[%dma_wait3A_236, %dma_wait3A_237] : memref<10240x64xf32, #tpu.memory_space<vmem_shared>> -> memref<10240x64xf32, #tpu.memory_space<vmem_shared>>
        tpu.wait_indirect_dma semaphore(%run_scoped3A_226 : memref<!tpu.dma_semaphore, #tpu.memory_space<semaphore_mem>>) src(%arg9 : memref<128x64xf32, #tpu.memory_space<vmem>>) dst(%dma_wait3A_238 : memref<10240x64xf32, #tpu.memory_space<vmem_shared>>)
        tpu.yield
      }) : () -> ()
    } else {
    }
    %barrier3A_211 = arith.constant 0 : index
    tpu.barrier barrier_id(%barrier3A_211)
    %mul3A_212 = arith.constant 640 : i32
    %mul3A_213 = arith.muli %arg1, %mul3A_212 : i32
    %mul3A_214 = arith.constant 640 : i32
    %mul3A_215 = arith.muli %arg1, %mul3A_214 : i32
    "tpu.region"() ({
      %run_scoped3A = tpu.sem_alloc : memref<!tpu.dma_semaphore, #tpu.memory_space<semaphore_mem>>
      %dma_start3A_216 = arith.constant 0 : i32
      %dma_start3A_217 = tpu.memref_slice %arg6[%arg0, %mul3A_215, %dma_start3A_216] : memref<2x10240x64xf32, #tpu.memory_space<hbm>> -> memref<1x640x64xf32, #tpu.memory_space<hbm>>
      %dma_start3A_218 = tpu.memref_squeeze %dma_start3A_217 : memref<1x640x64xf32, #tpu.memory_space<hbm>> -> memref<640x64xf32, #tpu.memory_space<hbm>>
      %dma_start3A_219 = arith.constant 0 : i32
      %dma_start3A_220 = tpu.memref_slice %arg17[%mul3A_213, %dma_start3A_219] : memref<10240x64xf32, #tpu.memory_space<vmem_shared>> -> memref<640x64xf32, #tpu.memory_space<vmem_shared>>
      tpu.enqueue_dma source(%dma_start3A_220 : memref<640x64xf32, #tpu.memory_space<vmem_shared>>) target(%dma_start3A_218 : memref<640x64xf32, #tpu.memory_space<hbm>>) target_semaphore(%run_scoped3A : memref<!tpu.dma_semaphore, #tpu.memory_space<semaphore_mem>>)
      %dma_wait3A_221 = arith.constant 0 : i32
      %dma_wait3A_222 = tpu.memref_slice %arg6[%arg0, %mul3A_215, %dma_wait3A_221] : memref<2x10240x64xf32, #tpu.memory_space<hbm>> -> memref<1x640x64xf32, #tpu.memory_space<hbm>>
      %dma_wait3A_223 = tpu.memref_squeeze %dma_wait3A_222 : memref<1x640x64xf32, #tpu.memory_space<hbm>> -> memref<640x64xf32, #tpu.memory_space<hbm>>
      %dma_wait3A_224 = arith.constant 0 : i32
      %dma_wait3A_225 = tpu.memref_slice %arg17[%mul3A_213, %dma_wait3A_224] : memref<10240x64xf32, #tpu.memory_space<vmem_shared>> -> memref<640x64xf32, #tpu.memory_space<vmem_shared>>
      tpu.wait_dma2 semaphore(%run_scoped3A : memref<!tpu.dma_semaphore, #tpu.memory_space<semaphore_mem>>) src(%dma_wait3A_225 : memref<640x64xf32, #tpu.memory_space<vmem_shared>>) dst(%dma_wait3A_223 : memref<640x64xf32, #tpu.memory_space<hbm>>)
      tpu.yield
    }) : () -> ()
    return
  }
}

#map = affine_map<(d0, d1) -> (0, 0)>
#map1 = affine_map<(d0, d1) -> (0)>
#map2 = affine_map<(d0, d1) -> (0, 0, 0)>
module attributes {stable_mosaic.version = 14 : i64} {
  func.func @k(%arg0: i32, %arg1: i32, %arg2: memref<10000x64xf32, #tpu.memory_space<hbm>>, %arg3: memref<320000xi32, #tpu.memory_space<hbm>>, %arg4: memref<2500x128xi32, #tpu.memory_space<hbm>>, %arg5: memref<128x64xf32, #tpu.memory_space<hbm>>, %arg6: memref<2x10240x64xf32, #tpu.memory_space<hbm>>, %arg7: memref<10112xi32, #tpu.memory_space<vmem>>, %arg8: memref<79x128xi32, #tpu.memory_space<vmem>>, %arg9: memref<128x64xf32, #tpu.memory_space<vmem>>, %arg10: memref<128x64xf32, #tpu.memory_space<vmem>>, %arg11: memref<128x64xf32, #tpu.memory_space<vmem>>, %arg12: memref<128x64xf32, #tpu.memory_space<vmem>>, %arg13: memref<128x64xf32, #tpu.memory_space<vmem>>, %arg14: memref<128x64xf32, #tpu.memory_space<vmem>>, %arg15: memref<128x64xf32, #tpu.memory_space<vmem>>, %arg16: memref<128x64xf32, #tpu.memory_space<vmem>>, %arg17: memref<10240x64xf32, #tpu.memory_space<vmem_shared>>, %arg18: memref<!tpu.dma_semaphore, #tpu.memory_space<semaphore_mem>>, %arg19: memref<!tpu.dma_semaphore, #tpu.memory_space<semaphore_mem>>, %arg20: memref<!tpu.dma_semaphore, #tpu.memory_space<semaphore_mem>>, %arg21: memref<!tpu.dma_semaphore, #tpu.memory_space<semaphore_mem>>, %arg22: memref<!tpu.dma_semaphore, #tpu.memory_space<semaphore_mem>>, %arg23: memref<!tpu.dma_semaphore, #tpu.memory_space<semaphore_mem>>, %arg24: memref<!tpu.dma_semaphore, #tpu.memory_space<semaphore_mem>>, %arg25: memref<!tpu.dma_semaphore, #tpu.memory_space<semaphore_mem>>, %arg26: memref<!tpu.dma_semaphore, #tpu.memory_space<semaphore_mem>>, %arg27: memref<!tpu.dma_semaphore, #tpu.memory_space<semaphore_mem>>, %arg28: memref<!tpu.dma_semaphore, #tpu.memory_space<semaphore_mem>>, %arg29: memref<!tpu.dma_semaphore, #tpu.memory_space<semaphore_mem>>, %arg30: memref<!tpu.dma_semaphore, #tpu.memory_space<semaphore_mem>>, %arg31: memref<!tpu.dma_semaphore, #tpu.memory_space<semaphore_mem>>, %arg32: memref<!tpu.dma_semaphore, #tpu.memory_space<semaphore_mem>>, %arg33: memref<!tpu.dma_semaphore, #tpu.memory_space<semaphore_mem>>) attributes {dimension_semantics = [#tpu.dimension_semantics<core_parallel>, #tpu.dimension_semantics<subcore_parallel>], iteration_bounds = array<i64: 2, 16>, scalar_prefetch = 0 : i64, scratch_operands = 27 : i64, tpu.core_type = #tpu.core_type<sc_vector_subcore>, window_params = [{transform_indices = #map}, {transform_indices = #map1}, {transform_indices = #map}, {transform_indices = #map}, {transform_indices = #map2}]} {
    %mul3A = arith.constant 2 : i32
    %mul3A_0 = arith.muli %arg1, %mul3A : i32
    %add3A = arith.addi %mul3A_0, %arg0 : i32
    %mul3A_1 = arith.constant 78 : i32
    %mul3A_2 = arith.muli %add3A, %mul3A_1 : i32
    %min3A = arith.constant 4 : i32
    %min3A_3 = arith.minsi %add3A, %min3A : i32
    %add3A_4 = arith.addi %mul3A_2, %min3A_3 : i32
    %lt3A = arith.constant 4 : i32
    %lt3A_5 = arith.cmpi slt, %add3A, %lt3A : i32
    %mul3A_6 = arith.constant 128 : i32
    %mul3A_7 = arith.muli %add3A_4, %mul3A_6 : i32
    %dma_start3A = arith.constant 0 : i32
    %dma_start3A_8 = tpu.memref_slice %arg7[%dma_start3A] : memref<10112xi32, #tpu.memory_space<vmem>> -> memref<9984xi32, #tpu.memory_space<vmem>>
    %dma_start3A_9 = tpu.memref_slice %arg3[%mul3A_7] : memref<320000xi32, #tpu.memory_space<hbm>> -> memref<9984xi32, #tpu.memory_space<hbm>>
    %dma_start3A_10 = arith.constant 0 : i32
    %dma_start3A_11 = tpu.memref_slice %arg7[%dma_start3A_10] : memref<10112xi32, #tpu.memory_space<vmem>> -> memref<9984xi32, #tpu.memory_space<vmem>>
    %dma_start3A_12 = tpu.memref_slice %arg3[%mul3A_7] : memref<320000xi32, #tpu.memory_space<hbm>> -> memref<9984xi32, #tpu.memory_space<hbm>>
    tpu.enqueue_dma source(%dma_start3A_12 : memref<9984xi32, #tpu.memory_space<hbm>>) target(%dma_start3A_11 : memref<9984xi32, #tpu.memory_space<vmem>>) target_semaphore(%arg18 : memref<!tpu.dma_semaphore, #tpu.memory_space<semaphore_mem>>)
    %dma_start3A_13 = arith.constant 0 : i32
    %dma_start3A_14 = arith.constant 0 : i32
    %dma_start3A_15 = tpu.memref_slice %arg8[%dma_start3A_13, %dma_start3A_14] : memref<79x128xi32, #tpu.memory_space<vmem>> -> memref<78x128xi32, #tpu.memory_space<vmem>>
    %dma_start3A_16 = arith.constant 0 : i32
    %dma_start3A_17 = tpu.memref_slice %arg4[%add3A_4, %dma_start3A_16] : memref<2500x128xi32, #tpu.memory_space<hbm>> -> memref<78x128xi32, #tpu.memory_space<hbm>>
    %dma_start3A_18 = arith.constant 0 : i32
    %dma_start3A_19 = arith.constant 0 : i32
    %dma_start3A_20 = tpu.memref_slice %arg8[%dma_start3A_18, %dma_start3A_19] : memref<79x128xi32, #tpu.memory_space<vmem>> -> memref<78x128xi32, #tpu.memory_space<vmem>>
    %dma_start3A_21 = arith.constant 0 : i32
    %dma_start3A_22 = tpu.memref_slice %arg4[%add3A_4, %dma_start3A_21] : memref<2500x128xi32, #tpu.memory_space<hbm>> -> memref<78x128xi32, #tpu.memory_space<hbm>>
    tpu.enqueue_dma source(%dma_start3A_22 : memref<78x128xi32, #tpu.memory_space<hbm>>) target(%dma_start3A_20 : memref<78x128xi32, #tpu.memory_space<vmem>>) target_semaphore(%arg19 : memref<!tpu.dma_semaphore, #tpu.memory_space<semaphore_mem>>)
    %convert_element_type3A = arith.extui %lt3A_5 : i1 to i32
    %cond3A = arith.constant 0 : i32
    %cond3A_23 = arith.cmpi ne, %convert_element_type3A, %cond3A : i32
    scf.if %cond3A_23 {
      %add3A_216 = arith.constant 78 : i32
      %add3A_217 = arith.addi %add3A_4, %add3A_216 : i32
      %mul3A_218 = arith.constant 128 : i32
      %mul3A_219 = arith.muli %add3A_217, %mul3A_218 : i32
      "tpu.region"() ({
        %run_scoped3A = tpu.sem_alloc : memref<!tpu.dma_semaphore, #tpu.memory_space<semaphore_mem>>
        %dma_start3A_222 = arith.constant 9984 : i32
        %dma_start3A_223 = tpu.memref_slice %arg7[%dma_start3A_222] : memref<10112xi32, #tpu.memory_space<vmem>> -> memref<128xi32, #tpu.memory_space<vmem>>
        %dma_start3A_224 = tpu.memref_slice %arg3[%mul3A_219] : memref<320000xi32, #tpu.memory_space<hbm>> -> memref<128xi32, #tpu.memory_space<hbm>>
        %dma_start3A_225 = arith.constant 9984 : i32
        %dma_start3A_226 = tpu.memref_slice %arg7[%dma_start3A_225] : memref<10112xi32, #tpu.memory_space<vmem>> -> memref<128xi32, #tpu.memory_space<vmem>>
        %dma_start3A_227 = tpu.memref_slice %arg3[%mul3A_219] : memref<320000xi32, #tpu.memory_space<hbm>> -> memref<128xi32, #tpu.memory_space<hbm>>
        tpu.enqueue_dma source(%dma_start3A_227 : memref<128xi32, #tpu.memory_space<hbm>>) target(%dma_start3A_226 : memref<128xi32, #tpu.memory_space<vmem>>) target_semaphore(%run_scoped3A : memref<!tpu.dma_semaphore, #tpu.memory_space<semaphore_mem>>)
        %dma_wait3A_228 = arith.constant 9984 : i32
        %dma_wait3A_229 = tpu.memref_slice %arg7[%dma_wait3A_228] : memref<10112xi32, #tpu.memory_space<vmem>> -> memref<128xi32, #tpu.memory_space<vmem>>
        %dma_wait3A_230 = tpu.memref_slice %arg3[%mul3A_219] : memref<320000xi32, #tpu.memory_space<hbm>> -> memref<128xi32, #tpu.memory_space<hbm>>
        %dma_wait3A_231 = arith.constant 9984 : i32
        %dma_wait3A_232 = tpu.memref_slice %arg7[%dma_wait3A_231] : memref<10112xi32, #tpu.memory_space<vmem>> -> memref<128xi32, #tpu.memory_space<vmem>>
        %dma_wait3A_233 = tpu.memref_slice %arg3[%mul3A_219] : memref<320000xi32, #tpu.memory_space<hbm>> -> memref<128xi32, #tpu.memory_space<hbm>>
        tpu.wait_dma2 semaphore(%run_scoped3A : memref<!tpu.dma_semaphore, #tpu.memory_space<semaphore_mem>>) src(%dma_wait3A_233 : memref<128xi32, #tpu.memory_space<hbm>>) dst(%dma_wait3A_232 : memref<128xi32, #tpu.memory_space<vmem>>)
        tpu.yield
      }) : () -> ()
      %add3A_220 = arith.constant 78 : i32
      %add3A_221 = arith.addi %add3A_4, %add3A_220 : i32
      "tpu.region"() ({
        %run_scoped3A = tpu.sem_alloc : memref<!tpu.dma_semaphore, #tpu.memory_space<semaphore_mem>>
        %dma_start3A_222 = arith.constant 78 : i32
        %dma_start3A_223 = arith.constant 0 : i32
        %dma_start3A_224 = tpu.memref_slice %arg8[%dma_start3A_222, %dma_start3A_223] : memref<79x128xi32, #tpu.memory_space<vmem>> -> memref<1x128xi32, #tpu.memory_space<vmem>>
        %dma_start3A_225 = arith.constant 0 : i32
        %dma_start3A_226 = tpu.memref_slice %arg4[%add3A_221, %dma_start3A_225] : memref<2500x128xi32, #tpu.memory_space<hbm>> -> memref<1x128xi32, #tpu.memory_space<hbm>>
        %dma_start3A_227 = arith.constant 78 : i32
        %dma_start3A_228 = arith.constant 0 : i32
        %dma_start3A_229 = tpu.memref_slice %arg8[%dma_start3A_227, %dma_start3A_228] : memref<79x128xi32, #tpu.memory_space<vmem>> -> memref<1x128xi32, #tpu.memory_space<vmem>>
        %dma_start3A_230 = arith.constant 0 : i32
        %dma_start3A_231 = tpu.memref_slice %arg4[%add3A_221, %dma_start3A_230] : memref<2500x128xi32, #tpu.memory_space<hbm>> -> memref<1x128xi32, #tpu.memory_space<hbm>>
        tpu.enqueue_dma source(%dma_start3A_231 : memref<1x128xi32, #tpu.memory_space<hbm>>) target(%dma_start3A_229 : memref<1x128xi32, #tpu.memory_space<vmem>>) target_semaphore(%run_scoped3A : memref<!tpu.dma_semaphore, #tpu.memory_space<semaphore_mem>>)
        %dma_wait3A_232 = arith.constant 78 : i32
        %dma_wait3A_233 = arith.constant 0 : i32
        %dma_wait3A_234 = tpu.memref_slice %arg8[%dma_wait3A_232, %dma_wait3A_233] : memref<79x128xi32, #tpu.memory_space<vmem>> -> memref<1x128xi32, #tpu.memory_space<vmem>>
        %dma_wait3A_235 = arith.constant 0 : i32
        %dma_wait3A_236 = tpu.memref_slice %arg4[%add3A_221, %dma_wait3A_235] : memref<2500x128xi32, #tpu.memory_space<hbm>> -> memref<1x128xi32, #tpu.memory_space<hbm>>
        %dma_wait3A_237 = arith.constant 78 : i32
        %dma_wait3A_238 = arith.constant 0 : i32
        %dma_wait3A_239 = tpu.memref_slice %arg8[%dma_wait3A_237, %dma_wait3A_238] : memref<79x128xi32, #tpu.memory_space<vmem>> -> memref<1x128xi32, #tpu.memory_space<vmem>>
        %dma_wait3A_240 = arith.constant 0 : i32
        %dma_wait3A_241 = tpu.memref_slice %arg4[%add3A_221, %dma_wait3A_240] : memref<2500x128xi32, #tpu.memory_space<hbm>> -> memref<1x128xi32, #tpu.memory_space<hbm>>
        tpu.wait_dma2 semaphore(%run_scoped3A : memref<!tpu.dma_semaphore, #tpu.memory_space<semaphore_mem>>) src(%dma_wait3A_241 : memref<1x128xi32, #tpu.memory_space<hbm>>) dst(%dma_wait3A_239 : memref<1x128xi32, #tpu.memory_space<vmem>>)
        tpu.yield
      }) : () -> ()
    } else {
    }
    "tpu.region"() ({
      %run_scoped3A = tpu.sem_alloc : memref<!tpu.dma_semaphore, #tpu.memory_space<semaphore_mem>>
      tpu.enqueue_dma source(%arg5 : memref<128x64xf32, #tpu.memory_space<hbm>>) target(%arg9 : memref<128x64xf32, #tpu.memory_space<vmem>>) target_semaphore(%run_scoped3A : memref<!tpu.dma_semaphore, #tpu.memory_space<semaphore_mem>>)
      tpu.wait_dma2 semaphore(%run_scoped3A : memref<!tpu.dma_semaphore, #tpu.memory_space<semaphore_mem>>) src(%arg5 : memref<128x64xf32, #tpu.memory_space<hbm>>) dst(%arg9 : memref<128x64xf32, #tpu.memory_space<vmem>>)
      tpu.yield
    }) : () -> ()
    %mul3A_24 = arith.constant 640 : i32
    %mul3A_25 = arith.muli %arg1, %mul3A_24 : i32
    %add3A_26 = arith.constant 0 : i32
    %add3A_27 = arith.addi %mul3A_25, %add3A_26 : i32
    "tpu.region"() ({
      %run_scoped3A = tpu.sem_alloc : memref<!tpu.dma_semaphore, #tpu.memory_space<semaphore_mem>>
      %dma_start3A_216 = arith.constant 0 : i32
      %dma_start3A_217 = tpu.memref_slice %arg17[%add3A_27, %dma_start3A_216] : memref<10240x64xf32, #tpu.memory_space<vmem_shared>> -> memref<128x64xf32, #tpu.memory_space<vmem_shared>>
      %dma_start3A_218 = arith.constant 0 : i32
      %dma_start3A_219 = tpu.memref_slice %arg17[%add3A_27, %dma_start3A_218] : memref<10240x64xf32, #tpu.memory_space<vmem_shared>> -> memref<128x64xf32, #tpu.memory_space<vmem_shared>>
      tpu.enqueue_dma source(%arg9 : memref<128x64xf32, #tpu.memory_space<vmem>>) target(%dma_start3A_219 : memref<128x64xf32, #tpu.memory_space<vmem_shared>>) target_semaphore(%run_scoped3A : memref<!tpu.dma_semaphore, #tpu.memory_space<semaphore_mem>>)
      %dma_wait3A_220 = arith.constant 0 : i32
      %dma_wait3A_221 = tpu.memref_slice %arg17[%add3A_27, %dma_wait3A_220] : memref<10240x64xf32, #tpu.memory_space<vmem_shared>> -> memref<128x64xf32, #tpu.memory_space<vmem_shared>>
      %dma_wait3A_222 = arith.constant 0 : i32
      %dma_wait3A_223 = tpu.memref_slice %arg17[%add3A_27, %dma_wait3A_222] : memref<10240x64xf32, #tpu.memory_space<vmem_shared>> -> memref<128x64xf32, #tpu.memory_space<vmem_shared>>
      tpu.wait_dma2 semaphore(%run_scoped3A : memref<!tpu.dma_semaphore, #tpu.memory_space<semaphore_mem>>) src(%arg9 : memref<128x64xf32, #tpu.memory_space<vmem>>) dst(%dma_wait3A_223 : memref<128x64xf32, #tpu.memory_space<vmem_shared>>)
      tpu.yield
    }) : () -> ()
    %mul3A_28 = arith.constant 640 : i32
    %mul3A_29 = arith.muli %arg1, %mul3A_28 : i32
    %add3A_30 = arith.constant 128 : i32
    %add3A_31 = arith.addi %mul3A_29, %add3A_30 : i32
    "tpu.region"() ({
      %run_scoped3A = tpu.sem_alloc : memref<!tpu.dma_semaphore, #tpu.memory_space<semaphore_mem>>
      %dma_start3A_216 = arith.constant 0 : i32
      %dma_start3A_217 = tpu.memref_slice %arg17[%add3A_31, %dma_start3A_216] : memref<10240x64xf32, #tpu.memory_space<vmem_shared>> -> memref<128x64xf32, #tpu.memory_space<vmem_shared>>
      %dma_start3A_218 = arith.constant 0 : i32
      %dma_start3A_219 = tpu.memref_slice %arg17[%add3A_31, %dma_start3A_218] : memref<10240x64xf32, #tpu.memory_space<vmem_shared>> -> memref<128x64xf32, #tpu.memory_space<vmem_shared>>
      tpu.enqueue_dma source(%arg9 : memref<128x64xf32, #tpu.memory_space<vmem>>) target(%dma_start3A_219 : memref<128x64xf32, #tpu.memory_space<vmem_shared>>) target_semaphore(%run_scoped3A : memref<!tpu.dma_semaphore, #tpu.memory_space<semaphore_mem>>)
      %dma_wait3A_220 = arith.constant 0 : i32
      %dma_wait3A_221 = tpu.memref_slice %arg17[%add3A_31, %dma_wait3A_220] : memref<10240x64xf32, #tpu.memory_space<vmem_shared>> -> memref<128x64xf32, #tpu.memory_space<vmem_shared>>
      %dma_wait3A_222 = arith.constant 0 : i32
      %dma_wait3A_223 = tpu.memref_slice %arg17[%add3A_31, %dma_wait3A_222] : memref<10240x64xf32, #tpu.memory_space<vmem_shared>> -> memref<128x64xf32, #tpu.memory_space<vmem_shared>>
      tpu.wait_dma2 semaphore(%run_scoped3A : memref<!tpu.dma_semaphore, #tpu.memory_space<semaphore_mem>>) src(%arg9 : memref<128x64xf32, #tpu.memory_space<vmem>>) dst(%dma_wait3A_223 : memref<128x64xf32, #tpu.memory_space<vmem_shared>>)
      tpu.yield
    }) : () -> ()
    %mul3A_32 = arith.constant 640 : i32
    %mul3A_33 = arith.muli %arg1, %mul3A_32 : i32
    %add3A_34 = arith.constant 256 : i32
    %add3A_35 = arith.addi %mul3A_33, %add3A_34 : i32
    "tpu.region"() ({
      %run_scoped3A = tpu.sem_alloc : memref<!tpu.dma_semaphore, #tpu.memory_space<semaphore_mem>>
      %dma_start3A_216 = arith.constant 0 : i32
      %dma_start3A_217 = tpu.memref_slice %arg17[%add3A_35, %dma_start3A_216] : memref<10240x64xf32, #tpu.memory_space<vmem_shared>> -> memref<128x64xf32, #tpu.memory_space<vmem_shared>>
      %dma_start3A_218 = arith.constant 0 : i32
      %dma_start3A_219 = tpu.memref_slice %arg17[%add3A_35, %dma_start3A_218] : memref<10240x64xf32, #tpu.memory_space<vmem_shared>> -> memref<128x64xf32, #tpu.memory_space<vmem_shared>>
      tpu.enqueue_dma source(%arg9 : memref<128x64xf32, #tpu.memory_space<vmem>>) target(%dma_start3A_219 : memref<128x64xf32, #tpu.memory_space<vmem_shared>>) target_semaphore(%run_scoped3A : memref<!tpu.dma_semaphore, #tpu.memory_space<semaphore_mem>>)
      %dma_wait3A_220 = arith.constant 0 : i32
      %dma_wait3A_221 = tpu.memref_slice %arg17[%add3A_35, %dma_wait3A_220] : memref<10240x64xf32, #tpu.memory_space<vmem_shared>> -> memref<128x64xf32, #tpu.memory_space<vmem_shared>>
      %dma_wait3A_222 = arith.constant 0 : i32
      %dma_wait3A_223 = tpu.memref_slice %arg17[%add3A_35, %dma_wait3A_222] : memref<10240x64xf32, #tpu.memory_space<vmem_shared>> -> memref<128x64xf32, #tpu.memory_space<vmem_shared>>
      tpu.wait_dma2 semaphore(%run_scoped3A : memref<!tpu.dma_semaphore, #tpu.memory_space<semaphore_mem>>) src(%arg9 : memref<128x64xf32, #tpu.memory_space<vmem>>) dst(%dma_wait3A_223 : memref<128x64xf32, #tpu.memory_space<vmem_shared>>)
      tpu.yield
    }) : () -> ()
    %mul3A_36 = arith.constant 640 : i32
    %mul3A_37 = arith.muli %arg1, %mul3A_36 : i32
    %add3A_38 = arith.constant 384 : i32
    %add3A_39 = arith.addi %mul3A_37, %add3A_38 : i32
    "tpu.region"() ({
      %run_scoped3A = tpu.sem_alloc : memref<!tpu.dma_semaphore, #tpu.memory_space<semaphore_mem>>
      %dma_start3A_216 = arith.constant 0 : i32
      %dma_start3A_217 = tpu.memref_slice %arg17[%add3A_39, %dma_start3A_216] : memref<10240x64xf32, #tpu.memory_space<vmem_shared>> -> memref<128x64xf32, #tpu.memory_space<vmem_shared>>
      %dma_start3A_218 = arith.constant 0 : i32
      %dma_start3A_219 = tpu.memref_slice %arg17[%add3A_39, %dma_start3A_218] : memref<10240x64xf32, #tpu.memory_space<vmem_shared>> -> memref<128x64xf32, #tpu.memory_space<vmem_shared>>
      tpu.enqueue_dma source(%arg9 : memref<128x64xf32, #tpu.memory_space<vmem>>) target(%dma_start3A_219 : memref<128x64xf32, #tpu.memory_space<vmem_shared>>) target_semaphore(%run_scoped3A : memref<!tpu.dma_semaphore, #tpu.memory_space<semaphore_mem>>)
      %dma_wait3A_220 = arith.constant 0 : i32
      %dma_wait3A_221 = tpu.memref_slice %arg17[%add3A_39, %dma_wait3A_220] : memref<10240x64xf32, #tpu.memory_space<vmem_shared>> -> memref<128x64xf32, #tpu.memory_space<vmem_shared>>
      %dma_wait3A_222 = arith.constant 0 : i32
      %dma_wait3A_223 = tpu.memref_slice %arg17[%add3A_39, %dma_wait3A_222] : memref<10240x64xf32, #tpu.memory_space<vmem_shared>> -> memref<128x64xf32, #tpu.memory_space<vmem_shared>>
      tpu.wait_dma2 semaphore(%run_scoped3A : memref<!tpu.dma_semaphore, #tpu.memory_space<semaphore_mem>>) src(%arg9 : memref<128x64xf32, #tpu.memory_space<vmem>>) dst(%dma_wait3A_223 : memref<128x64xf32, #tpu.memory_space<vmem_shared>>)
      tpu.yield
    }) : () -> ()
    %mul3A_40 = arith.constant 640 : i32
    %mul3A_41 = arith.muli %arg1, %mul3A_40 : i32
    %add3A_42 = arith.constant 512 : i32
    %add3A_43 = arith.addi %mul3A_41, %add3A_42 : i32
    "tpu.region"() ({
      %run_scoped3A = tpu.sem_alloc : memref<!tpu.dma_semaphore, #tpu.memory_space<semaphore_mem>>
      %dma_start3A_216 = arith.constant 0 : i32
      %dma_start3A_217 = tpu.memref_slice %arg17[%add3A_43, %dma_start3A_216] : memref<10240x64xf32, #tpu.memory_space<vmem_shared>> -> memref<128x64xf32, #tpu.memory_space<vmem_shared>>
      %dma_start3A_218 = arith.constant 0 : i32
      %dma_start3A_219 = tpu.memref_slice %arg17[%add3A_43, %dma_start3A_218] : memref<10240x64xf32, #tpu.memory_space<vmem_shared>> -> memref<128x64xf32, #tpu.memory_space<vmem_shared>>
      tpu.enqueue_dma source(%arg9 : memref<128x64xf32, #tpu.memory_space<vmem>>) target(%dma_start3A_219 : memref<128x64xf32, #tpu.memory_space<vmem_shared>>) target_semaphore(%run_scoped3A : memref<!tpu.dma_semaphore, #tpu.memory_space<semaphore_mem>>)
      %dma_wait3A_220 = arith.constant 0 : i32
      %dma_wait3A_221 = tpu.memref_slice %arg17[%add3A_43, %dma_wait3A_220] : memref<10240x64xf32, #tpu.memory_space<vmem_shared>> -> memref<128x64xf32, #tpu.memory_space<vmem_shared>>
      %dma_wait3A_222 = arith.constant 0 : i32
      %dma_wait3A_223 = tpu.memref_slice %arg17[%add3A_43, %dma_wait3A_222] : memref<10240x64xf32, #tpu.memory_space<vmem_shared>> -> memref<128x64xf32, #tpu.memory_space<vmem_shared>>
      tpu.wait_dma2 semaphore(%run_scoped3A : memref<!tpu.dma_semaphore, #tpu.memory_space<semaphore_mem>>) src(%arg9 : memref<128x64xf32, #tpu.memory_space<vmem>>) dst(%dma_wait3A_223 : memref<128x64xf32, #tpu.memory_space<vmem_shared>>)
      tpu.yield
    }) : () -> ()
    %dma_wait3A = arith.constant 0 : i32
    %dma_wait3A_44 = tpu.memref_slice %arg7[%dma_wait3A] : memref<10112xi32, #tpu.memory_space<vmem>> -> memref<9984xi32, #tpu.memory_space<vmem>>
    %dma_wait3A_45 = tpu.memref_slice %arg3[%mul3A_7] : memref<320000xi32, #tpu.memory_space<hbm>> -> memref<9984xi32, #tpu.memory_space<hbm>>
    %dma_wait3A_46 = arith.constant 0 : i32
    %dma_wait3A_47 = tpu.memref_slice %arg7[%dma_wait3A_46] : memref<10112xi32, #tpu.memory_space<vmem>> -> memref<9984xi32, #tpu.memory_space<vmem>>
    %dma_wait3A_48 = tpu.memref_slice %arg3[%mul3A_7] : memref<320000xi32, #tpu.memory_space<hbm>> -> memref<9984xi32, #tpu.memory_space<hbm>>
    tpu.wait_dma2 semaphore(%arg18 : memref<!tpu.dma_semaphore, #tpu.memory_space<semaphore_mem>>) src(%dma_wait3A_48 : memref<9984xi32, #tpu.memory_space<hbm>>) dst(%dma_wait3A_47 : memref<9984xi32, #tpu.memory_space<vmem>>)
    %dma_wait3A_49 = arith.constant 0 : i32
    %dma_wait3A_50 = arith.constant 0 : i32
    %dma_wait3A_51 = tpu.memref_slice %arg8[%dma_wait3A_49, %dma_wait3A_50] : memref<79x128xi32, #tpu.memory_space<vmem>> -> memref<78x128xi32, #tpu.memory_space<vmem>>
    %dma_wait3A_52 = arith.constant 0 : i32
    %dma_wait3A_53 = tpu.memref_slice %arg4[%add3A_4, %dma_wait3A_52] : memref<2500x128xi32, #tpu.memory_space<hbm>> -> memref<78x128xi32, #tpu.memory_space<hbm>>
    %dma_wait3A_54 = arith.constant 0 : i32
    %dma_wait3A_55 = arith.constant 0 : i32
    %dma_wait3A_56 = tpu.memref_slice %arg8[%dma_wait3A_54, %dma_wait3A_55] : memref<79x128xi32, #tpu.memory_space<vmem>> -> memref<78x128xi32, #tpu.memory_space<vmem>>
    %dma_wait3A_57 = arith.constant 0 : i32
    %dma_wait3A_58 = tpu.memref_slice %arg4[%add3A_4, %dma_wait3A_57] : memref<2500x128xi32, #tpu.memory_space<hbm>> -> memref<78x128xi32, #tpu.memory_space<hbm>>
    tpu.wait_dma2 semaphore(%arg19 : memref<!tpu.dma_semaphore, #tpu.memory_space<semaphore_mem>>) src(%dma_wait3A_58 : memref<78x128xi32, #tpu.memory_space<hbm>>) dst(%dma_wait3A_56 : memref<78x128xi32, #tpu.memory_space<vmem>>)
    %barrier3A = arith.constant 0 : index
    tpu.barrier barrier_id(%barrier3A)
    %scan3A = arith.constant 0 : i32
    %scan3A_59 = arith.constant 0 : i32
    %scan3A_60 = arith.constant 9 : i32
    %scan3A_61 = arith.addi %scan3A_59, %scan3A_60 : i32
    %scan3A_62 = arith.constant 1 : i32
    scf.for %scan3A_216 = %scan3A_59 to %scan3A_61 step %scan3A_62  : i32 {
      %mul3A_217 = arith.constant 8 : i32
      %mul3A_218 = arith.muli %scan3A_216, %mul3A_217 : i32
      %add3A_219 = arith.constant 0 : i32
      %add3A_220 = arith.addi %mul3A_218, %add3A_219 : i32
      %mul3A_221 = arith.constant 128 : i32
      %mul3A_222 = arith.muli %add3A_220, %mul3A_221 : i32
      %dma_start3A_223 = tpu.memref_slice %arg7[%mul3A_222] : memref<10112xi32, #tpu.memory_space<vmem>> -> memref<128xi32, #tpu.memory_space<vmem>>
      %dma_start3A_224 = arith.constant 0 : i32
      %dma_start3A_225 = arith.constant 0 : i32
      %dma_start3A_226 = tpu.memref_slice %arg2[%dma_start3A_224, %dma_start3A_225] : memref<10000x64xf32, #tpu.memory_space<hbm>> -> memref<10000x64xf32, #tpu.memory_space<hbm>>
      tpu.enqueue_indirect_dma source(%dma_start3A_226 : memref<10000x64xf32, #tpu.memory_space<hbm>>) target(%arg9 : memref<128x64xf32, #tpu.memory_space<vmem>>) offsets(%dma_start3A_223 : memref<128xi32, #tpu.memory_space<vmem>>) semaphore(%arg18 : memref<!tpu.dma_semaphore, #tpu.memory_space<semaphore_mem>>)
      %add3A_227 = arith.constant 1 : i32
      %add3A_228 = arith.addi %mul3A_218, %add3A_227 : i32
      %mul3A_229 = arith.constant 128 : i32
      %mul3A_230 = arith.muli %add3A_228, %mul3A_229 : i32
      %dma_start3A_231 = tpu.memref_slice %arg7[%mul3A_230] : memref<10112xi32, #tpu.memory_space<vmem>> -> memref<128xi32, #tpu.memory_space<vmem>>
      %dma_start3A_232 = arith.constant 0 : i32
      %dma_start3A_233 = arith.constant 0 : i32
      %dma_start3A_234 = tpu.memref_slice %arg2[%dma_start3A_232, %dma_start3A_233] : memref<10000x64xf32, #tpu.memory_space<hbm>> -> memref<10000x64xf32, #tpu.memory_space<hbm>>
      tpu.enqueue_indirect_dma source(%dma_start3A_234 : memref<10000x64xf32, #tpu.memory_space<hbm>>) target(%arg10 : memref<128x64xf32, #tpu.memory_space<vmem>>) offsets(%dma_start3A_231 : memref<128xi32, #tpu.memory_space<vmem>>) semaphore(%arg19 : memref<!tpu.dma_semaphore, #tpu.memory_space<semaphore_mem>>)
      %add3A_235 = arith.constant 2 : i32
      %add3A_236 = arith.addi %mul3A_218, %add3A_235 : i32
      %mul3A_237 = arith.constant 128 : i32
      %mul3A_238 = arith.muli %add3A_236, %mul3A_237 : i32
      %dma_start3A_239 = tpu.memref_slice %arg7[%mul3A_238] : memref<10112xi32, #tpu.memory_space<vmem>> -> memref<128xi32, #tpu.memory_space<vmem>>
      %dma_start3A_240 = arith.constant 0 : i32
      %dma_start3A_241 = arith.constant 0 : i32
      %dma_start3A_242 = tpu.memref_slice %arg2[%dma_start3A_240, %dma_start3A_241] : memref<10000x64xf32, #tpu.memory_space<hbm>> -> memref<10000x64xf32, #tpu.memory_space<hbm>>
      tpu.enqueue_indirect_dma source(%dma_start3A_242 : memref<10000x64xf32, #tpu.memory_space<hbm>>) target(%arg11 : memref<128x64xf32, #tpu.memory_space<vmem>>) offsets(%dma_start3A_239 : memref<128xi32, #tpu.memory_space<vmem>>) semaphore(%arg20 : memref<!tpu.dma_semaphore, #tpu.memory_space<semaphore_mem>>)
      %add3A_243 = arith.constant 3 : i32
      %add3A_244 = arith.addi %mul3A_218, %add3A_243 : i32
      %mul3A_245 = arith.constant 128 : i32
      %mul3A_246 = arith.muli %add3A_244, %mul3A_245 : i32
      %dma_start3A_247 = tpu.memref_slice %arg7[%mul3A_246] : memref<10112xi32, #tpu.memory_space<vmem>> -> memref<128xi32, #tpu.memory_space<vmem>>
      %dma_start3A_248 = arith.constant 0 : i32
      %dma_start3A_249 = arith.constant 0 : i32
      %dma_start3A_250 = tpu.memref_slice %arg2[%dma_start3A_248, %dma_start3A_249] : memref<10000x64xf32, #tpu.memory_space<hbm>> -> memref<10000x64xf32, #tpu.memory_space<hbm>>
      tpu.enqueue_indirect_dma source(%dma_start3A_250 : memref<10000x64xf32, #tpu.memory_space<hbm>>) target(%arg12 : memref<128x64xf32, #tpu.memory_space<vmem>>) offsets(%dma_start3A_247 : memref<128xi32, #tpu.memory_space<vmem>>) semaphore(%arg21 : memref<!tpu.dma_semaphore, #tpu.memory_space<semaphore_mem>>)
      %add3A_251 = arith.constant 4 : i32
      %add3A_252 = arith.addi %mul3A_218, %add3A_251 : i32
      %mul3A_253 = arith.constant 128 : i32
      %mul3A_254 = arith.muli %add3A_252, %mul3A_253 : i32
      %dma_start3A_255 = tpu.memref_slice %arg7[%mul3A_254] : memref<10112xi32, #tpu.memory_space<vmem>> -> memref<128xi32, #tpu.memory_space<vmem>>
      %dma_start3A_256 = arith.constant 0 : i32
      %dma_start3A_257 = arith.constant 0 : i32
      %dma_start3A_258 = tpu.memref_slice %arg2[%dma_start3A_256, %dma_start3A_257] : memref<10000x64xf32, #tpu.memory_space<hbm>> -> memref<10000x64xf32, #tpu.memory_space<hbm>>
      tpu.enqueue_indirect_dma source(%dma_start3A_258 : memref<10000x64xf32, #tpu.memory_space<hbm>>) target(%arg13 : memref<128x64xf32, #tpu.memory_space<vmem>>) offsets(%dma_start3A_255 : memref<128xi32, #tpu.memory_space<vmem>>) semaphore(%arg22 : memref<!tpu.dma_semaphore, #tpu.memory_space<semaphore_mem>>)
      %add3A_259 = arith.constant 5 : i32
      %add3A_260 = arith.addi %mul3A_218, %add3A_259 : i32
      %mul3A_261 = arith.constant 128 : i32
      %mul3A_262 = arith.muli %add3A_260, %mul3A_261 : i32
      %dma_start3A_263 = tpu.memref_slice %arg7[%mul3A_262] : memref<10112xi32, #tpu.memory_space<vmem>> -> memref<128xi32, #tpu.memory_space<vmem>>
      %dma_start3A_264 = arith.constant 0 : i32
      %dma_start3A_265 = arith.constant 0 : i32
      %dma_start3A_266 = tpu.memref_slice %arg2[%dma_start3A_264, %dma_start3A_265] : memref<10000x64xf32, #tpu.memory_space<hbm>> -> memref<10000x64xf32, #tpu.memory_space<hbm>>
      tpu.enqueue_indirect_dma source(%dma_start3A_266 : memref<10000x64xf32, #tpu.memory_space<hbm>>) target(%arg14 : memref<128x64xf32, #tpu.memory_space<vmem>>) offsets(%dma_start3A_263 : memref<128xi32, #tpu.memory_space<vmem>>) semaphore(%arg23 : memref<!tpu.dma_semaphore, #tpu.memory_space<semaphore_mem>>)
      %add3A_267 = arith.constant 6 : i32
      %add3A_268 = arith.addi %mul3A_218, %add3A_267 : i32
      %mul3A_269 = arith.constant 128 : i32
      %mul3A_270 = arith.muli %add3A_268, %mul3A_269 : i32
      %dma_start3A_271 = tpu.memref_slice %arg7[%mul3A_270] : memref<10112xi32, #tpu.memory_space<vmem>> -> memref<128xi32, #tpu.memory_space<vmem>>
      %dma_start3A_272 = arith.constant 0 : i32
      %dma_start3A_273 = arith.constant 0 : i32
      %dma_start3A_274 = tpu.memref_slice %arg2[%dma_start3A_272, %dma_start3A_273] : memref<10000x64xf32, #tpu.memory_space<hbm>> -> memref<10000x64xf32, #tpu.memory_space<hbm>>
      tpu.enqueue_indirect_dma source(%dma_start3A_274 : memref<10000x64xf32, #tpu.memory_space<hbm>>) target(%arg15 : memref<128x64xf32, #tpu.memory_space<vmem>>) offsets(%dma_start3A_271 : memref<128xi32, #tpu.memory_space<vmem>>) semaphore(%arg24 : memref<!tpu.dma_semaphore, #tpu.memory_space<semaphore_mem>>)
      %add3A_275 = arith.constant 7 : i32
      %add3A_276 = arith.addi %mul3A_218, %add3A_275 : i32
      %mul3A_277 = arith.constant 128 : i32
      %mul3A_278 = arith.muli %add3A_276, %mul3A_277 : i32
      %dma_start3A_279 = tpu.memref_slice %arg7[%mul3A_278] : memref<10112xi32, #tpu.memory_space<vmem>> -> memref<128xi32, #tpu.memory_space<vmem>>
      %dma_start3A_280 = arith.constant 0 : i32
      %dma_start3A_281 = arith.constant 0 : i32
      %dma_start3A_282 = tpu.memref_slice %arg2[%dma_start3A_280, %dma_start3A_281] : memref<10000x64xf32, #tpu.memory_space<hbm>> -> memref<10000x64xf32, #tpu.memory_space<hbm>>
      tpu.enqueue_indirect_dma source(%dma_start3A_282 : memref<10000x64xf32, #tpu.memory_space<hbm>>) target(%arg16 : memref<128x64xf32, #tpu.memory_space<vmem>>) offsets(%dma_start3A_279 : memref<128xi32, #tpu.memory_space<vmem>>) semaphore(%arg25 : memref<!tpu.dma_semaphore, #tpu.memory_space<semaphore_mem>>)
      %dma_wait3A_283 = tpu.memref_slice %arg7[%mul3A_222] : memref<10112xi32, #tpu.memory_space<vmem>> -> memref<128xi32, #tpu.memory_space<vmem>>
      %dma_wait3A_284 = arith.constant 0 : i32
      %dma_wait3A_285 = arith.constant 0 : i32
      %dma_wait3A_286 = tpu.memref_slice %arg2[%dma_wait3A_284, %dma_wait3A_285] : memref<10000x64xf32, #tpu.memory_space<hbm>> -> memref<10000x64xf32, #tpu.memory_space<hbm>>
      tpu.wait_indirect_dma semaphore(%arg18 : memref<!tpu.dma_semaphore, #tpu.memory_space<semaphore_mem>>) src(%dma_wait3A_286 : memref<10000x64xf32, #tpu.memory_space<hbm>>) dst(%arg9 : memref<128x64xf32, #tpu.memory_space<vmem>>)
      %add3A_287 = arith.constant 0 : i32
      %add3A_288 = arith.addi %mul3A_218, %add3A_287 : i32
      %dma_start3A_289 = arith.constant 0 : i32
      %dma_start3A_290 = tpu.memref_slice %arg8[%add3A_288, %dma_start3A_289] : memref<79x128xi32, #tpu.memory_space<vmem>> -> memref<1x128xi32, #tpu.memory_space<vmem>>
      %dma_start3A_291 = tpu.memref_squeeze %dma_start3A_290 : memref<1x128xi32, #tpu.memory_space<vmem>> -> memref<128xi32, #tpu.memory_space<vmem>>
      %dma_start3A_292 = arith.constant 0 : i32
      %dma_start3A_293 = arith.constant 0 : i32
      %dma_start3A_294 = tpu.memref_slice %arg17[%dma_start3A_292, %dma_start3A_293] : memref<10240x64xf32, #tpu.memory_space<vmem_shared>> -> memref<10240x64xf32, #tpu.memory_space<vmem_shared>>
      tpu.enqueue_indirect_dma source(%arg9 : memref<128x64xf32, #tpu.memory_space<vmem>>) target(%dma_start3A_294 : memref<10240x64xf32, #tpu.memory_space<vmem_shared>>) offsets(%dma_start3A_291 : memref<128xi32, #tpu.memory_space<vmem>>) semaphore(%arg26 : memref<!tpu.dma_semaphore, #tpu.memory_space<semaphore_mem>>) {add = true}
      %dma_wait3A_295 = tpu.memref_slice %arg7[%mul3A_230] : memref<10112xi32, #tpu.memory_space<vmem>> -> memref<128xi32, #tpu.memory_space<vmem>>
      %dma_wait3A_296 = arith.constant 0 : i32
      %dma_wait3A_297 = arith.constant 0 : i32
      %dma_wait3A_298 = tpu.memref_slice %arg2[%dma_wait3A_296, %dma_wait3A_297] : memref<10000x64xf32, #tpu.memory_space<hbm>> -> memref<10000x64xf32, #tpu.memory_space<hbm>>
      tpu.wait_indirect_dma semaphore(%arg19 : memref<!tpu.dma_semaphore, #tpu.memory_space<semaphore_mem>>) src(%dma_wait3A_298 : memref<10000x64xf32, #tpu.memory_space<hbm>>) dst(%arg10 : memref<128x64xf32, #tpu.memory_space<vmem>>)
      %add3A_299 = arith.constant 1 : i32
      %add3A_300 = arith.addi %mul3A_218, %add3A_299 : i32
      %dma_start3A_301 = arith.constant 0 : i32
      %dma_start3A_302 = tpu.memref_slice %arg8[%add3A_300, %dma_start3A_301] : memref<79x128xi32, #tpu.memory_space<vmem>> -> memref<1x128xi32, #tpu.memory_space<vmem>>
      %dma_start3A_303 = tpu.memref_squeeze %dma_start3A_302 : memref<1x128xi32, #tpu.memory_space<vmem>> -> memref<128xi32, #tpu.memory_space<vmem>>
      %dma_start3A_304 = arith.constant 0 : i32
      %dma_start3A_305 = arith.constant 0 : i32
      %dma_start3A_306 = tpu.memref_slice %arg17[%dma_start3A_304, %dma_start3A_305] : memref<10240x64xf32, #tpu.memory_space<vmem_shared>> -> memref<10240x64xf32, #tpu.memory_space<vmem_shared>>
      tpu.enqueue_indirect_dma source(%arg10 : memref<128x64xf32, #tpu.memory_space<vmem>>) target(%dma_start3A_306 : memref<10240x64xf32, #tpu.memory_space<vmem_shared>>) offsets(%dma_start3A_303 : memref<128xi32, #tpu.memory_space<vmem>>) semaphore(%arg27 : memref<!tpu.dma_semaphore, #tpu.memory_space<semaphore_mem>>) {add = true}
      %dma_wait3A_307 = tpu.memref_slice %arg7[%mul3A_238] : memref<10112xi32, #tpu.memory_space<vmem>> -> memref<128xi32, #tpu.memory_space<vmem>>
      %dma_wait3A_308 = arith.constant 0 : i32
      %dma_wait3A_309 = arith.constant 0 : i32
      %dma_wait3A_310 = tpu.memref_slice %arg2[%dma_wait3A_308, %dma_wait3A_309] : memref<10000x64xf32, #tpu.memory_space<hbm>> -> memref<10000x64xf32, #tpu.memory_space<hbm>>
      tpu.wait_indirect_dma semaphore(%arg20 : memref<!tpu.dma_semaphore, #tpu.memory_space<semaphore_mem>>) src(%dma_wait3A_310 : memref<10000x64xf32, #tpu.memory_space<hbm>>) dst(%arg11 : memref<128x64xf32, #tpu.memory_space<vmem>>)
      %add3A_311 = arith.constant 2 : i32
      %add3A_312 = arith.addi %mul3A_218, %add3A_311 : i32
      %dma_start3A_313 = arith.constant 0 : i32
      %dma_start3A_314 = tpu.memref_slice %arg8[%add3A_312, %dma_start3A_313] : memref<79x128xi32, #tpu.memory_space<vmem>> -> memref<1x128xi32, #tpu.memory_space<vmem>>
      %dma_start3A_315 = tpu.memref_squeeze %dma_start3A_314 : memref<1x128xi32, #tpu.memory_space<vmem>> -> memref<128xi32, #tpu.memory_space<vmem>>
      %dma_start3A_316 = arith.constant 0 : i32
      %dma_start3A_317 = arith.constant 0 : i32
      %dma_start3A_318 = tpu.memref_slice %arg17[%dma_start3A_316, %dma_start3A_317] : memref<10240x64xf32, #tpu.memory_space<vmem_shared>> -> memref<10240x64xf32, #tpu.memory_space<vmem_shared>>
      tpu.enqueue_indirect_dma source(%arg11 : memref<128x64xf32, #tpu.memory_space<vmem>>) target(%dma_start3A_318 : memref<10240x64xf32, #tpu.memory_space<vmem_shared>>) offsets(%dma_start3A_315 : memref<128xi32, #tpu.memory_space<vmem>>) semaphore(%arg28 : memref<!tpu.dma_semaphore, #tpu.memory_space<semaphore_mem>>) {add = true}
      %dma_wait3A_319 = tpu.memref_slice %arg7[%mul3A_246] : memref<10112xi32, #tpu.memory_space<vmem>> -> memref<128xi32, #tpu.memory_space<vmem>>
      %dma_wait3A_320 = arith.constant 0 : i32
      %dma_wait3A_321 = arith.constant 0 : i32
      %dma_wait3A_322 = tpu.memref_slice %arg2[%dma_wait3A_320, %dma_wait3A_321] : memref<10000x64xf32, #tpu.memory_space<hbm>> -> memref<10000x64xf32, #tpu.memory_space<hbm>>
      tpu.wait_indirect_dma semaphore(%arg21 : memref<!tpu.dma_semaphore, #tpu.memory_space<semaphore_mem>>) src(%dma_wait3A_322 : memref<10000x64xf32, #tpu.memory_space<hbm>>) dst(%arg12 : memref<128x64xf32, #tpu.memory_space<vmem>>)
      %add3A_323 = arith.constant 3 : i32
      %add3A_324 = arith.addi %mul3A_218, %add3A_323 : i32
      %dma_start3A_325 = arith.constant 0 : i32
      %dma_start3A_326 = tpu.memref_slice %arg8[%add3A_324, %dma_start3A_325] : memref<79x128xi32, #tpu.memory_space<vmem>> -> memref<1x128xi32, #tpu.memory_space<vmem>>
      %dma_start3A_327 = tpu.memref_squeeze %dma_start3A_326 : memref<1x128xi32, #tpu.memory_space<vmem>> -> memref<128xi32, #tpu.memory_space<vmem>>
      %dma_start3A_328 = arith.constant 0 : i32
      %dma_start3A_329 = arith.constant 0 : i32
      %dma_start3A_330 = tpu.memref_slice %arg17[%dma_start3A_328, %dma_start3A_329] : memref<10240x64xf32, #tpu.memory_space<vmem_shared>> -> memref<10240x64xf32, #tpu.memory_space<vmem_shared>>
      tpu.enqueue_indirect_dma source(%arg12 : memref<128x64xf32, #tpu.memory_space<vmem>>) target(%dma_start3A_330 : memref<10240x64xf32, #tpu.memory_space<vmem_shared>>) offsets(%dma_start3A_327 : memref<128xi32, #tpu.memory_space<vmem>>) semaphore(%arg29 : memref<!tpu.dma_semaphore, #tpu.memory_space<semaphore_mem>>) {add = true}
      %dma_wait3A_331 = tpu.memref_slice %arg7[%mul3A_254] : memref<10112xi32, #tpu.memory_space<vmem>> -> memref<128xi32, #tpu.memory_space<vmem>>
      %dma_wait3A_332 = arith.constant 0 : i32
      %dma_wait3A_333 = arith.constant 0 : i32
      %dma_wait3A_334 = tpu.memref_slice %arg2[%dma_wait3A_332, %dma_wait3A_333] : memref<10000x64xf32, #tpu.memory_space<hbm>> -> memref<10000x64xf32, #tpu.memory_space<hbm>>
      tpu.wait_indirect_dma semaphore(%arg22 : memref<!tpu.dma_semaphore, #tpu.memory_space<semaphore_mem>>) src(%dma_wait3A_334 : memref<10000x64xf32, #tpu.memory_space<hbm>>) dst(%arg13 : memref<128x64xf32, #tpu.memory_space<vmem>>)
      %add3A_335 = arith.constant 4 : i32
      %add3A_336 = arith.addi %mul3A_218, %add3A_335 : i32
      %dma_start3A_337 = arith.constant 0 : i32
      %dma_start3A_338 = tpu.memref_slice %arg8[%add3A_336, %dma_start3A_337] : memref<79x128xi32, #tpu.memory_space<vmem>> -> memref<1x128xi32, #tpu.memory_space<vmem>>
      %dma_start3A_339 = tpu.memref_squeeze %dma_start3A_338 : memref<1x128xi32, #tpu.memory_space<vmem>> -> memref<128xi32, #tpu.memory_space<vmem>>
      %dma_start3A_340 = arith.constant 0 : i32
      %dma_start3A_341 = arith.constant 0 : i32
      %dma_start3A_342 = tpu.memref_slice %arg17[%dma_start3A_340, %dma_start3A_341] : memref<10240x64xf32, #tpu.memory_space<vmem_shared>> -> memref<10240x64xf32, #tpu.memory_space<vmem_shared>>
      tpu.enqueue_indirect_dma source(%arg13 : memref<128x64xf32, #tpu.memory_space<vmem>>) target(%dma_start3A_342 : memref<10240x64xf32, #tpu.memory_space<vmem_shared>>) offsets(%dma_start3A_339 : memref<128xi32, #tpu.memory_space<vmem>>) semaphore(%arg30 : memref<!tpu.dma_semaphore, #tpu.memory_space<semaphore_mem>>) {add = true}
      %dma_wait3A_343 = tpu.memref_slice %arg7[%mul3A_262] : memref<10112xi32, #tpu.memory_space<vmem>> -> memref<128xi32, #tpu.memory_space<vmem>>
      %dma_wait3A_344 = arith.constant 0 : i32
      %dma_wait3A_345 = arith.constant 0 : i32
      %dma_wait3A_346 = tpu.memref_slice %arg2[%dma_wait3A_344, %dma_wait3A_345] : memref<10000x64xf32, #tpu.memory_space<hbm>> -> memref<10000x64xf32, #tpu.memory_space<hbm>>
      tpu.wait_indirect_dma semaphore(%arg23 : memref<!tpu.dma_semaphore, #tpu.memory_space<semaphore_mem>>) src(%dma_wait3A_346 : memref<10000x64xf32, #tpu.memory_space<hbm>>) dst(%arg14 : memref<128x64xf32, #tpu.memory_space<vmem>>)
      %add3A_347 = arith.constant 5 : i32
      %add3A_348 = arith.addi %mul3A_218, %add3A_347 : i32
      %dma_start3A_349 = arith.constant 0 : i32
      %dma_start3A_350 = tpu.memref_slice %arg8[%add3A_348, %dma_start3A_349] : memref<79x128xi32, #tpu.memory_space<vmem>> -> memref<1x128xi32, #tpu.memory_space<vmem>>
      %dma_start3A_351 = tpu.memref_squeeze %dma_start3A_350 : memref<1x128xi32, #tpu.memory_space<vmem>> -> memref<128xi32, #tpu.memory_space<vmem>>
      %dma_start3A_352 = arith.constant 0 : i32
      %dma_start3A_353 = arith.constant 0 : i32
      %dma_start3A_354 = tpu.memref_slice %arg17[%dma_start3A_352, %dma_start3A_353] : memref<10240x64xf32, #tpu.memory_space<vmem_shared>> -> memref<10240x64xf32, #tpu.memory_space<vmem_shared>>
      tpu.enqueue_indirect_dma source(%arg14 : memref<128x64xf32, #tpu.memory_space<vmem>>) target(%dma_start3A_354 : memref<10240x64xf32, #tpu.memory_space<vmem_shared>>) offsets(%dma_start3A_351 : memref<128xi32, #tpu.memory_space<vmem>>) semaphore(%arg31 : memref<!tpu.dma_semaphore, #tpu.memory_space<semaphore_mem>>) {add = true}
      %dma_wait3A_355 = tpu.memref_slice %arg7[%mul3A_270] : memref<10112xi32, #tpu.memory_space<vmem>> -> memref<128xi32, #tpu.memory_space<vmem>>
      %dma_wait3A_356 = arith.constant 0 : i32
      %dma_wait3A_357 = arith.constant 0 : i32
      %dma_wait3A_358 = tpu.memref_slice %arg2[%dma_wait3A_356, %dma_wait3A_357] : memref<10000x64xf32, #tpu.memory_space<hbm>> -> memref<10000x64xf32, #tpu.memory_space<hbm>>
      tpu.wait_indirect_dma semaphore(%arg24 : memref<!tpu.dma_semaphore, #tpu.memory_space<semaphore_mem>>) src(%dma_wait3A_358 : memref<10000x64xf32, #tpu.memory_space<hbm>>) dst(%arg15 : memref<128x64xf32, #tpu.memory_space<vmem>>)
      %add3A_359 = arith.constant 6 : i32
      %add3A_360 = arith.addi %mul3A_218, %add3A_359 : i32
      %dma_start3A_361 = arith.constant 0 : i32
      %dma_start3A_362 = tpu.memref_slice %arg8[%add3A_360, %dma_start3A_361] : memref<79x128xi32, #tpu.memory_space<vmem>> -> memref<1x128xi32, #tpu.memory_space<vmem>>
      %dma_start3A_363 = tpu.memref_squeeze %dma_start3A_362 : memref<1x128xi32, #tpu.memory_space<vmem>> -> memref<128xi32, #tpu.memory_space<vmem>>
      %dma_start3A_364 = arith.constant 0 : i32
      %dma_start3A_365 = arith.constant 0 : i32
      %dma_start3A_366 = tpu.memref_slice %arg17[%dma_start3A_364, %dma_start3A_365] : memref<10240x64xf32, #tpu.memory_space<vmem_shared>> -> memref<10240x64xf32, #tpu.memory_space<vmem_shared>>
      tpu.enqueue_indirect_dma source(%arg15 : memref<128x64xf32, #tpu.memory_space<vmem>>) target(%dma_start3A_366 : memref<10240x64xf32, #tpu.memory_space<vmem_shared>>) offsets(%dma_start3A_363 : memref<128xi32, #tpu.memory_space<vmem>>) semaphore(%arg32 : memref<!tpu.dma_semaphore, #tpu.memory_space<semaphore_mem>>) {add = true}
      %dma_wait3A_367 = tpu.memref_slice %arg7[%mul3A_278] : memref<10112xi32, #tpu.memory_space<vmem>> -> memref<128xi32, #tpu.memory_space<vmem>>
      %dma_wait3A_368 = arith.constant 0 : i32
      %dma_wait3A_369 = arith.constant 0 : i32
      %dma_wait3A_370 = tpu.memref_slice %arg2[%dma_wait3A_368, %dma_wait3A_369] : memref<10000x64xf32, #tpu.memory_space<hbm>> -> memref<10000x64xf32, #tpu.memory_space<hbm>>
      tpu.wait_indirect_dma semaphore(%arg25 : memref<!tpu.dma_semaphore, #tpu.memory_space<semaphore_mem>>) src(%dma_wait3A_370 : memref<10000x64xf32, #tpu.memory_space<hbm>>) dst(%arg16 : memref<128x64xf32, #tpu.memory_space<vmem>>)
      %add3A_371 = arith.constant 7 : i32
      %add3A_372 = arith.addi %mul3A_218, %add3A_371 : i32
      %dma_start3A_373 = arith.constant 0 : i32
      %dma_start3A_374 = tpu.memref_slice %arg8[%add3A_372, %dma_start3A_373] : memref<79x128xi32, #tpu.memory_space<vmem>> -> memref<1x128xi32, #tpu.memory_space<vmem>>
      %dma_start3A_375 = tpu.memref_squeeze %dma_start3A_374 : memref<1x128xi32, #tpu.memory_space<vmem>> -> memref<128xi32, #tpu.memory_space<vmem>>
      %dma_start3A_376 = arith.constant 0 : i32
      %dma_start3A_377 = arith.constant 0 : i32
      %dma_start3A_378 = tpu.memref_slice %arg17[%dma_start3A_376, %dma_start3A_377] : memref<10240x64xf32, #tpu.memory_space<vmem_shared>> -> memref<10240x64xf32, #tpu.memory_space<vmem_shared>>
      tpu.enqueue_indirect_dma source(%arg16 : memref<128x64xf32, #tpu.memory_space<vmem>>) target(%dma_start3A_378 : memref<10240x64xf32, #tpu.memory_space<vmem_shared>>) offsets(%dma_start3A_375 : memref<128xi32, #tpu.memory_space<vmem>>) semaphore(%arg33 : memref<!tpu.dma_semaphore, #tpu.memory_space<semaphore_mem>>) {add = true}
      %dma_wait3A_379 = arith.constant 0 : i32
      %dma_wait3A_380 = tpu.memref_slice %arg8[%add3A_288, %dma_wait3A_379] : memref<79x128xi32, #tpu.memory_space<vmem>> -> memref<1x128xi32, #tpu.memory_space<vmem>>
      %dma_wait3A_381 = tpu.memref_squeeze %dma_wait3A_380 : memref<1x128xi32, #tpu.memory_space<vmem>> -> memref<128xi32, #tpu.memory_space<vmem>>
      %dma_wait3A_382 = arith.constant 0 : i32
      %dma_wait3A_383 = arith.constant 0 : i32
      %dma_wait3A_384 = tpu.memref_slice %arg17[%dma_wait3A_382, %dma_wait3A_383] : memref<10240x64xf32, #tpu.memory_space<vmem_shared>> -> memref<10240x64xf32, #tpu.memory_space<vmem_shared>>
      tpu.wait_indirect_dma semaphore(%arg26 : memref<!tpu.dma_semaphore, #tpu.memory_space<semaphore_mem>>) src(%arg9 : memref<128x64xf32, #tpu.memory_space<vmem>>) dst(%dma_wait3A_384 : memref<10240x64xf32, #tpu.memory_space<vmem_shared>>)
      %dma_wait3A_385 = arith.constant 0 : i32
      %dma_wait3A_386 = tpu.memref_slice %arg8[%add3A_300, %dma_wait3A_385] : memref<79x128xi32, #tpu.memory_space<vmem>> -> memref<1x128xi32, #tpu.memory_space<vmem>>
      %dma_wait3A_387 = tpu.memref_squeeze %dma_wait3A_386 : memref<1x128xi32, #tpu.memory_space<vmem>> -> memref<128xi32, #tpu.memory_space<vmem>>
      %dma_wait3A_388 = arith.constant 0 : i32
      %dma_wait3A_389 = arith.constant 0 : i32
      %dma_wait3A_390 = tpu.memref_slice %arg17[%dma_wait3A_388, %dma_wait3A_389] : memref<10240x64xf32, #tpu.memory_space<vmem_shared>> -> memref<10240x64xf32, #tpu.memory_space<vmem_shared>>
      tpu.wait_indirect_dma semaphore(%arg27 : memref<!tpu.dma_semaphore, #tpu.memory_space<semaphore_mem>>) src(%arg10 : memref<128x64xf32, #tpu.memory_space<vmem>>) dst(%dma_wait3A_390 : memref<10240x64xf32, #tpu.memory_space<vmem_shared>>)
      %dma_wait3A_391 = arith.constant 0 : i32
      %dma_wait3A_392 = tpu.memref_slice %arg8[%add3A_312, %dma_wait3A_391] : memref<79x128xi32, #tpu.memory_space<vmem>> -> memref<1x128xi32, #tpu.memory_space<vmem>>
      %dma_wait3A_393 = tpu.memref_squeeze %dma_wait3A_392 : memref<1x128xi32, #tpu.memory_space<vmem>> -> memref<128xi32, #tpu.memory_space<vmem>>
      %dma_wait3A_394 = arith.constant 0 : i32
      %dma_wait3A_395 = arith.constant 0 : i32
      %dma_wait3A_396 = tpu.memref_slice %arg17[%dma_wait3A_394, %dma_wait3A_395] : memref<10240x64xf32, #tpu.memory_space<vmem_shared>> -> memref<10240x64xf32, #tpu.memory_space<vmem_shared>>
      tpu.wait_indirect_dma semaphore(%arg28 : memref<!tpu.dma_semaphore, #tpu.memory_space<semaphore_mem>>) src(%arg11 : memref<128x64xf32, #tpu.memory_space<vmem>>) dst(%dma_wait3A_396 : memref<10240x64xf32, #tpu.memory_space<vmem_shared>>)
      %dma_wait3A_397 = arith.constant 0 : i32
      %dma_wait3A_398 = tpu.memref_slice %arg8[%add3A_324, %dma_wait3A_397] : memref<79x128xi32, #tpu.memory_space<vmem>> -> memref<1x128xi32, #tpu.memory_space<vmem>>
      %dma_wait3A_399 = tpu.memref_squeeze %dma_wait3A_398 : memref<1x128xi32, #tpu.memory_space<vmem>> -> memref<128xi32, #tpu.memory_space<vmem>>
      %dma_wait3A_400 = arith.constant 0 : i32
      %dma_wait3A_401 = arith.constant 0 : i32
      %dma_wait3A_402 = tpu.memref_slice %arg17[%dma_wait3A_400, %dma_wait3A_401] : memref<10240x64xf32, #tpu.memory_space<vmem_shared>> -> memref<10240x64xf32, #tpu.memory_space<vmem_shared>>
      tpu.wait_indirect_dma semaphore(%arg29 : memref<!tpu.dma_semaphore, #tpu.memory_space<semaphore_mem>>) src(%arg12 : memref<128x64xf32, #tpu.memory_space<vmem>>) dst(%dma_wait3A_402 : memref<10240x64xf32, #tpu.memory_space<vmem_shared>>)
      %dma_wait3A_403 = arith.constant 0 : i32
      %dma_wait3A_404 = tpu.memref_slice %arg8[%add3A_336, %dma_wait3A_403] : memref<79x128xi32, #tpu.memory_space<vmem>> -> memref<1x128xi32, #tpu.memory_space<vmem>>
      %dma_wait3A_405 = tpu.memref_squeeze %dma_wait3A_404 : memref<1x128xi32, #tpu.memory_space<vmem>> -> memref<128xi32, #tpu.memory_space<vmem>>
      %dma_wait3A_406 = arith.constant 0 : i32
      %dma_wait3A_407 = arith.constant 0 : i32
      %dma_wait3A_408 = tpu.memref_slice %arg17[%dma_wait3A_406, %dma_wait3A_407] : memref<10240x64xf32, #tpu.memory_space<vmem_shared>> -> memref<10240x64xf32, #tpu.memory_space<vmem_shared>>
      tpu.wait_indirect_dma semaphore(%arg30 : memref<!tpu.dma_semaphore, #tpu.memory_space<semaphore_mem>>) src(%arg13 : memref<128x64xf32, #tpu.memory_space<vmem>>) dst(%dma_wait3A_408 : memref<10240x64xf32, #tpu.memory_space<vmem_shared>>)
      %dma_wait3A_409 = arith.constant 0 : i32
      %dma_wait3A_410 = tpu.memref_slice %arg8[%add3A_348, %dma_wait3A_409] : memref<79x128xi32, #tpu.memory_space<vmem>> -> memref<1x128xi32, #tpu.memory_space<vmem>>
      %dma_wait3A_411 = tpu.memref_squeeze %dma_wait3A_410 : memref<1x128xi32, #tpu.memory_space<vmem>> -> memref<128xi32, #tpu.memory_space<vmem>>
      %dma_wait3A_412 = arith.constant 0 : i32
      %dma_wait3A_413 = arith.constant 0 : i32
      %dma_wait3A_414 = tpu.memref_slice %arg17[%dma_wait3A_412, %dma_wait3A_413] : memref<10240x64xf32, #tpu.memory_space<vmem_shared>> -> memref<10240x64xf32, #tpu.memory_space<vmem_shared>>
      tpu.wait_indirect_dma semaphore(%arg31 : memref<!tpu.dma_semaphore, #tpu.memory_space<semaphore_mem>>) src(%arg14 : memref<128x64xf32, #tpu.memory_space<vmem>>) dst(%dma_wait3A_414 : memref<10240x64xf32, #tpu.memory_space<vmem_shared>>)
      %dma_wait3A_415 = arith.constant 0 : i32
      %dma_wait3A_416 = tpu.memref_slice %arg8[%add3A_360, %dma_wait3A_415] : memref<79x128xi32, #tpu.memory_space<vmem>> -> memref<1x128xi32, #tpu.memory_space<vmem>>
      %dma_wait3A_417 = tpu.memref_squeeze %dma_wait3A_416 : memref<1x128xi32, #tpu.memory_space<vmem>> -> memref<128xi32, #tpu.memory_space<vmem>>
      %dma_wait3A_418 = arith.constant 0 : i32
      %dma_wait3A_419 = arith.constant 0 : i32
      %dma_wait3A_420 = tpu.memref_slice %arg17[%dma_wait3A_418, %dma_wait3A_419] : memref<10240x64xf32, #tpu.memory_space<vmem_shared>> -> memref<10240x64xf32, #tpu.memory_space<vmem_shared>>
      tpu.wait_indirect_dma semaphore(%arg32 : memref<!tpu.dma_semaphore, #tpu.memory_space<semaphore_mem>>) src(%arg15 : memref<128x64xf32, #tpu.memory_space<vmem>>) dst(%dma_wait3A_420 : memref<10240x64xf32, #tpu.memory_space<vmem_shared>>)
      %dma_wait3A_421 = arith.constant 0 : i32
      %dma_wait3A_422 = tpu.memref_slice %arg8[%add3A_372, %dma_wait3A_421] : memref<79x128xi32, #tpu.memory_space<vmem>> -> memref<1x128xi32, #tpu.memory_space<vmem>>
      %dma_wait3A_423 = tpu.memref_squeeze %dma_wait3A_422 : memref<1x128xi32, #tpu.memory_space<vmem>> -> memref<128xi32, #tpu.memory_space<vmem>>
      %dma_wait3A_424 = arith.constant 0 : i32
      %dma_wait3A_425 = arith.constant 0 : i32
      %dma_wait3A_426 = tpu.memref_slice %arg17[%dma_wait3A_424, %dma_wait3A_425] : memref<10240x64xf32, #tpu.memory_space<vmem_shared>> -> memref<10240x64xf32, #tpu.memory_space<vmem_shared>>
      tpu.wait_indirect_dma semaphore(%arg33 : memref<!tpu.dma_semaphore, #tpu.memory_space<semaphore_mem>>) src(%arg16 : memref<128x64xf32, #tpu.memory_space<vmem>>) dst(%dma_wait3A_426 : memref<10240x64xf32, #tpu.memory_space<vmem_shared>>)
    }
    %scan3A_63 = arith.constant 9 : i32
    %dma_start3A_64 = arith.constant 9216 : i32
    %dma_start3A_65 = tpu.memref_slice %arg7[%dma_start3A_64] : memref<10112xi32, #tpu.memory_space<vmem>> -> memref<128xi32, #tpu.memory_space<vmem>>
    %dma_start3A_66 = arith.constant 0 : i32
    %dma_start3A_67 = arith.constant 0 : i32
    %dma_start3A_68 = tpu.memref_slice %arg2[%dma_start3A_66, %dma_start3A_67] : memref<10000x64xf32, #tpu.memory_space<hbm>> -> memref<10000x64xf32, #tpu.memory_space<hbm>>
    tpu.enqueue_indirect_dma source(%dma_start3A_68 : memref<10000x64xf32, #tpu.memory_space<hbm>>) target(%arg9 : memref<128x64xf32, #tpu.memory_space<vmem>>) offsets(%dma_start3A_65 : memref<128xi32, #tpu.memory_space<vmem>>) semaphore(%arg18 : memref<!tpu.dma_semaphore, #tpu.memory_space<semaphore_mem>>)
    %dma_start3A_69 = arith.constant 9344 : i32
    %dma_start3A_70 = tpu.memref_slice %arg7[%dma_start3A_69] : memref<10112xi32, #tpu.memory_space<vmem>> -> memref<128xi32, #tpu.memory_space<vmem>>
    %dma_start3A_71 = arith.constant 0 : i32
    %dma_start3A_72 = arith.constant 0 : i32
    %dma_start3A_73 = tpu.memref_slice %arg2[%dma_start3A_71, %dma_start3A_72] : memref<10000x64xf32, #tpu.memory_space<hbm>> -> memref<10000x64xf32, #tpu.memory_space<hbm>>
    tpu.enqueue_indirect_dma source(%dma_start3A_73 : memref<10000x64xf32, #tpu.memory_space<hbm>>) target(%arg10 : memref<128x64xf32, #tpu.memory_space<vmem>>) offsets(%dma_start3A_70 : memref<128xi32, #tpu.memory_space<vmem>>) semaphore(%arg19 : memref<!tpu.dma_semaphore, #tpu.memory_space<semaphore_mem>>)
    %dma_start3A_74 = arith.constant 9472 : i32
    %dma_start3A_75 = tpu.memref_slice %arg7[%dma_start3A_74] : memref<10112xi32, #tpu.memory_space<vmem>> -> memref<128xi32, #tpu.memory_space<vmem>>
    %dma_start3A_76 = arith.constant 0 : i32
    %dma_start3A_77 = arith.constant 0 : i32
    %dma_start3A_78 = tpu.memref_slice %arg2[%dma_start3A_76, %dma_start3A_77] : memref<10000x64xf32, #tpu.memory_space<hbm>> -> memref<10000x64xf32, #tpu.memory_space<hbm>>
    tpu.enqueue_indirect_dma source(%dma_start3A_78 : memref<10000x64xf32, #tpu.memory_space<hbm>>) target(%arg11 : memref<128x64xf32, #tpu.memory_space<vmem>>) offsets(%dma_start3A_75 : memref<128xi32, #tpu.memory_space<vmem>>) semaphore(%arg20 : memref<!tpu.dma_semaphore, #tpu.memory_space<semaphore_mem>>)
    %dma_start3A_79 = arith.constant 9600 : i32
    %dma_start3A_80 = tpu.memref_slice %arg7[%dma_start3A_79] : memref<10112xi32, #tpu.memory_space<vmem>> -> memref<128xi32, #tpu.memory_space<vmem>>
    %dma_start3A_81 = arith.constant 0 : i32
    %dma_start3A_82 = arith.constant 0 : i32
    %dma_start3A_83 = tpu.memref_slice %arg2[%dma_start3A_81, %dma_start3A_82] : memref<10000x64xf32, #tpu.memory_space<hbm>> -> memref<10000x64xf32, #tpu.memory_space<hbm>>
    tpu.enqueue_indirect_dma source(%dma_start3A_83 : memref<10000x64xf32, #tpu.memory_space<hbm>>) target(%arg12 : memref<128x64xf32, #tpu.memory_space<vmem>>) offsets(%dma_start3A_80 : memref<128xi32, #tpu.memory_space<vmem>>) semaphore(%arg21 : memref<!tpu.dma_semaphore, #tpu.memory_space<semaphore_mem>>)
    %dma_start3A_84 = arith.constant 9728 : i32
    %dma_start3A_85 = tpu.memref_slice %arg7[%dma_start3A_84] : memref<10112xi32, #tpu.memory_space<vmem>> -> memref<128xi32, #tpu.memory_space<vmem>>
    %dma_start3A_86 = arith.constant 0 : i32
    %dma_start3A_87 = arith.constant 0 : i32
    %dma_start3A_88 = tpu.memref_slice %arg2[%dma_start3A_86, %dma_start3A_87] : memref<10000x64xf32, #tpu.memory_space<hbm>> -> memref<10000x64xf32, #tpu.memory_space<hbm>>
    tpu.enqueue_indirect_dma source(%dma_start3A_88 : memref<10000x64xf32, #tpu.memory_space<hbm>>) target(%arg13 : memref<128x64xf32, #tpu.memory_space<vmem>>) offsets(%dma_start3A_85 : memref<128xi32, #tpu.memory_space<vmem>>) semaphore(%arg22 : memref<!tpu.dma_semaphore, #tpu.memory_space<semaphore_mem>>)
    %dma_start3A_89 = arith.constant 9856 : i32
    %dma_start3A_90 = tpu.memref_slice %arg7[%dma_start3A_89] : memref<10112xi32, #tpu.memory_space<vmem>> -> memref<128xi32, #tpu.memory_space<vmem>>
    %dma_start3A_91 = arith.constant 0 : i32
    %dma_start3A_92 = arith.constant 0 : i32
    %dma_start3A_93 = tpu.memref_slice %arg2[%dma_start3A_91, %dma_start3A_92] : memref<10000x64xf32, #tpu.memory_space<hbm>> -> memref<10000x64xf32, #tpu.memory_space<hbm>>
    tpu.enqueue_indirect_dma source(%dma_start3A_93 : memref<10000x64xf32, #tpu.memory_space<hbm>>) target(%arg14 : memref<128x64xf32, #tpu.memory_space<vmem>>) offsets(%dma_start3A_90 : memref<128xi32, #tpu.memory_space<vmem>>) semaphore(%arg23 : memref<!tpu.dma_semaphore, #tpu.memory_space<semaphore_mem>>)
    %dma_wait3A_94 = arith.constant 9216 : i32
    %dma_wait3A_95 = tpu.memref_slice %arg7[%dma_wait3A_94] : memref<10112xi32, #tpu.memory_space<vmem>> -> memref<128xi32, #tpu.memory_space<vmem>>
    %dma_wait3A_96 = arith.constant 0 : i32
    %dma_wait3A_97 = arith.constant 0 : i32
    %dma_wait3A_98 = tpu.memref_slice %arg2[%dma_wait3A_96, %dma_wait3A_97] : memref<10000x64xf32, #tpu.memory_space<hbm>> -> memref<10000x64xf32, #tpu.memory_space<hbm>>
    tpu.wait_indirect_dma semaphore(%arg18 : memref<!tpu.dma_semaphore, #tpu.memory_space<semaphore_mem>>) src(%dma_wait3A_98 : memref<10000x64xf32, #tpu.memory_space<hbm>>) dst(%arg9 : memref<128x64xf32, #tpu.memory_space<vmem>>)
    %dma_start3A_99 = arith.constant 72 : i32
    %dma_start3A_100 = arith.constant 0 : i32
    %dma_start3A_101 = tpu.memref_slice %arg8[%dma_start3A_99, %dma_start3A_100] : memref<79x128xi32, #tpu.memory_space<vmem>> -> memref<1x128xi32, #tpu.memory_space<vmem>>
    %dma_start3A_102 = tpu.memref_squeeze %dma_start3A_101 : memref<1x128xi32, #tpu.memory_space<vmem>> -> memref<128xi32, #tpu.memory_space<vmem>>
    %dma_start3A_103 = arith.constant 0 : i32
    %dma_start3A_104 = arith.constant 0 : i32
    %dma_start3A_105 = tpu.memref_slice %arg17[%dma_start3A_103, %dma_start3A_104] : memref<10240x64xf32, #tpu.memory_space<vmem_shared>> -> memref<10240x64xf32, #tpu.memory_space<vmem_shared>>
    tpu.enqueue_indirect_dma source(%arg9 : memref<128x64xf32, #tpu.memory_space<vmem>>) target(%dma_start3A_105 : memref<10240x64xf32, #tpu.memory_space<vmem_shared>>) offsets(%dma_start3A_102 : memref<128xi32, #tpu.memory_space<vmem>>) semaphore(%arg26 : memref<!tpu.dma_semaphore, #tpu.memory_space<semaphore_mem>>) {add = true}
    %dma_wait3A_106 = arith.constant 9344 : i32
    %dma_wait3A_107 = tpu.memref_slice %arg7[%dma_wait3A_106] : memref<10112xi32, #tpu.memory_space<vmem>> -> memref<128xi32, #tpu.memory_space<vmem>>
    %dma_wait3A_108 = arith.constant 0 : i32
    %dma_wait3A_109 = arith.constant 0 : i32
    %dma_wait3A_110 = tpu.memref_slice %arg2[%dma_wait3A_108, %dma_wait3A_109] : memref<10000x64xf32, #tpu.memory_space<hbm>> -> memref<10000x64xf32, #tpu.memory_space<hbm>>
    tpu.wait_indirect_dma semaphore(%arg19 : memref<!tpu.dma_semaphore, #tpu.memory_space<semaphore_mem>>) src(%dma_wait3A_110 : memref<10000x64xf32, #tpu.memory_space<hbm>>) dst(%arg10 : memref<128x64xf32, #tpu.memory_space<vmem>>)
    %dma_start3A_111 = arith.constant 73 : i32
    %dma_start3A_112 = arith.constant 0 : i32
    %dma_start3A_113 = tpu.memref_slice %arg8[%dma_start3A_111, %dma_start3A_112] : memref<79x128xi32, #tpu.memory_space<vmem>> -> memref<1x128xi32, #tpu.memory_space<vmem>>
    %dma_start3A_114 = tpu.memref_squeeze %dma_start3A_113 : memref<1x128xi32, #tpu.memory_space<vmem>> -> memref<128xi32, #tpu.memory_space<vmem>>
    %dma_start3A_115 = arith.constant 0 : i32
    %dma_start3A_116 = arith.constant 0 : i32
    %dma_start3A_117 = tpu.memref_slice %arg17[%dma_start3A_115, %dma_start3A_116] : memref<10240x64xf32, #tpu.memory_space<vmem_shared>> -> memref<10240x64xf32, #tpu.memory_space<vmem_shared>>
    tpu.enqueue_indirect_dma source(%arg10 : memref<128x64xf32, #tpu.memory_space<vmem>>) target(%dma_start3A_117 : memref<10240x64xf32, #tpu.memory_space<vmem_shared>>) offsets(%dma_start3A_114 : memref<128xi32, #tpu.memory_space<vmem>>) semaphore(%arg27 : memref<!tpu.dma_semaphore, #tpu.memory_space<semaphore_mem>>) {add = true}
    %dma_wait3A_118 = arith.constant 9472 : i32
    %dma_wait3A_119 = tpu.memref_slice %arg7[%dma_wait3A_118] : memref<10112xi32, #tpu.memory_space<vmem>> -> memref<128xi32, #tpu.memory_space<vmem>>
    %dma_wait3A_120 = arith.constant 0 : i32
    %dma_wait3A_121 = arith.constant 0 : i32
    %dma_wait3A_122 = tpu.memref_slice %arg2[%dma_wait3A_120, %dma_wait3A_121] : memref<10000x64xf32, #tpu.memory_space<hbm>> -> memref<10000x64xf32, #tpu.memory_space<hbm>>
    tpu.wait_indirect_dma semaphore(%arg20 : memref<!tpu.dma_semaphore, #tpu.memory_space<semaphore_mem>>) src(%dma_wait3A_122 : memref<10000x64xf32, #tpu.memory_space<hbm>>) dst(%arg11 : memref<128x64xf32, #tpu.memory_space<vmem>>)
    %dma_start3A_123 = arith.constant 74 : i32
    %dma_start3A_124 = arith.constant 0 : i32
    %dma_start3A_125 = tpu.memref_slice %arg8[%dma_start3A_123, %dma_start3A_124] : memref<79x128xi32, #tpu.memory_space<vmem>> -> memref<1x128xi32, #tpu.memory_space<vmem>>
    %dma_start3A_126 = tpu.memref_squeeze %dma_start3A_125 : memref<1x128xi32, #tpu.memory_space<vmem>> -> memref<128xi32, #tpu.memory_space<vmem>>
    %dma_start3A_127 = arith.constant 0 : i32
    %dma_start3A_128 = arith.constant 0 : i32
    %dma_start3A_129 = tpu.memref_slice %arg17[%dma_start3A_127, %dma_start3A_128] : memref<10240x64xf32, #tpu.memory_space<vmem_shared>> -> memref<10240x64xf32, #tpu.memory_space<vmem_shared>>
    tpu.enqueue_indirect_dma source(%arg11 : memref<128x64xf32, #tpu.memory_space<vmem>>) target(%dma_start3A_129 : memref<10240x64xf32, #tpu.memory_space<vmem_shared>>) offsets(%dma_start3A_126 : memref<128xi32, #tpu.memory_space<vmem>>) semaphore(%arg28 : memref<!tpu.dma_semaphore, #tpu.memory_space<semaphore_mem>>) {add = true}
    %dma_wait3A_130 = arith.constant 9600 : i32
    %dma_wait3A_131 = tpu.memref_slice %arg7[%dma_wait3A_130] : memref<10112xi32, #tpu.memory_space<vmem>> -> memref<128xi32, #tpu.memory_space<vmem>>
    %dma_wait3A_132 = arith.constant 0 : i32
    %dma_wait3A_133 = arith.constant 0 : i32
    %dma_wait3A_134 = tpu.memref_slice %arg2[%dma_wait3A_132, %dma_wait3A_133] : memref<10000x64xf32, #tpu.memory_space<hbm>> -> memref<10000x64xf32, #tpu.memory_space<hbm>>
    tpu.wait_indirect_dma semaphore(%arg21 : memref<!tpu.dma_semaphore, #tpu.memory_space<semaphore_mem>>) src(%dma_wait3A_134 : memref<10000x64xf32, #tpu.memory_space<hbm>>) dst(%arg12 : memref<128x64xf32, #tpu.memory_space<vmem>>)
    %dma_start3A_135 = arith.constant 75 : i32
    %dma_start3A_136 = arith.constant 0 : i32
    %dma_start3A_137 = tpu.memref_slice %arg8[%dma_start3A_135, %dma_start3A_136] : memref<79x128xi32, #tpu.memory_space<vmem>> -> memref<1x128xi32, #tpu.memory_space<vmem>>
    %dma_start3A_138 = tpu.memref_squeeze %dma_start3A_137 : memref<1x128xi32, #tpu.memory_space<vmem>> -> memref<128xi32, #tpu.memory_space<vmem>>
    %dma_start3A_139 = arith.constant 0 : i32
    %dma_start3A_140 = arith.constant 0 : i32
    %dma_start3A_141 = tpu.memref_slice %arg17[%dma_start3A_139, %dma_start3A_140] : memref<10240x64xf32, #tpu.memory_space<vmem_shared>> -> memref<10240x64xf32, #tpu.memory_space<vmem_shared>>
    tpu.enqueue_indirect_dma source(%arg12 : memref<128x64xf32, #tpu.memory_space<vmem>>) target(%dma_start3A_141 : memref<10240x64xf32, #tpu.memory_space<vmem_shared>>) offsets(%dma_start3A_138 : memref<128xi32, #tpu.memory_space<vmem>>) semaphore(%arg29 : memref<!tpu.dma_semaphore, #tpu.memory_space<semaphore_mem>>) {add = true}
    %dma_wait3A_142 = arith.constant 9728 : i32
    %dma_wait3A_143 = tpu.memref_slice %arg7[%dma_wait3A_142] : memref<10112xi32, #tpu.memory_space<vmem>> -> memref<128xi32, #tpu.memory_space<vmem>>
    %dma_wait3A_144 = arith.constant 0 : i32
    %dma_wait3A_145 = arith.constant 0 : i32
    %dma_wait3A_146 = tpu.memref_slice %arg2[%dma_wait3A_144, %dma_wait3A_145] : memref<10000x64xf32, #tpu.memory_space<hbm>> -> memref<10000x64xf32, #tpu.memory_space<hbm>>
    tpu.wait_indirect_dma semaphore(%arg22 : memref<!tpu.dma_semaphore, #tpu.memory_space<semaphore_mem>>) src(%dma_wait3A_146 : memref<10000x64xf32, #tpu.memory_space<hbm>>) dst(%arg13 : memref<128x64xf32, #tpu.memory_space<vmem>>)
    %dma_start3A_147 = arith.constant 76 : i32
    %dma_start3A_148 = arith.constant 0 : i32
    %dma_start3A_149 = tpu.memref_slice %arg8[%dma_start3A_147, %dma_start3A_148] : memref<79x128xi32, #tpu.memory_space<vmem>> -> memref<1x128xi32, #tpu.memory_space<vmem>>
    %dma_start3A_150 = tpu.memref_squeeze %dma_start3A_149 : memref<1x128xi32, #tpu.memory_space<vmem>> -> memref<128xi32, #tpu.memory_space<vmem>>
    %dma_start3A_151 = arith.constant 0 : i32
    %dma_start3A_152 = arith.constant 0 : i32
    %dma_start3A_153 = tpu.memref_slice %arg17[%dma_start3A_151, %dma_start3A_152] : memref<10240x64xf32, #tpu.memory_space<vmem_shared>> -> memref<10240x64xf32, #tpu.memory_space<vmem_shared>>
    tpu.enqueue_indirect_dma source(%arg13 : memref<128x64xf32, #tpu.memory_space<vmem>>) target(%dma_start3A_153 : memref<10240x64xf32, #tpu.memory_space<vmem_shared>>) offsets(%dma_start3A_150 : memref<128xi32, #tpu.memory_space<vmem>>) semaphore(%arg30 : memref<!tpu.dma_semaphore, #tpu.memory_space<semaphore_mem>>) {add = true}
    %dma_wait3A_154 = arith.constant 9856 : i32
    %dma_wait3A_155 = tpu.memref_slice %arg7[%dma_wait3A_154] : memref<10112xi32, #tpu.memory_space<vmem>> -> memref<128xi32, #tpu.memory_space<vmem>>
    %dma_wait3A_156 = arith.constant 0 : i32
    %dma_wait3A_157 = arith.constant 0 : i32
    %dma_wait3A_158 = tpu.memref_slice %arg2[%dma_wait3A_156, %dma_wait3A_157] : memref<10000x64xf32, #tpu.memory_space<hbm>> -> memref<10000x64xf32, #tpu.memory_space<hbm>>
    tpu.wait_indirect_dma semaphore(%arg23 : memref<!tpu.dma_semaphore, #tpu.memory_space<semaphore_mem>>) src(%dma_wait3A_158 : memref<10000x64xf32, #tpu.memory_space<hbm>>) dst(%arg14 : memref<128x64xf32, #tpu.memory_space<vmem>>)
    %dma_start3A_159 = arith.constant 77 : i32
    %dma_start3A_160 = arith.constant 0 : i32
    %dma_start3A_161 = tpu.memref_slice %arg8[%dma_start3A_159, %dma_start3A_160] : memref<79x128xi32, #tpu.memory_space<vmem>> -> memref<1x128xi32, #tpu.memory_space<vmem>>
    %dma_start3A_162 = tpu.memref_squeeze %dma_start3A_161 : memref<1x128xi32, #tpu.memory_space<vmem>> -> memref<128xi32, #tpu.memory_space<vmem>>
    %dma_start3A_163 = arith.constant 0 : i32
    %dma_start3A_164 = arith.constant 0 : i32
    %dma_start3A_165 = tpu.memref_slice %arg17[%dma_start3A_163, %dma_start3A_164] : memref<10240x64xf32, #tpu.memory_space<vmem_shared>> -> memref<10240x64xf32, #tpu.memory_space<vmem_shared>>
    tpu.enqueue_indirect_dma source(%arg14 : memref<128x64xf32, #tpu.memory_space<vmem>>) target(%dma_start3A_165 : memref<10240x64xf32, #tpu.memory_space<vmem_shared>>) offsets(%dma_start3A_162 : memref<128xi32, #tpu.memory_space<vmem>>) semaphore(%arg31 : memref<!tpu.dma_semaphore, #tpu.memory_space<semaphore_mem>>) {add = true}
    %dma_wait3A_166 = arith.constant 72 : i32
    %dma_wait3A_167 = arith.constant 0 : i32
    %dma_wait3A_168 = tpu.memref_slice %arg8[%dma_wait3A_166, %dma_wait3A_167] : memref<79x128xi32, #tpu.memory_space<vmem>> -> memref<1x128xi32, #tpu.memory_space<vmem>>
    %dma_wait3A_169 = tpu.memref_squeeze %dma_wait3A_168 : memref<1x128xi32, #tpu.memory_space<vmem>> -> memref<128xi32, #tpu.memory_space<vmem>>
    %dma_wait3A_170 = arith.constant 0 : i32
    %dma_wait3A_171 = arith.constant 0 : i32
    %dma_wait3A_172 = tpu.memref_slice %arg17[%dma_wait3A_170, %dma_wait3A_171] : memref<10240x64xf32, #tpu.memory_space<vmem_shared>> -> memref<10240x64xf32, #tpu.memory_space<vmem_shared>>
    tpu.wait_indirect_dma semaphore(%arg26 : memref<!tpu.dma_semaphore, #tpu.memory_space<semaphore_mem>>) src(%arg9 : memref<128x64xf32, #tpu.memory_space<vmem>>) dst(%dma_wait3A_172 : memref<10240x64xf32, #tpu.memory_space<vmem_shared>>)
    %dma_wait3A_173 = arith.constant 73 : i32
    %dma_wait3A_174 = arith.constant 0 : i32
    %dma_wait3A_175 = tpu.memref_slice %arg8[%dma_wait3A_173, %dma_wait3A_174] : memref<79x128xi32, #tpu.memory_space<vmem>> -> memref<1x128xi32, #tpu.memory_space<vmem>>
    %dma_wait3A_176 = tpu.memref_squeeze %dma_wait3A_175 : memref<1x128xi32, #tpu.memory_space<vmem>> -> memref<128xi32, #tpu.memory_space<vmem>>
    %dma_wait3A_177 = arith.constant 0 : i32
    %dma_wait3A_178 = arith.constant 0 : i32
    %dma_wait3A_179 = tpu.memref_slice %arg17[%dma_wait3A_177, %dma_wait3A_178] : memref<10240x64xf32, #tpu.memory_space<vmem_shared>> -> memref<10240x64xf32, #tpu.memory_space<vmem_shared>>
    tpu.wait_indirect_dma semaphore(%arg27 : memref<!tpu.dma_semaphore, #tpu.memory_space<semaphore_mem>>) src(%arg10 : memref<128x64xf32, #tpu.memory_space<vmem>>) dst(%dma_wait3A_179 : memref<10240x64xf32, #tpu.memory_space<vmem_shared>>)
    %dma_wait3A_180 = arith.constant 74 : i32
    %dma_wait3A_181 = arith.constant 0 : i32
    %dma_wait3A_182 = tpu.memref_slice %arg8[%dma_wait3A_180, %dma_wait3A_181] : memref<79x128xi32, #tpu.memory_space<vmem>> -> memref<1x128xi32, #tpu.memory_space<vmem>>
    %dma_wait3A_183 = tpu.memref_squeeze %dma_wait3A_182 : memref<1x128xi32, #tpu.memory_space<vmem>> -> memref<128xi32, #tpu.memory_space<vmem>>
    %dma_wait3A_184 = arith.constant 0 : i32
    %dma_wait3A_185 = arith.constant 0 : i32
    %dma_wait3A_186 = tpu.memref_slice %arg17[%dma_wait3A_184, %dma_wait3A_185] : memref<10240x64xf32, #tpu.memory_space<vmem_shared>> -> memref<10240x64xf32, #tpu.memory_space<vmem_shared>>
    tpu.wait_indirect_dma semaphore(%arg28 : memref<!tpu.dma_semaphore, #tpu.memory_space<semaphore_mem>>) src(%arg11 : memref<128x64xf32, #tpu.memory_space<vmem>>) dst(%dma_wait3A_186 : memref<10240x64xf32, #tpu.memory_space<vmem_shared>>)
    %dma_wait3A_187 = arith.constant 75 : i32
    %dma_wait3A_188 = arith.constant 0 : i32
    %dma_wait3A_189 = tpu.memref_slice %arg8[%dma_wait3A_187, %dma_wait3A_188] : memref<79x128xi32, #tpu.memory_space<vmem>> -> memref<1x128xi32, #tpu.memory_space<vmem>>
    %dma_wait3A_190 = tpu.memref_squeeze %dma_wait3A_189 : memref<1x128xi32, #tpu.memory_space<vmem>> -> memref<128xi32, #tpu.memory_space<vmem>>
    %dma_wait3A_191 = arith.constant 0 : i32
    %dma_wait3A_192 = arith.constant 0 : i32
    %dma_wait3A_193 = tpu.memref_slice %arg17[%dma_wait3A_191, %dma_wait3A_192] : memref<10240x64xf32, #tpu.memory_space<vmem_shared>> -> memref<10240x64xf32, #tpu.memory_space<vmem_shared>>
    tpu.wait_indirect_dma semaphore(%arg29 : memref<!tpu.dma_semaphore, #tpu.memory_space<semaphore_mem>>) src(%arg12 : memref<128x64xf32, #tpu.memory_space<vmem>>) dst(%dma_wait3A_193 : memref<10240x64xf32, #tpu.memory_space<vmem_shared>>)
    %dma_wait3A_194 = arith.constant 76 : i32
    %dma_wait3A_195 = arith.constant 0 : i32
    %dma_wait3A_196 = tpu.memref_slice %arg8[%dma_wait3A_194, %dma_wait3A_195] : memref<79x128xi32, #tpu.memory_space<vmem>> -> memref<1x128xi32, #tpu.memory_space<vmem>>
    %dma_wait3A_197 = tpu.memref_squeeze %dma_wait3A_196 : memref<1x128xi32, #tpu.memory_space<vmem>> -> memref<128xi32, #tpu.memory_space<vmem>>
    %dma_wait3A_198 = arith.constant 0 : i32
    %dma_wait3A_199 = arith.constant 0 : i32
    %dma_wait3A_200 = tpu.memref_slice %arg17[%dma_wait3A_198, %dma_wait3A_199] : memref<10240x64xf32, #tpu.memory_space<vmem_shared>> -> memref<10240x64xf32, #tpu.memory_space<vmem_shared>>
    tpu.wait_indirect_dma semaphore(%arg30 : memref<!tpu.dma_semaphore, #tpu.memory_space<semaphore_mem>>) src(%arg13 : memref<128x64xf32, #tpu.memory_space<vmem>>) dst(%dma_wait3A_200 : memref<10240x64xf32, #tpu.memory_space<vmem_shared>>)
    %dma_wait3A_201 = arith.constant 77 : i32
    %dma_wait3A_202 = arith.constant 0 : i32
    %dma_wait3A_203 = tpu.memref_slice %arg8[%dma_wait3A_201, %dma_wait3A_202] : memref<79x128xi32, #tpu.memory_space<vmem>> -> memref<1x128xi32, #tpu.memory_space<vmem>>
    %dma_wait3A_204 = tpu.memref_squeeze %dma_wait3A_203 : memref<1x128xi32, #tpu.memory_space<vmem>> -> memref<128xi32, #tpu.memory_space<vmem>>
    %dma_wait3A_205 = arith.constant 0 : i32
    %dma_wait3A_206 = arith.constant 0 : i32
    %dma_wait3A_207 = tpu.memref_slice %arg17[%dma_wait3A_205, %dma_wait3A_206] : memref<10240x64xf32, #tpu.memory_space<vmem_shared>> -> memref<10240x64xf32, #tpu.memory_space<vmem_shared>>
    tpu.wait_indirect_dma semaphore(%arg31 : memref<!tpu.dma_semaphore, #tpu.memory_space<semaphore_mem>>) src(%arg14 : memref<128x64xf32, #tpu.memory_space<vmem>>) dst(%dma_wait3A_207 : memref<10240x64xf32, #tpu.memory_space<vmem_shared>>)
    %convert_element_type3A_208 = arith.extui %lt3A_5 : i1 to i32
    %cond3A_209 = arith.constant 0 : i32
    %cond3A_210 = arith.cmpi ne, %convert_element_type3A_208, %cond3A_209 : i32
    scf.if %cond3A_210 {
      %dma_start3A_216 = arith.constant 9984 : i32
      %dma_start3A_217 = tpu.memref_slice %arg7[%dma_start3A_216] : memref<10112xi32, #tpu.memory_space<vmem>> -> memref<128xi32, #tpu.memory_space<vmem>>
      %dma_start3A_218 = arith.constant 0 : i32
      %dma_start3A_219 = arith.constant 0 : i32
      %dma_start3A_220 = tpu.memref_slice %arg2[%dma_start3A_218, %dma_start3A_219] : memref<10000x64xf32, #tpu.memory_space<hbm>> -> memref<10000x64xf32, #tpu.memory_space<hbm>>
      tpu.enqueue_indirect_dma source(%dma_start3A_220 : memref<10000x64xf32, #tpu.memory_space<hbm>>) target(%arg9 : memref<128x64xf32, #tpu.memory_space<vmem>>) offsets(%dma_start3A_217 : memref<128xi32, #tpu.memory_space<vmem>>) semaphore(%arg18 : memref<!tpu.dma_semaphore, #tpu.memory_space<semaphore_mem>>)
      %dma_wait3A_221 = arith.constant 9984 : i32
      %dma_wait3A_222 = tpu.memref_slice %arg7[%dma_wait3A_221] : memref<10112xi32, #tpu.memory_space<vmem>> -> memref<128xi32, #tpu.memory_space<vmem>>
      %dma_wait3A_223 = arith.constant 0 : i32
      %dma_wait3A_224 = arith.constant 0 : i32
      %dma_wait3A_225 = tpu.memref_slice %arg2[%dma_wait3A_223, %dma_wait3A_224] : memref<10000x64xf32, #tpu.memory_space<hbm>> -> memref<10000x64xf32, #tpu.memory_space<hbm>>
      tpu.wait_indirect_dma semaphore(%arg18 : memref<!tpu.dma_semaphore, #tpu.memory_space<semaphore_mem>>) src(%dma_wait3A_225 : memref<10000x64xf32, #tpu.memory_space<hbm>>) dst(%arg9 : memref<128x64xf32, #tpu.memory_space<vmem>>)
      %run_scoped3A = arith.constant 78 : i32
      "tpu.region"() ({
        %run_scoped3A_226 = tpu.sem_alloc : memref<!tpu.dma_semaphore, #tpu.memory_space<semaphore_mem>>
        %dma_start3A_227 = arith.constant 0 : i32
        %dma_start3A_228 = tpu.memref_slice %arg8[%run_scoped3A, %dma_start3A_227] : memref<79x128xi32, #tpu.memory_space<vmem>> -> memref<1x128xi32, #tpu.memory_space<vmem>>
        %dma_start3A_229 = tpu.memref_squeeze %dma_start3A_228 : memref<1x128xi32, #tpu.memory_space<vmem>> -> memref<128xi32, #tpu.memory_space<vmem>>
        %dma_start3A_230 = arith.constant 0 : i32
        %dma_start3A_231 = arith.constant 0 : i32
        %dma_start3A_232 = tpu.memref_slice %arg17[%dma_start3A_230, %dma_start3A_231] : memref<10240x64xf32, #tpu.memory_space<vmem_shared>> -> memref<10240x64xf32, #tpu.memory_space<vmem_shared>>
        tpu.enqueue_indirect_dma source(%arg9 : memref<128x64xf32, #tpu.memory_space<vmem>>) target(%dma_start3A_232 : memref<10240x64xf32, #tpu.memory_space<vmem_shared>>) offsets(%dma_start3A_229 : memref<128xi32, #tpu.memory_space<vmem>>) semaphore(%run_scoped3A_226 : memref<!tpu.dma_semaphore, #tpu.memory_space<semaphore_mem>>) {add = true}
        %dma_wait3A_233 = arith.constant 0 : i32
        %dma_wait3A_234 = tpu.memref_slice %arg8[%run_scoped3A, %dma_wait3A_233] : memref<79x128xi32, #tpu.memory_space<vmem>> -> memref<1x128xi32, #tpu.memory_space<vmem>>
        %dma_wait3A_235 = tpu.memref_squeeze %dma_wait3A_234 : memref<1x128xi32, #tpu.memory_space<vmem>> -> memref<128xi32, #tpu.memory_space<vmem>>
        %dma_wait3A_236 = arith.constant 0 : i32
        %dma_wait3A_237 = arith.constant 0 : i32
        %dma_wait3A_238 = tpu.memref_slice %arg17[%dma_wait3A_236, %dma_wait3A_237] : memref<10240x64xf32, #tpu.memory_space<vmem_shared>> -> memref<10240x64xf32, #tpu.memory_space<vmem_shared>>
        tpu.wait_indirect_dma semaphore(%run_scoped3A_226 : memref<!tpu.dma_semaphore, #tpu.memory_space<semaphore_mem>>) src(%arg9 : memref<128x64xf32, #tpu.memory_space<vmem>>) dst(%dma_wait3A_238 : memref<10240x64xf32, #tpu.memory_space<vmem_shared>>)
        tpu.yield
      }) : () -> ()
    } else {
    }
    %barrier3A_211 = arith.constant 0 : index
    tpu.barrier barrier_id(%barrier3A_211)
    %mul3A_212 = arith.constant 640 : i32
    %mul3A_213 = arith.muli %arg1, %mul3A_212 : i32
    %mul3A_214 = arith.constant 640 : i32
    %mul3A_215 = arith.muli %arg1, %mul3A_214 : i32
    "tpu.region"() ({
      %run_scoped3A = tpu.sem_alloc : memref<!tpu.dma_semaphore, #tpu.memory_space<semaphore_mem>>
      %dma_start3A_216 = arith.constant 0 : i32
      %dma_start3A_217 = tpu.memref_slice %arg6[%arg0, %mul3A_215, %dma_start3A_216] : memref<2x10240x64xf32, #tpu.memory_space<hbm>> -> memref<1x640x64xf32, #tpu.memory_space<hbm>>
      %dma_start3A_218 = tpu.memref_squeeze %dma_start3A_217 : memref<1x640x64xf32, #tpu.memory_space<hbm>> -> memref<640x64xf32, #tpu.memory_space<hbm>>
      %dma_start3A_219 = arith.constant 0 : i32
      %dma_start3A_220 = tpu.memref_slice %arg17[%mul3A_213, %dma_start3A_219] : memref<10240x64xf32, #tpu.memory_space<vmem_shared>> -> memref<640x64xf32, #tpu.memory_space<vmem_shared>>
      tpu.enqueue_dma source(%dma_start3A_220 : memref<640x64xf32, #tpu.memory_space<vmem_shared>>) target(%dma_start3A_218 : memref<640x64xf32, #tpu.memory_space<hbm>>) target_semaphore(%run_scoped3A : memref<!tpu.dma_semaphore, #tpu.memory_space<semaphore_mem>>)
      %dma_wait3A_221 = arith.constant 0 : i32
      %dma_wait3A_222 = tpu.memref_slice %arg6[%arg0, %mul3A_215, %dma_wait3A_221] : memref<2x10240x64xf32, #tpu.memory_space<hbm>> -> memref<1x640x64xf32, #tpu.memory_space<hbm>>
      %dma_wait3A_223 = tpu.memref_squeeze %dma_wait3A_222 : memref<1x640x64xf32, #tpu.memory_space<hbm>> -> memref<640x64xf32, #tpu.memory_space<hbm>>
      %dma_wait3A_224 = arith.constant 0 : i32
      %dma_wait3A_225 = tpu.memref_slice %arg17[%mul3A_213, %dma_wait3A_224] : memref<10240x64xf32, #tpu.memory_space<vmem_shared>> -> memref<640x64xf32, #tpu.memory_space<vmem_shared>>
      tpu.wait_dma2 semaphore(%run_scoped3A : memref<!tpu.dma_semaphore, #tpu.memory_space<semaphore_mem>>) src(%dma_wait3A_225 : memref<640x64xf32, #tpu.memory_space<vmem_shared>>) dst(%dma_wait3A_223 : memref<640x64xf32, #tpu.memory_space<hbm>>)
      tpu.yield
    }) : () -> ()
    return
  }
}

#map = affine_map<(d0, d1) -> (0, 0)>
#map1 = affine_map<(d0, d1) -> (0)>
#map2 = affine_map<(d0, d1) -> (0, 0, 0)>
module attributes {stable_mosaic.version = 14 : i64} {
  func.func @k(%arg0: i32, %arg1: i32, %arg2: memref<10000x32xf32, #tpu.memory_space<hbm>>, %arg3: memref<320000xi32, #tpu.memory_space<hbm>>, %arg4: memref<2500x128xi32, #tpu.memory_space<hbm>>, %arg5: memref<128x32xf32, #tpu.memory_space<hbm>>, %arg6: memref<2x10240x32xf32, #tpu.memory_space<hbm>>, %arg7: memref<10112xi32, #tpu.memory_space<vmem>>, %arg8: memref<79x128xi32, #tpu.memory_space<vmem>>, %arg9: memref<128x32xf32, #tpu.memory_space<vmem>>, %arg10: memref<128x32xf32, #tpu.memory_space<vmem>>, %arg11: memref<128x32xf32, #tpu.memory_space<vmem>>, %arg12: memref<128x32xf32, #tpu.memory_space<vmem>>, %arg13: memref<128x32xf32, #tpu.memory_space<vmem>>, %arg14: memref<128x32xf32, #tpu.memory_space<vmem>>, %arg15: memref<128x32xf32, #tpu.memory_space<vmem>>, %arg16: memref<128x32xf32, #tpu.memory_space<vmem>>, %arg17: memref<128x32xf32, #tpu.memory_space<vmem>>, %arg18: memref<128x32xf32, #tpu.memory_space<vmem>>, %arg19: memref<128x32xf32, #tpu.memory_space<vmem>>, %arg20: memref<128x32xf32, #tpu.memory_space<vmem>>, %arg21: memref<10240x32xf32, #tpu.memory_space<vmem_shared>>, %arg22: memref<!tpu.dma_semaphore, #tpu.memory_space<semaphore_mem>>, %arg23: memref<!tpu.dma_semaphore, #tpu.memory_space<semaphore_mem>>, %arg24: memref<!tpu.dma_semaphore, #tpu.memory_space<semaphore_mem>>, %arg25: memref<!tpu.dma_semaphore, #tpu.memory_space<semaphore_mem>>, %arg26: memref<!tpu.dma_semaphore, #tpu.memory_space<semaphore_mem>>, %arg27: memref<!tpu.dma_semaphore, #tpu.memory_space<semaphore_mem>>, %arg28: memref<!tpu.dma_semaphore, #tpu.memory_space<semaphore_mem>>, %arg29: memref<!tpu.dma_semaphore, #tpu.memory_space<semaphore_mem>>, %arg30: memref<!tpu.dma_semaphore, #tpu.memory_space<semaphore_mem>>, %arg31: memref<!tpu.dma_semaphore, #tpu.memory_space<semaphore_mem>>, %arg32: memref<!tpu.dma_semaphore, #tpu.memory_space<semaphore_mem>>, %arg33: memref<!tpu.dma_semaphore, #tpu.memory_space<semaphore_mem>>, %arg34: memref<!tpu.dma_semaphore, #tpu.memory_space<semaphore_mem>>, %arg35: memref<!tpu.dma_semaphore, #tpu.memory_space<semaphore_mem>>, %arg36: memref<!tpu.dma_semaphore, #tpu.memory_space<semaphore_mem>>, %arg37: memref<!tpu.dma_semaphore, #tpu.memory_space<semaphore_mem>>, %arg38: memref<!tpu.dma_semaphore, #tpu.memory_space<semaphore_mem>>, %arg39: memref<!tpu.dma_semaphore, #tpu.memory_space<semaphore_mem>>, %arg40: memref<!tpu.dma_semaphore, #tpu.memory_space<semaphore_mem>>, %arg41: memref<!tpu.dma_semaphore, #tpu.memory_space<semaphore_mem>>, %arg42: memref<!tpu.dma_semaphore, #tpu.memory_space<semaphore_mem>>, %arg43: memref<!tpu.dma_semaphore, #tpu.memory_space<semaphore_mem>>, %arg44: memref<!tpu.dma_semaphore, #tpu.memory_space<semaphore_mem>>, %arg45: memref<!tpu.dma_semaphore, #tpu.memory_space<semaphore_mem>>) attributes {dimension_semantics = [#tpu.dimension_semantics<core_parallel>, #tpu.dimension_semantics<subcore_parallel>], iteration_bounds = array<i64: 2, 16>, scalar_prefetch = 0 : i64, scratch_operands = 39 : i64, tpu.core_type = #tpu.core_type<sc_vector_subcore>, window_params = [{transform_indices = #map}, {transform_indices = #map1}, {transform_indices = #map}, {transform_indices = #map}, {transform_indices = #map2}]} {
    %mul3A = arith.constant 2 : i32
    %mul3A_0 = arith.muli %arg1, %mul3A : i32
    %add3A = arith.addi %mul3A_0, %arg0 : i32
    %mul3A_1 = arith.constant 78 : i32
    %mul3A_2 = arith.muli %add3A, %mul3A_1 : i32
    %min3A = arith.constant 4 : i32
    %min3A_3 = arith.minsi %add3A, %min3A : i32
    %add3A_4 = arith.addi %mul3A_2, %min3A_3 : i32
    %lt3A = arith.constant 4 : i32
    %lt3A_5 = arith.cmpi slt, %add3A, %lt3A : i32
    %mul3A_6 = arith.constant 128 : i32
    %mul3A_7 = arith.muli %add3A_4, %mul3A_6 : i32
    %dma_start3A = arith.constant 0 : i32
    %dma_start3A_8 = tpu.memref_slice %arg7[%dma_start3A] : memref<10112xi32, #tpu.memory_space<vmem>> -> memref<9984xi32, #tpu.memory_space<vmem>>
    %dma_start3A_9 = tpu.memref_slice %arg3[%mul3A_7] : memref<320000xi32, #tpu.memory_space<hbm>> -> memref<9984xi32, #tpu.memory_space<hbm>>
    %dma_start3A_10 = arith.constant 0 : i32
    %dma_start3A_11 = tpu.memref_slice %arg7[%dma_start3A_10] : memref<10112xi32, #tpu.memory_space<vmem>> -> memref<9984xi32, #tpu.memory_space<vmem>>
    %dma_start3A_12 = tpu.memref_slice %arg3[%mul3A_7] : memref<320000xi32, #tpu.memory_space<hbm>> -> memref<9984xi32, #tpu.memory_space<hbm>>
    tpu.enqueue_dma source(%dma_start3A_12 : memref<9984xi32, #tpu.memory_space<hbm>>) target(%dma_start3A_11 : memref<9984xi32, #tpu.memory_space<vmem>>) target_semaphore(%arg22 : memref<!tpu.dma_semaphore, #tpu.memory_space<semaphore_mem>>)
    %dma_start3A_13 = arith.constant 0 : i32
    %dma_start3A_14 = arith.constant 0 : i32
    %dma_start3A_15 = tpu.memref_slice %arg8[%dma_start3A_13, %dma_start3A_14] : memref<79x128xi32, #tpu.memory_space<vmem>> -> memref<78x128xi32, #tpu.memory_space<vmem>>
    %dma_start3A_16 = arith.constant 0 : i32
    %dma_start3A_17 = tpu.memref_slice %arg4[%add3A_4, %dma_start3A_16] : memref<2500x128xi32, #tpu.memory_space<hbm>> -> memref<78x128xi32, #tpu.memory_space<hbm>>
    %dma_start3A_18 = arith.constant 0 : i32
    %dma_start3A_19 = arith.constant 0 : i32
    %dma_start3A_20 = tpu.memref_slice %arg8[%dma_start3A_18, %dma_start3A_19] : memref<79x128xi32, #tpu.memory_space<vmem>> -> memref<78x128xi32, #tpu.memory_space<vmem>>
    %dma_start3A_21 = arith.constant 0 : i32
    %dma_start3A_22 = tpu.memref_slice %arg4[%add3A_4, %dma_start3A_21] : memref<2500x128xi32, #tpu.memory_space<hbm>> -> memref<78x128xi32, #tpu.memory_space<hbm>>
    tpu.enqueue_dma source(%dma_start3A_22 : memref<78x128xi32, #tpu.memory_space<hbm>>) target(%dma_start3A_20 : memref<78x128xi32, #tpu.memory_space<vmem>>) target_semaphore(%arg23 : memref<!tpu.dma_semaphore, #tpu.memory_space<semaphore_mem>>)
    %convert_element_type3A = arith.extui %lt3A_5 : i1 to i32
    %cond3A = arith.constant 0 : i32
    %cond3A_23 = arith.cmpi ne, %convert_element_type3A, %cond3A : i32
    scf.if %cond3A_23 {
      %add3A_216 = arith.constant 78 : i32
      %add3A_217 = arith.addi %add3A_4, %add3A_216 : i32
      %mul3A_218 = arith.constant 128 : i32
      %mul3A_219 = arith.muli %add3A_217, %mul3A_218 : i32
      "tpu.region"() ({
        %run_scoped3A = tpu.sem_alloc : memref<!tpu.dma_semaphore, #tpu.memory_space<semaphore_mem>>
        %dma_start3A_222 = arith.constant 9984 : i32
        %dma_start3A_223 = tpu.memref_slice %arg7[%dma_start3A_222] : memref<10112xi32, #tpu.memory_space<vmem>> -> memref<128xi32, #tpu.memory_space<vmem>>
        %dma_start3A_224 = tpu.memref_slice %arg3[%mul3A_219] : memref<320000xi32, #tpu.memory_space<hbm>> -> memref<128xi32, #tpu.memory_space<hbm>>
        %dma_start3A_225 = arith.constant 9984 : i32
        %dma_start3A_226 = tpu.memref_slice %arg7[%dma_start3A_225] : memref<10112xi32, #tpu.memory_space<vmem>> -> memref<128xi32, #tpu.memory_space<vmem>>
        %dma_start3A_227 = tpu.memref_slice %arg3[%mul3A_219] : memref<320000xi32, #tpu.memory_space<hbm>> -> memref<128xi32, #tpu.memory_space<hbm>>
        tpu.enqueue_dma source(%dma_start3A_227 : memref<128xi32, #tpu.memory_space<hbm>>) target(%dma_start3A_226 : memref<128xi32, #tpu.memory_space<vmem>>) target_semaphore(%run_scoped3A : memref<!tpu.dma_semaphore, #tpu.memory_space<semaphore_mem>>)
        %dma_wait3A_228 = arith.constant 9984 : i32
        %dma_wait3A_229 = tpu.memref_slice %arg7[%dma_wait3A_228] : memref<10112xi32, #tpu.memory_space<vmem>> -> memref<128xi32, #tpu.memory_space<vmem>>
        %dma_wait3A_230 = tpu.memref_slice %arg3[%mul3A_219] : memref<320000xi32, #tpu.memory_space<hbm>> -> memref<128xi32, #tpu.memory_space<hbm>>
        %dma_wait3A_231 = arith.constant 9984 : i32
        %dma_wait3A_232 = tpu.memref_slice %arg7[%dma_wait3A_231] : memref<10112xi32, #tpu.memory_space<vmem>> -> memref<128xi32, #tpu.memory_space<vmem>>
        %dma_wait3A_233 = tpu.memref_slice %arg3[%mul3A_219] : memref<320000xi32, #tpu.memory_space<hbm>> -> memref<128xi32, #tpu.memory_space<hbm>>
        tpu.wait_dma2 semaphore(%run_scoped3A : memref<!tpu.dma_semaphore, #tpu.memory_space<semaphore_mem>>) src(%dma_wait3A_233 : memref<128xi32, #tpu.memory_space<hbm>>) dst(%dma_wait3A_232 : memref<128xi32, #tpu.memory_space<vmem>>)
        tpu.yield
      }) : () -> ()
      %add3A_220 = arith.constant 78 : i32
      %add3A_221 = arith.addi %add3A_4, %add3A_220 : i32
      "tpu.region"() ({
        %run_scoped3A = tpu.sem_alloc : memref<!tpu.dma_semaphore, #tpu.memory_space<semaphore_mem>>
        %dma_start3A_222 = arith.constant 78 : i32
        %dma_start3A_223 = arith.constant 0 : i32
        %dma_start3A_224 = tpu.memref_slice %arg8[%dma_start3A_222, %dma_start3A_223] : memref<79x128xi32, #tpu.memory_space<vmem>> -> memref<1x128xi32, #tpu.memory_space<vmem>>
        %dma_start3A_225 = arith.constant 0 : i32
        %dma_start3A_226 = tpu.memref_slice %arg4[%add3A_221, %dma_start3A_225] : memref<2500x128xi32, #tpu.memory_space<hbm>> -> memref<1x128xi32, #tpu.memory_space<hbm>>
        %dma_start3A_227 = arith.constant 78 : i32
        %dma_start3A_228 = arith.constant 0 : i32
        %dma_start3A_229 = tpu.memref_slice %arg8[%dma_start3A_227, %dma_start3A_228] : memref<79x128xi32, #tpu.memory_space<vmem>> -> memref<1x128xi32, #tpu.memory_space<vmem>>
        %dma_start3A_230 = arith.constant 0 : i32
        %dma_start3A_231 = tpu.memref_slice %arg4[%add3A_221, %dma_start3A_230] : memref<2500x128xi32, #tpu.memory_space<hbm>> -> memref<1x128xi32, #tpu.memory_space<hbm>>
        tpu.enqueue_dma source(%dma_start3A_231 : memref<1x128xi32, #tpu.memory_space<hbm>>) target(%dma_start3A_229 : memref<1x128xi32, #tpu.memory_space<vmem>>) target_semaphore(%run_scoped3A : memref<!tpu.dma_semaphore, #tpu.memory_space<semaphore_mem>>)
        %dma_wait3A_232 = arith.constant 78 : i32
        %dma_wait3A_233 = arith.constant 0 : i32
        %dma_wait3A_234 = tpu.memref_slice %arg8[%dma_wait3A_232, %dma_wait3A_233] : memref<79x128xi32, #tpu.memory_space<vmem>> -> memref<1x128xi32, #tpu.memory_space<vmem>>
        %dma_wait3A_235 = arith.constant 0 : i32
        %dma_wait3A_236 = tpu.memref_slice %arg4[%add3A_221, %dma_wait3A_235] : memref<2500x128xi32, #tpu.memory_space<hbm>> -> memref<1x128xi32, #tpu.memory_space<hbm>>
        %dma_wait3A_237 = arith.constant 78 : i32
        %dma_wait3A_238 = arith.constant 0 : i32
        %dma_wait3A_239 = tpu.memref_slice %arg8[%dma_wait3A_237, %dma_wait3A_238] : memref<79x128xi32, #tpu.memory_space<vmem>> -> memref<1x128xi32, #tpu.memory_space<vmem>>
        %dma_wait3A_240 = arith.constant 0 : i32
        %dma_wait3A_241 = tpu.memref_slice %arg4[%add3A_221, %dma_wait3A_240] : memref<2500x128xi32, #tpu.memory_space<hbm>> -> memref<1x128xi32, #tpu.memory_space<hbm>>
        tpu.wait_dma2 semaphore(%run_scoped3A : memref<!tpu.dma_semaphore, #tpu.memory_space<semaphore_mem>>) src(%dma_wait3A_241 : memref<1x128xi32, #tpu.memory_space<hbm>>) dst(%dma_wait3A_239 : memref<1x128xi32, #tpu.memory_space<vmem>>)
        tpu.yield
      }) : () -> ()
    } else {
    }
    "tpu.region"() ({
      %run_scoped3A = tpu.sem_alloc : memref<!tpu.dma_semaphore, #tpu.memory_space<semaphore_mem>>
      tpu.enqueue_dma source(%arg5 : memref<128x32xf32, #tpu.memory_space<hbm>>) target(%arg9 : memref<128x32xf32, #tpu.memory_space<vmem>>) target_semaphore(%run_scoped3A : memref<!tpu.dma_semaphore, #tpu.memory_space<semaphore_mem>>)
      tpu.wait_dma2 semaphore(%run_scoped3A : memref<!tpu.dma_semaphore, #tpu.memory_space<semaphore_mem>>) src(%arg5 : memref<128x32xf32, #tpu.memory_space<hbm>>) dst(%arg9 : memref<128x32xf32, #tpu.memory_space<vmem>>)
      tpu.yield
    }) : () -> ()
    %mul3A_24 = arith.constant 640 : i32
    %mul3A_25 = arith.muli %arg1, %mul3A_24 : i32
    %add3A_26 = arith.constant 0 : i32
    %add3A_27 = arith.addi %mul3A_25, %add3A_26 : i32
    "tpu.region"() ({
      %run_scoped3A = tpu.sem_alloc : memref<!tpu.dma_semaphore, #tpu.memory_space<semaphore_mem>>
      %dma_start3A_216 = arith.constant 0 : i32
      %dma_start3A_217 = tpu.memref_slice %arg21[%add3A_27, %dma_start3A_216] : memref<10240x32xf32, #tpu.memory_space<vmem_shared>> -> memref<128x32xf32, #tpu.memory_space<vmem_shared>>
      %dma_start3A_218 = arith.constant 0 : i32
      %dma_start3A_219 = tpu.memref_slice %arg21[%add3A_27, %dma_start3A_218] : memref<10240x32xf32, #tpu.memory_space<vmem_shared>> -> memref<128x32xf32, #tpu.memory_space<vmem_shared>>
      tpu.enqueue_dma source(%arg9 : memref<128x32xf32, #tpu.memory_space<vmem>>) target(%dma_start3A_219 : memref<128x32xf32, #tpu.memory_space<vmem_shared>>) target_semaphore(%run_scoped3A : memref<!tpu.dma_semaphore, #tpu.memory_space<semaphore_mem>>)
      %dma_wait3A_220 = arith.constant 0 : i32
      %dma_wait3A_221 = tpu.memref_slice %arg21[%add3A_27, %dma_wait3A_220] : memref<10240x32xf32, #tpu.memory_space<vmem_shared>> -> memref<128x32xf32, #tpu.memory_space<vmem_shared>>
      %dma_wait3A_222 = arith.constant 0 : i32
      %dma_wait3A_223 = tpu.memref_slice %arg21[%add3A_27, %dma_wait3A_222] : memref<10240x32xf32, #tpu.memory_space<vmem_shared>> -> memref<128x32xf32, #tpu.memory_space<vmem_shared>>
      tpu.wait_dma2 semaphore(%run_scoped3A : memref<!tpu.dma_semaphore, #tpu.memory_space<semaphore_mem>>) src(%arg9 : memref<128x32xf32, #tpu.memory_space<vmem>>) dst(%dma_wait3A_223 : memref<128x32xf32, #tpu.memory_space<vmem_shared>>)
      tpu.yield
    }) : () -> ()
    %mul3A_28 = arith.constant 640 : i32
    %mul3A_29 = arith.muli %arg1, %mul3A_28 : i32
    %add3A_30 = arith.constant 128 : i32
    %add3A_31 = arith.addi %mul3A_29, %add3A_30 : i32
    "tpu.region"() ({
      %run_scoped3A = tpu.sem_alloc : memref<!tpu.dma_semaphore, #tpu.memory_space<semaphore_mem>>
      %dma_start3A_216 = arith.constant 0 : i32
      %dma_start3A_217 = tpu.memref_slice %arg21[%add3A_31, %dma_start3A_216] : memref<10240x32xf32, #tpu.memory_space<vmem_shared>> -> memref<128x32xf32, #tpu.memory_space<vmem_shared>>
      %dma_start3A_218 = arith.constant 0 : i32
      %dma_start3A_219 = tpu.memref_slice %arg21[%add3A_31, %dma_start3A_218] : memref<10240x32xf32, #tpu.memory_space<vmem_shared>> -> memref<128x32xf32, #tpu.memory_space<vmem_shared>>
      tpu.enqueue_dma source(%arg9 : memref<128x32xf32, #tpu.memory_space<vmem>>) target(%dma_start3A_219 : memref<128x32xf32, #tpu.memory_space<vmem_shared>>) target_semaphore(%run_scoped3A : memref<!tpu.dma_semaphore, #tpu.memory_space<semaphore_mem>>)
      %dma_wait3A_220 = arith.constant 0 : i32
      %dma_wait3A_221 = tpu.memref_slice %arg21[%add3A_31, %dma_wait3A_220] : memref<10240x32xf32, #tpu.memory_space<vmem_shared>> -> memref<128x32xf32, #tpu.memory_space<vmem_shared>>
      %dma_wait3A_222 = arith.constant 0 : i32
      %dma_wait3A_223 = tpu.memref_slice %arg21[%add3A_31, %dma_wait3A_222] : memref<10240x32xf32, #tpu.memory_space<vmem_shared>> -> memref<128x32xf32, #tpu.memory_space<vmem_shared>>
      tpu.wait_dma2 semaphore(%run_scoped3A : memref<!tpu.dma_semaphore, #tpu.memory_space<semaphore_mem>>) src(%arg9 : memref<128x32xf32, #tpu.memory_space<vmem>>) dst(%dma_wait3A_223 : memref<128x32xf32, #tpu.memory_space<vmem_shared>>)
      tpu.yield
    }) : () -> ()
    %mul3A_32 = arith.constant 640 : i32
    %mul3A_33 = arith.muli %arg1, %mul3A_32 : i32
    %add3A_34 = arith.constant 256 : i32
    %add3A_35 = arith.addi %mul3A_33, %add3A_34 : i32
    "tpu.region"() ({
      %run_scoped3A = tpu.sem_alloc : memref<!tpu.dma_semaphore, #tpu.memory_space<semaphore_mem>>
      %dma_start3A_216 = arith.constant 0 : i32
      %dma_start3A_217 = tpu.memref_slice %arg21[%add3A_35, %dma_start3A_216] : memref<10240x32xf32, #tpu.memory_space<vmem_shared>> -> memref<128x32xf32, #tpu.memory_space<vmem_shared>>
      %dma_start3A_218 = arith.constant 0 : i32
      %dma_start3A_219 = tpu.memref_slice %arg21[%add3A_35, %dma_start3A_218] : memref<10240x32xf32, #tpu.memory_space<vmem_shared>> -> memref<128x32xf32, #tpu.memory_space<vmem_shared>>
      tpu.enqueue_dma source(%arg9 : memref<128x32xf32, #tpu.memory_space<vmem>>) target(%dma_start3A_219 : memref<128x32xf32, #tpu.memory_space<vmem_shared>>) target_semaphore(%run_scoped3A : memref<!tpu.dma_semaphore, #tpu.memory_space<semaphore_mem>>)
      %dma_wait3A_220 = arith.constant 0 : i32
      %dma_wait3A_221 = tpu.memref_slice %arg21[%add3A_35, %dma_wait3A_220] : memref<10240x32xf32, #tpu.memory_space<vmem_shared>> -> memref<128x32xf32, #tpu.memory_space<vmem_shared>>
      %dma_wait3A_222 = arith.constant 0 : i32
      %dma_wait3A_223 = tpu.memref_slice %arg21[%add3A_35, %dma_wait3A_222] : memref<10240x32xf32, #tpu.memory_space<vmem_shared>> -> memref<128x32xf32, #tpu.memory_space<vmem_shared>>
      tpu.wait_dma2 semaphore(%run_scoped3A : memref<!tpu.dma_semaphore, #tpu.memory_space<semaphore_mem>>) src(%arg9 : memref<128x32xf32, #tpu.memory_space<vmem>>) dst(%dma_wait3A_223 : memref<128x32xf32, #tpu.memory_space<vmem_shared>>)
      tpu.yield
    }) : () -> ()
    %mul3A_36 = arith.constant 640 : i32
    %mul3A_37 = arith.muli %arg1, %mul3A_36 : i32
    %add3A_38 = arith.constant 384 : i32
    %add3A_39 = arith.addi %mul3A_37, %add3A_38 : i32
    "tpu.region"() ({
      %run_scoped3A = tpu.sem_alloc : memref<!tpu.dma_semaphore, #tpu.memory_space<semaphore_mem>>
      %dma_start3A_216 = arith.constant 0 : i32
      %dma_start3A_217 = tpu.memref_slice %arg21[%add3A_39, %dma_start3A_216] : memref<10240x32xf32, #tpu.memory_space<vmem_shared>> -> memref<128x32xf32, #tpu.memory_space<vmem_shared>>
      %dma_start3A_218 = arith.constant 0 : i32
      %dma_start3A_219 = tpu.memref_slice %arg21[%add3A_39, %dma_start3A_218] : memref<10240x32xf32, #tpu.memory_space<vmem_shared>> -> memref<128x32xf32, #tpu.memory_space<vmem_shared>>
      tpu.enqueue_dma source(%arg9 : memref<128x32xf32, #tpu.memory_space<vmem>>) target(%dma_start3A_219 : memref<128x32xf32, #tpu.memory_space<vmem_shared>>) target_semaphore(%run_scoped3A : memref<!tpu.dma_semaphore, #tpu.memory_space<semaphore_mem>>)
      %dma_wait3A_220 = arith.constant 0 : i32
      %dma_wait3A_221 = tpu.memref_slice %arg21[%add3A_39, %dma_wait3A_220] : memref<10240x32xf32, #tpu.memory_space<vmem_shared>> -> memref<128x32xf32, #tpu.memory_space<vmem_shared>>
      %dma_wait3A_222 = arith.constant 0 : i32
      %dma_wait3A_223 = tpu.memref_slice %arg21[%add3A_39, %dma_wait3A_222] : memref<10240x32xf32, #tpu.memory_space<vmem_shared>> -> memref<128x32xf32, #tpu.memory_space<vmem_shared>>
      tpu.wait_dma2 semaphore(%run_scoped3A : memref<!tpu.dma_semaphore, #tpu.memory_space<semaphore_mem>>) src(%arg9 : memref<128x32xf32, #tpu.memory_space<vmem>>) dst(%dma_wait3A_223 : memref<128x32xf32, #tpu.memory_space<vmem_shared>>)
      tpu.yield
    }) : () -> ()
    %mul3A_40 = arith.constant 640 : i32
    %mul3A_41 = arith.muli %arg1, %mul3A_40 : i32
    %add3A_42 = arith.constant 512 : i32
    %add3A_43 = arith.addi %mul3A_41, %add3A_42 : i32
    "tpu.region"() ({
      %run_scoped3A = tpu.sem_alloc : memref<!tpu.dma_semaphore, #tpu.memory_space<semaphore_mem>>
      %dma_start3A_216 = arith.constant 0 : i32
      %dma_start3A_217 = tpu.memref_slice %arg21[%add3A_43, %dma_start3A_216] : memref<10240x32xf32, #tpu.memory_space<vmem_shared>> -> memref<128x32xf32, #tpu.memory_space<vmem_shared>>
      %dma_start3A_218 = arith.constant 0 : i32
      %dma_start3A_219 = tpu.memref_slice %arg21[%add3A_43, %dma_start3A_218] : memref<10240x32xf32, #tpu.memory_space<vmem_shared>> -> memref<128x32xf32, #tpu.memory_space<vmem_shared>>
      tpu.enqueue_dma source(%arg9 : memref<128x32xf32, #tpu.memory_space<vmem>>) target(%dma_start3A_219 : memref<128x32xf32, #tpu.memory_space<vmem_shared>>) target_semaphore(%run_scoped3A : memref<!tpu.dma_semaphore, #tpu.memory_space<semaphore_mem>>)
      %dma_wait3A_220 = arith.constant 0 : i32
      %dma_wait3A_221 = tpu.memref_slice %arg21[%add3A_43, %dma_wait3A_220] : memref<10240x32xf32, #tpu.memory_space<vmem_shared>> -> memref<128x32xf32, #tpu.memory_space<vmem_shared>>
      %dma_wait3A_222 = arith.constant 0 : i32
      %dma_wait3A_223 = tpu.memref_slice %arg21[%add3A_43, %dma_wait3A_222] : memref<10240x32xf32, #tpu.memory_space<vmem_shared>> -> memref<128x32xf32, #tpu.memory_space<vmem_shared>>
      tpu.wait_dma2 semaphore(%run_scoped3A : memref<!tpu.dma_semaphore, #tpu.memory_space<semaphore_mem>>) src(%arg9 : memref<128x32xf32, #tpu.memory_space<vmem>>) dst(%dma_wait3A_223 : memref<128x32xf32, #tpu.memory_space<vmem_shared>>)
      tpu.yield
    }) : () -> ()
    %dma_wait3A = arith.constant 0 : i32
    %dma_wait3A_44 = tpu.memref_slice %arg7[%dma_wait3A] : memref<10112xi32, #tpu.memory_space<vmem>> -> memref<9984xi32, #tpu.memory_space<vmem>>
    %dma_wait3A_45 = tpu.memref_slice %arg3[%mul3A_7] : memref<320000xi32, #tpu.memory_space<hbm>> -> memref<9984xi32, #tpu.memory_space<hbm>>
    %dma_wait3A_46 = arith.constant 0 : i32
    %dma_wait3A_47 = tpu.memref_slice %arg7[%dma_wait3A_46] : memref<10112xi32, #tpu.memory_space<vmem>> -> memref<9984xi32, #tpu.memory_space<vmem>>
    %dma_wait3A_48 = tpu.memref_slice %arg3[%mul3A_7] : memref<320000xi32, #tpu.memory_space<hbm>> -> memref<9984xi32, #tpu.memory_space<hbm>>
    tpu.wait_dma2 semaphore(%arg22 : memref<!tpu.dma_semaphore, #tpu.memory_space<semaphore_mem>>) src(%dma_wait3A_48 : memref<9984xi32, #tpu.memory_space<hbm>>) dst(%dma_wait3A_47 : memref<9984xi32, #tpu.memory_space<vmem>>)
    %dma_wait3A_49 = arith.constant 0 : i32
    %dma_wait3A_50 = arith.constant 0 : i32
    %dma_wait3A_51 = tpu.memref_slice %arg8[%dma_wait3A_49, %dma_wait3A_50] : memref<79x128xi32, #tpu.memory_space<vmem>> -> memref<78x128xi32, #tpu.memory_space<vmem>>
    %dma_wait3A_52 = arith.constant 0 : i32
    %dma_wait3A_53 = tpu.memref_slice %arg4[%add3A_4, %dma_wait3A_52] : memref<2500x128xi32, #tpu.memory_space<hbm>> -> memref<78x128xi32, #tpu.memory_space<hbm>>
    %dma_wait3A_54 = arith.constant 0 : i32
    %dma_wait3A_55 = arith.constant 0 : i32
    %dma_wait3A_56 = tpu.memref_slice %arg8[%dma_wait3A_54, %dma_wait3A_55] : memref<79x128xi32, #tpu.memory_space<vmem>> -> memref<78x128xi32, #tpu.memory_space<vmem>>
    %dma_wait3A_57 = arith.constant 0 : i32
    %dma_wait3A_58 = tpu.memref_slice %arg4[%add3A_4, %dma_wait3A_57] : memref<2500x128xi32, #tpu.memory_space<hbm>> -> memref<78x128xi32, #tpu.memory_space<hbm>>
    tpu.wait_dma2 semaphore(%arg23 : memref<!tpu.dma_semaphore, #tpu.memory_space<semaphore_mem>>) src(%dma_wait3A_58 : memref<78x128xi32, #tpu.memory_space<hbm>>) dst(%dma_wait3A_56 : memref<78x128xi32, #tpu.memory_space<vmem>>)
    %barrier3A = arith.constant 0 : index
    tpu.barrier barrier_id(%barrier3A)
    %scan3A = arith.constant 0 : i32
    %scan3A_59 = arith.constant 0 : i32
    %scan3A_60 = arith.constant 6 : i32
    %scan3A_61 = arith.addi %scan3A_59, %scan3A_60 : i32
    %scan3A_62 = arith.constant 1 : i32
    scf.for %scan3A_216 = %scan3A_59 to %scan3A_61 step %scan3A_62  : i32 {
      %mul3A_217 = arith.constant 12 : i32
      %mul3A_218 = arith.muli %scan3A_216, %mul3A_217 : i32
      %add3A_219 = arith.constant 0 : i32
      %add3A_220 = arith.addi %mul3A_218, %add3A_219 : i32
      %mul3A_221 = arith.constant 128 : i32
      %mul3A_222 = arith.muli %add3A_220, %mul3A_221 : i32
      %dma_start3A_223 = tpu.memref_slice %arg7[%mul3A_222] : memref<10112xi32, #tpu.memory_space<vmem>> -> memref<128xi32, #tpu.memory_space<vmem>>
      %dma_start3A_224 = arith.constant 0 : i32
      %dma_start3A_225 = arith.constant 0 : i32
      %dma_start3A_226 = tpu.memref_slice %arg2[%dma_start3A_224, %dma_start3A_225] : memref<10000x32xf32, #tpu.memory_space<hbm>> -> memref<10000x32xf32, #tpu.memory_space<hbm>>
      tpu.enqueue_indirect_dma source(%dma_start3A_226 : memref<10000x32xf32, #tpu.memory_space<hbm>>) target(%arg9 : memref<128x32xf32, #tpu.memory_space<vmem>>) offsets(%dma_start3A_223 : memref<128xi32, #tpu.memory_space<vmem>>) semaphore(%arg22 : memref<!tpu.dma_semaphore, #tpu.memory_space<semaphore_mem>>)
      %add3A_227 = arith.constant 1 : i32
      %add3A_228 = arith.addi %mul3A_218, %add3A_227 : i32
      %mul3A_229 = arith.constant 128 : i32
      %mul3A_230 = arith.muli %add3A_228, %mul3A_229 : i32
      %dma_start3A_231 = tpu.memref_slice %arg7[%mul3A_230] : memref<10112xi32, #tpu.memory_space<vmem>> -> memref<128xi32, #tpu.memory_space<vmem>>
      %dma_start3A_232 = arith.constant 0 : i32
      %dma_start3A_233 = arith.constant 0 : i32
      %dma_start3A_234 = tpu.memref_slice %arg2[%dma_start3A_232, %dma_start3A_233] : memref<10000x32xf32, #tpu.memory_space<hbm>> -> memref<10000x32xf32, #tpu.memory_space<hbm>>
      tpu.enqueue_indirect_dma source(%dma_start3A_234 : memref<10000x32xf32, #tpu.memory_space<hbm>>) target(%arg10 : memref<128x32xf32, #tpu.memory_space<vmem>>) offsets(%dma_start3A_231 : memref<128xi32, #tpu.memory_space<vmem>>) semaphore(%arg23 : memref<!tpu.dma_semaphore, #tpu.memory_space<semaphore_mem>>)
      %add3A_235 = arith.constant 2 : i32
      %add3A_236 = arith.addi %mul3A_218, %add3A_235 : i32
      %mul3A_237 = arith.constant 128 : i32
      %mul3A_238 = arith.muli %add3A_236, %mul3A_237 : i32
      %dma_start3A_239 = tpu.memref_slice %arg7[%mul3A_238] : memref<10112xi32, #tpu.memory_space<vmem>> -> memref<128xi32, #tpu.memory_space<vmem>>
      %dma_start3A_240 = arith.constant 0 : i32
      %dma_start3A_241 = arith.constant 0 : i32
      %dma_start3A_242 = tpu.memref_slice %arg2[%dma_start3A_240, %dma_start3A_241] : memref<10000x32xf32, #tpu.memory_space<hbm>> -> memref<10000x32xf32, #tpu.memory_space<hbm>>
      tpu.enqueue_indirect_dma source(%dma_start3A_242 : memref<10000x32xf32, #tpu.memory_space<hbm>>) target(%arg11 : memref<128x32xf32, #tpu.memory_space<vmem>>) offsets(%dma_start3A_239 : memref<128xi32, #tpu.memory_space<vmem>>) semaphore(%arg24 : memref<!tpu.dma_semaphore, #tpu.memory_space<semaphore_mem>>)
      %add3A_243 = arith.constant 3 : i32
      %add3A_244 = arith.addi %mul3A_218, %add3A_243 : i32
      %mul3A_245 = arith.constant 128 : i32
      %mul3A_246 = arith.muli %add3A_244, %mul3A_245 : i32
      %dma_start3A_247 = tpu.memref_slice %arg7[%mul3A_246] : memref<10112xi32, #tpu.memory_space<vmem>> -> memref<128xi32, #tpu.memory_space<vmem>>
      %dma_start3A_248 = arith.constant 0 : i32
      %dma_start3A_249 = arith.constant 0 : i32
      %dma_start3A_250 = tpu.memref_slice %arg2[%dma_start3A_248, %dma_start3A_249] : memref<10000x32xf32, #tpu.memory_space<hbm>> -> memref<10000x32xf32, #tpu.memory_space<hbm>>
      tpu.enqueue_indirect_dma source(%dma_start3A_250 : memref<10000x32xf32, #tpu.memory_space<hbm>>) target(%arg12 : memref<128x32xf32, #tpu.memory_space<vmem>>) offsets(%dma_start3A_247 : memref<128xi32, #tpu.memory_space<vmem>>) semaphore(%arg25 : memref<!tpu.dma_semaphore, #tpu.memory_space<semaphore_mem>>)
      %add3A_251 = arith.constant 4 : i32
      %add3A_252 = arith.addi %mul3A_218, %add3A_251 : i32
      %mul3A_253 = arith.constant 128 : i32
      %mul3A_254 = arith.muli %add3A_252, %mul3A_253 : i32
      %dma_start3A_255 = tpu.memref_slice %arg7[%mul3A_254] : memref<10112xi32, #tpu.memory_space<vmem>> -> memref<128xi32, #tpu.memory_space<vmem>>
      %dma_start3A_256 = arith.constant 0 : i32
      %dma_start3A_257 = arith.constant 0 : i32
      %dma_start3A_258 = tpu.memref_slice %arg2[%dma_start3A_256, %dma_start3A_257] : memref<10000x32xf32, #tpu.memory_space<hbm>> -> memref<10000x32xf32, #tpu.memory_space<hbm>>
      tpu.enqueue_indirect_dma source(%dma_start3A_258 : memref<10000x32xf32, #tpu.memory_space<hbm>>) target(%arg13 : memref<128x32xf32, #tpu.memory_space<vmem>>) offsets(%dma_start3A_255 : memref<128xi32, #tpu.memory_space<vmem>>) semaphore(%arg26 : memref<!tpu.dma_semaphore, #tpu.memory_space<semaphore_mem>>)
      %add3A_259 = arith.constant 5 : i32
      %add3A_260 = arith.addi %mul3A_218, %add3A_259 : i32
      %mul3A_261 = arith.constant 128 : i32
      %mul3A_262 = arith.muli %add3A_260, %mul3A_261 : i32
      %dma_start3A_263 = tpu.memref_slice %arg7[%mul3A_262] : memref<10112xi32, #tpu.memory_space<vmem>> -> memref<128xi32, #tpu.memory_space<vmem>>
      %dma_start3A_264 = arith.constant 0 : i32
      %dma_start3A_265 = arith.constant 0 : i32
      %dma_start3A_266 = tpu.memref_slice %arg2[%dma_start3A_264, %dma_start3A_265] : memref<10000x32xf32, #tpu.memory_space<hbm>> -> memref<10000x32xf32, #tpu.memory_space<hbm>>
      tpu.enqueue_indirect_dma source(%dma_start3A_266 : memref<10000x32xf32, #tpu.memory_space<hbm>>) target(%arg14 : memref<128x32xf32, #tpu.memory_space<vmem>>) offsets(%dma_start3A_263 : memref<128xi32, #tpu.memory_space<vmem>>) semaphore(%arg27 : memref<!tpu.dma_semaphore, #tpu.memory_space<semaphore_mem>>)
      %add3A_267 = arith.constant 6 : i32
      %add3A_268 = arith.addi %mul3A_218, %add3A_267 : i32
      %mul3A_269 = arith.constant 128 : i32
      %mul3A_270 = arith.muli %add3A_268, %mul3A_269 : i32
      %dma_start3A_271 = tpu.memref_slice %arg7[%mul3A_270] : memref<10112xi32, #tpu.memory_space<vmem>> -> memref<128xi32, #tpu.memory_space<vmem>>
      %dma_start3A_272 = arith.constant 0 : i32
      %dma_start3A_273 = arith.constant 0 : i32
      %dma_start3A_274 = tpu.memref_slice %arg2[%dma_start3A_272, %dma_start3A_273] : memref<10000x32xf32, #tpu.memory_space<hbm>> -> memref<10000x32xf32, #tpu.memory_space<hbm>>
      tpu.enqueue_indirect_dma source(%dma_start3A_274 : memref<10000x32xf32, #tpu.memory_space<hbm>>) target(%arg15 : memref<128x32xf32, #tpu.memory_space<vmem>>) offsets(%dma_start3A_271 : memref<128xi32, #tpu.memory_space<vmem>>) semaphore(%arg28 : memref<!tpu.dma_semaphore, #tpu.memory_space<semaphore_mem>>)
      %add3A_275 = arith.constant 7 : i32
      %add3A_276 = arith.addi %mul3A_218, %add3A_275 : i32
      %mul3A_277 = arith.constant 128 : i32
      %mul3A_278 = arith.muli %add3A_276, %mul3A_277 : i32
      %dma_start3A_279 = tpu.memref_slice %arg7[%mul3A_278] : memref<10112xi32, #tpu.memory_space<vmem>> -> memref<128xi32, #tpu.memory_space<vmem>>
      %dma_start3A_280 = arith.constant 0 : i32
      %dma_start3A_281 = arith.constant 0 : i32
      %dma_start3A_282 = tpu.memref_slice %arg2[%dma_start3A_280, %dma_start3A_281] : memref<10000x32xf32, #tpu.memory_space<hbm>> -> memref<10000x32xf32, #tpu.memory_space<hbm>>
      tpu.enqueue_indirect_dma source(%dma_start3A_282 : memref<10000x32xf32, #tpu.memory_space<hbm>>) target(%arg16 : memref<128x32xf32, #tpu.memory_space<vmem>>) offsets(%dma_start3A_279 : memref<128xi32, #tpu.memory_space<vmem>>) semaphore(%arg29 : memref<!tpu.dma_semaphore, #tpu.memory_space<semaphore_mem>>)
      %add3A_283 = arith.constant 8 : i32
      %add3A_284 = arith.addi %mul3A_218, %add3A_283 : i32
      %mul3A_285 = arith.constant 128 : i32
      %mul3A_286 = arith.muli %add3A_284, %mul3A_285 : i32
      %dma_start3A_287 = tpu.memref_slice %arg7[%mul3A_286] : memref<10112xi32, #tpu.memory_space<vmem>> -> memref<128xi32, #tpu.memory_space<vmem>>
      %dma_start3A_288 = arith.constant 0 : i32
      %dma_start3A_289 = arith.constant 0 : i32
      %dma_start3A_290 = tpu.memref_slice %arg2[%dma_start3A_288, %dma_start3A_289] : memref<10000x32xf32, #tpu.memory_space<hbm>> -> memref<10000x32xf32, #tpu.memory_space<hbm>>
      tpu.enqueue_indirect_dma source(%dma_start3A_290 : memref<10000x32xf32, #tpu.memory_space<hbm>>) target(%arg17 : memref<128x32xf32, #tpu.memory_space<vmem>>) offsets(%dma_start3A_287 : memref<128xi32, #tpu.memory_space<vmem>>) semaphore(%arg30 : memref<!tpu.dma_semaphore, #tpu.memory_space<semaphore_mem>>)
      %add3A_291 = arith.constant 9 : i32
      %add3A_292 = arith.addi %mul3A_218, %add3A_291 : i32
      %mul3A_293 = arith.constant 128 : i32
      %mul3A_294 = arith.muli %add3A_292, %mul3A_293 : i32
      %dma_start3A_295 = tpu.memref_slice %arg7[%mul3A_294] : memref<10112xi32, #tpu.memory_space<vmem>> -> memref<128xi32, #tpu.memory_space<vmem>>
      %dma_start3A_296 = arith.constant 0 : i32
      %dma_start3A_297 = arith.constant 0 : i32
      %dma_start3A_298 = tpu.memref_slice %arg2[%dma_start3A_296, %dma_start3A_297] : memref<10000x32xf32, #tpu.memory_space<hbm>> -> memref<10000x32xf32, #tpu.memory_space<hbm>>
      tpu.enqueue_indirect_dma source(%dma_start3A_298 : memref<10000x32xf32, #tpu.memory_space<hbm>>) target(%arg18 : memref<128x32xf32, #tpu.memory_space<vmem>>) offsets(%dma_start3A_295 : memref<128xi32, #tpu.memory_space<vmem>>) semaphore(%arg31 : memref<!tpu.dma_semaphore, #tpu.memory_space<semaphore_mem>>)
      %add3A_299 = arith.constant 10 : i32
      %add3A_300 = arith.addi %mul3A_218, %add3A_299 : i32
      %mul3A_301 = arith.constant 128 : i32
      %mul3A_302 = arith.muli %add3A_300, %mul3A_301 : i32
      %dma_start3A_303 = tpu.memref_slice %arg7[%mul3A_302] : memref<10112xi32, #tpu.memory_space<vmem>> -> memref<128xi32, #tpu.memory_space<vmem>>
      %dma_start3A_304 = arith.constant 0 : i32
      %dma_start3A_305 = arith.constant 0 : i32
      %dma_start3A_306 = tpu.memref_slice %arg2[%dma_start3A_304, %dma_start3A_305] : memref<10000x32xf32, #tpu.memory_space<hbm>> -> memref<10000x32xf32, #tpu.memory_space<hbm>>
      tpu.enqueue_indirect_dma source(%dma_start3A_306 : memref<10000x32xf32, #tpu.memory_space<hbm>>) target(%arg19 : memref<128x32xf32, #tpu.memory_space<vmem>>) offsets(%dma_start3A_303 : memref<128xi32, #tpu.memory_space<vmem>>) semaphore(%arg32 : memref<!tpu.dma_semaphore, #tpu.memory_space<semaphore_mem>>)
      %add3A_307 = arith.constant 11 : i32
      %add3A_308 = arith.addi %mul3A_218, %add3A_307 : i32
      %mul3A_309 = arith.constant 128 : i32
      %mul3A_310 = arith.muli %add3A_308, %mul3A_309 : i32
      %dma_start3A_311 = tpu.memref_slice %arg7[%mul3A_310] : memref<10112xi32, #tpu.memory_space<vmem>> -> memref<128xi32, #tpu.memory_space<vmem>>
      %dma_start3A_312 = arith.constant 0 : i32
      %dma_start3A_313 = arith.constant 0 : i32
      %dma_start3A_314 = tpu.memref_slice %arg2[%dma_start3A_312, %dma_start3A_313] : memref<10000x32xf32, #tpu.memory_space<hbm>> -> memref<10000x32xf32, #tpu.memory_space<hbm>>
      tpu.enqueue_indirect_dma source(%dma_start3A_314 : memref<10000x32xf32, #tpu.memory_space<hbm>>) target(%arg20 : memref<128x32xf32, #tpu.memory_space<vmem>>) offsets(%dma_start3A_311 : memref<128xi32, #tpu.memory_space<vmem>>) semaphore(%arg33 : memref<!tpu.dma_semaphore, #tpu.memory_space<semaphore_mem>>)
      %dma_wait3A_315 = tpu.memref_slice %arg7[%mul3A_222] : memref<10112xi32, #tpu.memory_space<vmem>> -> memref<128xi32, #tpu.memory_space<vmem>>
      %dma_wait3A_316 = arith.constant 0 : i32
      %dma_wait3A_317 = arith.constant 0 : i32
      %dma_wait3A_318 = tpu.memref_slice %arg2[%dma_wait3A_316, %dma_wait3A_317] : memref<10000x32xf32, #tpu.memory_space<hbm>> -> memref<10000x32xf32, #tpu.memory_space<hbm>>
      tpu.wait_indirect_dma semaphore(%arg22 : memref<!tpu.dma_semaphore, #tpu.memory_space<semaphore_mem>>) src(%dma_wait3A_318 : memref<10000x32xf32, #tpu.memory_space<hbm>>) dst(%arg9 : memref<128x32xf32, #tpu.memory_space<vmem>>)
      %add3A_319 = arith.constant 0 : i32
      %add3A_320 = arith.addi %mul3A_218, %add3A_319 : i32
      %dma_start3A_321 = arith.constant 0 : i32
      %dma_start3A_322 = tpu.memref_slice %arg8[%add3A_320, %dma_start3A_321] : memref<79x128xi32, #tpu.memory_space<vmem>> -> memref<1x128xi32, #tpu.memory_space<vmem>>
      %dma_start3A_323 = tpu.memref_squeeze %dma_start3A_322 : memref<1x128xi32, #tpu.memory_space<vmem>> -> memref<128xi32, #tpu.memory_space<vmem>>
      %dma_start3A_324 = arith.constant 0 : i32
      %dma_start3A_325 = arith.constant 0 : i32
      %dma_start3A_326 = tpu.memref_slice %arg21[%dma_start3A_324, %dma_start3A_325] : memref<10240x32xf32, #tpu.memory_space<vmem_shared>> -> memref<10240x32xf32, #tpu.memory_space<vmem_shared>>
      tpu.enqueue_indirect_dma source(%arg9 : memref<128x32xf32, #tpu.memory_space<vmem>>) target(%dma_start3A_326 : memref<10240x32xf32, #tpu.memory_space<vmem_shared>>) offsets(%dma_start3A_323 : memref<128xi32, #tpu.memory_space<vmem>>) semaphore(%arg34 : memref<!tpu.dma_semaphore, #tpu.memory_space<semaphore_mem>>) {add = true}
      %dma_wait3A_327 = tpu.memref_slice %arg7[%mul3A_230] : memref<10112xi32, #tpu.memory_space<vmem>> -> memref<128xi32, #tpu.memory_space<vmem>>
      %dma_wait3A_328 = arith.constant 0 : i32
      %dma_wait3A_329 = arith.constant 0 : i32
      %dma_wait3A_330 = tpu.memref_slice %arg2[%dma_wait3A_328, %dma_wait3A_329] : memref<10000x32xf32, #tpu.memory_space<hbm>> -> memref<10000x32xf32, #tpu.memory_space<hbm>>
      tpu.wait_indirect_dma semaphore(%arg23 : memref<!tpu.dma_semaphore, #tpu.memory_space<semaphore_mem>>) src(%dma_wait3A_330 : memref<10000x32xf32, #tpu.memory_space<hbm>>) dst(%arg10 : memref<128x32xf32, #tpu.memory_space<vmem>>)
      %add3A_331 = arith.constant 1 : i32
      %add3A_332 = arith.addi %mul3A_218, %add3A_331 : i32
      %dma_start3A_333 = arith.constant 0 : i32
      %dma_start3A_334 = tpu.memref_slice %arg8[%add3A_332, %dma_start3A_333] : memref<79x128xi32, #tpu.memory_space<vmem>> -> memref<1x128xi32, #tpu.memory_space<vmem>>
      %dma_start3A_335 = tpu.memref_squeeze %dma_start3A_334 : memref<1x128xi32, #tpu.memory_space<vmem>> -> memref<128xi32, #tpu.memory_space<vmem>>
      %dma_start3A_336 = arith.constant 0 : i32
      %dma_start3A_337 = arith.constant 0 : i32
      %dma_start3A_338 = tpu.memref_slice %arg21[%dma_start3A_336, %dma_start3A_337] : memref<10240x32xf32, #tpu.memory_space<vmem_shared>> -> memref<10240x32xf32, #tpu.memory_space<vmem_shared>>
      tpu.enqueue_indirect_dma source(%arg10 : memref<128x32xf32, #tpu.memory_space<vmem>>) target(%dma_start3A_338 : memref<10240x32xf32, #tpu.memory_space<vmem_shared>>) offsets(%dma_start3A_335 : memref<128xi32, #tpu.memory_space<vmem>>) semaphore(%arg35 : memref<!tpu.dma_semaphore, #tpu.memory_space<semaphore_mem>>) {add = true}
      %dma_wait3A_339 = tpu.memref_slice %arg7[%mul3A_238] : memref<10112xi32, #tpu.memory_space<vmem>> -> memref<128xi32, #tpu.memory_space<vmem>>
      %dma_wait3A_340 = arith.constant 0 : i32
      %dma_wait3A_341 = arith.constant 0 : i32
      %dma_wait3A_342 = tpu.memref_slice %arg2[%dma_wait3A_340, %dma_wait3A_341] : memref<10000x32xf32, #tpu.memory_space<hbm>> -> memref<10000x32xf32, #tpu.memory_space<hbm>>
      tpu.wait_indirect_dma semaphore(%arg24 : memref<!tpu.dma_semaphore, #tpu.memory_space<semaphore_mem>>) src(%dma_wait3A_342 : memref<10000x32xf32, #tpu.memory_space<hbm>>) dst(%arg11 : memref<128x32xf32, #tpu.memory_space<vmem>>)
      %add3A_343 = arith.constant 2 : i32
      %add3A_344 = arith.addi %mul3A_218, %add3A_343 : i32
      %dma_start3A_345 = arith.constant 0 : i32
      %dma_start3A_346 = tpu.memref_slice %arg8[%add3A_344, %dma_start3A_345] : memref<79x128xi32, #tpu.memory_space<vmem>> -> memref<1x128xi32, #tpu.memory_space<vmem>>
      %dma_start3A_347 = tpu.memref_squeeze %dma_start3A_346 : memref<1x128xi32, #tpu.memory_space<vmem>> -> memref<128xi32, #tpu.memory_space<vmem>>
      %dma_start3A_348 = arith.constant 0 : i32
      %dma_start3A_349 = arith.constant 0 : i32
      %dma_start3A_350 = tpu.memref_slice %arg21[%dma_start3A_348, %dma_start3A_349] : memref<10240x32xf32, #tpu.memory_space<vmem_shared>> -> memref<10240x32xf32, #tpu.memory_space<vmem_shared>>
      tpu.enqueue_indirect_dma source(%arg11 : memref<128x32xf32, #tpu.memory_space<vmem>>) target(%dma_start3A_350 : memref<10240x32xf32, #tpu.memory_space<vmem_shared>>) offsets(%dma_start3A_347 : memref<128xi32, #tpu.memory_space<vmem>>) semaphore(%arg36 : memref<!tpu.dma_semaphore, #tpu.memory_space<semaphore_mem>>) {add = true}
      %dma_wait3A_351 = tpu.memref_slice %arg7[%mul3A_246] : memref<10112xi32, #tpu.memory_space<vmem>> -> memref<128xi32, #tpu.memory_space<vmem>>
      %dma_wait3A_352 = arith.constant 0 : i32
      %dma_wait3A_353 = arith.constant 0 : i32
      %dma_wait3A_354 = tpu.memref_slice %arg2[%dma_wait3A_352, %dma_wait3A_353] : memref<10000x32xf32, #tpu.memory_space<hbm>> -> memref<10000x32xf32, #tpu.memory_space<hbm>>
      tpu.wait_indirect_dma semaphore(%arg25 : memref<!tpu.dma_semaphore, #tpu.memory_space<semaphore_mem>>) src(%dma_wait3A_354 : memref<10000x32xf32, #tpu.memory_space<hbm>>) dst(%arg12 : memref<128x32xf32, #tpu.memory_space<vmem>>)
      %add3A_355 = arith.constant 3 : i32
      %add3A_356 = arith.addi %mul3A_218, %add3A_355 : i32
      %dma_start3A_357 = arith.constant 0 : i32
      %dma_start3A_358 = tpu.memref_slice %arg8[%add3A_356, %dma_start3A_357] : memref<79x128xi32, #tpu.memory_space<vmem>> -> memref<1x128xi32, #tpu.memory_space<vmem>>
      %dma_start3A_359 = tpu.memref_squeeze %dma_start3A_358 : memref<1x128xi32, #tpu.memory_space<vmem>> -> memref<128xi32, #tpu.memory_space<vmem>>
      %dma_start3A_360 = arith.constant 0 : i32
      %dma_start3A_361 = arith.constant 0 : i32
      %dma_start3A_362 = tpu.memref_slice %arg21[%dma_start3A_360, %dma_start3A_361] : memref<10240x32xf32, #tpu.memory_space<vmem_shared>> -> memref<10240x32xf32, #tpu.memory_space<vmem_shared>>
      tpu.enqueue_indirect_dma source(%arg12 : memref<128x32xf32, #tpu.memory_space<vmem>>) target(%dma_start3A_362 : memref<10240x32xf32, #tpu.memory_space<vmem_shared>>) offsets(%dma_start3A_359 : memref<128xi32, #tpu.memory_space<vmem>>) semaphore(%arg37 : memref<!tpu.dma_semaphore, #tpu.memory_space<semaphore_mem>>) {add = true}
      %dma_wait3A_363 = tpu.memref_slice %arg7[%mul3A_254] : memref<10112xi32, #tpu.memory_space<vmem>> -> memref<128xi32, #tpu.memory_space<vmem>>
      %dma_wait3A_364 = arith.constant 0 : i32
      %dma_wait3A_365 = arith.constant 0 : i32
      %dma_wait3A_366 = tpu.memref_slice %arg2[%dma_wait3A_364, %dma_wait3A_365] : memref<10000x32xf32, #tpu.memory_space<hbm>> -> memref<10000x32xf32, #tpu.memory_space<hbm>>
      tpu.wait_indirect_dma semaphore(%arg26 : memref<!tpu.dma_semaphore, #tpu.memory_space<semaphore_mem>>) src(%dma_wait3A_366 : memref<10000x32xf32, #tpu.memory_space<hbm>>) dst(%arg13 : memref<128x32xf32, #tpu.memory_space<vmem>>)
      %add3A_367 = arith.constant 4 : i32
      %add3A_368 = arith.addi %mul3A_218, %add3A_367 : i32
      %dma_start3A_369 = arith.constant 0 : i32
      %dma_start3A_370 = tpu.memref_slice %arg8[%add3A_368, %dma_start3A_369] : memref<79x128xi32, #tpu.memory_space<vmem>> -> memref<1x128xi32, #tpu.memory_space<vmem>>
      %dma_start3A_371 = tpu.memref_squeeze %dma_start3A_370 : memref<1x128xi32, #tpu.memory_space<vmem>> -> memref<128xi32, #tpu.memory_space<vmem>>
      %dma_start3A_372 = arith.constant 0 : i32
      %dma_start3A_373 = arith.constant 0 : i32
      %dma_start3A_374 = tpu.memref_slice %arg21[%dma_start3A_372, %dma_start3A_373] : memref<10240x32xf32, #tpu.memory_space<vmem_shared>> -> memref<10240x32xf32, #tpu.memory_space<vmem_shared>>
      tpu.enqueue_indirect_dma source(%arg13 : memref<128x32xf32, #tpu.memory_space<vmem>>) target(%dma_start3A_374 : memref<10240x32xf32, #tpu.memory_space<vmem_shared>>) offsets(%dma_start3A_371 : memref<128xi32, #tpu.memory_space<vmem>>) semaphore(%arg38 : memref<!tpu.dma_semaphore, #tpu.memory_space<semaphore_mem>>) {add = true}
      %dma_wait3A_375 = tpu.memref_slice %arg7[%mul3A_262] : memref<10112xi32, #tpu.memory_space<vmem>> -> memref<128xi32, #tpu.memory_space<vmem>>
      %dma_wait3A_376 = arith.constant 0 : i32
      %dma_wait3A_377 = arith.constant 0 : i32
      %dma_wait3A_378 = tpu.memref_slice %arg2[%dma_wait3A_376, %dma_wait3A_377] : memref<10000x32xf32, #tpu.memory_space<hbm>> -> memref<10000x32xf32, #tpu.memory_space<hbm>>
      tpu.wait_indirect_dma semaphore(%arg27 : memref<!tpu.dma_semaphore, #tpu.memory_space<semaphore_mem>>) src(%dma_wait3A_378 : memref<10000x32xf32, #tpu.memory_space<hbm>>) dst(%arg14 : memref<128x32xf32, #tpu.memory_space<vmem>>)
      %add3A_379 = arith.constant 5 : i32
      %add3A_380 = arith.addi %mul3A_218, %add3A_379 : i32
      %dma_start3A_381 = arith.constant 0 : i32
      %dma_start3A_382 = tpu.memref_slice %arg8[%add3A_380, %dma_start3A_381] : memref<79x128xi32, #tpu.memory_space<vmem>> -> memref<1x128xi32, #tpu.memory_space<vmem>>
      %dma_start3A_383 = tpu.memref_squeeze %dma_start3A_382 : memref<1x128xi32, #tpu.memory_space<vmem>> -> memref<128xi32, #tpu.memory_space<vmem>>
      %dma_start3A_384 = arith.constant 0 : i32
      %dma_start3A_385 = arith.constant 0 : i32
      %dma_start3A_386 = tpu.memref_slice %arg21[%dma_start3A_384, %dma_start3A_385] : memref<10240x32xf32, #tpu.memory_space<vmem_shared>> -> memref<10240x32xf32, #tpu.memory_space<vmem_shared>>
      tpu.enqueue_indirect_dma source(%arg14 : memref<128x32xf32, #tpu.memory_space<vmem>>) target(%dma_start3A_386 : memref<10240x32xf32, #tpu.memory_space<vmem_shared>>) offsets(%dma_start3A_383 : memref<128xi32, #tpu.memory_space<vmem>>) semaphore(%arg39 : memref<!tpu.dma_semaphore, #tpu.memory_space<semaphore_mem>>) {add = true}
      %dma_wait3A_387 = tpu.memref_slice %arg7[%mul3A_270] : memref<10112xi32, #tpu.memory_space<vmem>> -> memref<128xi32, #tpu.memory_space<vmem>>
      %dma_wait3A_388 = arith.constant 0 : i32
      %dma_wait3A_389 = arith.constant 0 : i32
      %dma_wait3A_390 = tpu.memref_slice %arg2[%dma_wait3A_388, %dma_wait3A_389] : memref<10000x32xf32, #tpu.memory_space<hbm>> -> memref<10000x32xf32, #tpu.memory_space<hbm>>
      tpu.wait_indirect_dma semaphore(%arg28 : memref<!tpu.dma_semaphore, #tpu.memory_space<semaphore_mem>>) src(%dma_wait3A_390 : memref<10000x32xf32, #tpu.memory_space<hbm>>) dst(%arg15 : memref<128x32xf32, #tpu.memory_space<vmem>>)
      %add3A_391 = arith.constant 6 : i32
      %add3A_392 = arith.addi %mul3A_218, %add3A_391 : i32
      %dma_start3A_393 = arith.constant 0 : i32
      %dma_start3A_394 = tpu.memref_slice %arg8[%add3A_392, %dma_start3A_393] : memref<79x128xi32, #tpu.memory_space<vmem>> -> memref<1x128xi32, #tpu.memory_space<vmem>>
      %dma_start3A_395 = tpu.memref_squeeze %dma_start3A_394 : memref<1x128xi32, #tpu.memory_space<vmem>> -> memref<128xi32, #tpu.memory_space<vmem>>
      %dma_start3A_396 = arith.constant 0 : i32
      %dma_start3A_397 = arith.constant 0 : i32
      %dma_start3A_398 = tpu.memref_slice %arg21[%dma_start3A_396, %dma_start3A_397] : memref<10240x32xf32, #tpu.memory_space<vmem_shared>> -> memref<10240x32xf32, #tpu.memory_space<vmem_shared>>
      tpu.enqueue_indirect_dma source(%arg15 : memref<128x32xf32, #tpu.memory_space<vmem>>) target(%dma_start3A_398 : memref<10240x32xf32, #tpu.memory_space<vmem_shared>>) offsets(%dma_start3A_395 : memref<128xi32, #tpu.memory_space<vmem>>) semaphore(%arg40 : memref<!tpu.dma_semaphore, #tpu.memory_space<semaphore_mem>>) {add = true}
      %dma_wait3A_399 = tpu.memref_slice %arg7[%mul3A_278] : memref<10112xi32, #tpu.memory_space<vmem>> -> memref<128xi32, #tpu.memory_space<vmem>>
      %dma_wait3A_400 = arith.constant 0 : i32
      %dma_wait3A_401 = arith.constant 0 : i32
      %dma_wait3A_402 = tpu.memref_slice %arg2[%dma_wait3A_400, %dma_wait3A_401] : memref<10000x32xf32, #tpu.memory_space<hbm>> -> memref<10000x32xf32, #tpu.memory_space<hbm>>
      tpu.wait_indirect_dma semaphore(%arg29 : memref<!tpu.dma_semaphore, #tpu.memory_space<semaphore_mem>>) src(%dma_wait3A_402 : memref<10000x32xf32, #tpu.memory_space<hbm>>) dst(%arg16 : memref<128x32xf32, #tpu.memory_space<vmem>>)
      %add3A_403 = arith.constant 7 : i32
      %add3A_404 = arith.addi %mul3A_218, %add3A_403 : i32
      %dma_start3A_405 = arith.constant 0 : i32
      %dma_start3A_406 = tpu.memref_slice %arg8[%add3A_404, %dma_start3A_405] : memref<79x128xi32, #tpu.memory_space<vmem>> -> memref<1x128xi32, #tpu.memory_space<vmem>>
      %dma_start3A_407 = tpu.memref_squeeze %dma_start3A_406 : memref<1x128xi32, #tpu.memory_space<vmem>> -> memref<128xi32, #tpu.memory_space<vmem>>
      %dma_start3A_408 = arith.constant 0 : i32
      %dma_start3A_409 = arith.constant 0 : i32
      %dma_start3A_410 = tpu.memref_slice %arg21[%dma_start3A_408, %dma_start3A_409] : memref<10240x32xf32, #tpu.memory_space<vmem_shared>> -> memref<10240x32xf32, #tpu.memory_space<vmem_shared>>
      tpu.enqueue_indirect_dma source(%arg16 : memref<128x32xf32, #tpu.memory_space<vmem>>) target(%dma_start3A_410 : memref<10240x32xf32, #tpu.memory_space<vmem_shared>>) offsets(%dma_start3A_407 : memref<128xi32, #tpu.memory_space<vmem>>) semaphore(%arg41 : memref<!tpu.dma_semaphore, #tpu.memory_space<semaphore_mem>>) {add = true}
      %dma_wait3A_411 = tpu.memref_slice %arg7[%mul3A_286] : memref<10112xi32, #tpu.memory_space<vmem>> -> memref<128xi32, #tpu.memory_space<vmem>>
      %dma_wait3A_412 = arith.constant 0 : i32
      %dma_wait3A_413 = arith.constant 0 : i32
      %dma_wait3A_414 = tpu.memref_slice %arg2[%dma_wait3A_412, %dma_wait3A_413] : memref<10000x32xf32, #tpu.memory_space<hbm>> -> memref<10000x32xf32, #tpu.memory_space<hbm>>
      tpu.wait_indirect_dma semaphore(%arg30 : memref<!tpu.dma_semaphore, #tpu.memory_space<semaphore_mem>>) src(%dma_wait3A_414 : memref<10000x32xf32, #tpu.memory_space<hbm>>) dst(%arg17 : memref<128x32xf32, #tpu.memory_space<vmem>>)
      %add3A_415 = arith.constant 8 : i32
      %add3A_416 = arith.addi %mul3A_218, %add3A_415 : i32
      %dma_start3A_417 = arith.constant 0 : i32
      %dma_start3A_418 = tpu.memref_slice %arg8[%add3A_416, %dma_start3A_417] : memref<79x128xi32, #tpu.memory_space<vmem>> -> memref<1x128xi32, #tpu.memory_space<vmem>>
      %dma_start3A_419 = tpu.memref_squeeze %dma_start3A_418 : memref<1x128xi32, #tpu.memory_space<vmem>> -> memref<128xi32, #tpu.memory_space<vmem>>
      %dma_start3A_420 = arith.constant 0 : i32
      %dma_start3A_421 = arith.constant 0 : i32
      %dma_start3A_422 = tpu.memref_slice %arg21[%dma_start3A_420, %dma_start3A_421] : memref<10240x32xf32, #tpu.memory_space<vmem_shared>> -> memref<10240x32xf32, #tpu.memory_space<vmem_shared>>
      tpu.enqueue_indirect_dma source(%arg17 : memref<128x32xf32, #tpu.memory_space<vmem>>) target(%dma_start3A_422 : memref<10240x32xf32, #tpu.memory_space<vmem_shared>>) offsets(%dma_start3A_419 : memref<128xi32, #tpu.memory_space<vmem>>) semaphore(%arg42 : memref<!tpu.dma_semaphore, #tpu.memory_space<semaphore_mem>>) {add = true}
      %dma_wait3A_423 = tpu.memref_slice %arg7[%mul3A_294] : memref<10112xi32, #tpu.memory_space<vmem>> -> memref<128xi32, #tpu.memory_space<vmem>>
      %dma_wait3A_424 = arith.constant 0 : i32
      %dma_wait3A_425 = arith.constant 0 : i32
      %dma_wait3A_426 = tpu.memref_slice %arg2[%dma_wait3A_424, %dma_wait3A_425] : memref<10000x32xf32, #tpu.memory_space<hbm>> -> memref<10000x32xf32, #tpu.memory_space<hbm>>
      tpu.wait_indirect_dma semaphore(%arg31 : memref<!tpu.dma_semaphore, #tpu.memory_space<semaphore_mem>>) src(%dma_wait3A_426 : memref<10000x32xf32, #tpu.memory_space<hbm>>) dst(%arg18 : memref<128x32xf32, #tpu.memory_space<vmem>>)
      %add3A_427 = arith.constant 9 : i32
      %add3A_428 = arith.addi %mul3A_218, %add3A_427 : i32
      %dma_start3A_429 = arith.constant 0 : i32
      %dma_start3A_430 = tpu.memref_slice %arg8[%add3A_428, %dma_start3A_429] : memref<79x128xi32, #tpu.memory_space<vmem>> -> memref<1x128xi32, #tpu.memory_space<vmem>>
      %dma_start3A_431 = tpu.memref_squeeze %dma_start3A_430 : memref<1x128xi32, #tpu.memory_space<vmem>> -> memref<128xi32, #tpu.memory_space<vmem>>
      %dma_start3A_432 = arith.constant 0 : i32
      %dma_start3A_433 = arith.constant 0 : i32
      %dma_start3A_434 = tpu.memref_slice %arg21[%dma_start3A_432, %dma_start3A_433] : memref<10240x32xf32, #tpu.memory_space<vmem_shared>> -> memref<10240x32xf32, #tpu.memory_space<vmem_shared>>
      tpu.enqueue_indirect_dma source(%arg18 : memref<128x32xf32, #tpu.memory_space<vmem>>) target(%dma_start3A_434 : memref<10240x32xf32, #tpu.memory_space<vmem_shared>>) offsets(%dma_start3A_431 : memref<128xi32, #tpu.memory_space<vmem>>) semaphore(%arg43 : memref<!tpu.dma_semaphore, #tpu.memory_space<semaphore_mem>>) {add = true}
      %dma_wait3A_435 = tpu.memref_slice %arg7[%mul3A_302] : memref<10112xi32, #tpu.memory_space<vmem>> -> memref<128xi32, #tpu.memory_space<vmem>>
      %dma_wait3A_436 = arith.constant 0 : i32
      %dma_wait3A_437 = arith.constant 0 : i32
      %dma_wait3A_438 = tpu.memref_slice %arg2[%dma_wait3A_436, %dma_wait3A_437] : memref<10000x32xf32, #tpu.memory_space<hbm>> -> memref<10000x32xf32, #tpu.memory_space<hbm>>
      tpu.wait_indirect_dma semaphore(%arg32 : memref<!tpu.dma_semaphore, #tpu.memory_space<semaphore_mem>>) src(%dma_wait3A_438 : memref<10000x32xf32, #tpu.memory_space<hbm>>) dst(%arg19 : memref<128x32xf32, #tpu.memory_space<vmem>>)
      %add3A_439 = arith.constant 10 : i32
      %add3A_440 = arith.addi %mul3A_218, %add3A_439 : i32
      %dma_start3A_441 = arith.constant 0 : i32
      %dma_start3A_442 = tpu.memref_slice %arg8[%add3A_440, %dma_start3A_441] : memref<79x128xi32, #tpu.memory_space<vmem>> -> memref<1x128xi32, #tpu.memory_space<vmem>>
      %dma_start3A_443 = tpu.memref_squeeze %dma_start3A_442 : memref<1x128xi32, #tpu.memory_space<vmem>> -> memref<128xi32, #tpu.memory_space<vmem>>
      %dma_start3A_444 = arith.constant 0 : i32
      %dma_start3A_445 = arith.constant 0 : i32
      %dma_start3A_446 = tpu.memref_slice %arg21[%dma_start3A_444, %dma_start3A_445] : memref<10240x32xf32, #tpu.memory_space<vmem_shared>> -> memref<10240x32xf32, #tpu.memory_space<vmem_shared>>
      tpu.enqueue_indirect_dma source(%arg19 : memref<128x32xf32, #tpu.memory_space<vmem>>) target(%dma_start3A_446 : memref<10240x32xf32, #tpu.memory_space<vmem_shared>>) offsets(%dma_start3A_443 : memref<128xi32, #tpu.memory_space<vmem>>) semaphore(%arg44 : memref<!tpu.dma_semaphore, #tpu.memory_space<semaphore_mem>>) {add = true}
      %dma_wait3A_447 = tpu.memref_slice %arg7[%mul3A_310] : memref<10112xi32, #tpu.memory_space<vmem>> -> memref<128xi32, #tpu.memory_space<vmem>>
      %dma_wait3A_448 = arith.constant 0 : i32
      %dma_wait3A_449 = arith.constant 0 : i32
      %dma_wait3A_450 = tpu.memref_slice %arg2[%dma_wait3A_448, %dma_wait3A_449] : memref<10000x32xf32, #tpu.memory_space<hbm>> -> memref<10000x32xf32, #tpu.memory_space<hbm>>
      tpu.wait_indirect_dma semaphore(%arg33 : memref<!tpu.dma_semaphore, #tpu.memory_space<semaphore_mem>>) src(%dma_wait3A_450 : memref<10000x32xf32, #tpu.memory_space<hbm>>) dst(%arg20 : memref<128x32xf32, #tpu.memory_space<vmem>>)
      %add3A_451 = arith.constant 11 : i32
      %add3A_452 = arith.addi %mul3A_218, %add3A_451 : i32
      %dma_start3A_453 = arith.constant 0 : i32
      %dma_start3A_454 = tpu.memref_slice %arg8[%add3A_452, %dma_start3A_453] : memref<79x128xi32, #tpu.memory_space<vmem>> -> memref<1x128xi32, #tpu.memory_space<vmem>>
      %dma_start3A_455 = tpu.memref_squeeze %dma_start3A_454 : memref<1x128xi32, #tpu.memory_space<vmem>> -> memref<128xi32, #tpu.memory_space<vmem>>
      %dma_start3A_456 = arith.constant 0 : i32
      %dma_start3A_457 = arith.constant 0 : i32
      %dma_start3A_458 = tpu.memref_slice %arg21[%dma_start3A_456, %dma_start3A_457] : memref<10240x32xf32, #tpu.memory_space<vmem_shared>> -> memref<10240x32xf32, #tpu.memory_space<vmem_shared>>
      tpu.enqueue_indirect_dma source(%arg20 : memref<128x32xf32, #tpu.memory_space<vmem>>) target(%dma_start3A_458 : memref<10240x32xf32, #tpu.memory_space<vmem_shared>>) offsets(%dma_start3A_455 : memref<128xi32, #tpu.memory_space<vmem>>) semaphore(%arg45 : memref<!tpu.dma_semaphore, #tpu.memory_space<semaphore_mem>>) {add = true}
      %dma_wait3A_459 = arith.constant 0 : i32
      %dma_wait3A_460 = tpu.memref_slice %arg8[%add3A_320, %dma_wait3A_459] : memref<79x128xi32, #tpu.memory_space<vmem>> -> memref<1x128xi32, #tpu.memory_space<vmem>>
      %dma_wait3A_461 = tpu.memref_squeeze %dma_wait3A_460 : memref<1x128xi32, #tpu.memory_space<vmem>> -> memref<128xi32, #tpu.memory_space<vmem>>
      %dma_wait3A_462 = arith.constant 0 : i32
      %dma_wait3A_463 = arith.constant 0 : i32
      %dma_wait3A_464 = tpu.memref_slice %arg21[%dma_wait3A_462, %dma_wait3A_463] : memref<10240x32xf32, #tpu.memory_space<vmem_shared>> -> memref<10240x32xf32, #tpu.memory_space<vmem_shared>>
      tpu.wait_indirect_dma semaphore(%arg34 : memref<!tpu.dma_semaphore, #tpu.memory_space<semaphore_mem>>) src(%arg9 : memref<128x32xf32, #tpu.memory_space<vmem>>) dst(%dma_wait3A_464 : memref<10240x32xf32, #tpu.memory_space<vmem_shared>>)
      %dma_wait3A_465 = arith.constant 0 : i32
      %dma_wait3A_466 = tpu.memref_slice %arg8[%add3A_332, %dma_wait3A_465] : memref<79x128xi32, #tpu.memory_space<vmem>> -> memref<1x128xi32, #tpu.memory_space<vmem>>
      %dma_wait3A_467 = tpu.memref_squeeze %dma_wait3A_466 : memref<1x128xi32, #tpu.memory_space<vmem>> -> memref<128xi32, #tpu.memory_space<vmem>>
      %dma_wait3A_468 = arith.constant 0 : i32
      %dma_wait3A_469 = arith.constant 0 : i32
      %dma_wait3A_470 = tpu.memref_slice %arg21[%dma_wait3A_468, %dma_wait3A_469] : memref<10240x32xf32, #tpu.memory_space<vmem_shared>> -> memref<10240x32xf32, #tpu.memory_space<vmem_shared>>
      tpu.wait_indirect_dma semaphore(%arg35 : memref<!tpu.dma_semaphore, #tpu.memory_space<semaphore_mem>>) src(%arg10 : memref<128x32xf32, #tpu.memory_space<vmem>>) dst(%dma_wait3A_470 : memref<10240x32xf32, #tpu.memory_space<vmem_shared>>)
      %dma_wait3A_471 = arith.constant 0 : i32
      %dma_wait3A_472 = tpu.memref_slice %arg8[%add3A_344, %dma_wait3A_471] : memref<79x128xi32, #tpu.memory_space<vmem>> -> memref<1x128xi32, #tpu.memory_space<vmem>>
      %dma_wait3A_473 = tpu.memref_squeeze %dma_wait3A_472 : memref<1x128xi32, #tpu.memory_space<vmem>> -> memref<128xi32, #tpu.memory_space<vmem>>
      %dma_wait3A_474 = arith.constant 0 : i32
      %dma_wait3A_475 = arith.constant 0 : i32
      %dma_wait3A_476 = tpu.memref_slice %arg21[%dma_wait3A_474, %dma_wait3A_475] : memref<10240x32xf32, #tpu.memory_space<vmem_shared>> -> memref<10240x32xf32, #tpu.memory_space<vmem_shared>>
      tpu.wait_indirect_dma semaphore(%arg36 : memref<!tpu.dma_semaphore, #tpu.memory_space<semaphore_mem>>) src(%arg11 : memref<128x32xf32, #tpu.memory_space<vmem>>) dst(%dma_wait3A_476 : memref<10240x32xf32, #tpu.memory_space<vmem_shared>>)
      %dma_wait3A_477 = arith.constant 0 : i32
      %dma_wait3A_478 = tpu.memref_slice %arg8[%add3A_356, %dma_wait3A_477] : memref<79x128xi32, #tpu.memory_space<vmem>> -> memref<1x128xi32, #tpu.memory_space<vmem>>
      %dma_wait3A_479 = tpu.memref_squeeze %dma_wait3A_478 : memref<1x128xi32, #tpu.memory_space<vmem>> -> memref<128xi32, #tpu.memory_space<vmem>>
      %dma_wait3A_480 = arith.constant 0 : i32
      %dma_wait3A_481 = arith.constant 0 : i32
      %dma_wait3A_482 = tpu.memref_slice %arg21[%dma_wait3A_480, %dma_wait3A_481] : memref<10240x32xf32, #tpu.memory_space<vmem_shared>> -> memref<10240x32xf32, #tpu.memory_space<vmem_shared>>
      tpu.wait_indirect_dma semaphore(%arg37 : memref<!tpu.dma_semaphore, #tpu.memory_space<semaphore_mem>>) src(%arg12 : memref<128x32xf32, #tpu.memory_space<vmem>>) dst(%dma_wait3A_482 : memref<10240x32xf32, #tpu.memory_space<vmem_shared>>)
      %dma_wait3A_483 = arith.constant 0 : i32
      %dma_wait3A_484 = tpu.memref_slice %arg8[%add3A_368, %dma_wait3A_483] : memref<79x128xi32, #tpu.memory_space<vmem>> -> memref<1x128xi32, #tpu.memory_space<vmem>>
      %dma_wait3A_485 = tpu.memref_squeeze %dma_wait3A_484 : memref<1x128xi32, #tpu.memory_space<vmem>> -> memref<128xi32, #tpu.memory_space<vmem>>
      %dma_wait3A_486 = arith.constant 0 : i32
      %dma_wait3A_487 = arith.constant 0 : i32
      %dma_wait3A_488 = tpu.memref_slice %arg21[%dma_wait3A_486, %dma_wait3A_487] : memref<10240x32xf32, #tpu.memory_space<vmem_shared>> -> memref<10240x32xf32, #tpu.memory_space<vmem_shared>>
      tpu.wait_indirect_dma semaphore(%arg38 : memref<!tpu.dma_semaphore, #tpu.memory_space<semaphore_mem>>) src(%arg13 : memref<128x32xf32, #tpu.memory_space<vmem>>) dst(%dma_wait3A_488 : memref<10240x32xf32, #tpu.memory_space<vmem_shared>>)
      %dma_wait3A_489 = arith.constant 0 : i32
      %dma_wait3A_490 = tpu.memref_slice %arg8[%add3A_380, %dma_wait3A_489] : memref<79x128xi32, #tpu.memory_space<vmem>> -> memref<1x128xi32, #tpu.memory_space<vmem>>
      %dma_wait3A_491 = tpu.memref_squeeze %dma_wait3A_490 : memref<1x128xi32, #tpu.memory_space<vmem>> -> memref<128xi32, #tpu.memory_space<vmem>>
      %dma_wait3A_492 = arith.constant 0 : i32
      %dma_wait3A_493 = arith.constant 0 : i32
      %dma_wait3A_494 = tpu.memref_slice %arg21[%dma_wait3A_492, %dma_wait3A_493] : memref<10240x32xf32, #tpu.memory_space<vmem_shared>> -> memref<10240x32xf32, #tpu.memory_space<vmem_shared>>
      tpu.wait_indirect_dma semaphore(%arg39 : memref<!tpu.dma_semaphore, #tpu.memory_space<semaphore_mem>>) src(%arg14 : memref<128x32xf32, #tpu.memory_space<vmem>>) dst(%dma_wait3A_494 : memref<10240x32xf32, #tpu.memory_space<vmem_shared>>)
      %dma_wait3A_495 = arith.constant 0 : i32
      %dma_wait3A_496 = tpu.memref_slice %arg8[%add3A_392, %dma_wait3A_495] : memref<79x128xi32, #tpu.memory_space<vmem>> -> memref<1x128xi32, #tpu.memory_space<vmem>>
      %dma_wait3A_497 = tpu.memref_squeeze %dma_wait3A_496 : memref<1x128xi32, #tpu.memory_space<vmem>> -> memref<128xi32, #tpu.memory_space<vmem>>
      %dma_wait3A_498 = arith.constant 0 : i32
      %dma_wait3A_499 = arith.constant 0 : i32
      %dma_wait3A_500 = tpu.memref_slice %arg21[%dma_wait3A_498, %dma_wait3A_499] : memref<10240x32xf32, #tpu.memory_space<vmem_shared>> -> memref<10240x32xf32, #tpu.memory_space<vmem_shared>>
      tpu.wait_indirect_dma semaphore(%arg40 : memref<!tpu.dma_semaphore, #tpu.memory_space<semaphore_mem>>) src(%arg15 : memref<128x32xf32, #tpu.memory_space<vmem>>) dst(%dma_wait3A_500 : memref<10240x32xf32, #tpu.memory_space<vmem_shared>>)
      %dma_wait3A_501 = arith.constant 0 : i32
      %dma_wait3A_502 = tpu.memref_slice %arg8[%add3A_404, %dma_wait3A_501] : memref<79x128xi32, #tpu.memory_space<vmem>> -> memref<1x128xi32, #tpu.memory_space<vmem>>
      %dma_wait3A_503 = tpu.memref_squeeze %dma_wait3A_502 : memref<1x128xi32, #tpu.memory_space<vmem>> -> memref<128xi32, #tpu.memory_space<vmem>>
      %dma_wait3A_504 = arith.constant 0 : i32
      %dma_wait3A_505 = arith.constant 0 : i32
      %dma_wait3A_506 = tpu.memref_slice %arg21[%dma_wait3A_504, %dma_wait3A_505] : memref<10240x32xf32, #tpu.memory_space<vmem_shared>> -> memref<10240x32xf32, #tpu.memory_space<vmem_shared>>
      tpu.wait_indirect_dma semaphore(%arg41 : memref<!tpu.dma_semaphore, #tpu.memory_space<semaphore_mem>>) src(%arg16 : memref<128x32xf32, #tpu.memory_space<vmem>>) dst(%dma_wait3A_506 : memref<10240x32xf32, #tpu.memory_space<vmem_shared>>)
      %dma_wait3A_507 = arith.constant 0 : i32
      %dma_wait3A_508 = tpu.memref_slice %arg8[%add3A_416, %dma_wait3A_507] : memref<79x128xi32, #tpu.memory_space<vmem>> -> memref<1x128xi32, #tpu.memory_space<vmem>>
      %dma_wait3A_509 = tpu.memref_squeeze %dma_wait3A_508 : memref<1x128xi32, #tpu.memory_space<vmem>> -> memref<128xi32, #tpu.memory_space<vmem>>
      %dma_wait3A_510 = arith.constant 0 : i32
      %dma_wait3A_511 = arith.constant 0 : i32
      %dma_wait3A_512 = tpu.memref_slice %arg21[%dma_wait3A_510, %dma_wait3A_511] : memref<10240x32xf32, #tpu.memory_space<vmem_shared>> -> memref<10240x32xf32, #tpu.memory_space<vmem_shared>>
      tpu.wait_indirect_dma semaphore(%arg42 : memref<!tpu.dma_semaphore, #tpu.memory_space<semaphore_mem>>) src(%arg17 : memref<128x32xf32, #tpu.memory_space<vmem>>) dst(%dma_wait3A_512 : memref<10240x32xf32, #tpu.memory_space<vmem_shared>>)
      %dma_wait3A_513 = arith.constant 0 : i32
      %dma_wait3A_514 = tpu.memref_slice %arg8[%add3A_428, %dma_wait3A_513] : memref<79x128xi32, #tpu.memory_space<vmem>> -> memref<1x128xi32, #tpu.memory_space<vmem>>
      %dma_wait3A_515 = tpu.memref_squeeze %dma_wait3A_514 : memref<1x128xi32, #tpu.memory_space<vmem>> -> memref<128xi32, #tpu.memory_space<vmem>>
      %dma_wait3A_516 = arith.constant 0 : i32
      %dma_wait3A_517 = arith.constant 0 : i32
      %dma_wait3A_518 = tpu.memref_slice %arg21[%dma_wait3A_516, %dma_wait3A_517] : memref<10240x32xf32, #tpu.memory_space<vmem_shared>> -> memref<10240x32xf32, #tpu.memory_space<vmem_shared>>
      tpu.wait_indirect_dma semaphore(%arg43 : memref<!tpu.dma_semaphore, #tpu.memory_space<semaphore_mem>>) src(%arg18 : memref<128x32xf32, #tpu.memory_space<vmem>>) dst(%dma_wait3A_518 : memref<10240x32xf32, #tpu.memory_space<vmem_shared>>)
      %dma_wait3A_519 = arith.constant 0 : i32
      %dma_wait3A_520 = tpu.memref_slice %arg8[%add3A_440, %dma_wait3A_519] : memref<79x128xi32, #tpu.memory_space<vmem>> -> memref<1x128xi32, #tpu.memory_space<vmem>>
      %dma_wait3A_521 = tpu.memref_squeeze %dma_wait3A_520 : memref<1x128xi32, #tpu.memory_space<vmem>> -> memref<128xi32, #tpu.memory_space<vmem>>
      %dma_wait3A_522 = arith.constant 0 : i32
      %dma_wait3A_523 = arith.constant 0 : i32
      %dma_wait3A_524 = tpu.memref_slice %arg21[%dma_wait3A_522, %dma_wait3A_523] : memref<10240x32xf32, #tpu.memory_space<vmem_shared>> -> memref<10240x32xf32, #tpu.memory_space<vmem_shared>>
      tpu.wait_indirect_dma semaphore(%arg44 : memref<!tpu.dma_semaphore, #tpu.memory_space<semaphore_mem>>) src(%arg19 : memref<128x32xf32, #tpu.memory_space<vmem>>) dst(%dma_wait3A_524 : memref<10240x32xf32, #tpu.memory_space<vmem_shared>>)
      %dma_wait3A_525 = arith.constant 0 : i32
      %dma_wait3A_526 = tpu.memref_slice %arg8[%add3A_452, %dma_wait3A_525] : memref<79x128xi32, #tpu.memory_space<vmem>> -> memref<1x128xi32, #tpu.memory_space<vmem>>
      %dma_wait3A_527 = tpu.memref_squeeze %dma_wait3A_526 : memref<1x128xi32, #tpu.memory_space<vmem>> -> memref<128xi32, #tpu.memory_space<vmem>>
      %dma_wait3A_528 = arith.constant 0 : i32
      %dma_wait3A_529 = arith.constant 0 : i32
      %dma_wait3A_530 = tpu.memref_slice %arg21[%dma_wait3A_528, %dma_wait3A_529] : memref<10240x32xf32, #tpu.memory_space<vmem_shared>> -> memref<10240x32xf32, #tpu.memory_space<vmem_shared>>
      tpu.wait_indirect_dma semaphore(%arg45 : memref<!tpu.dma_semaphore, #tpu.memory_space<semaphore_mem>>) src(%arg20 : memref<128x32xf32, #tpu.memory_space<vmem>>) dst(%dma_wait3A_530 : memref<10240x32xf32, #tpu.memory_space<vmem_shared>>)
    }
    %scan3A_63 = arith.constant 6 : i32
    %dma_start3A_64 = arith.constant 9216 : i32
    %dma_start3A_65 = tpu.memref_slice %arg7[%dma_start3A_64] : memref<10112xi32, #tpu.memory_space<vmem>> -> memref<128xi32, #tpu.memory_space<vmem>>
    %dma_start3A_66 = arith.constant 0 : i32
    %dma_start3A_67 = arith.constant 0 : i32
    %dma_start3A_68 = tpu.memref_slice %arg2[%dma_start3A_66, %dma_start3A_67] : memref<10000x32xf32, #tpu.memory_space<hbm>> -> memref<10000x32xf32, #tpu.memory_space<hbm>>
    tpu.enqueue_indirect_dma source(%dma_start3A_68 : memref<10000x32xf32, #tpu.memory_space<hbm>>) target(%arg9 : memref<128x32xf32, #tpu.memory_space<vmem>>) offsets(%dma_start3A_65 : memref<128xi32, #tpu.memory_space<vmem>>) semaphore(%arg22 : memref<!tpu.dma_semaphore, #tpu.memory_space<semaphore_mem>>)
    %dma_start3A_69 = arith.constant 9344 : i32
    %dma_start3A_70 = tpu.memref_slice %arg7[%dma_start3A_69] : memref<10112xi32, #tpu.memory_space<vmem>> -> memref<128xi32, #tpu.memory_space<vmem>>
    %dma_start3A_71 = arith.constant 0 : i32
    %dma_start3A_72 = arith.constant 0 : i32
    %dma_start3A_73 = tpu.memref_slice %arg2[%dma_start3A_71, %dma_start3A_72] : memref<10000x32xf32, #tpu.memory_space<hbm>> -> memref<10000x32xf32, #tpu.memory_space<hbm>>
    tpu.enqueue_indirect_dma source(%dma_start3A_73 : memref<10000x32xf32, #tpu.memory_space<hbm>>) target(%arg10 : memref<128x32xf32, #tpu.memory_space<vmem>>) offsets(%dma_start3A_70 : memref<128xi32, #tpu.memory_space<vmem>>) semaphore(%arg23 : memref<!tpu.dma_semaphore, #tpu.memory_space<semaphore_mem>>)
    %dma_start3A_74 = arith.constant 9472 : i32
    %dma_start3A_75 = tpu.memref_slice %arg7[%dma_start3A_74] : memref<10112xi32, #tpu.memory_space<vmem>> -> memref<128xi32, #tpu.memory_space<vmem>>
    %dma_start3A_76 = arith.constant 0 : i32
    %dma_start3A_77 = arith.constant 0 : i32
    %dma_start3A_78 = tpu.memref_slice %arg2[%dma_start3A_76, %dma_start3A_77] : memref<10000x32xf32, #tpu.memory_space<hbm>> -> memref<10000x32xf32, #tpu.memory_space<hbm>>
    tpu.enqueue_indirect_dma source(%dma_start3A_78 : memref<10000x32xf32, #tpu.memory_space<hbm>>) target(%arg11 : memref<128x32xf32, #tpu.memory_space<vmem>>) offsets(%dma_start3A_75 : memref<128xi32, #tpu.memory_space<vmem>>) semaphore(%arg24 : memref<!tpu.dma_semaphore, #tpu.memory_space<semaphore_mem>>)
    %dma_start3A_79 = arith.constant 9600 : i32
    %dma_start3A_80 = tpu.memref_slice %arg7[%dma_start3A_79] : memref<10112xi32, #tpu.memory_space<vmem>> -> memref<128xi32, #tpu.memory_space<vmem>>
    %dma_start3A_81 = arith.constant 0 : i32
    %dma_start3A_82 = arith.constant 0 : i32
    %dma_start3A_83 = tpu.memref_slice %arg2[%dma_start3A_81, %dma_start3A_82] : memref<10000x32xf32, #tpu.memory_space<hbm>> -> memref<10000x32xf32, #tpu.memory_space<hbm>>
    tpu.enqueue_indirect_dma source(%dma_start3A_83 : memref<10000x32xf32, #tpu.memory_space<hbm>>) target(%arg12 : memref<128x32xf32, #tpu.memory_space<vmem>>) offsets(%dma_start3A_80 : memref<128xi32, #tpu.memory_space<vmem>>) semaphore(%arg25 : memref<!tpu.dma_semaphore, #tpu.memory_space<semaphore_mem>>)
    %dma_start3A_84 = arith.constant 9728 : i32
    %dma_start3A_85 = tpu.memref_slice %arg7[%dma_start3A_84] : memref<10112xi32, #tpu.memory_space<vmem>> -> memref<128xi32, #tpu.memory_space<vmem>>
    %dma_start3A_86 = arith.constant 0 : i32
    %dma_start3A_87 = arith.constant 0 : i32
    %dma_start3A_88 = tpu.memref_slice %arg2[%dma_start3A_86, %dma_start3A_87] : memref<10000x32xf32, #tpu.memory_space<hbm>> -> memref<10000x32xf32, #tpu.memory_space<hbm>>
    tpu.enqueue_indirect_dma source(%dma_start3A_88 : memref<10000x32xf32, #tpu.memory_space<hbm>>) target(%arg13 : memref<128x32xf32, #tpu.memory_space<vmem>>) offsets(%dma_start3A_85 : memref<128xi32, #tpu.memory_space<vmem>>) semaphore(%arg26 : memref<!tpu.dma_semaphore, #tpu.memory_space<semaphore_mem>>)
    %dma_start3A_89 = arith.constant 9856 : i32
    %dma_start3A_90 = tpu.memref_slice %arg7[%dma_start3A_89] : memref<10112xi32, #tpu.memory_space<vmem>> -> memref<128xi32, #tpu.memory_space<vmem>>
    %dma_start3A_91 = arith.constant 0 : i32
    %dma_start3A_92 = arith.constant 0 : i32
    %dma_start3A_93 = tpu.memref_slice %arg2[%dma_start3A_91, %dma_start3A_92] : memref<10000x32xf32, #tpu.memory_space<hbm>> -> memref<10000x32xf32, #tpu.memory_space<hbm>>
    tpu.enqueue_indirect_dma source(%dma_start3A_93 : memref<10000x32xf32, #tpu.memory_space<hbm>>) target(%arg14 : memref<128x32xf32, #tpu.memory_space<vmem>>) offsets(%dma_start3A_90 : memref<128xi32, #tpu.memory_space<vmem>>) semaphore(%arg27 : memref<!tpu.dma_semaphore, #tpu.memory_space<semaphore_mem>>)
    %dma_wait3A_94 = arith.constant 9216 : i32
    %dma_wait3A_95 = tpu.memref_slice %arg7[%dma_wait3A_94] : memref<10112xi32, #tpu.memory_space<vmem>> -> memref<128xi32, #tpu.memory_space<vmem>>
    %dma_wait3A_96 = arith.constant 0 : i32
    %dma_wait3A_97 = arith.constant 0 : i32
    %dma_wait3A_98 = tpu.memref_slice %arg2[%dma_wait3A_96, %dma_wait3A_97] : memref<10000x32xf32, #tpu.memory_space<hbm>> -> memref<10000x32xf32, #tpu.memory_space<hbm>>
    tpu.wait_indirect_dma semaphore(%arg22 : memref<!tpu.dma_semaphore, #tpu.memory_space<semaphore_mem>>) src(%dma_wait3A_98 : memref<10000x32xf32, #tpu.memory_space<hbm>>) dst(%arg9 : memref<128x32xf32, #tpu.memory_space<vmem>>)
    %dma_start3A_99 = arith.constant 72 : i32
    %dma_start3A_100 = arith.constant 0 : i32
    %dma_start3A_101 = tpu.memref_slice %arg8[%dma_start3A_99, %dma_start3A_100] : memref<79x128xi32, #tpu.memory_space<vmem>> -> memref<1x128xi32, #tpu.memory_space<vmem>>
    %dma_start3A_102 = tpu.memref_squeeze %dma_start3A_101 : memref<1x128xi32, #tpu.memory_space<vmem>> -> memref<128xi32, #tpu.memory_space<vmem>>
    %dma_start3A_103 = arith.constant 0 : i32
    %dma_start3A_104 = arith.constant 0 : i32
    %dma_start3A_105 = tpu.memref_slice %arg21[%dma_start3A_103, %dma_start3A_104] : memref<10240x32xf32, #tpu.memory_space<vmem_shared>> -> memref<10240x32xf32, #tpu.memory_space<vmem_shared>>
    tpu.enqueue_indirect_dma source(%arg9 : memref<128x32xf32, #tpu.memory_space<vmem>>) target(%dma_start3A_105 : memref<10240x32xf32, #tpu.memory_space<vmem_shared>>) offsets(%dma_start3A_102 : memref<128xi32, #tpu.memory_space<vmem>>) semaphore(%arg34 : memref<!tpu.dma_semaphore, #tpu.memory_space<semaphore_mem>>) {add = true}
    %dma_wait3A_106 = arith.constant 9344 : i32
    %dma_wait3A_107 = tpu.memref_slice %arg7[%dma_wait3A_106] : memref<10112xi32, #tpu.memory_space<vmem>> -> memref<128xi32, #tpu.memory_space<vmem>>
    %dma_wait3A_108 = arith.constant 0 : i32
    %dma_wait3A_109 = arith.constant 0 : i32
    %dma_wait3A_110 = tpu.memref_slice %arg2[%dma_wait3A_108, %dma_wait3A_109] : memref<10000x32xf32, #tpu.memory_space<hbm>> -> memref<10000x32xf32, #tpu.memory_space<hbm>>
    tpu.wait_indirect_dma semaphore(%arg23 : memref<!tpu.dma_semaphore, #tpu.memory_space<semaphore_mem>>) src(%dma_wait3A_110 : memref<10000x32xf32, #tpu.memory_space<hbm>>) dst(%arg10 : memref<128x32xf32, #tpu.memory_space<vmem>>)
    %dma_start3A_111 = arith.constant 73 : i32
    %dma_start3A_112 = arith.constant 0 : i32
    %dma_start3A_113 = tpu.memref_slice %arg8[%dma_start3A_111, %dma_start3A_112] : memref<79x128xi32, #tpu.memory_space<vmem>> -> memref<1x128xi32, #tpu.memory_space<vmem>>
    %dma_start3A_114 = tpu.memref_squeeze %dma_start3A_113 : memref<1x128xi32, #tpu.memory_space<vmem>> -> memref<128xi32, #tpu.memory_space<vmem>>
    %dma_start3A_115 = arith.constant 0 : i32
    %dma_start3A_116 = arith.constant 0 : i32
    %dma_start3A_117 = tpu.memref_slice %arg21[%dma_start3A_115, %dma_start3A_116] : memref<10240x32xf32, #tpu.memory_space<vmem_shared>> -> memref<10240x32xf32, #tpu.memory_space<vmem_shared>>
    tpu.enqueue_indirect_dma source(%arg10 : memref<128x32xf32, #tpu.memory_space<vmem>>) target(%dma_start3A_117 : memref<10240x32xf32, #tpu.memory_space<vmem_shared>>) offsets(%dma_start3A_114 : memref<128xi32, #tpu.memory_space<vmem>>) semaphore(%arg35 : memref<!tpu.dma_semaphore, #tpu.memory_space<semaphore_mem>>) {add = true}
    %dma_wait3A_118 = arith.constant 9472 : i32
    %dma_wait3A_119 = tpu.memref_slice %arg7[%dma_wait3A_118] : memref<10112xi32, #tpu.memory_space<vmem>> -> memref<128xi32, #tpu.memory_space<vmem>>
    %dma_wait3A_120 = arith.constant 0 : i32
    %dma_wait3A_121 = arith.constant 0 : i32
    %dma_wait3A_122 = tpu.memref_slice %arg2[%dma_wait3A_120, %dma_wait3A_121] : memref<10000x32xf32, #tpu.memory_space<hbm>> -> memref<10000x32xf32, #tpu.memory_space<hbm>>
    tpu.wait_indirect_dma semaphore(%arg24 : memref<!tpu.dma_semaphore, #tpu.memory_space<semaphore_mem>>) src(%dma_wait3A_122 : memref<10000x32xf32, #tpu.memory_space<hbm>>) dst(%arg11 : memref<128x32xf32, #tpu.memory_space<vmem>>)
    %dma_start3A_123 = arith.constant 74 : i32
    %dma_start3A_124 = arith.constant 0 : i32
    %dma_start3A_125 = tpu.memref_slice %arg8[%dma_start3A_123, %dma_start3A_124] : memref<79x128xi32, #tpu.memory_space<vmem>> -> memref<1x128xi32, #tpu.memory_space<vmem>>
    %dma_start3A_126 = tpu.memref_squeeze %dma_start3A_125 : memref<1x128xi32, #tpu.memory_space<vmem>> -> memref<128xi32, #tpu.memory_space<vmem>>
    %dma_start3A_127 = arith.constant 0 : i32
    %dma_start3A_128 = arith.constant 0 : i32
    %dma_start3A_129 = tpu.memref_slice %arg21[%dma_start3A_127, %dma_start3A_128] : memref<10240x32xf32, #tpu.memory_space<vmem_shared>> -> memref<10240x32xf32, #tpu.memory_space<vmem_shared>>
    tpu.enqueue_indirect_dma source(%arg11 : memref<128x32xf32, #tpu.memory_space<vmem>>) target(%dma_start3A_129 : memref<10240x32xf32, #tpu.memory_space<vmem_shared>>) offsets(%dma_start3A_126 : memref<128xi32, #tpu.memory_space<vmem>>) semaphore(%arg36 : memref<!tpu.dma_semaphore, #tpu.memory_space<semaphore_mem>>) {add = true}
    %dma_wait3A_130 = arith.constant 9600 : i32
    %dma_wait3A_131 = tpu.memref_slice %arg7[%dma_wait3A_130] : memref<10112xi32, #tpu.memory_space<vmem>> -> memref<128xi32, #tpu.memory_space<vmem>>
    %dma_wait3A_132 = arith.constant 0 : i32
    %dma_wait3A_133 = arith.constant 0 : i32
    %dma_wait3A_134 = tpu.memref_slice %arg2[%dma_wait3A_132, %dma_wait3A_133] : memref<10000x32xf32, #tpu.memory_space<hbm>> -> memref<10000x32xf32, #tpu.memory_space<hbm>>
    tpu.wait_indirect_dma semaphore(%arg25 : memref<!tpu.dma_semaphore, #tpu.memory_space<semaphore_mem>>) src(%dma_wait3A_134 : memref<10000x32xf32, #tpu.memory_space<hbm>>) dst(%arg12 : memref<128x32xf32, #tpu.memory_space<vmem>>)
    %dma_start3A_135 = arith.constant 75 : i32
    %dma_start3A_136 = arith.constant 0 : i32
    %dma_start3A_137 = tpu.memref_slice %arg8[%dma_start3A_135, %dma_start3A_136] : memref<79x128xi32, #tpu.memory_space<vmem>> -> memref<1x128xi32, #tpu.memory_space<vmem>>
    %dma_start3A_138 = tpu.memref_squeeze %dma_start3A_137 : memref<1x128xi32, #tpu.memory_space<vmem>> -> memref<128xi32, #tpu.memory_space<vmem>>
    %dma_start3A_139 = arith.constant 0 : i32
    %dma_start3A_140 = arith.constant 0 : i32
    %dma_start3A_141 = tpu.memref_slice %arg21[%dma_start3A_139, %dma_start3A_140] : memref<10240x32xf32, #tpu.memory_space<vmem_shared>> -> memref<10240x32xf32, #tpu.memory_space<vmem_shared>>
    tpu.enqueue_indirect_dma source(%arg12 : memref<128x32xf32, #tpu.memory_space<vmem>>) target(%dma_start3A_141 : memref<10240x32xf32, #tpu.memory_space<vmem_shared>>) offsets(%dma_start3A_138 : memref<128xi32, #tpu.memory_space<vmem>>) semaphore(%arg37 : memref<!tpu.dma_semaphore, #tpu.memory_space<semaphore_mem>>) {add = true}
    %dma_wait3A_142 = arith.constant 9728 : i32
    %dma_wait3A_143 = tpu.memref_slice %arg7[%dma_wait3A_142] : memref<10112xi32, #tpu.memory_space<vmem>> -> memref<128xi32, #tpu.memory_space<vmem>>
    %dma_wait3A_144 = arith.constant 0 : i32
    %dma_wait3A_145 = arith.constant 0 : i32
    %dma_wait3A_146 = tpu.memref_slice %arg2[%dma_wait3A_144, %dma_wait3A_145] : memref<10000x32xf32, #tpu.memory_space<hbm>> -> memref<10000x32xf32, #tpu.memory_space<hbm>>
    tpu.wait_indirect_dma semaphore(%arg26 : memref<!tpu.dma_semaphore, #tpu.memory_space<semaphore_mem>>) src(%dma_wait3A_146 : memref<10000x32xf32, #tpu.memory_space<hbm>>) dst(%arg13 : memref<128x32xf32, #tpu.memory_space<vmem>>)
    %dma_start3A_147 = arith.constant 76 : i32
    %dma_start3A_148 = arith.constant 0 : i32
    %dma_start3A_149 = tpu.memref_slice %arg8[%dma_start3A_147, %dma_start3A_148] : memref<79x128xi32, #tpu.memory_space<vmem>> -> memref<1x128xi32, #tpu.memory_space<vmem>>
    %dma_start3A_150 = tpu.memref_squeeze %dma_start3A_149 : memref<1x128xi32, #tpu.memory_space<vmem>> -> memref<128xi32, #tpu.memory_space<vmem>>
    %dma_start3A_151 = arith.constant 0 : i32
    %dma_start3A_152 = arith.constant 0 : i32
    %dma_start3A_153 = tpu.memref_slice %arg21[%dma_start3A_151, %dma_start3A_152] : memref<10240x32xf32, #tpu.memory_space<vmem_shared>> -> memref<10240x32xf32, #tpu.memory_space<vmem_shared>>
    tpu.enqueue_indirect_dma source(%arg13 : memref<128x32xf32, #tpu.memory_space<vmem>>) target(%dma_start3A_153 : memref<10240x32xf32, #tpu.memory_space<vmem_shared>>) offsets(%dma_start3A_150 : memref<128xi32, #tpu.memory_space<vmem>>) semaphore(%arg38 : memref<!tpu.dma_semaphore, #tpu.memory_space<semaphore_mem>>) {add = true}
    %dma_wait3A_154 = arith.constant 9856 : i32
    %dma_wait3A_155 = tpu.memref_slice %arg7[%dma_wait3A_154] : memref<10112xi32, #tpu.memory_space<vmem>> -> memref<128xi32, #tpu.memory_space<vmem>>
    %dma_wait3A_156 = arith.constant 0 : i32
    %dma_wait3A_157 = arith.constant 0 : i32
    %dma_wait3A_158 = tpu.memref_slice %arg2[%dma_wait3A_156, %dma_wait3A_157] : memref<10000x32xf32, #tpu.memory_space<hbm>> -> memref<10000x32xf32, #tpu.memory_space<hbm>>
    tpu.wait_indirect_dma semaphore(%arg27 : memref<!tpu.dma_semaphore, #tpu.memory_space<semaphore_mem>>) src(%dma_wait3A_158 : memref<10000x32xf32, #tpu.memory_space<hbm>>) dst(%arg14 : memref<128x32xf32, #tpu.memory_space<vmem>>)
    %dma_start3A_159 = arith.constant 77 : i32
    %dma_start3A_160 = arith.constant 0 : i32
    %dma_start3A_161 = tpu.memref_slice %arg8[%dma_start3A_159, %dma_start3A_160] : memref<79x128xi32, #tpu.memory_space<vmem>> -> memref<1x128xi32, #tpu.memory_space<vmem>>
    %dma_start3A_162 = tpu.memref_squeeze %dma_start3A_161 : memref<1x128xi32, #tpu.memory_space<vmem>> -> memref<128xi32, #tpu.memory_space<vmem>>
    %dma_start3A_163 = arith.constant 0 : i32
    %dma_start3A_164 = arith.constant 0 : i32
    %dma_start3A_165 = tpu.memref_slice %arg21[%dma_start3A_163, %dma_start3A_164] : memref<10240x32xf32, #tpu.memory_space<vmem_shared>> -> memref<10240x32xf32, #tpu.memory_space<vmem_shared>>
    tpu.enqueue_indirect_dma source(%arg14 : memref<128x32xf32, #tpu.memory_space<vmem>>) target(%dma_start3A_165 : memref<10240x32xf32, #tpu.memory_space<vmem_shared>>) offsets(%dma_start3A_162 : memref<128xi32, #tpu.memory_space<vmem>>) semaphore(%arg39 : memref<!tpu.dma_semaphore, #tpu.memory_space<semaphore_mem>>) {add = true}
    %dma_wait3A_166 = arith.constant 72 : i32
    %dma_wait3A_167 = arith.constant 0 : i32
    %dma_wait3A_168 = tpu.memref_slice %arg8[%dma_wait3A_166, %dma_wait3A_167] : memref<79x128xi32, #tpu.memory_space<vmem>> -> memref<1x128xi32, #tpu.memory_space<vmem>>
    %dma_wait3A_169 = tpu.memref_squeeze %dma_wait3A_168 : memref<1x128xi32, #tpu.memory_space<vmem>> -> memref<128xi32, #tpu.memory_space<vmem>>
    %dma_wait3A_170 = arith.constant 0 : i32
    %dma_wait3A_171 = arith.constant 0 : i32
    %dma_wait3A_172 = tpu.memref_slice %arg21[%dma_wait3A_170, %dma_wait3A_171] : memref<10240x32xf32, #tpu.memory_space<vmem_shared>> -> memref<10240x32xf32, #tpu.memory_space<vmem_shared>>
    tpu.wait_indirect_dma semaphore(%arg34 : memref<!tpu.dma_semaphore, #tpu.memory_space<semaphore_mem>>) src(%arg9 : memref<128x32xf32, #tpu.memory_space<vmem>>) dst(%dma_wait3A_172 : memref<10240x32xf32, #tpu.memory_space<vmem_shared>>)
    %dma_wait3A_173 = arith.constant 73 : i32
    %dma_wait3A_174 = arith.constant 0 : i32
    %dma_wait3A_175 = tpu.memref_slice %arg8[%dma_wait3A_173, %dma_wait3A_174] : memref<79x128xi32, #tpu.memory_space<vmem>> -> memref<1x128xi32, #tpu.memory_space<vmem>>
    %dma_wait3A_176 = tpu.memref_squeeze %dma_wait3A_175 : memref<1x128xi32, #tpu.memory_space<vmem>> -> memref<128xi32, #tpu.memory_space<vmem>>
    %dma_wait3A_177 = arith.constant 0 : i32
    %dma_wait3A_178 = arith.constant 0 : i32
    %dma_wait3A_179 = tpu.memref_slice %arg21[%dma_wait3A_177, %dma_wait3A_178] : memref<10240x32xf32, #tpu.memory_space<vmem_shared>> -> memref<10240x32xf32, #tpu.memory_space<vmem_shared>>
    tpu.wait_indirect_dma semaphore(%arg35 : memref<!tpu.dma_semaphore, #tpu.memory_space<semaphore_mem>>) src(%arg10 : memref<128x32xf32, #tpu.memory_space<vmem>>) dst(%dma_wait3A_179 : memref<10240x32xf32, #tpu.memory_space<vmem_shared>>)
    %dma_wait3A_180 = arith.constant 74 : i32
    %dma_wait3A_181 = arith.constant 0 : i32
    %dma_wait3A_182 = tpu.memref_slice %arg8[%dma_wait3A_180, %dma_wait3A_181] : memref<79x128xi32, #tpu.memory_space<vmem>> -> memref<1x128xi32, #tpu.memory_space<vmem>>
    %dma_wait3A_183 = tpu.memref_squeeze %dma_wait3A_182 : memref<1x128xi32, #tpu.memory_space<vmem>> -> memref<128xi32, #tpu.memory_space<vmem>>
    %dma_wait3A_184 = arith.constant 0 : i32
    %dma_wait3A_185 = arith.constant 0 : i32
    %dma_wait3A_186 = tpu.memref_slice %arg21[%dma_wait3A_184, %dma_wait3A_185] : memref<10240x32xf32, #tpu.memory_space<vmem_shared>> -> memref<10240x32xf32, #tpu.memory_space<vmem_shared>>
    tpu.wait_indirect_dma semaphore(%arg36 : memref<!tpu.dma_semaphore, #tpu.memory_space<semaphore_mem>>) src(%arg11 : memref<128x32xf32, #tpu.memory_space<vmem>>) dst(%dma_wait3A_186 : memref<10240x32xf32, #tpu.memory_space<vmem_shared>>)
    %dma_wait3A_187 = arith.constant 75 : i32
    %dma_wait3A_188 = arith.constant 0 : i32
    %dma_wait3A_189 = tpu.memref_slice %arg8[%dma_wait3A_187, %dma_wait3A_188] : memref<79x128xi32, #tpu.memory_space<vmem>> -> memref<1x128xi32, #tpu.memory_space<vmem>>
    %dma_wait3A_190 = tpu.memref_squeeze %dma_wait3A_189 : memref<1x128xi32, #tpu.memory_space<vmem>> -> memref<128xi32, #tpu.memory_space<vmem>>
    %dma_wait3A_191 = arith.constant 0 : i32
    %dma_wait3A_192 = arith.constant 0 : i32
    %dma_wait3A_193 = tpu.memref_slice %arg21[%dma_wait3A_191, %dma_wait3A_192] : memref<10240x32xf32, #tpu.memory_space<vmem_shared>> -> memref<10240x32xf32, #tpu.memory_space<vmem_shared>>
    tpu.wait_indirect_dma semaphore(%arg37 : memref<!tpu.dma_semaphore, #tpu.memory_space<semaphore_mem>>) src(%arg12 : memref<128x32xf32, #tpu.memory_space<vmem>>) dst(%dma_wait3A_193 : memref<10240x32xf32, #tpu.memory_space<vmem_shared>>)
    %dma_wait3A_194 = arith.constant 76 : i32
    %dma_wait3A_195 = arith.constant 0 : i32
    %dma_wait3A_196 = tpu.memref_slice %arg8[%dma_wait3A_194, %dma_wait3A_195] : memref<79x128xi32, #tpu.memory_space<vmem>> -> memref<1x128xi32, #tpu.memory_space<vmem>>
    %dma_wait3A_197 = tpu.memref_squeeze %dma_wait3A_196 : memref<1x128xi32, #tpu.memory_space<vmem>> -> memref<128xi32, #tpu.memory_space<vmem>>
    %dma_wait3A_198 = arith.constant 0 : i32
    %dma_wait3A_199 = arith.constant 0 : i32
    %dma_wait3A_200 = tpu.memref_slice %arg21[%dma_wait3A_198, %dma_wait3A_199] : memref<10240x32xf32, #tpu.memory_space<vmem_shared>> -> memref<10240x32xf32, #tpu.memory_space<vmem_shared>>
    tpu.wait_indirect_dma semaphore(%arg38 : memref<!tpu.dma_semaphore, #tpu.memory_space<semaphore_mem>>) src(%arg13 : memref<128x32xf32, #tpu.memory_space<vmem>>) dst(%dma_wait3A_200 : memref<10240x32xf32, #tpu.memory_space<vmem_shared>>)
    %dma_wait3A_201 = arith.constant 77 : i32
    %dma_wait3A_202 = arith.constant 0 : i32
    %dma_wait3A_203 = tpu.memref_slice %arg8[%dma_wait3A_201, %dma_wait3A_202] : memref<79x128xi32, #tpu.memory_space<vmem>> -> memref<1x128xi32, #tpu.memory_space<vmem>>
    %dma_wait3A_204 = tpu.memref_squeeze %dma_wait3A_203 : memref<1x128xi32, #tpu.memory_space<vmem>> -> memref<128xi32, #tpu.memory_space<vmem>>
    %dma_wait3A_205 = arith.constant 0 : i32
    %dma_wait3A_206 = arith.constant 0 : i32
    %dma_wait3A_207 = tpu.memref_slice %arg21[%dma_wait3A_205, %dma_wait3A_206] : memref<10240x32xf32, #tpu.memory_space<vmem_shared>> -> memref<10240x32xf32, #tpu.memory_space<vmem_shared>>
    tpu.wait_indirect_dma semaphore(%arg39 : memref<!tpu.dma_semaphore, #tpu.memory_space<semaphore_mem>>) src(%arg14 : memref<128x32xf32, #tpu.memory_space<vmem>>) dst(%dma_wait3A_207 : memref<10240x32xf32, #tpu.memory_space<vmem_shared>>)
    %convert_element_type3A_208 = arith.extui %lt3A_5 : i1 to i32
    %cond3A_209 = arith.constant 0 : i32
    %cond3A_210 = arith.cmpi ne, %convert_element_type3A_208, %cond3A_209 : i32
    scf.if %cond3A_210 {
      %dma_start3A_216 = arith.constant 9984 : i32
      %dma_start3A_217 = tpu.memref_slice %arg7[%dma_start3A_216] : memref<10112xi32, #tpu.memory_space<vmem>> -> memref<128xi32, #tpu.memory_space<vmem>>
      %dma_start3A_218 = arith.constant 0 : i32
      %dma_start3A_219 = arith.constant 0 : i32
      %dma_start3A_220 = tpu.memref_slice %arg2[%dma_start3A_218, %dma_start3A_219] : memref<10000x32xf32, #tpu.memory_space<hbm>> -> memref<10000x32xf32, #tpu.memory_space<hbm>>
      tpu.enqueue_indirect_dma source(%dma_start3A_220 : memref<10000x32xf32, #tpu.memory_space<hbm>>) target(%arg9 : memref<128x32xf32, #tpu.memory_space<vmem>>) offsets(%dma_start3A_217 : memref<128xi32, #tpu.memory_space<vmem>>) semaphore(%arg22 : memref<!tpu.dma_semaphore, #tpu.memory_space<semaphore_mem>>)
      %dma_wait3A_221 = arith.constant 9984 : i32
      %dma_wait3A_222 = tpu.memref_slice %arg7[%dma_wait3A_221] : memref<10112xi32, #tpu.memory_space<vmem>> -> memref<128xi32, #tpu.memory_space<vmem>>
      %dma_wait3A_223 = arith.constant 0 : i32
      %dma_wait3A_224 = arith.constant 0 : i32
      %dma_wait3A_225 = tpu.memref_slice %arg2[%dma_wait3A_223, %dma_wait3A_224] : memref<10000x32xf32, #tpu.memory_space<hbm>> -> memref<10000x32xf32, #tpu.memory_space<hbm>>
      tpu.wait_indirect_dma semaphore(%arg22 : memref<!tpu.dma_semaphore, #tpu.memory_space<semaphore_mem>>) src(%dma_wait3A_225 : memref<10000x32xf32, #tpu.memory_space<hbm>>) dst(%arg9 : memref<128x32xf32, #tpu.memory_space<vmem>>)
      %run_scoped3A = arith.constant 78 : i32
      "tpu.region"() ({
        %run_scoped3A_226 = tpu.sem_alloc : memref<!tpu.dma_semaphore, #tpu.memory_space<semaphore_mem>>
        %dma_start3A_227 = arith.constant 0 : i32
        %dma_start3A_228 = tpu.memref_slice %arg8[%run_scoped3A, %dma_start3A_227] : memref<79x128xi32, #tpu.memory_space<vmem>> -> memref<1x128xi32, #tpu.memory_space<vmem>>
        %dma_start3A_229 = tpu.memref_squeeze %dma_start3A_228 : memref<1x128xi32, #tpu.memory_space<vmem>> -> memref<128xi32, #tpu.memory_space<vmem>>
        %dma_start3A_230 = arith.constant 0 : i32
        %dma_start3A_231 = arith.constant 0 : i32
        %dma_start3A_232 = tpu.memref_slice %arg21[%dma_start3A_230, %dma_start3A_231] : memref<10240x32xf32, #tpu.memory_space<vmem_shared>> -> memref<10240x32xf32, #tpu.memory_space<vmem_shared>>
        tpu.enqueue_indirect_dma source(%arg9 : memref<128x32xf32, #tpu.memory_space<vmem>>) target(%dma_start3A_232 : memref<10240x32xf32, #tpu.memory_space<vmem_shared>>) offsets(%dma_start3A_229 : memref<128xi32, #tpu.memory_space<vmem>>) semaphore(%run_scoped3A_226 : memref<!tpu.dma_semaphore, #tpu.memory_space<semaphore_mem>>) {add = true}
        %dma_wait3A_233 = arith.constant 0 : i32
        %dma_wait3A_234 = tpu.memref_slice %arg8[%run_scoped3A, %dma_wait3A_233] : memref<79x128xi32, #tpu.memory_space<vmem>> -> memref<1x128xi32, #tpu.memory_space<vmem>>
        %dma_wait3A_235 = tpu.memref_squeeze %dma_wait3A_234 : memref<1x128xi32, #tpu.memory_space<vmem>> -> memref<128xi32, #tpu.memory_space<vmem>>
        %dma_wait3A_236 = arith.constant 0 : i32
        %dma_wait3A_237 = arith.constant 0 : i32
        %dma_wait3A_238 = tpu.memref_slice %arg21[%dma_wait3A_236, %dma_wait3A_237] : memref<10240x32xf32, #tpu.memory_space<vmem_shared>> -> memref<10240x32xf32, #tpu.memory_space<vmem_shared>>
        tpu.wait_indirect_dma semaphore(%run_scoped3A_226 : memref<!tpu.dma_semaphore, #tpu.memory_space<semaphore_mem>>) src(%arg9 : memref<128x32xf32, #tpu.memory_space<vmem>>) dst(%dma_wait3A_238 : memref<10240x32xf32, #tpu.memory_space<vmem_shared>>)
        tpu.yield
      }) : () -> ()
    } else {
    }
    %barrier3A_211 = arith.constant 0 : index
    tpu.barrier barrier_id(%barrier3A_211)
    %mul3A_212 = arith.constant 640 : i32
    %mul3A_213 = arith.muli %arg1, %mul3A_212 : i32
    %mul3A_214 = arith.constant 640 : i32
    %mul3A_215 = arith.muli %arg1, %mul3A_214 : i32
    "tpu.region"() ({
      %run_scoped3A = tpu.sem_alloc : memref<!tpu.dma_semaphore, #tpu.memory_space<semaphore_mem>>
      %dma_start3A_216 = arith.constant 0 : i32
      %dma_start3A_217 = tpu.memref_slice %arg6[%arg0, %mul3A_215, %dma_start3A_216] : memref<2x10240x32xf32, #tpu.memory_space<hbm>> -> memref<1x640x32xf32, #tpu.memory_space<hbm>>
      %dma_start3A_218 = tpu.memref_squeeze %dma_start3A_217 : memref<1x640x32xf32, #tpu.memory_space<hbm>> -> memref<640x32xf32, #tpu.memory_space<hbm>>
      %dma_start3A_219 = arith.constant 0 : i32
      %dma_start3A_220 = tpu.memref_slice %arg21[%mul3A_213, %dma_start3A_219] : memref<10240x32xf32, #tpu.memory_space<vmem_shared>> -> memref<640x32xf32, #tpu.memory_space<vmem_shared>>
      tpu.enqueue_dma source(%dma_start3A_220 : memref<640x32xf32, #tpu.memory_space<vmem_shared>>) target(%dma_start3A_218 : memref<640x32xf32, #tpu.memory_space<hbm>>) target_semaphore(%run_scoped3A : memref<!tpu.dma_semaphore, #tpu.memory_space<semaphore_mem>>)
      %dma_wait3A_221 = arith.constant 0 : i32
      %dma_wait3A_222 = tpu.memref_slice %arg6[%arg0, %mul3A_215, %dma_wait3A_221] : memref<2x10240x32xf32, #tpu.memory_space<hbm>> -> memref<1x640x32xf32, #tpu.memory_space<hbm>>
      %dma_wait3A_223 = tpu.memref_squeeze %dma_wait3A_222 : memref<1x640x32xf32, #tpu.memory_space<hbm>> -> memref<640x32xf32, #tpu.memory_space<hbm>>
      %dma_wait3A_224 = arith.constant 0 : i32
      %dma_wait3A_225 = tpu.memref_slice %arg21[%mul3A_213, %dma_wait3A_224] : memref<10240x32xf32, #tpu.memory_space<vmem_shared>> -> memref<640x32xf32, #tpu.memory_space<vmem_shared>>
      tpu.wait_dma2 semaphore(%run_scoped3A : memref<!tpu.dma_semaphore, #tpu.memory_space<semaphore_mem>>) src(%dma_wait3A_225 : memref<640x32xf32, #tpu.memory_space<vmem_shared>>) dst(%dma_wait3A_223 : memref<640x32xf32, #tpu.memory_space<hbm>>)
      tpu.yield
    }) : () -> ()
    return
  }
}

#map = affine_map<(d0, d1) -> (0, 0)>
#map1 = affine_map<(d0, d1) -> (0)>
module attributes {stable_mosaic.version = 14 : i64} {
  func.func @_sc_deg(%arg0: i32, %arg1: i32, %arg2: memref<2500x128xi32, #tpu.memory_space<hbm>>, %arg3: memref<128xf32, #tpu.memory_space<hbm>>, %arg4: memref<640xf32, #tpu.memory_space<hbm>>, %arg5: memref<2x10240xf32, #tpu.memory_space<hbm>>, %arg6: memref<79x128xi32, #tpu.memory_space<vmem>>, %arg7: memref<128xf32, #tpu.memory_space<vmem>>, %arg8: memref<640xf32, #tpu.memory_space<vmem>>, %arg9: memref<10240xf32, #tpu.memory_space<vmem_shared>>, %arg10: memref<!tpu.dma_semaphore, #tpu.memory_space<semaphore_mem>>, %arg11: memref<!tpu.dma_semaphore, #tpu.memory_space<semaphore_mem>>, %arg12: memref<!tpu.dma_semaphore, #tpu.memory_space<semaphore_mem>>, %arg13: memref<!tpu.dma_semaphore, #tpu.memory_space<semaphore_mem>>, %arg14: memref<!tpu.dma_semaphore, #tpu.memory_space<semaphore_mem>>, %arg15: memref<!tpu.dma_semaphore, #tpu.memory_space<semaphore_mem>>) attributes {dimension_semantics = [#tpu.dimension_semantics<core_parallel>, #tpu.dimension_semantics<subcore_parallel>], iteration_bounds = array<i64: 2, 16>, scalar_prefetch = 0 : i64, scratch_operands = 10 : i64, tpu.core_type = #tpu.core_type<sc_vector_subcore>, window_params = [{transform_indices = #map}, {transform_indices = #map1}, {transform_indices = #map1}, {transform_indices = #map}]} {
    %mul3A = arith.constant 2 : i32
    %mul3A_0 = arith.muli %arg1, %mul3A : i32
    %add3A = arith.addi %mul3A_0, %arg0 : i32
    %mul3A_1 = arith.constant 78 : i32
    %mul3A_2 = arith.muli %add3A, %mul3A_1 : i32
    %min3A = arith.constant 4 : i32
    %min3A_3 = arith.minsi %add3A, %min3A : i32
    %add3A_4 = arith.addi %mul3A_2, %min3A_3 : i32
    %lt3A = arith.constant 4 : i32
    %lt3A_5 = arith.cmpi slt, %add3A, %lt3A : i32
    "tpu.region"() ({
      %run_scoped3A = tpu.sem_alloc : memref<!tpu.dma_semaphore, #tpu.memory_space<semaphore_mem>>
      %dma_start3A = arith.constant 0 : i32
      %dma_start3A_22 = arith.constant 0 : i32
      %dma_start3A_23 = tpu.memref_slice %arg6[%dma_start3A, %dma_start3A_22] : memref<79x128xi32, #tpu.memory_space<vmem>> -> memref<78x128xi32, #tpu.memory_space<vmem>>
      %dma_start3A_24 = arith.constant 0 : i32
      %dma_start3A_25 = tpu.memref_slice %arg2[%add3A_4, %dma_start3A_24] : memref<2500x128xi32, #tpu.memory_space<hbm>> -> memref<78x128xi32, #tpu.memory_space<hbm>>
      %dma_start3A_26 = arith.constant 0 : i32
      %dma_start3A_27 = arith.constant 0 : i32
      %dma_start3A_28 = tpu.memref_slice %arg6[%dma_start3A_26, %dma_start3A_27] : memref<79x128xi32, #tpu.memory_space<vmem>> -> memref<78x128xi32, #tpu.memory_space<vmem>>
      %dma_start3A_29 = arith.constant 0 : i32
      %dma_start3A_30 = tpu.memref_slice %arg2[%add3A_4, %dma_start3A_29] : memref<2500x128xi32, #tpu.memory_space<hbm>> -> memref<78x128xi32, #tpu.memory_space<hbm>>
      tpu.enqueue_dma source(%dma_start3A_30 : memref<78x128xi32, #tpu.memory_space<hbm>>) target(%dma_start3A_28 : memref<78x128xi32, #tpu.memory_space<vmem>>) target_semaphore(%run_scoped3A : memref<!tpu.dma_semaphore, #tpu.memory_space<semaphore_mem>>)
      %dma_wait3A = arith.constant 0 : i32
      %dma_wait3A_31 = arith.constant 0 : i32
      %dma_wait3A_32 = tpu.memref_slice %arg6[%dma_wait3A, %dma_wait3A_31] : memref<79x128xi32, #tpu.memory_space<vmem>> -> memref<78x128xi32, #tpu.memory_space<vmem>>
      %dma_wait3A_33 = arith.constant 0 : i32
      %dma_wait3A_34 = tpu.memref_slice %arg2[%add3A_4, %dma_wait3A_33] : memref<2500x128xi32, #tpu.memory_space<hbm>> -> memref<78x128xi32, #tpu.memory_space<hbm>>
      %dma_wait3A_35 = arith.constant 0 : i32
      %dma_wait3A_36 = arith.constant 0 : i32
      %dma_wait3A_37 = tpu.memref_slice %arg6[%dma_wait3A_35, %dma_wait3A_36] : memref<79x128xi32, #tpu.memory_space<vmem>> -> memref<78x128xi32, #tpu.memory_space<vmem>>
      %dma_wait3A_38 = arith.constant 0 : i32
      %dma_wait3A_39 = tpu.memref_slice %arg2[%add3A_4, %dma_wait3A_38] : memref<2500x128xi32, #tpu.memory_space<hbm>> -> memref<78x128xi32, #tpu.memory_space<hbm>>
      tpu.wait_dma2 semaphore(%run_scoped3A : memref<!tpu.dma_semaphore, #tpu.memory_space<semaphore_mem>>) src(%dma_wait3A_39 : memref<78x128xi32, #tpu.memory_space<hbm>>) dst(%dma_wait3A_37 : memref<78x128xi32, #tpu.memory_space<vmem>>)
      tpu.yield
    }) : () -> ()
    %convert_element_type3A = arith.extui %lt3A_5 : i1 to i32
    %cond3A = arith.constant 0 : i32
    %cond3A_6 = arith.cmpi ne, %convert_element_type3A, %cond3A : i32
    scf.if %cond3A_6 {
      %add3A_22 = arith.constant 78 : i32
      %add3A_23 = arith.addi %add3A_4, %add3A_22 : i32
      "tpu.region"() ({
        %run_scoped3A = tpu.sem_alloc : memref<!tpu.dma_semaphore, #tpu.memory_space<semaphore_mem>>
        %dma_start3A = arith.constant 78 : i32
        %dma_start3A_24 = arith.constant 0 : i32
        %dma_start3A_25 = tpu.memref_slice %arg6[%dma_start3A, %dma_start3A_24] : memref<79x128xi32, #tpu.memory_space<vmem>> -> memref<1x128xi32, #tpu.memory_space<vmem>>
        %dma_start3A_26 = arith.constant 0 : i32
        %dma_start3A_27 = tpu.memref_slice %arg2[%add3A_23, %dma_start3A_26] : memref<2500x128xi32, #tpu.memory_space<hbm>> -> memref<1x128xi32, #tpu.memory_space<hbm>>
        %dma_start3A_28 = arith.constant 78 : i32
        %dma_start3A_29 = arith.constant 0 : i32
        %dma_start3A_30 = tpu.memref_slice %arg6[%dma_start3A_28, %dma_start3A_29] : memref<79x128xi32, #tpu.memory_space<vmem>> -> memref<1x128xi32, #tpu.memory_space<vmem>>
        %dma_start3A_31 = arith.constant 0 : i32
        %dma_start3A_32 = tpu.memref_slice %arg2[%add3A_23, %dma_start3A_31] : memref<2500x128xi32, #tpu.memory_space<hbm>> -> memref<1x128xi32, #tpu.memory_space<hbm>>
        tpu.enqueue_dma source(%dma_start3A_32 : memref<1x128xi32, #tpu.memory_space<hbm>>) target(%dma_start3A_30 : memref<1x128xi32, #tpu.memory_space<vmem>>) target_semaphore(%run_scoped3A : memref<!tpu.dma_semaphore, #tpu.memory_space<semaphore_mem>>)
        %dma_wait3A = arith.constant 78 : i32
        %dma_wait3A_33 = arith.constant 0 : i32
        %dma_wait3A_34 = tpu.memref_slice %arg6[%dma_wait3A, %dma_wait3A_33] : memref<79x128xi32, #tpu.memory_space<vmem>> -> memref<1x128xi32, #tpu.memory_space<vmem>>
        %dma_wait3A_35 = arith.constant 0 : i32
        %dma_wait3A_36 = tpu.memref_slice %arg2[%add3A_23, %dma_wait3A_35] : memref<2500x128xi32, #tpu.memory_space<hbm>> -> memref<1x128xi32, #tpu.memory_space<hbm>>
        %dma_wait3A_37 = arith.constant 78 : i32
        %dma_wait3A_38 = arith.constant 0 : i32
        %dma_wait3A_39 = tpu.memref_slice %arg6[%dma_wait3A_37, %dma_wait3A_38] : memref<79x128xi32, #tpu.memory_space<vmem>> -> memref<1x128xi32, #tpu.memory_space<vmem>>
        %dma_wait3A_40 = arith.constant 0 : i32
        %dma_wait3A_41 = tpu.memref_slice %arg2[%add3A_23, %dma_wait3A_40] : memref<2500x128xi32, #tpu.memory_space<hbm>> -> memref<1x128xi32, #tpu.memory_space<hbm>>
        tpu.wait_dma2 semaphore(%run_scoped3A : memref<!tpu.dma_semaphore, #tpu.memory_space<semaphore_mem>>) src(%dma_wait3A_41 : memref<1x128xi32, #tpu.memory_space<hbm>>) dst(%dma_wait3A_39 : memref<1x128xi32, #tpu.memory_space<vmem>>)
        tpu.yield
      }) : () -> ()
    } else {
    }
    "tpu.region"() ({
      %run_scoped3A = tpu.sem_alloc : memref<!tpu.dma_semaphore, #tpu.memory_space<semaphore_mem>>
      tpu.enqueue_dma source(%arg4 : memref<640xf32, #tpu.memory_space<hbm>>) target(%arg8 : memref<640xf32, #tpu.memory_space<vmem>>) target_semaphore(%run_scoped3A : memref<!tpu.dma_semaphore, #tpu.memory_space<semaphore_mem>>)
      tpu.wait_dma2 semaphore(%run_scoped3A : memref<!tpu.dma_semaphore, #tpu.memory_space<semaphore_mem>>) src(%arg4 : memref<640xf32, #tpu.memory_space<hbm>>) dst(%arg8 : memref<640xf32, #tpu.memory_space<vmem>>)
      tpu.yield
    }) : () -> ()
    %mul3A_7 = arith.constant 640 : i32
    %mul3A_8 = arith.muli %arg1, %mul3A_7 : i32
    "tpu.region"() ({
      %run_scoped3A = tpu.sem_alloc : memref<!tpu.dma_semaphore, #tpu.memory_space<semaphore_mem>>
      %dma_start3A = tpu.memref_slice %arg9[%mul3A_8] : memref<10240xf32, #tpu.memory_space<vmem_shared>> -> memref<640xf32, #tpu.memory_space<vmem_shared>>
      %dma_start3A_22 = tpu.memref_slice %arg9[%mul3A_8] : memref<10240xf32, #tpu.memory_space<vmem_shared>> -> memref<640xf32, #tpu.memory_space<vmem_shared>>
      tpu.enqueue_dma source(%arg8 : memref<640xf32, #tpu.memory_space<vmem>>) target(%dma_start3A_22 : memref<640xf32, #tpu.memory_space<vmem_shared>>) target_semaphore(%run_scoped3A : memref<!tpu.dma_semaphore, #tpu.memory_space<semaphore_mem>>)
      %dma_wait3A = tpu.memref_slice %arg9[%mul3A_8] : memref<10240xf32, #tpu.memory_space<vmem_shared>> -> memref<640xf32, #tpu.memory_space<vmem_shared>>
      %dma_wait3A_23 = tpu.memref_slice %arg9[%mul3A_8] : memref<10240xf32, #tpu.memory_space<vmem_shared>> -> memref<640xf32, #tpu.memory_space<vmem_shared>>
      tpu.wait_dma2 semaphore(%run_scoped3A : memref<!tpu.dma_semaphore, #tpu.memory_space<semaphore_mem>>) src(%arg8 : memref<640xf32, #tpu.memory_space<vmem>>) dst(%dma_wait3A_23 : memref<640xf32, #tpu.memory_space<vmem_shared>>)
      tpu.yield
    }) : () -> ()
    "tpu.region"() ({
      %run_scoped3A = tpu.sem_alloc : memref<!tpu.dma_semaphore, #tpu.memory_space<semaphore_mem>>
      tpu.enqueue_dma source(%arg3 : memref<128xf32, #tpu.memory_space<hbm>>) target(%arg7 : memref<128xf32, #tpu.memory_space<vmem>>) target_semaphore(%run_scoped3A : memref<!tpu.dma_semaphore, #tpu.memory_space<semaphore_mem>>)
      tpu.wait_dma2 semaphore(%run_scoped3A : memref<!tpu.dma_semaphore, #tpu.memory_space<semaphore_mem>>) src(%arg3 : memref<128xf32, #tpu.memory_space<hbm>>) dst(%arg7 : memref<128xf32, #tpu.memory_space<vmem>>)
      tpu.yield
    }) : () -> ()
    %barrier3A = arith.constant 0 : index
    tpu.barrier barrier_id(%barrier3A)
    %scan3A = arith.constant 0 : i32
    %scan3A_9 = arith.constant 0 : i32
    %scan3A_10 = arith.constant 13 : i32
    %scan3A_11 = arith.addi %scan3A_9, %scan3A_10 : i32
    %scan3A_12 = arith.constant 1 : i32
    scf.for %scan3A_22 = %scan3A_9 to %scan3A_11 step %scan3A_12  : i32 {
      %mul3A_23 = arith.constant 6 : i32
      %mul3A_24 = arith.muli %scan3A_22, %mul3A_23 : i32
      %add3A_25 = arith.constant 0 : i32
      %add3A_26 = arith.addi %mul3A_24, %add3A_25 : i32
      %dma_start3A = arith.constant 0 : i32
      %dma_start3A_27 = tpu.memref_slice %arg6[%add3A_26, %dma_start3A] : memref<79x128xi32, #tpu.memory_space<vmem>> -> memref<1x128xi32, #tpu.memory_space<vmem>>
      %dma_start3A_28 = tpu.memref_squeeze %dma_start3A_27 : memref<1x128xi32, #tpu.memory_space<vmem>> -> memref<128xi32, #tpu.memory_space<vmem>>
      %dma_start3A_29 = arith.constant 0 : i32
      %dma_start3A_30 = tpu.memref_slice %arg9[%dma_start3A_29] : memref<10240xf32, #tpu.memory_space<vmem_shared>> -> memref<10240xf32, #tpu.memory_space<vmem_shared>>
      tpu.enqueue_indirect_dma source(%arg7 : memref<128xf32, #tpu.memory_space<vmem>>) target(%dma_start3A_30 : memref<10240xf32, #tpu.memory_space<vmem_shared>>) offsets(%dma_start3A_28 : memref<128xi32, #tpu.memory_space<vmem>>) semaphore(%arg10 : memref<!tpu.dma_semaphore, #tpu.memory_space<semaphore_mem>>) {add = true}
      %add3A_31 = arith.constant 1 : i32
      %add3A_32 = arith.addi %mul3A_24, %add3A_31 : i32
      %dma_start3A_33 = arith.constant 0 : i32
      %dma_start3A_34 = tpu.memref_slice %arg6[%add3A_32, %dma_start3A_33] : memref<79x128xi32, #tpu.memory_space<vmem>> -> memref<1x128xi32, #tpu.memory_space<vmem>>
      %dma_start3A_35 = tpu.memref_squeeze %dma_start3A_34 : memref<1x128xi32, #tpu.memory_space<vmem>> -> memref<128xi32, #tpu.memory_space<vmem>>
      %dma_start3A_36 = arith.constant 0 : i32
      %dma_start3A_37 = tpu.memref_slice %arg9[%dma_start3A_36] : memref<10240xf32, #tpu.memory_space<vmem_shared>> -> memref<10240xf32, #tpu.memory_space<vmem_shared>>
      tpu.enqueue_indirect_dma source(%arg7 : memref<128xf32, #tpu.memory_space<vmem>>) target(%dma_start3A_37 : memref<10240xf32, #tpu.memory_space<vmem_shared>>) offsets(%dma_start3A_35 : memref<128xi32, #tpu.memory_space<vmem>>) semaphore(%arg11 : memref<!tpu.dma_semaphore, #tpu.memory_space<semaphore_mem>>) {add = true}
      %add3A_38 = arith.constant 2 : i32
      %add3A_39 = arith.addi %mul3A_24, %add3A_38 : i32
      %dma_start3A_40 = arith.constant 0 : i32
      %dma_start3A_41 = tpu.memref_slice %arg6[%add3A_39, %dma_start3A_40] : memref<79x128xi32, #tpu.memory_space<vmem>> -> memref<1x128xi32, #tpu.memory_space<vmem>>
      %dma_start3A_42 = tpu.memref_squeeze %dma_start3A_41 : memref<1x128xi32, #tpu.memory_space<vmem>> -> memref<128xi32, #tpu.memory_space<vmem>>
      %dma_start3A_43 = arith.constant 0 : i32
      %dma_start3A_44 = tpu.memref_slice %arg9[%dma_start3A_43] : memref<10240xf32, #tpu.memory_space<vmem_shared>> -> memref<10240xf32, #tpu.memory_space<vmem_shared>>
      tpu.enqueue_indirect_dma source(%arg7 : memref<128xf32, #tpu.memory_space<vmem>>) target(%dma_start3A_44 : memref<10240xf32, #tpu.memory_space<vmem_shared>>) offsets(%dma_start3A_42 : memref<128xi32, #tpu.memory_space<vmem>>) semaphore(%arg12 : memref<!tpu.dma_semaphore, #tpu.memory_space<semaphore_mem>>) {add = true}
      %add3A_45 = arith.constant 3 : i32
      %add3A_46 = arith.addi %mul3A_24, %add3A_45 : i32
      %dma_start3A_47 = arith.constant 0 : i32
      %dma_start3A_48 = tpu.memref_slice %arg6[%add3A_46, %dma_start3A_47] : memref<79x128xi32, #tpu.memory_space<vmem>> -> memref<1x128xi32, #tpu.memory_space<vmem>>
      %dma_start3A_49 = tpu.memref_squeeze %dma_start3A_48 : memref<1x128xi32, #tpu.memory_space<vmem>> -> memref<128xi32, #tpu.memory_space<vmem>>
      %dma_start3A_50 = arith.constant 0 : i32
      %dma_start3A_51 = tpu.memref_slice %arg9[%dma_start3A_50] : memref<10240xf32, #tpu.memory_space<vmem_shared>> -> memref<10240xf32, #tpu.memory_space<vmem_shared>>
      tpu.enqueue_indirect_dma source(%arg7 : memref<128xf32, #tpu.memory_space<vmem>>) target(%dma_start3A_51 : memref<10240xf32, #tpu.memory_space<vmem_shared>>) offsets(%dma_start3A_49 : memref<128xi32, #tpu.memory_space<vmem>>) semaphore(%arg13 : memref<!tpu.dma_semaphore, #tpu.memory_space<semaphore_mem>>) {add = true}
      %add3A_52 = arith.constant 4 : i32
      %add3A_53 = arith.addi %mul3A_24, %add3A_52 : i32
      %dma_start3A_54 = arith.constant 0 : i32
      %dma_start3A_55 = tpu.memref_slice %arg6[%add3A_53, %dma_start3A_54] : memref<79x128xi32, #tpu.memory_space<vmem>> -> memref<1x128xi32, #tpu.memory_space<vmem>>
      %dma_start3A_56 = tpu.memref_squeeze %dma_start3A_55 : memref<1x128xi32, #tpu.memory_space<vmem>> -> memref<128xi32, #tpu.memory_space<vmem>>
      %dma_start3A_57 = arith.constant 0 : i32
      %dma_start3A_58 = tpu.memref_slice %arg9[%dma_start3A_57] : memref<10240xf32, #tpu.memory_space<vmem_shared>> -> memref<10240xf32, #tpu.memory_space<vmem_shared>>
      tpu.enqueue_indirect_dma source(%arg7 : memref<128xf32, #tpu.memory_space<vmem>>) target(%dma_start3A_58 : memref<10240xf32, #tpu.memory_space<vmem_shared>>) offsets(%dma_start3A_56 : memref<128xi32, #tpu.memory_space<vmem>>) semaphore(%arg14 : memref<!tpu.dma_semaphore, #tpu.memory_space<semaphore_mem>>) {add = true}
      %add3A_59 = arith.constant 5 : i32
      %add3A_60 = arith.addi %mul3A_24, %add3A_59 : i32
      %dma_start3A_61 = arith.constant 0 : i32
      %dma_start3A_62 = tpu.memref_slice %arg6[%add3A_60, %dma_start3A_61] : memref<79x128xi32, #tpu.memory_space<vmem>> -> memref<1x128xi32, #tpu.memory_space<vmem>>
      %dma_start3A_63 = tpu.memref_squeeze %dma_start3A_62 : memref<1x128xi32, #tpu.memory_space<vmem>> -> memref<128xi32, #tpu.memory_space<vmem>>
      %dma_start3A_64 = arith.constant 0 : i32
      %dma_start3A_65 = tpu.memref_slice %arg9[%dma_start3A_64] : memref<10240xf32, #tpu.memory_space<vmem_shared>> -> memref<10240xf32, #tpu.memory_space<vmem_shared>>
      tpu.enqueue_indirect_dma source(%arg7 : memref<128xf32, #tpu.memory_space<vmem>>) target(%dma_start3A_65 : memref<10240xf32, #tpu.memory_space<vmem_shared>>) offsets(%dma_start3A_63 : memref<128xi32, #tpu.memory_space<vmem>>) semaphore(%arg15 : memref<!tpu.dma_semaphore, #tpu.memory_space<semaphore_mem>>) {add = true}
      %dma_wait3A = arith.constant 0 : i32
      %dma_wait3A_66 = tpu.memref_slice %arg6[%add3A_26, %dma_wait3A] : memref<79x128xi32, #tpu.memory_space<vmem>> -> memref<1x128xi32, #tpu.memory_space<vmem>>
      %dma_wait3A_67 = tpu.memref_squeeze %dma_wait3A_66 : memref<1x128xi32, #tpu.memory_space<vmem>> -> memref<128xi32, #tpu.memory_space<vmem>>
      %dma_wait3A_68 = arith.constant 0 : i32
      %dma_wait3A_69 = tpu.memref_slice %arg9[%dma_wait3A_68] : memref<10240xf32, #tpu.memory_space<vmem_shared>> -> memref<10240xf32, #tpu.memory_space<vmem_shared>>
      tpu.wait_indirect_dma semaphore(%arg10 : memref<!tpu.dma_semaphore, #tpu.memory_space<semaphore_mem>>) src(%arg7 : memref<128xf32, #tpu.memory_space<vmem>>) dst(%dma_wait3A_69 : memref<10240xf32, #tpu.memory_space<vmem_shared>>)
      %dma_wait3A_70 = arith.constant 0 : i32
      %dma_wait3A_71 = tpu.memref_slice %arg6[%add3A_32, %dma_wait3A_70] : memref<79x128xi32, #tpu.memory_space<vmem>> -> memref<1x128xi32, #tpu.memory_space<vmem>>
      %dma_wait3A_72 = tpu.memref_squeeze %dma_wait3A_71 : memref<1x128xi32, #tpu.memory_space<vmem>> -> memref<128xi32, #tpu.memory_space<vmem>>
      %dma_wait3A_73 = arith.constant 0 : i32
      %dma_wait3A_74 = tpu.memref_slice %arg9[%dma_wait3A_73] : memref<10240xf32, #tpu.memory_space<vmem_shared>> -> memref<10240xf32, #tpu.memory_space<vmem_shared>>
      tpu.wait_indirect_dma semaphore(%arg11 : memref<!tpu.dma_semaphore, #tpu.memory_space<semaphore_mem>>) src(%arg7 : memref<128xf32, #tpu.memory_space<vmem>>) dst(%dma_wait3A_74 : memref<10240xf32, #tpu.memory_space<vmem_shared>>)
      %dma_wait3A_75 = arith.constant 0 : i32
      %dma_wait3A_76 = tpu.memref_slice %arg6[%add3A_39, %dma_wait3A_75] : memref<79x128xi32, #tpu.memory_space<vmem>> -> memref<1x128xi32, #tpu.memory_space<vmem>>
      %dma_wait3A_77 = tpu.memref_squeeze %dma_wait3A_76 : memref<1x128xi32, #tpu.memory_space<vmem>> -> memref<128xi32, #tpu.memory_space<vmem>>
      %dma_wait3A_78 = arith.constant 0 : i32
      %dma_wait3A_79 = tpu.memref_slice %arg9[%dma_wait3A_78] : memref<10240xf32, #tpu.memory_space<vmem_shared>> -> memref<10240xf32, #tpu.memory_space<vmem_shared>>
      tpu.wait_indirect_dma semaphore(%arg12 : memref<!tpu.dma_semaphore, #tpu.memory_space<semaphore_mem>>) src(%arg7 : memref<128xf32, #tpu.memory_space<vmem>>) dst(%dma_wait3A_79 : memref<10240xf32, #tpu.memory_space<vmem_shared>>)
      %dma_wait3A_80 = arith.constant 0 : i32
      %dma_wait3A_81 = tpu.memref_slice %arg6[%add3A_46, %dma_wait3A_80] : memref<79x128xi32, #tpu.memory_space<vmem>> -> memref<1x128xi32, #tpu.memory_space<vmem>>
      %dma_wait3A_82 = tpu.memref_squeeze %dma_wait3A_81 : memref<1x128xi32, #tpu.memory_space<vmem>> -> memref<128xi32, #tpu.memory_space<vmem>>
      %dma_wait3A_83 = arith.constant 0 : i32
      %dma_wait3A_84 = tpu.memref_slice %arg9[%dma_wait3A_83] : memref<10240xf32, #tpu.memory_space<vmem_shared>> -> memref<10240xf32, #tpu.memory_space<vmem_shared>>
      tpu.wait_indirect_dma semaphore(%arg13 : memref<!tpu.dma_semaphore, #tpu.memory_space<semaphore_mem>>) src(%arg7 : memref<128xf32, #tpu.memory_space<vmem>>) dst(%dma_wait3A_84 : memref<10240xf32, #tpu.memory_space<vmem_shared>>)
      %dma_wait3A_85 = arith.constant 0 : i32
      %dma_wait3A_86 = tpu.memref_slice %arg6[%add3A_53, %dma_wait3A_85] : memref<79x128xi32, #tpu.memory_space<vmem>> -> memref<1x128xi32, #tpu.memory_space<vmem>>
      %dma_wait3A_87 = tpu.memref_squeeze %dma_wait3A_86 : memref<1x128xi32, #tpu.memory_space<vmem>> -> memref<128xi32, #tpu.memory_space<vmem>>
      %dma_wait3A_88 = arith.constant 0 : i32
      %dma_wait3A_89 = tpu.memref_slice %arg9[%dma_wait3A_88] : memref<10240xf32, #tpu.memory_space<vmem_shared>> -> memref<10240xf32, #tpu.memory_space<vmem_shared>>
      tpu.wait_indirect_dma semaphore(%arg14 : memref<!tpu.dma_semaphore, #tpu.memory_space<semaphore_mem>>) src(%arg7 : memref<128xf32, #tpu.memory_space<vmem>>) dst(%dma_wait3A_89 : memref<10240xf32, #tpu.memory_space<vmem_shared>>)
      %dma_wait3A_90 = arith.constant 0 : i32
      %dma_wait3A_91 = tpu.memref_slice %arg6[%add3A_60, %dma_wait3A_90] : memref<79x128xi32, #tpu.memory_space<vmem>> -> memref<1x128xi32, #tpu.memory_space<vmem>>
      %dma_wait3A_92 = tpu.memref_squeeze %dma_wait3A_91 : memref<1x128xi32, #tpu.memory_space<vmem>> -> memref<128xi32, #tpu.memory_space<vmem>>
      %dma_wait3A_93 = arith.constant 0 : i32
      %dma_wait3A_94 = tpu.memref_slice %arg9[%dma_wait3A_93] : memref<10240xf32, #tpu.memory_space<vmem_shared>> -> memref<10240xf32, #tpu.memory_space<vmem_shared>>
      tpu.wait_indirect_dma semaphore(%arg15 : memref<!tpu.dma_semaphore, #tpu.memory_space<semaphore_mem>>) src(%arg7 : memref<128xf32, #tpu.memory_space<vmem>>) dst(%dma_wait3A_94 : memref<10240xf32, #tpu.memory_space<vmem_shared>>)
    }
    %scan3A_13 = arith.constant 13 : i32
    %convert_element_type3A_14 = arith.extui %lt3A_5 : i1 to i32
    %cond3A_15 = arith.constant 0 : i32
    %cond3A_16 = arith.cmpi ne, %convert_element_type3A_14, %cond3A_15 : i32
    scf.if %cond3A_16 {
      %run_scoped3A = arith.constant 78 : i32
      "tpu.region"() ({
        %run_scoped3A_22 = tpu.sem_alloc : memref<!tpu.dma_semaphore, #tpu.memory_space<semaphore_mem>>
        %dma_start3A = arith.constant 0 : i32
        %dma_start3A_23 = tpu.memref_slice %arg6[%run_scoped3A, %dma_start3A] : memref<79x128xi32, #tpu.memory_space<vmem>> -> memref<1x128xi32, #tpu.memory_space<vmem>>
        %dma_start3A_24 = tpu.memref_squeeze %dma_start3A_23 : memref<1x128xi32, #tpu.memory_space<vmem>> -> memref<128xi32, #tpu.memory_space<vmem>>
        %dma_start3A_25 = arith.constant 0 : i32
        %dma_start3A_26 = tpu.memref_slice %arg9[%dma_start3A_25] : memref<10240xf32, #tpu.memory_space<vmem_shared>> -> memref<10240xf32, #tpu.memory_space<vmem_shared>>
        tpu.enqueue_indirect_dma source(%arg7 : memref<128xf32, #tpu.memory_space<vmem>>) target(%dma_start3A_26 : memref<10240xf32, #tpu.memory_space<vmem_shared>>) offsets(%dma_start3A_24 : memref<128xi32, #tpu.memory_space<vmem>>) semaphore(%run_scoped3A_22 : memref<!tpu.dma_semaphore, #tpu.memory_space<semaphore_mem>>) {add = true}
        %dma_wait3A = arith.constant 0 : i32
        %dma_wait3A_27 = tpu.memref_slice %arg6[%run_scoped3A, %dma_wait3A] : memref<79x128xi32, #tpu.memory_space<vmem>> -> memref<1x128xi32, #tpu.memory_space<vmem>>
        %dma_wait3A_28 = tpu.memref_squeeze %dma_wait3A_27 : memref<1x128xi32, #tpu.memory_space<vmem>> -> memref<128xi32, #tpu.memory_space<vmem>>
        %dma_wait3A_29 = arith.constant 0 : i32
        %dma_wait3A_30 = tpu.memref_slice %arg9[%dma_wait3A_29] : memref<10240xf32, #tpu.memory_space<vmem_shared>> -> memref<10240xf32, #tpu.memory_space<vmem_shared>>
        tpu.wait_indirect_dma semaphore(%run_scoped3A_22 : memref<!tpu.dma_semaphore, #tpu.memory_space<semaphore_mem>>) src(%arg7 : memref<128xf32, #tpu.memory_space<vmem>>) dst(%dma_wait3A_30 : memref<10240xf32, #tpu.memory_space<vmem_shared>>)
        tpu.yield
      }) : () -> ()
    } else {
    }
    %barrier3A_17 = arith.constant 0 : index
    tpu.barrier barrier_id(%barrier3A_17)
    %mul3A_18 = arith.constant 640 : i32
    %mul3A_19 = arith.muli %arg1, %mul3A_18 : i32
    %mul3A_20 = arith.constant 640 : i32
    %mul3A_21 = arith.muli %arg1, %mul3A_20 : i32
    "tpu.region"() ({
      %run_scoped3A = tpu.sem_alloc : memref<!tpu.dma_semaphore, #tpu.memory_space<semaphore_mem>>
      %dma_start3A = tpu.memref_slice %arg5[%arg0, %mul3A_21] : memref<2x10240xf32, #tpu.memory_space<hbm>> -> memref<1x640xf32, #tpu.memory_space<hbm>>
      %dma_start3A_22 = tpu.memref_squeeze %dma_start3A : memref<1x640xf32, #tpu.memory_space<hbm>> -> memref<640xf32, #tpu.memory_space<hbm>>
      %dma_start3A_23 = tpu.memref_slice %arg9[%mul3A_19] : memref<10240xf32, #tpu.memory_space<vmem_shared>> -> memref<640xf32, #tpu.memory_space<vmem_shared>>
      tpu.enqueue_dma source(%dma_start3A_23 : memref<640xf32, #tpu.memory_space<vmem_shared>>) target(%dma_start3A_22 : memref<640xf32, #tpu.memory_space<hbm>>) target_semaphore(%run_scoped3A : memref<!tpu.dma_semaphore, #tpu.memory_space<semaphore_mem>>)
      %dma_wait3A = tpu.memref_slice %arg5[%arg0, %mul3A_21] : memref<2x10240xf32, #tpu.memory_space<hbm>> -> memref<1x640xf32, #tpu.memory_space<hbm>>
      %dma_wait3A_24 = tpu.memref_squeeze %dma_wait3A : memref<1x640xf32, #tpu.memory_space<hbm>> -> memref<640xf32, #tpu.memory_space<hbm>>
      %dma_wait3A_25 = tpu.memref_slice %arg9[%mul3A_19] : memref<10240xf32, #tpu.memory_space<vmem_shared>> -> memref<640xf32, #tpu.memory_space<vmem_shared>>
      tpu.wait_dma2 semaphore(%run_scoped3A : memref<!tpu.dma_semaphore, #tpu.memory_space<semaphore_mem>>) src(%dma_wait3A_25 : memref<640xf32, #tpu.memory_space<vmem_shared>>) dst(%dma_wait3A_24 : memref<640xf32, #tpu.memory_space<hbm>>)
      tpu.yield
    }) : () -> ()
    return
  }
}

module attributes {stable_mosaic.version = 14 : i64} {
  func.func @_tc_prep_body(%arg0: i32, %arg1: memref<2000x128xf32, #tpu.memory_space<vmem>>, %arg2: memref<128x64xf32, #tpu.memory_space<vmem>>, %arg3: memref<2x2000x1xf32, #tpu.memory_space<vmem>>, %arg4: memref<2000x64xf32, #tpu.memory_space<vmem>>, %arg5: memref<2000x1xf32, #tpu.memory_space<vmem>>) attributes {dimension_semantics = [#tpu.dimension_semantics<arbitrary>], iteration_bounds = array<i64: 5>, scalar_prefetch = 0 : i64, scratch_operands = 0 : i64, tpu.core_type = #tpu.core_type<tc>, window_params = [{transform_indices = @transform_0, window_bounds = array<i64: 2000, 128>}, {pipeline_mode = #tpu.pipeline_mode<synchronous>, transform_indices = @transform_1, window_bounds = array<i64: 128, 64>}, {transform_indices = @transform_2, window_bounds = array<i64: 2, 2000, 1>}, {transform_indices = @transform_3, window_bounds = array<i64: 2000, 64>}, {transform_indices = @transform_4, window_bounds = array<i64: 2000, 1>}]} {
    %get3A = arith.constant 0 : index
    %get3A_0 = arith.constant 0 : index
    %get3A_1 = arith.constant 0 : index
    %get3A_2 = vector.load %arg3[%get3A, %get3A_0, %get3A_1] : memref<2x2000x1xf32, #tpu.memory_space<vmem>>, vector<1x2000x1xf32>
    %get3A_3 = vector.shape_cast %get3A_2 : vector<1x2000x1xf32> to vector<2000x1xf32>
    %get3A_4 = arith.constant 1 : index
    %get3A_5 = arith.constant 0 : index
    %get3A_6 = arith.constant 0 : index
    %get3A_7 = vector.load %arg3[%get3A_4, %get3A_5, %get3A_6] : memref<2x2000x1xf32, #tpu.memory_space<vmem>>, vector<1x2000x1xf32>
    %get3A_8 = vector.shape_cast %get3A_7 : vector<1x2000x1xf32> to vector<2000x1xf32>
    %add3A = arith.addf %get3A_3, %get3A_8 : vector<2000x1xf32>
    %add3A_9 = arith.constant 1.000000e+00 : f32
    %add3A_10 = vector.broadcast %add3A_9 : f32 to vector<2000x1xf32>
    %add3A_11 = arith.addf %add3A, %add3A_10 : vector<2000x1xf32>
    %rsqrt3A = math.rsqrt %add3A_11 : vector<2000x1xf32>
    %get3A_12 = arith.constant 0 : index
    %get3A_13 = arith.constant 0 : index
    %get3A_14 = vector.load %arg1[%get3A_12, %get3A_13] : memref<2000x128xf32, #tpu.memory_space<vmem>>, vector<2000x128xf32>
    %get3A_15 = arith.constant 0 : index
    %get3A_16 = arith.constant 0 : index
    %get3A_17 = vector.load %arg2[%get3A_15, %get3A_16] : memref<128x64xf32, #tpu.memory_space<vmem>>, vector<128x64xf32>
    %dot_general3A = arith.constant dense<0.000000e+00> : vector<2000x64xf32>
    %dot_general3A_18 = tpu.matmul %get3A_14, %get3A_17, %dot_general3A {dimension_numbers = #tpu.dot_dimension_numbers<[1], [0], [0], [1], [0, 0, 1, 1], [], []>, transpose_lhs_hint = false} : vector<2000x128xf32>, vector<128x64xf32>, vector<2000x64xf32> -> vector<2000x64xf32>
    %mul3A = vector.broadcast %rsqrt3A : vector<2000x1xf32> to vector<2000x64xf32>
    %mul3A_19 = arith.mulf %dot_general3A_18, %mul3A : vector<2000x64xf32>
    %swap3A = arith.constant 0 : index
    %swap3A_20 = arith.constant 0 : index
    %swap3A_21 = vector.load %arg4[%swap3A, %swap3A_20] : memref<2000x64xf32, #tpu.memory_space<vmem>>, vector<2000x64xf32>
    tpu.vector_store %arg4[%swap3A, %swap3A_20], %mul3A_19 {strides = array<i32>} : memref<2000x64xf32, #tpu.memory_space<vmem>>, vector<2000x64xf32>,
    %swap3A_22 = arith.constant 0 : index
    %swap3A_23 = arith.constant 0 : index
    %swap3A_24 = vector.load %arg5[%swap3A_22, %swap3A_23] : memref<2000x1xf32, #tpu.memory_space<vmem>>, vector<2000x1xf32>
    tpu.vector_store %arg5[%swap3A_22, %swap3A_23], %rsqrt3A {strides = array<i32>} : memref<2000x1xf32, #tpu.memory_space<vmem>>, vector<2000x1xf32>,
    return
  }
  func.func @transform_0(%arg0: i32) -> (i32, i32) {
    %c0_i32 = arith.constant 0 : i32
    %c0_i32_0 = arith.constant 0 : i32
    return %arg0, %c0_i32 : i32, i32
  }
  func.func @transform_1(%arg0: i32) -> (i32, i32) {
    %c0_i32 = arith.constant 0 : i32
    %c0_i32_0 = arith.constant 0 : i32
    %c0_i32_1 = arith.constant 0 : i32
    return %c0_i32, %c0_i32_0 : i32, i32
  }
  func.func @transform_2(%arg0: i32) -> (i32, i32, i32) {
    %c0_i32 = arith.constant 0 : i32
    %c0_i32_0 = arith.constant 0 : i32
    %c0_i32_1 = arith.constant 0 : i32
    return %c0_i32, %arg0, %c0_i32_0 : i32, i32, i32
  }
  func.func @transform_3(%arg0: i32) -> (i32, i32) {
    %c0_i32 = arith.constant 0 : i32
    %c0_i32_0 = arith.constant 0 : i32
    return %arg0, %c0_i32 : i32, i32
  }
  func.func @transform_4(%arg0: i32) -> (i32, i32) {
    %c0_i32 = arith.constant 0 : i32
    %c0_i32_0 = arith.constant 0 : i32
    return %arg0, %c0_i32 : i32, i32
  }
}

module attributes {stable_mosaic.version = 14 : i64} {
  func.func @_tc_layer_body(%arg0: i32, %arg1: memref<2x2000x64xf32, #tpu.memory_space<vmem>>, %arg2: memref<2000x64xf32, #tpu.memory_space<vmem>>, %arg3: memref<2000x1xf32, #tpu.memory_space<vmem>>, %arg4: memref<64x64xf32, #tpu.memory_space<vmem>>, %arg5: memref<1x64xf32, #tpu.memory_space<vmem>>, %arg6: memref<2000x64xf32, #tpu.memory_space<vmem>>) attributes {dimension_semantics = [#tpu.dimension_semantics<arbitrary>], iteration_bounds = array<i64: 5>, scalar_prefetch = 0 : i64, scratch_operands = 0 : i64, tpu.core_type = #tpu.core_type<tc>, window_params = [{transform_indices = @transform_0, window_bounds = array<i64: 2, 2000, 64>}, {transform_indices = @transform_1, window_bounds = array<i64: 2000, 64>}, {transform_indices = @transform_2, window_bounds = array<i64: 2000, 1>}, {pipeline_mode = #tpu.pipeline_mode<synchronous>, transform_indices = @transform_3, window_bounds = array<i64: 64, 64>}, {pipeline_mode = #tpu.pipeline_mode<synchronous>, transform_indices = @transform_4, window_bounds = array<i64: 1, 64>}, {transform_indices = @transform_5, window_bounds = array<i64: 2000, 64>}]} {
    %get3A = arith.constant 0 : index
    %get3A_0 = arith.constant 0 : index
    %get3A_1 = vector.load %arg3[%get3A, %get3A_0] : memref<2000x1xf32, #tpu.memory_space<vmem>>, vector<2000x1xf32>
    %get3A_2 = arith.constant 0 : index
    %get3A_3 = arith.constant 0 : index
    %get3A_4 = arith.constant 0 : index
    %get3A_5 = vector.load %arg1[%get3A_2, %get3A_3, %get3A_4] : memref<2x2000x64xf32, #tpu.memory_space<vmem>>, vector<1x2000x64xf32>
    %get3A_6 = vector.shape_cast %get3A_5 : vector<1x2000x64xf32> to vector<2000x64xf32>
    %get3A_7 = arith.constant 1 : index
    %get3A_8 = arith.constant 0 : index
    %get3A_9 = arith.constant 0 : index
    %get3A_10 = vector.load %arg1[%get3A_7, %get3A_8, %get3A_9] : memref<2x2000x64xf32, #tpu.memory_space<vmem>>, vector<1x2000x64xf32>
    %get3A_11 = vector.shape_cast %get3A_10 : vector<1x2000x64xf32> to vector<2000x64xf32>
    %add3A = arith.addf %get3A_6, %get3A_11 : vector<2000x64xf32>
    %get3A_12 = arith.constant 0 : index
    %get3A_13 = arith.constant 0 : index
    %get3A_14 = vector.load %arg2[%get3A_12, %get3A_13] : memref<2000x64xf32, #tpu.memory_space<vmem>>, vector<2000x64xf32>
    %add3A_15 = arith.addf %add3A, %get3A_14 : vector<2000x64xf32>
    %mul3A = vector.broadcast %get3A_1 : vector<2000x1xf32> to vector<2000x64xf32>
    %mul3A_16 = arith.mulf %mul3A, %add3A_15 : vector<2000x64xf32>
    %get3A_17 = arith.constant 0 : index
    %get3A_18 = arith.constant 0 : index
    %get3A_19 = vector.load %arg5[%get3A_17, %get3A_18] : memref<1x64xf32, #tpu.memory_space<vmem>>, vector<1x64xf32>
    %add3A_20 = vector.broadcast %get3A_19 : vector<1x64xf32> to vector<2000x64xf32>
    %add3A_21 = arith.addf %mul3A_16, %add3A_20 : vector<2000x64xf32>
    %max3A = arith.constant 0.000000e+00 : f32
    %max3A_22 = vector.broadcast %max3A : f32 to vector<2000x64xf32>
    %max3A_23 = arith.maximumf %add3A_21, %max3A_22 : vector<2000x64xf32>
    %get3A_24 = arith.constant 0 : index
    %get3A_25 = arith.constant 0 : index
    %get3A_26 = vector.load %arg4[%get3A_24, %get3A_25] : memref<64x64xf32, #tpu.memory_space<vmem>>, vector<64x64xf32>
    %dot_general3A = arith.constant dense<0.000000e+00> : vector<2000x64xf32>
    %dot_general3A_27 = tpu.matmul %max3A_23, %get3A_26, %dot_general3A {dimension_numbers = #tpu.dot_dimension_numbers<[1], [0], [0], [1], [0, 0, 1, 1], [], []>, transpose_lhs_hint = false} : vector<2000x64xf32>, vector<64x64xf32>, vector<2000x64xf32> -> vector<2000x64xf32>
    %mul3A_28 = vector.broadcast %get3A_1 : vector<2000x1xf32> to vector<2000x64xf32>
    %mul3A_29 = arith.mulf %dot_general3A_27, %mul3A_28 : vector<2000x64xf32>
    %swap3A = arith.constant 0 : index
    %swap3A_30 = arith.constant 0 : index
    %swap3A_31 = vector.load %arg6[%swap3A, %swap3A_30] : memref<2000x64xf32, #tpu.memory_space<vmem>>, vector<2000x64xf32>
    tpu.vector_store %arg6[%swap3A, %swap3A_30], %mul3A_29 {strides = array<i32>} : memref<2000x64xf32, #tpu.memory_space<vmem>>, vector<2000x64xf32>,
    return
  }
  func.func @transform_0(%arg0: i32) -> (i32, i32, i32) {
    %c0_i32 = arith.constant 0 : i32
    %c0_i32_0 = arith.constant 0 : i32
    %c0_i32_1 = arith.constant 0 : i32
    return %c0_i32, %arg0, %c0_i32_0 : i32, i32, i32
  }
  func.func @transform_1(%arg0: i32) -> (i32, i32) {
    %c0_i32 = arith.constant 0 : i32
    %c0_i32_0 = arith.constant 0 : i32
    return %arg0, %c0_i32 : i32, i32
  }
  func.func @transform_2(%arg0: i32) -> (i32, i32) {
    %c0_i32 = arith.constant 0 : i32
    %c0_i32_0 = arith.constant 0 : i32
    return %arg0, %c0_i32 : i32, i32
  }
  func.func @transform_3(%arg0: i32) -> (i32, i32) {
    %c0_i32 = arith.constant 0 : i32
    %c0_i32_0 = arith.constant 0 : i32
    %c0_i32_1 = arith.constant 0 : i32
    return %c0_i32, %c0_i32_0 : i32, i32
  }
  func.func @transform_4(%arg0: i32) -> (i32, i32) {
    %c0_i32 = arith.constant 0 : i32
    %c0_i32_0 = arith.constant 0 : i32
    %c0_i32_1 = arith.constant 0 : i32
    return %c0_i32, %c0_i32_0 : i32, i32
  }
  func.func @transform_5(%arg0: i32) -> (i32, i32) {
    %c0_i32 = arith.constant 0 : i32
    %c0_i32_0 = arith.constant 0 : i32
    return %arg0, %c0_i32 : i32, i32
  }
}

module attributes {stable_mosaic.version = 14 : i64} {
  func.func @_tc_layer_body(%arg0: i32, %arg1: memref<2x2000x64xf32, #tpu.memory_space<vmem>>, %arg2: memref<2000x64xf32, #tpu.memory_space<vmem>>, %arg3: memref<2000x1xf32, #tpu.memory_space<vmem>>, %arg4: memref<64x32xf32, #tpu.memory_space<vmem>>, %arg5: memref<1x64xf32, #tpu.memory_space<vmem>>, %arg6: memref<2000x32xf32, #tpu.memory_space<vmem>>) attributes {dimension_semantics = [#tpu.dimension_semantics<arbitrary>], iteration_bounds = array<i64: 5>, scalar_prefetch = 0 : i64, scratch_operands = 0 : i64, tpu.core_type = #tpu.core_type<tc>, window_params = [{transform_indices = @transform_0, window_bounds = array<i64: 2, 2000, 64>}, {transform_indices = @transform_1, window_bounds = array<i64: 2000, 64>}, {transform_indices = @transform_2, window_bounds = array<i64: 2000, 1>}, {pipeline_mode = #tpu.pipeline_mode<synchronous>, transform_indices = @transform_3, window_bounds = array<i64: 64, 32>}, {pipeline_mode = #tpu.pipeline_mode<synchronous>, transform_indices = @transform_4, window_bounds = array<i64: 1, 64>}, {transform_indices = @transform_5, window_bounds = array<i64: 2000, 32>}]} {
    %get3A = arith.constant 0 : index
    %get3A_0 = arith.constant 0 : index
    %get3A_1 = vector.load %arg3[%get3A, %get3A_0] : memref<2000x1xf32, #tpu.memory_space<vmem>>, vector<2000x1xf32>
    %get3A_2 = arith.constant 0 : index
    %get3A_3 = arith.constant 0 : index
    %get3A_4 = arith.constant 0 : index
    %get3A_5 = vector.load %arg1[%get3A_2, %get3A_3, %get3A_4] : memref<2x2000x64xf32, #tpu.memory_space<vmem>>, vector<1x2000x64xf32>
    %get3A_6 = vector.shape_cast %get3A_5 : vector<1x2000x64xf32> to vector<2000x64xf32>
    %get3A_7 = arith.constant 1 : index
    %get3A_8 = arith.constant 0 : index
    %get3A_9 = arith.constant 0 : index
    %get3A_10 = vector.load %arg1[%get3A_7, %get3A_8, %get3A_9] : memref<2x2000x64xf32, #tpu.memory_space<vmem>>, vector<1x2000x64xf32>
    %get3A_11 = vector.shape_cast %get3A_10 : vector<1x2000x64xf32> to vector<2000x64xf32>
    %add3A = arith.addf %get3A_6, %get3A_11 : vector<2000x64xf32>
    %get3A_12 = arith.constant 0 : index
    %get3A_13 = arith.constant 0 : index
    %get3A_14 = vector.load %arg2[%get3A_12, %get3A_13] : memref<2000x64xf32, #tpu.memory_space<vmem>>, vector<2000x64xf32>
    %add3A_15 = arith.addf %add3A, %get3A_14 : vector<2000x64xf32>
    %mul3A = vector.broadcast %get3A_1 : vector<2000x1xf32> to vector<2000x64xf32>
    %mul3A_16 = arith.mulf %mul3A, %add3A_15 : vector<2000x64xf32>
    %get3A_17 = arith.constant 0 : index
    %get3A_18 = arith.constant 0 : index
    %get3A_19 = vector.load %arg5[%get3A_17, %get3A_18] : memref<1x64xf32, #tpu.memory_space<vmem>>, vector<1x64xf32>
    %add3A_20 = vector.broadcast %get3A_19 : vector<1x64xf32> to vector<2000x64xf32>
    %add3A_21 = arith.addf %mul3A_16, %add3A_20 : vector<2000x64xf32>
    %max3A = arith.constant 0.000000e+00 : f32
    %max3A_22 = vector.broadcast %max3A : f32 to vector<2000x64xf32>
    %max3A_23 = arith.maximumf %add3A_21, %max3A_22 : vector<2000x64xf32>
    %get3A_24 = arith.constant 0 : index
    %get3A_25 = arith.constant 0 : index
    %get3A_26 = vector.load %arg4[%get3A_24, %get3A_25] : memref<64x32xf32, #tpu.memory_space<vmem>>, vector<64x32xf32>
    %dot_general3A = arith.constant dense<0.000000e+00> : vector<2000x32xf32>
    %dot_general3A_27 = tpu.matmul %max3A_23, %get3A_26, %dot_general3A {dimension_numbers = #tpu.dot_dimension_numbers<[1], [0], [0], [1], [0, 0, 1, 1], [], []>, transpose_lhs_hint = false} : vector<2000x64xf32>, vector<64x32xf32>, vector<2000x32xf32> -> vector<2000x32xf32>
    %mul3A_28 = vector.broadcast %get3A_1 : vector<2000x1xf32> to vector<2000x32xf32>
    %mul3A_29 = arith.mulf %dot_general3A_27, %mul3A_28 : vector<2000x32xf32>
    %swap3A = arith.constant 0 : index
    %swap3A_30 = arith.constant 0 : index
    %swap3A_31 = vector.load %arg6[%swap3A, %swap3A_30] : memref<2000x32xf32, #tpu.memory_space<vmem>>, vector<2000x32xf32>
    tpu.vector_store %arg6[%swap3A, %swap3A_30], %mul3A_29 {strides = array<i32>} : memref<2000x32xf32, #tpu.memory_space<vmem>>, vector<2000x32xf32>,
    return
  }
  func.func @transform_0(%arg0: i32) -> (i32, i32, i32) {
    %c0_i32 = arith.constant 0 : i32
    %c0_i32_0 = arith.constant 0 : i32
    %c0_i32_1 = arith.constant 0 : i32
    return %c0_i32, %arg0, %c0_i32_0 : i32, i32, i32
  }
  func.func @transform_1(%arg0: i32) -> (i32, i32) {
    %c0_i32 = arith.constant 0 : i32
    %c0_i32_0 = arith.constant 0 : i32
    return %arg0, %c0_i32 : i32, i32
  }
  func.func @transform_2(%arg0: i32) -> (i32, i32) {
    %c0_i32 = arith.constant 0 : i32
    %c0_i32_0 = arith.constant 0 : i32
    return %arg0, %c0_i32 : i32, i32
  }
  func.func @transform_3(%arg0: i32) -> (i32, i32) {
    %c0_i32 = arith.constant 0 : i32
    %c0_i32_0 = arith.constant 0 : i32
    %c0_i32_1 = arith.constant 0 : i32
    return %c0_i32, %c0_i32_0 : i32, i32
  }
  func.func @transform_4(%arg0: i32) -> (i32, i32) {
    %c0_i32 = arith.constant 0 : i32
    %c0_i32_0 = arith.constant 0 : i32
    %c0_i32_1 = arith.constant 0 : i32
    return %c0_i32, %c0_i32_0 : i32, i32
  }
  func.func @transform_5(%arg0: i32) -> (i32, i32) {
    %c0_i32 = arith.constant 0 : i32
    %c0_i32_0 = arith.constant 0 : i32
    return %arg0, %c0_i32 : i32, i32
  }
}

module attributes {stable_mosaic.version = 14 : i64} {
  func.func @_tc_head_body(%arg0: i32, %arg1: memref<2x10240x32xf32, #tpu.memory_space<vmem>>, %arg2: memref<10000x32xf32, #tpu.memory_space<vmem>>, %arg3: memref<10000x1xf32, #tpu.memory_space<vmem>>, %arg4: memref<1x32xf32, #tpu.memory_space<vmem>>, %arg5: memref<1x10000xi32, #tpu.memory_space<vmem>>, %arg6: memref<32x64xf32, #tpu.memory_space<vmem>>, %arg7: memref<1x64xf32, #tpu.memory_space<vmem>>, %arg8: memref<64x32xf32, #tpu.memory_space<vmem>>, %arg9: memref<1x32xf32, #tpu.memory_space<vmem>>, %arg10: memref<32x2xf32, #tpu.memory_space<vmem>>, %arg11: memref<1x2xf32, #tpu.memory_space<vmem>>, %arg12: memref<64x2xf32, #tpu.memory_space<vmem>>) attributes {dimension_semantics = [#tpu.dimension_semantics<arbitrary>], iteration_bounds = array<i64: 1>, scalar_prefetch = 0 : i64, scratch_operands = 0 : i64, tpu.core_type = #tpu.core_type<tc>, window_params = [{pipeline_mode = #tpu.pipeline_mode<synchronous>, transform_indices = @transform_0, window_bounds = array<i64: 2, 10240, 32>}, {pipeline_mode = #tpu.pipeline_mode<synchronous>, transform_indices = @transform_1, window_bounds = array<i64: 10000, 32>}, {pipeline_mode = #tpu.pipeline_mode<synchronous>, transform_indices = @transform_2, window_bounds = array<i64: 10000, 1>}, {pipeline_mode = #tpu.pipeline_mode<synchronous>, transform_indices = @transform_3, window_bounds = array<i64: 1, 32>}, {pipeline_mode = #tpu.pipeline_mode<synchronous>, transform_indices = @transform_4, window_bounds = array<i64: 1, 10000>}, {pipeline_mode = #tpu.pipeline_mode<synchronous>, transform_indices = @transform_5, window_bounds = array<i64: 32, 64>}, {pipeline_mode = #tpu.pipeline_mode<synchronous>, transform_indices = @transform_6, window_bounds = array<i64: 1, 64>}, {pipeline_mode = #tpu.pipeline_mode<synchronous>, transform_indices = @transform_7, window_bounds = array<i64: 64, 32>}, {pipeline_mode = #tpu.pipeline_mode<synchronous>, transform_indices = @transform_8, window_bounds = array<i64: 1, 32>}, {pipeline_mode = #tpu.pipeline_mode<synchronous>, transform_indices = @transform_9, window_bounds = array<i64: 32, 2>}, {pipeline_mode = #tpu.pipeline_mode<synchronous>, transform_indices = @transform_10, window_bounds = array<i64: 1, 2>}, {pipeline_mode = #tpu.pipeline_mode<synchronous>, transform_indices = @transform_11, window_bounds = array<i64: 64, 2>}]} {
    %get3A = arith.constant 0 : index
    %get3A_0 = arith.constant 0 : index
    %get3A_1 = vector.load %arg3[%get3A, %get3A_0] : memref<10000x1xf32, #tpu.memory_space<vmem>>, vector<10000x1xf32>
    %get3A_2 = arith.constant 0 : index
    %get3A_3 = arith.constant 0 : index
    %get3A_4 = arith.constant 0 : index
    %get3A_5 = vector.load %arg1[%get3A_2, %get3A_3, %get3A_4] : memref<2x10240x32xf32, #tpu.memory_space<vmem>>, vector<1x10000x32xf32>
    %get3A_6 = vector.shape_cast %get3A_5 : vector<1x10000x32xf32> to vector<10000x32xf32>
    %get3A_7 = arith.constant 1 : index
    %get3A_8 = arith.constant 0 : index
    %get3A_9 = arith.constant 0 : index
    %get3A_10 = vector.load %arg1[%get3A_7, %get3A_8, %get3A_9] : memref<2x10240x32xf32, #tpu.memory_space<vmem>>, vector<1x10000x32xf32>
    %get3A_11 = vector.shape_cast %get3A_10 : vector<1x10000x32xf32> to vector<10000x32xf32>
    %add3A = arith.addf %get3A_6, %get3A_11 : vector<10000x32xf32>
    %get3A_12 = arith.constant 0 : index
    %get3A_13 = arith.constant 0 : index
    %get3A_14 = vector.load %arg2[%get3A_12, %get3A_13] : memref<10000x32xf32, #tpu.memory_space<vmem>>, vector<10000x32xf32>
    %add3A_15 = arith.addf %add3A, %get3A_14 : vector<10000x32xf32>
    %mul3A = vector.broadcast %get3A_1 : vector<10000x1xf32> to vector<10000x32xf32>
    %mul3A_16 = arith.mulf %mul3A, %add3A_15 : vector<10000x32xf32>
    %get3A_17 = arith.constant 0 : index
    %get3A_18 = arith.constant 0 : index
    %get3A_19 = vector.load %arg4[%get3A_17, %get3A_18] : memref<1x32xf32, #tpu.memory_space<vmem>>, vector<1x32xf32>
    %add3A_20 = vector.broadcast %get3A_19 : vector<1x32xf32> to vector<10000x32xf32>
    %add3A_21 = arith.addf %mul3A_16, %add3A_20 : vector<10000x32xf32>
    %iota3A = tpu.iota {dimensions = array<i32: 0>} : vector<64x10000xi32>
    %get3A_22 = arith.constant 0 : index
    %get3A_23 = arith.constant 0 : index
    %get3A_24 = vector.load %arg5[%get3A_22, %get3A_23] : memref<1x10000xi32, #tpu.memory_space<vmem>>, vector<1x10000xi32>
    %eq3A = vector.broadcast %get3A_24 : vector<1x10000xi32> to vector<64x10000xi32>
    %eq3A_25 = arith.cmpi eq, %iota3A, %eq3A : vector<64x10000xi32>
    %convert_element_type3A = arith.extui %eq3A_25 : vector<64x10000xi1> to vector<64x10000xi32>
    %convert_element_type3A_26 = arith.sitofp %convert_element_type3A : vector<64x10000xi32> to vector<64x10000xf32>
    %reduce_sum3A = arith.constant dense<0.000000e+00> : vector<64xf32>
    %reduce_sum3A_27 = vector.multi_reduction <add>, %convert_element_type3A_26, %reduce_sum3A [1] : vector<64x10000xf32> to vector<64xf32>
    %broadcast_in_dim3A = vector.shape_cast %reduce_sum3A_27 : vector<64xf32> to vector<64x1xf32>
    %dot_general3A = arith.constant dense<0.000000e+00> : vector<64x32xf32>
    %dot_general3A_28 = tpu.matmul %convert_element_type3A_26, %add3A_21, %dot_general3A {dimension_numbers = #tpu.dot_dimension_numbers<[1], [0], [0], [1], [0, 0, 1, 1], [], []>, transpose_lhs_hint = false} : vector<64x10000xf32>, vector<10000x32xf32>, vector<64x32xf32> -> vector<64x32xf32>
    %max3A = arith.constant 1.000000e+00 : f32
    %max3A_29 = vector.broadcast %max3A : f32 to vector<64x1xf32>
    %max3A_30 = arith.maximumf %broadcast_in_dim3A, %max3A_29 : vector<64x1xf32>
    %div3A = vector.broadcast %max3A_30 : vector<64x1xf32> to vector<64x32xf32>
    %div3A_31 = arith.divf %dot_general3A_28, %div3A : vector<64x32xf32>
    %get3A_32 = arith.constant 0 : index
    %get3A_33 = arith.constant 0 : index
    %get3A_34 = vector.load %arg6[%get3A_32, %get3A_33] : memref<32x64xf32, #tpu.memory_space<vmem>>, vector<32x64xf32>
    %dot_general3A_35 = arith.constant dense<0.000000e+00> : vector<64x64xf32>
    %dot_general3A_36 = tpu.matmul %div3A_31, %get3A_34, %dot_general3A_35 {dimension_numbers = #tpu.dot_dimension_numbers<[1], [0], [0], [1], [0, 0, 1, 1], [], []>, transpose_lhs_hint = false} : vector<64x32xf32>, vector<32x64xf32>, vector<64x64xf32> -> vector<64x64xf32>
    %get3A_37 = arith.constant 0 : index
    %get3A_38 = arith.constant 0 : index
    %get3A_39 = vector.load %arg7[%get3A_37, %get3A_38] : memref<1x64xf32, #tpu.memory_space<vmem>>, vector<1x64xf32>
    %add3A_40 = vector.broadcast %get3A_39 : vector<1x64xf32> to vector<64x64xf32>
    %add3A_41 = arith.addf %dot_general3A_36, %add3A_40 : vector<64x64xf32>
    %max3A_42 = arith.constant 0.000000e+00 : f32
    %max3A_43 = vector.broadcast %max3A_42 : f32 to vector<64x64xf32>
    %max3A_44 = arith.maximumf %add3A_41, %max3A_43 : vector<64x64xf32>
    %get3A_45 = arith.constant 0 : index
    %get3A_46 = arith.constant 0 : index
    %get3A_47 = vector.load %arg8[%get3A_45, %get3A_46] : memref<64x32xf32, #tpu.memory_space<vmem>>, vector<64x32xf32>
    %dot_general3A_48 = arith.constant dense<0.000000e+00> : vector<64x32xf32>
    %dot_general3A_49 = tpu.matmul %max3A_44, %get3A_47, %dot_general3A_48 {dimension_numbers = #tpu.dot_dimension_numbers<[1], [0], [0], [1], [0, 0, 1, 1], [], []>, transpose_lhs_hint = false} : vector<64x64xf32>, vector<64x32xf32>, vector<64x32xf32> -> vector<64x32xf32>
    %get3A_50 = arith.constant 0 : index
    %get3A_51 = arith.constant 0 : index
    %get3A_52 = vector.load %arg9[%get3A_50, %get3A_51] : memref<1x32xf32, #tpu.memory_space<vmem>>, vector<1x32xf32>
    %add3A_53 = vector.broadcast %get3A_52 : vector<1x32xf32> to vector<64x32xf32>
    %add3A_54 = arith.addf %dot_general3A_49, %add3A_53 : vector<64x32xf32>
    %max3A_55 = arith.constant 0.000000e+00 : f32
    %max3A_56 = vector.broadcast %max3A_55 : f32 to vector<64x32xf32>
    %max3A_57 = arith.maximumf %add3A_54, %max3A_56 : vector<64x32xf32>
    %get3A_58 = arith.constant 0 : index
    %get3A_59 = arith.constant 0 : index
    %get3A_60 = vector.load %arg10[%get3A_58, %get3A_59] : memref<32x2xf32, #tpu.memory_space<vmem>>, vector<32x2xf32>
    %dot_general3A_61 = arith.constant dense<0.000000e+00> : vector<64x2xf32>
    %dot_general3A_62 = tpu.matmul %max3A_57, %get3A_60, %dot_general3A_61 {dimension_numbers = #tpu.dot_dimension_numbers<[1], [0], [0], [1], [0, 0, 1, 1], [], []>, transpose_lhs_hint = false} : vector<64x32xf32>, vector<32x2xf32>, vector<64x2xf32> -> vector<64x2xf32>
    %get3A_63 = arith.constant 0 : index
    %get3A_64 = arith.constant 0 : index
    %get3A_65 = vector.load %arg11[%get3A_63, %get3A_64] : memref<1x2xf32, #tpu.memory_space<vmem>>, vector<1x2xf32>
    %add3A_66 = vector.broadcast %get3A_65 : vector<1x2xf32> to vector<64x2xf32>
    %add3A_67 = arith.addf %dot_general3A_62, %add3A_66 : vector<64x2xf32>
    %swap3A = arith.constant 0 : index
    %swap3A_68 = arith.constant 0 : index
    %swap3A_69 = vector.load %arg12[%swap3A, %swap3A_68] : memref<64x2xf32, #tpu.memory_space<vmem>>, vector<64x2xf32>
    tpu.vector_store %arg12[%swap3A, %swap3A_68], %add3A_67 {strides = array<i32>} : memref<64x2xf32, #tpu.memory_space<vmem>>, vector<64x2xf32>,
    return
  }
  func.func @transform_0(%arg0: i32) -> (i32, i32, i32) {
    %c0_i32 = arith.constant 0 : i32
    %c0_i32_0 = arith.constant 0 : i32
    %c0_i32_1 = arith.constant 0 : i32
    %c0_i32_2 = arith.constant 0 : i32
    return %c0_i32, %c0_i32_0, %c0_i32_1 : i32, i32, i32
  }
  func.func @transform_1(%arg0: i32) -> (i32, i32) {
    %c0_i32 = arith.constant 0 : i32
    %c0_i32_0 = arith.constant 0 : i32
    %c0_i32_1 = arith.constant 0 : i32
    return %c0_i32, %c0_i32_0 : i32, i32
  }
  func.func @transform_2(%arg0: i32) -> (i32, i32) {
    %c0_i32 = arith.constant 0 : i32
    %c0_i32_0 = arith.constant 0 : i32
    %c0_i32_1 = arith.constant 0 : i32
    return %c0_i32, %c0_i32_0 : i32, i32
  }
  func.func @transform_3(%arg0: i32) -> (i32, i32) {
    %c0_i32 = arith.constant 0 : i32
    %c0_i32_0 = arith.constant 0 : i32
    %c0_i32_1 = arith.constant 0 : i32
    return %c0_i32, %c0_i32_0 : i32, i32
  }
  func.func @transform_4(%arg0: i32) -> (i32, i32) {
    %c0_i32 = arith.constant 0 : i32
    %c0_i32_0 = arith.constant 0 : i32
    %c0_i32_1 = arith.constant 0 : i32
    return %c0_i32, %c0_i32_0 : i32, i32
  }
  func.func @transform_5(%arg0: i32) -> (i32, i32) {
    %c0_i32 = arith.constant 0 : i32
    %c0_i32_0 = arith.constant 0 : i32
    %c0_i32_1 = arith.constant 0 : i32
    return %c0_i32, %c0_i32_0 : i32, i32
  }
  func.func @transform_6(%arg0: i32) -> (i32, i32) {
    %c0_i32 = arith.constant 0 : i32
    %c0_i32_0 = arith.constant 0 : i32
    %c0_i32_1 = arith.constant 0 : i32
    return %c0_i32, %c0_i32_0 : i32, i32
  }
  func.func @transform_7(%arg0: i32) -> (i32, i32) {
    %c0_i32 = arith.constant 0 : i32
    %c0_i32_0 = arith.constant 0 : i32
    %c0_i32_1 = arith.constant 0 : i32
    return %c0_i32, %c0_i32_0 : i32, i32
  }
  func.func @transform_8(%arg0: i32) -> (i32, i32) {
    %c0_i32 = arith.constant 0 : i32
    %c0_i32_0 = arith.constant 0 : i32
    %c0_i32_1 = arith.constant 0 : i32
    return %c0_i32, %c0_i32_0 : i32, i32
  }
  func.func @transform_9(%arg0: i32) -> (i32, i32) {
    %c0_i32 = arith.constant 0 : i32
    %c0_i32_0 = arith.constant 0 : i32
    %c0_i32_1 = arith.constant 0 : i32
    return %c0_i32, %c0_i32_0 : i32, i32
  }
  func.func @transform_10(%arg0: i32) -> (i32, i32) {
    %c0_i32 = arith.constant 0 : i32
    %c0_i32_0 = arith.constant 0 : i32
    %c0_i32_1 = arith.constant 0 : i32
    return %c0_i32, %c0_i32_0 : i32, i32
  }
  func.func @transform_11(%arg0: i32) -> (i32, i32) {
    %c0_i32 = arith.constant 0 : i32
    %c0_i32_0 = arith.constant 0 : i32
    %c0_i32_1 = arith.constant 0 : i32
    return %c0_i32, %c0_i32_0 : i32, i32
  }
}

</mosaic_0001>

<sc_bundles>
// kernel: kernel.10.cloned.1.call-start
scs
__scs_entry_jumppad:
0x0: {  	(pc) =	sbr.rel $0x88, $3  }
0x1: {  	(tag) =	ssettag $0x0;
	lr =	simm.s32 $0x1  }
0x2: {  	[smem:$0x3F92] =	sst lr;
	_ =	strace $0xD0000000  }
0x3: {  	_ = 	snop  }
0x4: {  	_ = 	snop  }
0x5: {  	_ = 	snop  }
0x6: {  	_ = 	snop  }
0x7: {  	_ = 	snop  }
__scs_overlays_trampoline_lowered:
0x8: {  	[smem:$0x3FA1] =	sst s0  }
0x9: {  	[smem:$0x3FA2] =	sst s1  }
0xa: {  	[smem:$0x3FA3] =	sst s2  }
0xb: {  	[smem:$0x3FA4] =	sst s3  }
0xc: {  	[smem:$0x3FA5] =	sst s4  }
0xd: {  	[smem:$0x3FA6] =	sst s5  }
0xe: {  	[smem:$0x3FA7] =	sst s6  }
0xf: {  	[smem:$0x3FA8] =	sst s7  }
0x10: {  	[smem:$0x3FA9] =	sst s8  }
0x11: {  	[smem:$0x3FAA] =	sst s9;
	s0 =	simm.s32 @!p0 $0x0  }
0x12: {  	s1 =	sld [smem:$0x3F90];
	s0 =	simm.s32 @p0 $0x1  }
0x13: {  	[smem:$0x3FAB] =	sst s0;
	s0 =	simm.s32 @!p1 $0x0  }
0x14: {  	s2 =	sld [smem:$0x3F8F];
	s0 =	simm.s32 @p1 $0x1  }
0x15: {  	[smem:$0x3FAC] =	sst s0;
	s0 =	simm.s32 @!p2 $0x0  }
0x16: {  	s3 =	sld [smem:$0x3FDB];
	s0 =	simm.s32 @p2 $0x1  }
0x17: {  	s4 =	simm.s32 $0x1BF5;
	[smem:$0x3FAE] =	sst s0  }
0x18: {  	s0 =	sld [smem:$0x3F91];
	_ =	swait.ge [sflag:s4], $0x0  }
0x19: {  	s7 =	sld [smem:$0x3F92]  }
0x1a: {  	s8 =	sadd.s32 $0xFFFFE003, lr  }
0x1b: {  	s9 =	sadd.s32 $0xFFFFFEF7, lr;
	s5 =	simm.s32 $0xFFFFFFFF;
	p2 =	slt.u32 s8, $0xFFFFF086  }
0x1c: {  	p1 =	slt.u32 s9, $0xF7A;
	s5 =	simm.s32 @!p2 $0x0  }
0x1d: {  	s5 =	simm.s32 @p1 $0x1;
	p0 =	seq.s32 s7, s2  }
0x1e: {  	s7 =	smul.u32 @!p0 $0xF7A, s2;
	p2 =	seq.s32 @!p0 s5, $0x0  }
0x1f: {  	s9 =	smul.u32 $0xF7A, s1;
	s8 =	simm.s32 @!p0 $0x1BF5;
	p2 =	por !p2, p0  }
0x20: {  	[sflag:s8] =	ssyncset.s32 @!p0 $0xFFFFF086;
	s6 =	sadd.s32 @!p0 s3, s7;
	s7 =	simm.s32 @!p0 $0x108  }
0x21: {  	s3 =	sadd.s32 s3, s9;
	s6 =	sadd.s32 @!p0 $0x88, s6;
	s7 =	simm.s32 @p2 $0x1082  }
0x22: {  	[simem:s7], [sflag:s8] =	dma.local @!p0 [hbm:s6], $0xF7A  }
0x23: {  	s9 =	sor.u32 $0xD0000000, s2;
	s6 =	simm.s32 $0x108;
	_ =	swait.ge @!p0 [sflag:s8], $0x0  }
0x24: {  	s3 =	sadd.s32 $0x88, s3;
	s6 =	simm.s32 @!p1 $0x1082;
	[sflag:s4] =	ssyncset.s32 $0xFFFFF086  }
0x25: {  	[simem:s6], [sflag:s4] =	dma.local [hbm:s3], $0xF7A  }
0x26: {  	[smem:$0x3F92] =	sst s1;
	(tag) =	ssettag s2;
	_ =	strace s9  }
0x27: {  	s1 =	sld [smem:$0x3FA2]  }
0x28: {  	s2 =	sld [smem:$0x3FA3]  }
0x29: {  	s4 =	sld [smem:$0x3FA5]  }
0x2a: {  	p0 =	seq.s32 s5, $0x0;
	s5 =	sld [smem:$0x3FA6]  }
0x2b: {  	s6 =	sld [smem:$0x3FA7]  }
0x2c: {  	s7 =	sld [smem:$0x3FA8]  }
0x2d: {  	s3 =	simm.s32 $0x108;
	s8 =	sld [smem:$0x3FA9]  }
0x2e: {  	s3 =	simm.s32 @!p0 $0x1082;
	s9 =	sld [smem:$0x3FAA]  }
0x2f: {  	lr =	sadd.s32 s0, s3;
	s0 =	sld [smem:$0x3FA1]  }
0x30: {  	s3 =	sld [smem:$0x3FA4]  }
0x31: {  	[smem:$0x3FAD] =	sst s10  }
0x32: {  	s10 =	sld [smem:$0x3FAB];
	_ =	sdelay $0x3  }
0x33: {  	p0 =	seq.s32 s10, $0x1;
	s10 =	sld [smem:$0x3FAD];
	_ =	sdelay $0x3  }
0x34: {  	[smem:$0x3FAD] =	sst s10  }
0x35: {  	s10 =	sld [smem:$0x3FAC];
	_ =	sdelay $0x3  }
0x36: {  	p1 =	seq.s32 s10, $0x1;
	s10 =	sld [smem:$0x3FAD];
	_ =	sdelay $0x3  }
0x37: {  	[smem:$0x3FAD] =	sst s10  }
0x38: {  	s10 =	sld [smem:$0x3FAE]  }
0x39: {  	_ = 	snop;
	(pc) =	sbr.ind lr, $3  }
0x3a: {  	_ = 	snop  }
0x3b: {  	_ = 	snop  }
0x3c: {  	p2 =	seq.s32 s10, $0x1;
	s10 =	sld [smem:$0x3FAD]  }
0x3d: {  	_ =	shalt  }
0x3e: {  	_ =	shalt  }
0x3f: {  	_ =	shalt  }
0x40: {  	_ =	shalt  }
0x41: {  	_ =	shalt  }
0x42: {  	_ =	shalt  }
0x43: {  	_ =	shalt  }
0x44: {  	_ =	shalt  }
0x45: {  	_ =	shalt  }
0x46: {  	_ =	shalt  }
0x47: {  	_ =	shalt  }
0x48: {  	_ =	shalt  }
0x49: {  	_ =	shalt  }
0x4a: {  	_ =	shalt  }
0x4b: {  	_ =	shalt  }
0x4c: {  	_ =	shalt  }
0x4d: {  	_ =	shalt  }
0x4e: {  	_ =	shalt  }
0x4f: {  	_ =	shalt  }
0x50: {  	_ =	shalt  }
0x51: {  	_ =	shalt  }
0x52: {  	_ =	shalt  }
0x53: {  	_ =	shalt  }
0x54: {  	_ =	shalt  }
0x55: {  	_ =	shalt  }
0x56: {  	_ =	shalt  }
0x57: {  	_ =	shalt  }
0x58: {  	_ =	shalt  }
0x59: {  	_ =	shalt  }
0x5a: {  	_ =	shalt  }
0x5b: {  	_ =	shalt  }
0x5c: {  	_ =	shalt  }
0x5d: {  	_ =	shalt  }
0x5e: {  	_ =	shalt  }
0x5f: {  	_ =	shalt  }
0x60: {  	_ =	shalt  }
0x61: {  	_ =	shalt  }
0x62: {  	_ =	shalt  }
0x63: {  	_ =	shalt  }
0x64: {  	_ =	shalt  }
0x65: {  	_ =	shalt  }
0x66: {  	_ =	shalt  }
0x67: {  	_ =	shalt  }
0x68: {  	_ =	shalt  }
0x69: {  	_ =	shalt  }
0x6a: {  	_ =	shalt  }
0x6b: {  	_ =	shalt  }
0x6c: {  	_ =	shalt  }
0x6d: {  	_ =	shalt  }
0x6e: {  	_ =	shalt  }
0x6f: {  	_ =	shalt  }
0x70: {  	_ =	shalt  }
0x71: {  	_ =	shalt  }
0x72: {  	_ =	shalt  }
0x73: {  	_ =	shalt  }
0x74: {  	_ =	shalt  }
0x75: {  	_ =	shalt  }
0x76: {  	_ =	shalt  }
0x77: {  	_ =	shalt  }
0x78: {  	_ =	shalt  }
0x79: {  	_ =	shalt  }
0x7a: {  	_ =	shalt  }
0x7b: {  	_ =	shalt  }
0x7c: {  	_ =	shalt  }
0x7d: {  	_ =	shalt  }
0x7e: {  	_ =	shalt  }
0x7f: {  	_ =	shalt  }
0x80: {  	_ =	shalt  }
0x81: {  	_ =	shalt  }
0x82: {  	_ =	shalt  }
0x83: {  	_ =	shalt  }
0x84: {  	_ =	shalt  }
0x85: {  	_ =	shalt  }
0x86: {  	_ =	shalt  }
0x87: {  	_ =	shalt  }
.Lfunc_end0:
.L_simem_size_0:
called_computation_lowered:
.L_overlay_start_0:
0x88: {  	s2 =	sld [smem:$0x3FD9]  }
0x89: {  	s3 =	sld [smem:$0x3FFE];
	_ =	sdelay $0x1  }
0x8a: {  	s1 =	srdreg.scid  }
0x8b: {  	s0 =	sand.u32 $0x1, s1  }
0x8c: {  	s17 =	sshll.u32 s0, $0xA;
	s2 =	sadd.s32 s3, s2  }
0x8d: {  	s2 =	sadd.s32 s2, s17  }
0x8e: {  	[smem:$0x3FB9] =	sst s2  }
0x8f: {  	_ = 	snop  }
0x90: {  	s2 =	sld [smem:$0x3FD0];
	(tm) =	ssettm $0x1  }
0x91: {  	s18 =	sld [smem:$0x3FFB];
	_ =	sdelay $0x3  }
0x92: {  	_ =	strace s18  }
0x93: {  	s3 =	sld [smem:$0x3FFC];
	_ =	sdelay $0x3  }
0x94: {  	_ =	strace s3  }
0x95: {  	s3 =	sld [smem:$0x3FFD];
	_ =	sdelay $0x3  }
0x96: {  	_ =	strace s3  }
0x97: {  	_ =	strace $0x8FFFFFFF  }
0x98: {  	s19 =	sld [smem:$0x3FDB];
	_ =	sdelay $0x1  }
0x99: {  	s4 =	simm.s32 $_scs_section_size  }
0x9a: {  	s5 =	simm.s32 $_size__tile_overlayer_lowered;
	s6 =	simm.s32 $_tile_overlayer_lowered  }
0x9b: {  	s22 =	simm.s32 $0x1BFF;
	s21 =	sshll.u32 s6, $0x1;
	s3 =	sadd.s32 s4, s19  }
0x9c: {  	s7 =	simm.s32 $0x0;
	s20 =	sshll.u32 s5, $0x1;
	s5 =	sadd.s32 s21, s3  }
0x9d: {  	[timem:s7], [sflag:s22] =	dma.local [hbm:s5], s20  }
0x9e: {  	_ =	swait.ge [sflag:s22], s20  }
0x9f: {  	s4 =	ssub.s32 $0x0, s20;
	[sflag:s22] =	ssyncset.done $0x0  }
0xa0: {  	[sflag:s22] =	ssyncadd.s32 s4;
	_ =	sdelay $0x1  }
0xa1: {  	s23 =	simm.s32 $0x1B8B  }
0xa2: {  	_ =	swait.ge [sflag:s23], $0x1  }
0xa3: {  	[sflag:s23] =	ssyncset.done $0x0  }
0xa4: {  	s25 =	simm.s32 $0x1B8E;
	s24 =	sld [smem:$0x3FFE];
	[sflag:s23] =	ssyncadd.s32 $0xFFFFFFFF  }
0xa5: {  	s26 =	simm.s32 $execute0_lowered;
	[smem:$0x3FD2] =	sst s25  }
0xa6: {  	s5 =	sshll.u32 s26, $0x1;
	_ =	strace $0x80000046;
	[dreg:$0x1] =	wrdreg $0xFFFFFFFF  }
0xa7: {  	s28 =	simm.s32 $_size_execute0_lowered;
	s3 =	sadd.s32 s3, s5;
	[dreg:$0x0] =	wrdreg $0x0  }
0xa8: {  	s5 =	sshll.u32 s28, $0x1;
	[dreg:$0x2] =	wrdreg s3  }
0xa9: {  	[dreg:$0x3] =	wrdreg s5  }
0xaa: {  	[dreg:$0x4] =	wrdreg $0xC0  }
0xab: {  	_ =	task [dreg:s7], $0x5FFFF  }
0xac: {  	[dreg:$0x1] =	wrdreg $0xFFFFFFFF  }
0xad: {  	[dreg:$0x0] =	wrdreg $0x60  }
0xae: {  	[dreg:$0x2] =	wrdreg s24  }
0xaf: {  	[dreg:$0x3] =	wrdreg s2  }
0xb0: {  	[dreg:$0x4] =	wrdreg $0x2A800  }
0xb1: {  	[dreg:$0x5] =	wrdreg $0x9  }
0xb2: {  	_ =	task.clear_ibuf [dreg:s7], $0x6FFFF;
	_ =	strace $0x90000046  }
0xb3: {  	s29 =	simm.s32 $0x9;
	_ =	strace $0x80000048  }
0xb4: {  	_ =	swait.ge [sflag:s29], $0x1  }
0xb5: {  	[sflag:s29] =	ssyncadd.s32 $0xFFFFFFFF  }
0xb6: {  	_ =	strace $0x90000048  }
0xb7: {  	_ =	sfence  }
0xb8: {  	s30 =	sld [smem:$0x0];
	_ =	sdelay $0x2  }
0xb9: {  	s31 =	sshll.u32 s1, $0xD;
	s1 =	sshrl.u32 s1, $0x2  }
0xba: {  	s3 =	sand.u32 $0x4000, s31;
	s1 =	sadd.s32 s1, s30  }
0xbb: {  	s0 =	sor.u32 s3, s0;
	s1 =	sshll.u32 s1, $0x11  }
0xbc: {  	s0 =	sor.u32 s1, s0  }
0xbd: {  	s0 =	sadd.s32 $0x8F2B, s0  }
0xbe: {  	[sflag:s0] =	ssyncadd.remote.s32 $0x1  }
0xbf: {  	_ =	sfence.sel $0xFFFF  }
0xc0: {  	[dreg:$0x0] =	wrdreg $0xFFFFFFFF;
	(pc) =	sbr.abs _section_cstart, $3  }
0xc1: {  	[dreg:$0x1] =	wrdreg $0xFFFFFFFF  }
0xc2: {  	_ =	task.clear_ibuf [dreg:s7], $0x2FFFF;
	_ =	strace $0x9FFFFFFF  }
0xc3: {  	(tm) =	ssettm $0x7FFFFFFF  }
tec
execute0_lowered:
.L_overlay_start_1:
0x0: {  	(tag) =	ssettag $0x1  }
0x1: {  	s1 =	srdreg.scid;
	s6 =	rddreg [dreg:$0x0]  }
0x2: {  	s0 =	stileid.u32;
	s2 =	rddreg [dreg:$0x1]  }
0x3: {  	s3 =	rddreg [dreg:$0x2];
	s4 =	simm.s32 $0x0;
	s12 =	simm.s32 $0x2800  }
0x4: {  	s13 =	simm.s32 $0x2780;
	s14 =	simm.s32 $0x80;
	s15 =	simm.s32 $0x1  }
0x5: {  	s16 =	simm.s32 $0x2;
	s17 =	simm.s32 $0x3;
	s18 =	simm.s32 $0x4  }
0x6: {  	s19 =	simm.s32 $0x5;
	s20 =	simm.s32 $0x6;
	s23 =	simm.s32 $0x0  }
0x7: {  	s5 =	sand.u32 $0x1, s1;
	s28 =	sshll.u32 s0, $0x1;
	s1 =	rddreg [dreg:$0x3]  }
0x8: {  	s9 =	smul.u32 $0x280, s0;
	[smem:$0x7FF] =	sst s4;
	p0 =	sgt.u32 s0, $0x1  }
0x9: {  	s21 =	sshll.u32 s0, $0x6;
	s7 =	sor.u32 s5, s28;
	s10 =	smul.u32 $0x2800, s5  }
0xa: {  	_ =	strace $0x80000047;
	s30 =	ssub.s32 $0x2, s5;
	s5 =	sadd.s32 $0x16800, s6  }
0xb: {  	s21 =	sor.u32 $0x1C07, s21;
	s8 =	smul.u32 $0x4E, s7;
	s31 =	sshrl.u32 s30, $0x1  }
0xc: {  	s7 =	smin.u32 s7, $0x4;
	s29 =	sadd.s32 s9, s10;
	s10 =	ssub.s32 s30, s31  }
0xd: {  	s7 =	sadd.s32 s7, s8;
	s8 =	sshrl.u32 s29, $0x3;
	s10 =	smax.u32 s10, $0x1  }
0xe: {  	s7 =	sshll.u32 s7, $0x4;
	s11 =	sadd.s32 s8, s6;
	s8 =	sadd.s32 s9, s3  }
0xf: {  	s7 =	sadd.s32 s7, s6;
	s9 =	sadd.s32 $0x16A00, s11;
	s11 =	simm.s32 $0x7  }
0x10: {  	s22 =	sshrl.u32 s8, $0x3;
	s6 =	sadd.s32 $0xCA00, s7;
	s7 =	sadd.s32 $0xCEE0, s7  }
.LBB2_1:
0x11: {  	[tilespmem:s4], [sflag:$0x7] =	stream.linear.gather [hbm4b:s6+s4], $0x2700, $0x38;
	[tilespmem:$0x2D00] =	vst v63  }
0x12: {  	_ =	swait.ge [sflag:s11], $0x2700  }
0x13: {  	[sflag:s11] =	ssyncset.done $0x0  }
0x14: {  	s24 =	simm.s32 @!p0 $0x0;
	s25 =	simm.s32 @!p0 $0x2700;
	[sflag:s11] =	ssyncadd.s32 $0xFFFFD900  }
0x15: {  	[tilespmem:s25], [sflag:$0x7] =	stream.linear.gather @!p0 [hbm4b:s7+s24], $0x80, $0x38;
	[tilespmem:$0x2D00] =	vst v63  }
0x16: {  	s24 =	simm.s32 @!p0 $0x7  }
0x17: {  	_ =	swait.ge @!p0 [sflag:s24], $0x80  }
0x18: {  	[sflag:s24] =	ssyncset.done @!p0 $0x0  }
0x19: {  	[sflag:s24] =	ssyncadd.s32 @!p0 $0xFFFFFF80  }
0x1a: {  	[tilespmem:s12], [sflag:$0x7] =	stream.linear.gather [hbm4b:s5+s4], $0x280, $0x38;
	[tilespmem:$0x2D00] =	vst v63  }
0x1b: {  	_ =	swait.ge [sflag:s11], $0x280  }
0x1c: {  	[sflag:s11] =	ssyncset.done $0x0  }
0x1d: {  	[sflag:s11] =	ssyncadd.s32 $0xFFFFFD80  }
0x1e: {  	[spmem:s8] =	stream.linear.scatter [tilespmem:s12], [sflag:$0x7], $0x280, $0x38;
	[tilespmem:$0x2D00] =	vst v63  }
0x1f: {  	_ =	swait.ge [sflag:s11], $0x280  }
0x20: {  	[sflag:s11] =	ssyncset.done $0x0  }
0x21: {  	[sflag:s11] =	ssyncadd.s32 $0xFFFFFD80  }
0x22: {  	[tilespmem:s13], [sflag:$0x7] =	stream.linear.gather [hbm4b:s2+s4], $0x80, $0x38;
	[tilespmem:$0x2D00] =	vst v63  }
0x23: {  	_ =	swait.ge [sflag:s11], $0x80  }
0x24: {  	[sflag:s11] =	ssyncset.done $0x0  }
0x25: {  	[sflag:s11] =	ssyncadd.s32 $0xFFFFFF80  }
0x26: {  	s25 =	simm.s32 $0x0;
	[bflag:$0x0] =	sbarrier.arrive $0xFFFF  }
0x27: {  	[spmem:s3] =	stream.indirect.scatter.add.f32 [tilespmem:s13], [sflag:$0x1], $0x1, s25, s14, $0xb8;
	[tilespmem:$0x2D00] =	vst v63  }
0x28: {  	s26 =	simm.s32 $0x80  }
0x29: {  	[spmem:s3] =	stream.indirect.scatter.add.f32 [tilespmem:s13], [sflag:$0x2], $0x1, s26, s14, $0xb8;
	[tilespmem:$0x2D00] =	vst v63  }
0x2a: {  	s28 =	simm.s32 $0x100  }
0x2b: {  	[spmem:s3] =	stream.indirect.scatter.add.f32 [tilespmem:s13], [sflag:$0x3], $0x1, s28, s14, $0xb8;
	[tilespmem:$0x2D00] =	vst v63  }
0x2c: {  	s29 =	simm.s32 $0x180  }
0x2d: {  	[spmem:s3] =	stream.indirect.scatter.add.f32 [tilespmem:s13], [sflag:$0x4], $0x1, s29, s14, $0xb8;
	[tilespmem:$0x2D00] =	vst v63  }
0x2e: {  	s30 =	simm.s32 $0x200  }
0x2f: {  	[spmem:s3] =	stream.indirect.scatter.add.f32 [tilespmem:s13], [sflag:$0x5], $0x1, s30, s14, $0xb8;
	[tilespmem:$0x2D00] =	vst v63  }
0x30: {  	s31 =	simm.s32 $0x280  }
0x31: {  	[spmem:s3] =	stream.indirect.scatter.add.f32 [tilespmem:s13], [sflag:$0x6], $0x1, s31, s14, $0xb8;
	[tilespmem:$0x2D00] =	vst v63  }
0x32: {  	_ =	swait.ge [sflag:s15], $0x80  }
0x33: {  	[sflag:s15] =	ssyncset.done $0x0  }
0x34: {  	[sflag:s15] =	ssyncadd.s32 $0xFFFFFF80  }
0x35: {  	_ =	swait.ge [sflag:s16], $0x80  }
0x36: {  	[sflag:s16] =	ssyncset.done $0x0  }
0x37: {  	[sflag:s16] =	ssyncadd.s32 $0xFFFFFF80  }
0x38: {  	_ =	swait.ge [sflag:s17], $0x80  }
0x39: {  	[sflag:s17] =	ssyncset.done $0x0  }
0x3a: {  	[sflag:s17] =	ssyncadd.s32 $0xFFFFFF80  }
0x3b: {  	_ =	swait.ge [sflag:s18], $0x80  }
0x3c: {  	[sflag:s18] =	ssyncset.done $0x0  }
0x3d: {  	[sflag:s18] =	ssyncadd.s32 $0xFFFFFF80  }
0x3e: {  	_ =	swait.ge [sflag:s19], $0x80  }
0x3f: {  	[sflag:s19] =	ssyncset.done $0x0  }
0x40: {  	[sflag:s19] =	ssyncadd.s32 $0xFFFFFF80  }
0x41: {  	_ =	swait.ge [sflag:s20], $0x80  }
0x42: {  	s24 =	simm.s32 $0xC00;
	s25 =	simm.s32 $0x1800;
	[sflag:s20] =	ssyncset.done $0x0  }
.LBB2_2:
0x43: {  	s26 =	sshra.s32 s24, $0x2  }
0x44: {  	[sflag:s20] =	ssyncadd.s32 $0xFFFFFF80;
	s24 =	smov.u32 s25;
	s28 =	sadd.s32 $0xC00, s25  }
0x45: {  	[spmem:s3] =	stream.indirect.scatter.add.f32 [tilespmem:s13], [sflag:$0x1], $0x1, s26, s14, $0xb8;
	[tilespmem:$0x2D00] =	vst v63  }
0x46: {  	p1 =	sne.s32 s25, $0x9000;
	s25 =	sadd.s32 $0x80, s26  }
0x47: {  	[spmem:s3] =	stream.indirect.scatter.add.f32 [tilespmem:s13], [sflag:$0x2], $0x1, s25, s14, $0xb8;
	[tilespmem:$0x2D00] =	vst v63  }
0x48: {  	s25 =	sadd.s32 $0x100, s26  }
0x49: {  	[spmem:s3] =	stream.indirect.scatter.add.f32 [tilespmem:s13], [sflag:$0x3], $0x1, s25, s14, $0xb8;
	[tilespmem:$0x2D00] =	vst v63  }
0x4a: {  	s25 =	sadd.s32 $0x180, s26  }
0x4b: {  	[spmem:s3] =	stream.indirect.scatter.add.f32 [tilespmem:s13], [sflag:$0x4], $0x1, s25, s14, $0xb8;
	[tilespmem:$0x2D00] =	vst v63  }
0x4c: {  	s25 =	sadd.s32 $0x200, s26  }
0x4d: {  	[spmem:s3] =	stream.indirect.scatter.add.f32 [tilespmem:s13], [sflag:$0x5], $0x1, s25, s14, $0xb8;
	[tilespmem:$0x2D00] =	vst v63  }
0x4e: {  	s25 =	sadd.s32 $0x280, s26  }
0x4f: {  	[spmem:s3] =	stream.indirect.scatter.add.f32 [tilespmem:s13], [sflag:$0x6], $0x1, s25, s14, $0xb8;
	[tilespmem:$0x2D00] =	vst v63  }
0x50: {  	_ =	swait.ge [sflag:s15], $0x80  }
0x51: {  	[sflag:s15] =	ssyncset.done $0x0  }
0x52: {  	[sflag:s15] =	ssyncadd.s32 $0xFFFFFF80  }
0x53: {  	_ =	swait.ge [sflag:s16], $0x80  }
0x54: {  	[sflag:s16] =	ssyncset.done $0x0  }
0x55: {  	[sflag:s16] =	ssyncadd.s32 $0xFFFFFF80  }
0x56: {  	_ =	swait.ge [sflag:s17], $0x80  }
0x57: {  	[sflag:s17] =	ssyncset.done $0x0  }
0x58: {  	[sflag:s17] =	ssyncadd.s32 $0xFFFFFF80  }
0x59: {  	_ =	swait.ge [sflag:s18], $0x80  }
0x5a: {  	[sflag:s18] =	ssyncset.done $0x0  }
0x5b: {  	[sflag:s18] =	ssyncadd.s32 $0xFFFFFF80  }
.Ltmp0:
0x5c: {  	_ =	swait.ge [sflag:s19], $0x80;
	(pc) =	sbr.rel @p1 .LBB2_2-.Ltmp0, $4  }
0x5d: {  	[sflag:s19] =	ssyncset.done $0x0  }
0x5e: {  	[sflag:s19] =	ssyncadd.s32 $0xFFFFFF80  }
0x5f: {  	_ =	swait.ge [sflag:s20], $0x80  }
0x60: {  	s25 =	smov.u32 s28;
	[sflag:s20] =	ssyncset.done $0x0  }
0x61: {  	s24 =	sshra.s32 s24, $0x2;
	[sflag:s20] =	ssyncadd.s32 $0xFFFFFF80  }
0x62: {  	[spmem:s3] =	stream.indirect.scatter.add.f32 [tilespmem:s13], [sflag:$0x1], $0x1, s24, s14, $0xb8;
	[tilespmem:$0x2D00] =	vst v63  }
0x63: {  	s25 =	sadd.s32 $0x80, s24  }
0x64: {  	[spmem:s3] =	stream.indirect.scatter.add.f32 [tilespmem:s13], [sflag:$0x2], $0x1, s25, s14, $0xb8;
	[tilespmem:$0x2D00] =	vst v63  }
0x65: {  	s29 =	sadd.s32 $0x100, s24  }
0x66: {  	[spmem:s3] =	stream.indirect.scatter.add.f32 [tilespmem:s13], [sflag:$0x3], $0x1, s29, s14, $0xb8;
	[tilespmem:$0x2D00] =	vst v63  }
0x67: {  	s30 =	sadd.s32 $0x180, s24  }
0x68: {  	[spmem:s3] =	stream.indirect.scatter.add.f32 [tilespmem:s13], [sflag:$0x4], $0x1, s30, s14, $0xb8;
	[tilespmem:$0x2D00] =	vst v63  }
0x69: {  	s31 =	sadd.s32 $0x200, s24  }
0x6a: {  	[spmem:s3] =	stream.indirect.scatter.add.f32 [tilespmem:s13], [sflag:$0x5], $0x1, s31, s14, $0xb8;
	[tilespmem:$0x2D00] =	vst v63  }
0x6b: {  	s24 =	sadd.s32 $0x280, s24  }
0x6c: {  	[spmem:s3] =	stream.indirect.scatter.add.f32 [tilespmem:s13], [sflag:$0x6], $0x1, s24, s14, $0xb8;
	[tilespmem:$0x2D00] =	vst v63  }
0x6d: {  	_ =	swait.ge [sflag:s15], $0x80  }
0x6e: {  	[sflag:s15] =	ssyncset.done $0x0  }
0x6f: {  	[sflag:s15] =	ssyncadd.s32 $0xFFFFFF80  }
0x70: {  	_ =	swait.ge [sflag:s16], $0x80  }
0x71: {  	[sflag:s16] =	ssyncset.done $0x0  }
0x72: {  	[sflag:s16] =	ssyncadd.s32 $0xFFFFFF80  }
0x73: {  	_ =	swait.ge [sflag:s17], $0x80  }
0x74: {  	[sflag:s17] =	ssyncset.done $0x0  }
0x75: {  	[sflag:s17] =	ssyncadd.s32 $0xFFFFFF80  }
0x76: {  	_ =	swait.ge [sflag:s18], $0x80  }
0x77: {  	[sflag:s18] =	ssyncset.done $0x0  }
0x78: {  	[sflag:s18] =	ssyncadd.s32 $0xFFFFFF80  }
0x79: {  	_ =	swait.ge [sflag:s19], $0x80  }
0x7a: {  	[sflag:s19] =	ssyncset.done $0x0  }
0x7b: {  	[sflag:s19] =	ssyncadd.s32 $0xFFFFFF80  }
0x7c: {  	_ =	swait.ge [sflag:s20], $0x80  }
0x7d: {  	s26 =	simm.s32 @!p0 $0x2780;
	[sflag:s20] =	ssyncset.done $0x0  }
0x7e: {  	s25 =	simm.s32 @!p0 $0x2700;
	s24 =	simm.s32 @!p0 $0x80;
	[sflag:s20] =	ssyncadd.s32 $0xFFFFFF80  }
0x7f: {  	[spmem:s3] =	stream.indirect.scatter.add.f32 @!p0 [tilespmem:s26], [sflag:$0x7], $0x1, s25, s24, $0xb8;
	[tilespmem:$0x2D00] =	vst v63  }
0x80: {  	s24 =	simm.s32 @!p0 $0x7  }
0x81: {  	_ =	swait.ge @!p0 [sflag:s24], $0x80  }
0x82: {  	s23 =	sadd.s32 $0x1, s23;
	[sflag:s24] =	ssyncset.done @!p0 $0x0  }
0x83: {  	p1 =	sne.s32 s23, s10;
	[sflag:s24] =	ssyncadd.s32 @!p0 $0xFFFFFF80  }
.Ltmp1:
0x84: {  	[bflag:$0x0] =	sbarrier.arrive $0xFFFF;
	(pc) =	sbr.rel @p1 .LBB2_1-.Ltmp1, $4  }
0x85: {  	[hbm:s9], [sflag:s21] =	dma.local [spmem:s22], $0x50  }
0x86: {  	_ =	swait.ge [sflag:s11], $0x50  }
0x87: {  	[sflag:s11] =	ssyncset.done $0x0  }
0x88: {  	[sflag:s11] =	ssyncadd.s32 $0xFFFFFFB0  }
0x89: {  	_ =	sfence.sel $0x180000  }
0x8a: {  	[bflag:$0x0] =	sbarrier.arrive $0xFFFF  }
0x8b: {  	p0 =	sne.s32 s0, $0x0;
	_ =	strace $0x90000047  }
0x8c: {  	s0 =	sadd.s32 @!p0 $0x100000, s1;
	[bflag:$0x2] =	sbarrier.arrive $0xFFFF  }
0x8d: {  	[sflag:s0] =	ssyncadd.tile.s32 @!p0 $0x1;
	_ =	shalt  }
.Lfunc_end2:
_tile_overlayer_lowered:
.L_overlay_start_2:
0x8e: {  	(tag) =	ssettag $0x2  }
0x8f: {  	s0 =	rddreg [dreg:$0x0];
	s2 =	stileid.u32  }
0x90: {  	s1 =	rddreg [dreg:$0x1];
	p0 =	sne.s32 s2, $0x0  }
0x91: {  	s3 =	rddreg [dreg:$0x2];
	[bflag:$0x3] =	sbarrier.arrive $0xFFFF;
	s2 =	simm.s32 @!p0 $0x1C07  }
0x92: {  	[timem:s3], [sflag:s2] =	dma.local @!p0 [hbm:s0], s1  }
0x93: {  	s0 =	simm.s32 @!p0 $0x7  }
0x94: {  	_ =	swait.ge @!p0 [sflag:s0], s1  }
0x95: {  	s1 =	ssub.s32 @!p0 $0x0, s1;
	[sflag:s0] =	ssyncset.done @!p0 $0x0  }
0x96: {  	[sflag:s0] =	ssyncadd.s32 @!p0 s1  }
0x97: {  	[bflag:$0x3] =	sbarrier.arrive $0xFFFF  }
0x98: {  	_ =	shalt  }

// kernel: kernel.13.cloned.1.call-start
scs
__scs_entry_jumppad:
0x0: {  	(pc) =	sbr.rel $0x88, $3  }
0x1: {  	(tag) =	ssettag $0x0;
	lr =	simm.s32 $0x1  }
0x2: {  	[smem:$0x3F92] =	sst lr;
	_ =	strace $0xD0000000  }
0x3: {  	_ = 	snop  }
0x4: {  	_ = 	snop  }
0x5: {  	_ = 	snop  }
0x6: {  	_ = 	snop  }
0x7: {  	_ = 	snop  }
__scs_overlays_trampoline_lowered:
0x8: {  	[smem:$0x3FA1] =	sst s0  }
0x9: {  	[smem:$0x3FA2] =	sst s1  }
0xa: {  	[smem:$0x3FA3] =	sst s2  }
0xb: {  	[smem:$0x3FA4] =	sst s3  }
0xc: {  	[smem:$0x3FA5] =	sst s4  }
0xd: {  	[smem:$0x3FA6] =	sst s5  }
0xe: {  	[smem:$0x3FA7] =	sst s6  }
0xf: {  	[smem:$0x3FA8] =	sst s7  }
0x10: {  	[smem:$0x3FA9] =	sst s8  }
0x11: {  	[smem:$0x3FAA] =	sst s9;
	s0 =	simm.s32 @!p0 $0x0  }
0x12: {  	s1 =	sld [smem:$0x3F90];
	s0 =	simm.s32 @p0 $0x1  }
0x13: {  	[smem:$0x3FAB] =	sst s0;
	s0 =	simm.s32 @!p1 $0x0  }
0x14: {  	s2 =	sld [smem:$0x3F8F];
	s0 =	simm.s32 @p1 $0x1  }
0x15: {  	[smem:$0x3FAC] =	sst s0;
	s0 =	simm.s32 @!p2 $0x0  }
0x16: {  	s3 =	sld [smem:$0x3FDB];
	s0 =	simm.s32 @p2 $0x1  }
0x17: {  	s4 =	simm.s32 $0x1BF5;
	[smem:$0x3FAE] =	sst s0  }
0x18: {  	s0 =	sld [smem:$0x3F91];
	_ =	swait.ge [sflag:s4], $0x0  }
0x19: {  	s7 =	sld [smem:$0x3F92]  }
0x1a: {  	s8 =	sadd.s32 $0xFFFFE003, lr  }
0x1b: {  	s9 =	sadd.s32 $0xFFFFFEF7, lr;
	s5 =	simm.s32 $0xFFFFFFFF;
	p2 =	slt.u32 s8, $0xFFFFF086  }
0x1c: {  	p1 =	slt.u32 s9, $0xF7A;
	s5 =	simm.s32 @!p2 $0x0  }
0x1d: {  	s5 =	simm.s32 @p1 $0x1;
	p0 =	seq.s32 s7, s2  }
0x1e: {  	s7 =	smul.u32 @!p0 $0xF7A, s2;
	p2 =	seq.s32 @!p0 s5, $0x0  }
0x1f: {  	s9 =	smul.u32 $0xF7A, s1;
	s8 =	simm.s32 @!p0 $0x1BF5;
	p2 =	por !p2, p0  }
0x20: {  	[sflag:s8] =	ssyncset.s32 @!p0 $0xFFFFF086;
	s6 =	sadd.s32 @!p0 s3, s7;
	s7 =	simm.s32 @!p0 $0x108  }
0x21: {  	s3 =	sadd.s32 s3, s9;
	s6 =	sadd.s32 @!p0 $0x88, s6;
	s7 =	simm.s32 @p2 $0x1082  }
0x22: {  	[simem:s7], [sflag:s8] =	dma.local @!p0 [hbm:s6], $0xF7A  }
0x23: {  	s9 =	sor.u32 $0xD0000000, s2;
	s6 =	simm.s32 $0x108;
	_ =	swait.ge @!p0 [sflag:s8], $0x0  }
0x24: {  	s3 =	sadd.s32 $0x88, s3;
	s6 =	simm.s32 @!p1 $0x1082;
	[sflag:s4] =	ssyncset.s32 $0xFFFFF086  }
0x25: {  	[simem:s6], [sflag:s4] =	dma.local [hbm:s3], $0xF7A  }
0x26: {  	[smem:$0x3F92] =	sst s1;
	(tag) =	ssettag s2;
	_ =	strace s9  }
0x27: {  	s1 =	sld [smem:$0x3FA2]  }
0x28: {  	s2 =	sld [smem:$0x3FA3]  }
0x29: {  	s4 =	sld [smem:$0x3FA5]  }
0x2a: {  	p0 =	seq.s32 s5, $0x0;
	s5 =	sld [smem:$0x3FA6]  }
0x2b: {  	s6 =	sld [smem:$0x3FA7]  }
0x2c: {  	s7 =	sld [smem:$0x3FA8]  }
0x2d: {  	s3 =	simm.s32 $0x108;
	s8 =	sld [smem:$0x3FA9]  }
0x2e: {  	s3 =	simm.s32 @!p0 $0x1082;
	s9 =	sld [smem:$0x3FAA]  }
0x2f: {  	lr =	sadd.s32 s0, s3;
	s0 =	sld [smem:$0x3FA1]  }
0x30: {  	s3 =	sld [smem:$0x3FA4]  }
0x31: {  	[smem:$0x3FAD] =	sst s10  }
0x32: {  	s10 =	sld [smem:$0x3FAB];
	_ =	sdelay $0x3  }
0x33: {  	p0 =	seq.s32 s10, $0x1;
	s10 =	sld [smem:$0x3FAD];
	_ =	sdelay $0x3  }
0x34: {  	[smem:$0x3FAD] =	sst s10  }
0x35: {  	s10 =	sld [smem:$0x3FAC];
	_ =	sdelay $0x3  }
0x36: {  	p1 =	seq.s32 s10, $0x1;
	s10 =	sld [smem:$0x3FAD];
	_ =	sdelay $0x3  }
0x37: {  	[smem:$0x3FAD] =	sst s10  }
0x38: {  	s10 =	sld [smem:$0x3FAE]  }
0x39: {  	_ = 	snop;
	(pc) =	sbr.ind lr, $3  }
0x3a: {  	_ = 	snop  }
0x3b: {  	_ = 	snop  }
0x3c: {  	p2 =	seq.s32 s10, $0x1;
	s10 =	sld [smem:$0x3FAD]  }
0x3d: {  	_ =	shalt  }
0x3e: {  	_ =	shalt  }
0x3f: {  	_ =	shalt  }
0x40: {  	_ =	shalt  }
0x41: {  	_ =	shalt  }
0x42: {  	_ =	shalt  }
0x43: {  	_ =	shalt  }
0x44: {  	_ =	shalt  }
0x45: {  	_ =	shalt  }
0x46: {  	_ =	shalt  }
0x47: {  	_ =	shalt  }
0x48: {  	_ =	shalt  }
0x49: {  	_ =	shalt  }
0x4a: {  	_ =	shalt  }
0x4b: {  	_ =	shalt  }
0x4c: {  	_ =	shalt  }
0x4d: {  	_ =	shalt  }
0x4e: {  	_ =	shalt  }
0x4f: {  	_ =	shalt  }
0x50: {  	_ =	shalt  }
0x51: {  	_ =	shalt  }
0x52: {  	_ =	shalt  }
0x53: {  	_ =	shalt  }
0x54: {  	_ =	shalt  }
0x55: {  	_ =	shalt  }
0x56: {  	_ =	shalt  }
0x57: {  	_ =	shalt  }
0x58: {  	_ =	shalt  }
0x59: {  	_ =	shalt  }
0x5a: {  	_ =	shalt  }
0x5b: {  	_ =	shalt  }
0x5c: {  	_ =	shalt  }
0x5d: {  	_ =	shalt  }
0x5e: {  	_ =	shalt  }
0x5f: {  	_ =	shalt  }
0x60: {  	_ =	shalt  }
0x61: {  	_ =	shalt  }
0x62: {  	_ =	shalt  }
0x63: {  	_ =	shalt  }
0x64: {  	_ =	shalt  }
0x65: {  	_ =	shalt  }
0x66: {  	_ =	shalt  }
0x67: {  	_ =	shalt  }
0x68: {  	_ =	shalt  }
0x69: {  	_ =	shalt  }
0x6a: {  	_ =	shalt  }
0x6b: {  	_ =	shalt  }
0x6c: {  	_ =	shalt  }
0x6d: {  	_ =	shalt  }
0x6e: {  	_ =	shalt  }
0x6f: {  	_ =	shalt  }
0x70: {  	_ =	shalt  }
0x71: {  	_ =	shalt  }
0x72: {  	_ =	shalt  }
0x73: {  	_ =	shalt  }
0x74: {  	_ =	shalt  }
0x75: {  	_ =	shalt  }
0x76: {  	_ =	shalt  }
0x77: {  	_ =	shalt  }
0x78: {  	_ =	shalt  }
0x79: {  	_ =	shalt  }
0x7a: {  	_ =	shalt  }
0x7b: {  	_ =	shalt  }
0x7c: {  	_ =	shalt  }
0x7d: {  	_ =	shalt  }
0x7e: {  	_ =	shalt  }
0x7f: {  	_ =	shalt  }
0x80: {  	_ =	shalt  }
0x81: {  	_ =	shalt  }
0x82: {  	_ =	shalt  }
0x83: {  	_ =	shalt  }
0x84: {  	_ =	shalt  }
0x85: {  	_ =	shalt  }
0x86: {  	_ =	shalt  }
0x87: {  	_ =	shalt  }
.Lfunc_end0:
.L_simem_size_0:
called_computation.1_lowered:
.L_overlay_start_0:
0x88: {  	s2 =	sld [smem:$0x3FD9]  }
0x89: {  	s3 =	sld [smem:$0x3FFE];
	_ =	sdelay $0x1  }
0x8a: {  	s1 =	srdreg.scid  }
0x8b: {  	s0 =	sand.u32 $0x1, s1  }
0x8c: {  	s16 =	sshll.u32 s0, $0xA;
	s2 =	sadd.s32 s3, s2  }
0x8d: {  	s2 =	sadd.s32 s2, s16  }
0x8e: {  	[smem:$0x3FB9] =	sst s2  }
0x8f: {  	_ = 	snop  }
0x90: {  	(tm) =	ssettm $0x1  }
0x91: {  	s17 =	sld [smem:$0x3FFB];
	_ =	sdelay $0x3  }
0x92: {  	_ =	strace s17  }
0x93: {  	s2 =	sld [smem:$0x3FFC];
	_ =	sdelay $0x3  }
0x94: {  	_ =	strace s2  }
0x95: {  	s2 =	sld [smem:$0x3FFD];
	_ =	sdelay $0x3  }
0x96: {  	_ =	strace s2  }
0x97: {  	_ =	strace $0x8FFFFFFF  }
0x98: {  	s18 =	sld [smem:$0x3FDB];
	_ =	sdelay $0x1  }
0x99: {  	s19 =	simm.s32 $_scs_section_size  }
0x9a: {  	s4 =	simm.s32 $_size__tile_overlayer_lowered;
	s5 =	simm.s32 $_tile_overlayer_lowered  }
0x9b: {  	s22 =	simm.s32 $0x1BFF;
	s21 =	sshll.u32 s5, $0x1;
	s2 =	sadd.s32 s19, s18  }
0x9c: {  	s6 =	simm.s32 $0x0;
	s20 =	sshll.u32 s4, $0x1;
	s4 =	sadd.s32 s21, s2  }
0x9d: {  	[timem:s6], [sflag:s22] =	dma.local [hbm:s4], s20  }
0x9e: {  	_ =	swait.ge [sflag:s22], s20  }
0x9f: {  	s3 =	ssub.s32 $0x0, s20;
	[sflag:s22] =	ssyncset.done $0x0  }
0xa0: {  	[sflag:s22] =	ssyncadd.s32 s3;
	_ =	sdelay $0x1  }
0xa1: {  	s23 =	simm.s32 $0x1B8B  }
0xa2: {  	_ =	swait.ge [sflag:s23], $0x1  }
0xa3: {  	[sflag:s23] =	ssyncset.done $0x0  }
0xa4: {  	s25 =	simm.s32 $0x1B8E;
	s24 =	sld [smem:$0x3FFE];
	[sflag:s23] =	ssyncadd.s32 $0xFFFFFFFF  }
0xa5: {  	s26 =	simm.s32 $execute0_lowered;
	[smem:$0x3FD2] =	sst s25  }
0xa6: {  	s4 =	sshll.u32 s26, $0x1;
	_ =	strace $0x80000049;
	[dreg:$0x1] =	wrdreg $0xFFFFFFFF  }
0xa7: {  	s28 =	simm.s32 $_size_execute0_lowered;
	s2 =	sadd.s32 s2, s4;
	[dreg:$0x0] =	wrdreg $0x0  }
0xa8: {  	s4 =	sshll.u32 s28, $0x1;
	[dreg:$0x2] =	wrdreg s2  }
0xa9: {  	[dreg:$0x3] =	wrdreg s4  }
0xaa: {  	[dreg:$0x4] =	wrdreg $0xC0  }
0xab: {  	_ =	task [dreg:s6], $0x5FFFF  }
0xac: {  	[dreg:$0x1] =	wrdreg $0xFFFFFFFF  }
0xad: {  	[dreg:$0x0] =	wrdreg $0x60  }
0xae: {  	[dreg:$0x2] =	wrdreg s24  }
0xaf: {  	[dreg:$0x3] =	wrdreg $0x14F000  }
0xb0: {  	[dreg:$0x4] =	wrdreg $0x9  }
0xb1: {  	_ =	task.clear_ibuf [dreg:s6], $0x5FFFF;
	_ =	strace $0x90000049  }
0xb2: {  	s29 =	simm.s32 $0x9;
	_ =	strace $0x8000004B  }
0xb3: {  	_ =	swait.ge [sflag:s29], $0x1  }
0xb4: {  	[sflag:s29] =	ssyncadd.s32 $0xFFFFFFFF  }
0xb5: {  	_ =	strace $0x9000004B  }
0xb6: {  	_ =	sfence  }
0xb7: {  	s30 =	sld [smem:$0x0];
	_ =	sdelay $0x2  }
0xb8: {  	s31 =	sshll.u32 s1, $0xD;
	s1 =	sshrl.u32 s1, $0x2  }
0xb9: {  	s3 =	sand.u32 $0x4000, s31;
	s1 =	sadd.s32 s1, s30  }
0xba: {  	s0 =	sor.u32 s3, s0;
	s1 =	sshll.u32 s1, $0x11  }
0xbb: {  	s0 =	sor.u32 s1, s0  }
0xbc: {  	s0 =	sadd.s32 $0x8F2B, s0  }
0xbd: {  	[sflag:s0] =	ssyncadd.remote.s32 $0x1  }
0xbe: {  	_ =	sfence.sel $0xFFFF  }
0xbf: {  	[dreg:$0x0] =	wrdreg $0xFFFFFFFF;
	(pc) =	sbr.abs _section_cstart, $3  }
0xc0: {  	[dreg:$0x1] =	wrdreg $0xFFFFFFFF  }
0xc1: {  	_ =	task.clear_ibuf [dreg:s6], $0x2FFFF;
	_ =	strace $0x9FFFFFFF  }
0xc2: {  	(tm) =	ssettm $0x7FFFFFFF  }
0xc3: {  	_ =	shalt  }
tec
execute0_lowered:
.L_overlay_start_1:
0x0: {  	(tag) =	ssettag $0x1  }
0x1: {  	s0 =	rddreg [dreg:$0x0]  }
0x2: {  	s1 =	rddreg [dreg:$0x1]  }
0x3: {  	s2 =	simm.s32 $0x0;
	s15 =	srdreg.scid;
	s11 =	stileid.u32  }
0x4: {  	s28 =	simm.s32 $0xEF00;
	s29 =	simm.s32 $0x10F00;
	s30 =	simm.s32 $0x12F00  }
0x5: {  	s31 =	simm.s32 $0x3;
	s12 =	simm.s32 $0xD;
	s13 =	simm.s32 $0xE  }
0x6: {  	s14 =	simm.s32 $0xF;
	[smem:$0x7FF] =	sst s2;
	s2 =	sand.u32 $0x1, s15  }
0x7: {  	s3 =	smul.u32 $0xA000, s11;
	s5 =	sshll.u32 s11, $0x1;
	s4 =	sadd.s32 $0x16800, s0  }
0x8: {  	s7 =	sadd.s32 $0x2C00, s0;
	s8 =	sadd.s32 $0xCA00, s0;
	s10 =	sadd.s32 $0x2A200, s0  }
0x9: {  	s17 =	smul.u32 $0x28000, s11;
	p0 =	sgt.u32 s11, $0x1;
	s11 =	simm.s32 $0xC  }
0xa: {  	s15 =	simm.s32 $0x10;
	_ =	strace $0x8000004A;
	s6 =	smul.u32 $0xA0000, s2  }
0xb: {  	s5 =	sor.u32 s2, s5;
	[dreg:$0x3] =	wrdreg s10;
	s2 =	ssub.s32 $0x2, s2  }
0xc: {  	s9 =	smul.u32 $0x4E, s5;
	s5 =	smin.u32 s5, $0x4;
	s16 =	sshrl.u32 s2, $0x1  }
0xd: {  	s20 =	sshrl.u32 s17, $0x2;
	s17 =	simm.s32 $0x5;
	s6 =	sadd.s32 s3, s6  }
0xe: {  	s2 =	ssub.s32 s2, s16;
	s21 =	sadd.s32 s20, s1;
	s16 =	sadd.s32 s3, s1  }
0xf: {  	s20 =	simm.s32 $0x1;
	s6 =	sshrl.u32 s6, $0x3;
	s5 =	sadd.s32 s5, s9  }
0x10: {  	s22 =	sadd.s32 $0x2000, s21;
	s23 =	sadd.s32 $0x4000, s21;
	[dreg:$0x8] =	wrdreg s16  }
0x11: {  	s24 =	sadd.s32 $0x6000, s21;
	s25 =	sadd.s32 $0x8000, s21;
	[dreg:$0x9] =	wrdreg s22  }
0x12: {  	s26 =	smax.u32 s2, $0x1;
	s21 =	simm.s32 $0x2;
	[dreg:$0xa] =	wrdreg s23  }
0x13: {  	s2 =	simm.s32 $0x6;
	s9 =	simm.s32 $0xB;
	[dreg:$0xb] =	wrdreg s24  }
0x14: {  	s5 =	sshll.u32 s5, $0x4;
	s0 =	sadd.s32 s6, s0;
	[dreg:$0xc] =	wrdreg s25  }
0x15: {  	[dreg:$0xe] =	wrdreg s26;
	s22 =	simm.s32 $0x80;
	s23 =	simm.s32 $0x6F00  }
0x16: {  	s24 =	simm.s32 $0x8F00;
	s25 =	simm.s32 $0xAF00;
	s26 =	simm.s32 $0xCF00  }
0x17: {  	s6 =	simm.s32 $0x8;
	s18 =	sadd.s32 s7, s5;
	s19 =	sadd.s32 s8, s5  }
0x18: {  	s5 =	sadd.s32 $0x4E0, s5;
	s0 =	sadd.s32 $0x2A600, s0;
	[dreg:$0x4] =	wrdreg s18  }
0x19: {  	[dreg:$0x5] =	wrdreg s19;
	s7 =	sadd.s32 s7, s5;
	s5 =	sadd.s32 s8, s5  }
0x1a: {  	[dreg:$0xd] =	wrdreg s0;
	s18 =	simm.s32 $0x4F00;
	s0 =	simm.s32 $0x4  }
0x1b: {  	s8 =	simm.s32 $0xA;
	s19 =	simm.s32 $0x0;
	[dreg:$0x6] =	wrdreg s7  }
0x1c: {  	[dreg:$0x7] =	wrdreg s5;
	s5 =	simm.s32 $0x7;
	s7 =	simm.s32 $0x9  }
.LBB2_1:
0x1d: {  	s10 =	simm.s32 $0x0;
	s3 =	rddreg [dreg:$0x4]  }
0x1e: {  	[tilespmem:s10], [sflag:$0x1] =	stream.linear.gather [hbm4b:s3+s10], $0x2700, $0x38;
	[tilespmem:$0x1EF00] =	vst v63  }
0x1f: {  	s16 =	simm.s32 $0x0;
	s3 =	rddreg [dreg:$0x5];
	s10 =	simm.s32 $0x2780  }
0x20: {  	[tilespmem:s10], [sflag:$0x2] =	stream.linear.gather [hbm4b:s3+s16], $0x2700, $0x38;
	[tilespmem:$0x1EF00] =	vst v63  }
0x21: {  	s3 =	simm.s32 @!p0 $0x0;
	s10 =	simm.s32 @!p0 $0x2700;
	s16 =	rddreg [dreg:$0x6]  }
0x22: {  	[tilespmem:s10], [sflag:$0x11] =	stream.linear.gather @!p0 [hbm4b:s16+s3], $0x80, $0x38;
	[tilespmem:$0x1EF00] =	vst v63  }
0x23: {  	[dreg:$0xf] =	wrdreg s19;
	s3 =	simm.s32 @!p0 $0x11  }
0x24: {  	_ =	swait.ge @!p0 [sflag:s3], $0x80  }
0x25: {  	s16 =	simm.s32 @!p0 $0x4E80;
	[sflag:s3] =	ssyncset.done @!p0 $0x0  }
0x26: {  	s10 =	simm.s32 @!p0 $0x0;
	[sflag:s3] =	ssyncadd.s32 @!p0 $0xFFFFFF80;
	s3 =	rddreg [dreg:$0x7]  }
0x27: {  	[tilespmem:s16], [sflag:$0x11] =	stream.linear.gather @!p0 [hbm4b:s3+s10], $0x80, $0x38;
	[tilespmem:$0x1EF00] =	vst v63  }
0x28: {  	s3 =	simm.s32 @!p0 $0x11  }
0x29: {  	_ =	swait.ge @!p0 [sflag:s3], $0x80  }
0x2a: {  	s19 =	simm.s32 $0x11;
	[sflag:s3] =	ssyncset.done @!p0 $0x0  }
0x2b: {  	s16 =	simm.s32 $0x0;
	s10 =	rddreg [dreg:$0x3];
	[sflag:s3] =	ssyncadd.s32 @!p0 $0xFFFFFF80  }
0x2c: {  	[tilespmem:s18], [sflag:$0x11] =	stream.linear.gather [hbm4b:s10+s16], $0x2000, $0x38;
	[tilespmem:$0x1EF00] =	vst v63  }
0x2d: {  	_ =	swait.ge [sflag:s19], $0x2000  }
0x2e: {  	[sflag:s19] =	ssyncset.done $0x0  }
0x2f: {  	s16 =	rddreg [dreg:$0x8];
	[sflag:s19] =	ssyncadd.s32 $0xFFFFE000  }
0x30: {  	[spmem:s16] =	stream.linear.scatter [tilespmem:s18], [sflag:$0x11], $0x2000, $0x38;
	[tilespmem:$0x1EF00] =	vst v63  }
0x31: {  	_ =	swait.ge [sflag:s19], $0x2000  }
0x32: {  	[sflag:s19] =	ssyncset.done $0x0  }
0x33: {  	s10 =	rddreg [dreg:$0x9];
	[sflag:s19] =	ssyncadd.s32 $0xFFFFE000  }
0x34: {  	[spmem:s10] =	stream.linear.scatter [tilespmem:s18], [sflag:$0x11], $0x2000, $0x38;
	[tilespmem:$0x1EF00] =	vst v63  }
0x35: {  	_ =	swait.ge [sflag:s19], $0x2000  }
0x36: {  	[sflag:s19] =	ssyncset.done $0x0  }
0x37: {  	s16 =	rddreg [dreg:$0xa];
	[sflag:s19] =	ssyncadd.s32 $0xFFFFE000  }
0x38: {  	[spmem:s16] =	stream.linear.scatter [tilespmem:s18], [sflag:$0x11], $0x2000, $0x38;
	[tilespmem:$0x1EF00] =	vst v63  }
0x39: {  	_ =	swait.ge [sflag:s19], $0x2000  }
0x3a: {  	[sflag:s19] =	ssyncset.done $0x0  }
0x3b: {  	s10 =	rddreg [dreg:$0xb];
	[sflag:s19] =	ssyncadd.s32 $0xFFFFE000  }
0x3c: {  	[spmem:s10] =	stream.linear.scatter [tilespmem:s18], [sflag:$0x11], $0x2000, $0x38;
	[tilespmem:$0x1EF00] =	vst v63  }
0x3d: {  	_ =	swait.ge [sflag:s19], $0x2000  }
0x3e: {  	[sflag:s19] =	ssyncset.done $0x0  }
0x3f: {  	s16 =	rddreg [dreg:$0xc];
	[sflag:s19] =	ssyncadd.s32 $0xFFFFE000  }
0x40: {  	[spmem:s16] =	stream.linear.scatter [tilespmem:s18], [sflag:$0x11], $0x2000, $0x38;
	[tilespmem:$0x1EF00] =	vst v63  }
0x41: {  	_ =	swait.ge [sflag:s19], $0x2000  }
0x42: {  	[sflag:s19] =	ssyncset.done $0x0  }
0x43: {  	[sflag:s19] =	ssyncadd.s32 $0xFFFFE000  }
0x44: {  	_ =	swait.ge [sflag:s20], $0x2700  }
0x45: {  	[sflag:s20] =	ssyncset.done $0x0  }
0x46: {  	[sflag:s20] =	ssyncadd.s32 $0xFFFFD900  }
0x47: {  	_ =	swait.ge [sflag:s21], $0x2700  }
0x48: {  	[sflag:s21] =	ssyncset.done $0x0  }
0x49: {  	[sflag:s21] =	ssyncadd.s32 $0xFFFFD900  }
0x4a: {  	s19 =	simm.s32 $0x0;
	[bflag:$0x0] =	sbarrier.arrive $0xFFFF  }
0x4b: {  	[tilespmem:s18], [sflag:$0x1] =	stream.indirect.gather [hbm4b:s4+s22], $0x40, s19, s22, $0xb8;
	[tilespmem:$0x1EF00] =	vst v63  }
0x4c: {  	s10 =	simm.s32 $0x80  }
0x4d: {  	[tilespmem:s23], [sflag:$0x2] =	stream.indirect.gather [hbm4b:s4+s22], $0x40, s10, s22, $0xb8;
	[tilespmem:$0x1EF00] =	vst v63  }
0x4e: {  	s16 =	simm.s32 $0x100  }
0x4f: {  	[tilespmem:s24], [sflag:$0x3] =	stream.indirect.gather [hbm4b:s4+s22], $0x40, s16, s22, $0xb8;
	[tilespmem:$0x1EF00] =	vst v63  }
0x50: {  	s19 =	simm.s32 $0x180  }
0x51: {  	[tilespmem:s25], [sflag:$0x4] =	stream.indirect.gather [hbm4b:s4+s22], $0x40, s19, s22, $0xb8;
	[tilespmem:$0x1EF00] =	vst v63  }
0x52: {  	s10 =	simm.s32 $0x200  }
0x53: {  	[tilespmem:s26], [sflag:$0x5] =	stream.indirect.gather [hbm4b:s4+s22], $0x40, s10, s22, $0xb8;
	[tilespmem:$0x1EF00] =	vst v63  }
0x54: {  	s16 =	simm.s32 $0x280  }
0x55: {  	[tilespmem:s28], [sflag:$0x6] =	stream.indirect.gather [hbm4b:s4+s22], $0x40, s16, s22, $0xb8;
	[tilespmem:$0x1EF00] =	vst v63  }
0x56: {  	s19 =	simm.s32 $0x300  }
0x57: {  	[tilespmem:s29], [sflag:$0x7] =	stream.indirect.gather [hbm4b:s4+s22], $0x40, s19, s22, $0xb8;
	[tilespmem:$0x1EF00] =	vst v63  }
0x58: {  	s10 =	simm.s32 $0x380  }
0x59: {  	[tilespmem:s30], [sflag:$0x8] =	stream.indirect.gather [hbm4b:s4+s22], $0x40, s10, s22, $0xb8;
	[tilespmem:$0x1EF00] =	vst v63  }
0x5a: {  	_ =	swait.ge [sflag:s20], $0x2000  }
0x5b: {  	[sflag:s20] =	ssyncset.done $0x0  }
0x5c: {  	s16 =	simm.s32 $0x2780;
	[sflag:s20] =	ssyncadd.s32 $0xFFFFE000  }
0x5d: {  	[spmem:s1] =	stream.indirect.scatter.add.f32 [tilespmem:s18], [sflag:$0x9], $0x40, s16, s22, $0xb8;
	[tilespmem:$0x1EF00] =	vst v63  }
0x5e: {  	_ =	swait.ge [sflag:s21], $0x2000  }
0x5f: {  	[sflag:s21] =	ssyncset.done $0x0  }
0x60: {  	s19 =	simm.s32 $0x2800;
	[sflag:s21] =	ssyncadd.s32 $0xFFFFE000  }
0x61: {  	[spmem:s1] =	stream.indirect.scatter.add.f32 [tilespmem:s23], [sflag:$0xA], $0x40, s19, s22, $0xb8;
	[tilespmem:$0x1EF00] =	vst v63  }
0x62: {  	_ =	swait.ge [sflag:s31], $0x2000  }
0x63: {  	[sflag:s31] =	ssyncset.done $0x0  }
0x64: {  	s10 =	simm.s32 $0x2880;
	[sflag:s31] =	ssyncadd.s32 $0xFFFFE000  }
0x65: {  	[spmem:s1] =	stream.indirect.scatter.add.f32 [tilespmem:s24], [sflag:$0xB], $0x40, s10, s22, $0xb8;
	[tilespmem:$0x1EF00] =	vst v63  }
0x66: {  	_ =	swait.ge [sflag:s0], $0x2000  }
0x67: {  	[sflag:s0] =	ssyncset.done $0x0  }
0x68: {  	s16 =	simm.s32 $0x2900;
	[sflag:s0] =	ssyncadd.s32 $0xFFFFE000  }
0x69: {  	[spmem:s1] =	stream.indirect.scatter.add.f32 [tilespmem:s25], [sflag:$0xC], $0x40, s16, s22, $0xb8;
	[tilespmem:$0x1EF00] =	vst v63  }
0x6a: {  	_ =	swait.ge [sflag:s17], $0x2000  }
0x6b: {  	[sflag:s17] =	ssyncset.done $0x0  }
0x6c: {  	s19 =	simm.s32 $0x2980;
	[sflag:s17] =	ssyncadd.s32 $0xFFFFE000  }
0x6d: {  	[spmem:s1] =	stream.indirect.scatter.add.f32 [tilespmem:s26], [sflag:$0xD], $0x40, s19, s22, $0xb8;
	[tilespmem:$0x1EF00] =	vst v63  }
0x6e: {  	_ =	swait.ge [sflag:s2], $0x2000  }
0x6f: {  	[sflag:s2] =	ssyncset.done $0x0  }
0x70: {  	s10 =	simm.s32 $0x2A00;
	[sflag:s2] =	ssyncadd.s32 $0xFFFFE000  }
0x71: {  	[spmem:s1] =	stream.indirect.scatter.add.f32 [tilespmem:s28], [sflag:$0xE], $0x40, s10, s22, $0xb8;
	[tilespmem:$0x1EF00] =	vst v63  }
0x72: {  	_ =	swait.ge [sflag:s5], $0x2000  }
0x73: {  	[sflag:s5] =	ssyncset.done $0x0  }
0x74: {  	s16 =	simm.s32 $0x2A80;
	[sflag:s5] =	ssyncadd.s32 $0xFFFFE000  }
0x75: {  	[spmem:s1] =	stream.indirect.scatter.add.f32 [tilespmem:s29], [sflag:$0xF], $0x40, s16, s22, $0xb8;
	[tilespmem:$0x1EF00] =	vst v63  }
0x76: {  	_ =	swait.ge [sflag:s6], $0x2000  }
0x77: {  	[sflag:s6] =	ssyncset.done $0x0  }
0x78: {  	s19 =	simm.s32 $0x2B00;
	[sflag:s6] =	ssyncadd.s32 $0xFFFFE000  }
0x79: {  	[spmem:s1] =	stream.indirect.scatter.add.f32 [tilespmem:s30], [sflag:$0x10], $0x40, s19, s22, $0xb8;
	[tilespmem:$0x1EF00] =	vst v63  }
0x7a: {  	_ =	swait.ge [sflag:s7], $0x2000  }
0x7b: {  	[sflag:s7] =	ssyncset.done $0x0  }
0x7c: {  	[sflag:s7] =	ssyncadd.s32 $0xFFFFE000  }
0x7d: {  	_ =	swait.ge [sflag:s8], $0x2000  }
0x7e: {  	[sflag:s8] =	ssyncset.done $0x0  }
0x7f: {  	[sflag:s8] =	ssyncadd.s32 $0xFFFFE000  }
0x80: {  	_ =	swait.ge [sflag:s9], $0x2000  }
0x81: {  	[sflag:s9] =	ssyncset.done $0x0  }
0x82: {  	[sflag:s9] =	ssyncadd.s32 $0xFFFFE000  }
0x83: {  	_ =	swait.ge [sflag:s11], $0x2000  }
0x84: {  	[sflag:s11] =	ssyncset.done $0x0  }
0x85: {  	[sflag:s11] =	ssyncadd.s32 $0xFFFFE000  }
0x86: {  	_ =	swait.ge [sflag:s12], $0x2000  }
0x87: {  	[sflag:s12] =	ssyncset.done $0x0  }
0x88: {  	[sflag:s12] =	ssyncadd.s32 $0xFFFFE000  }
0x89: {  	_ =	swait.ge [sflag:s13], $0x2000  }
0x8a: {  	[sflag:s13] =	ssyncset.done $0x0  }
0x8b: {  	[sflag:s13] =	ssyncadd.s32 $0xFFFFE000  }
0x8c: {  	_ =	swait.ge [sflag:s14], $0x2000  }
0x8d: {  	[sflag:s14] =	ssyncset.done $0x0  }
0x8e: {  	[sflag:s14] =	ssyncadd.s32 $0xFFFFE000  }
0x8f: {  	_ =	swait.ge [sflag:s15], $0x2000  }
0x90: {  	s3 =	simm.s32 $0x1000;
	s10 =	simm.s32 $0x2000;
	[sflag:s15] =	ssyncset.done $0x0  }
.LBB2_2:
0x91: {  	s16 =	sshra.s32 s3, $0x2  }
0x92: {  	[sflag:s15] =	ssyncadd.s32 $0xFFFFE000;
	s3 =	smov.u32 s10;
	s19 =	sadd.s32 $0x1000, s10  }
0x93: {  	[tilespmem:s18], [sflag:$0x1] =	stream.indirect.gather [hbm4b:s4+s22], $0x40, s16, s22, $0xb8;
	[tilespmem:$0x1EF00] =	vst v63  }
0x94: {  	p1 =	sne.s32 s10, $0x8000;
	s10 =	sadd.s32 $0x80, s16  }
0x95: {  	[tilespmem:s23], [sflag:$0x2] =	stream.indirect.gather [hbm4b:s4+s22], $0x40, s10, s22, $0xb8;
	[tilespmem:$0x1EF00] =	vst v63  }
0x96: {  	s10 =	sadd.s32 $0x100, s16  }
0x97: {  	[tilespmem:s24], [sflag:$0x3] =	stream.indirect.gather [hbm4b:s4+s22], $0x40, s10, s22, $0xb8;
	[tilespmem:$0x1EF00] =	vst v63  }
0x98: {  	s10 =	sadd.s32 $0x180, s16  }
0x99: {  	[tilespmem:s25], [sflag:$0x4] =	stream.indirect.gather [hbm4b:s4+s22], $0x40, s10, s22, $0xb8;
	[tilespmem:$0x1EF00] =	vst v63  }
0x9a: {  	s10 =	sadd.s32 $0x200, s16  }
0x9b: {  	[tilespmem:s26], [sflag:$0x5] =	stream.indirect.gather [hbm4b:s4+s22], $0x40, s10, s22, $0xb8;
	[tilespmem:$0x1EF00] =	vst v63  }
0x9c: {  	s10 =	sadd.s32 $0x280, s16  }
0x9d: {  	[tilespmem:s28], [sflag:$0x6] =	stream.indirect.gather [hbm4b:s4+s22], $0x40, s10, s22, $0xb8;
	[tilespmem:$0x1EF00] =	vst v63  }
0x9e: {  	s10 =	sadd.s32 $0x300, s16  }
0x9f: {  	[tilespmem:s29], [sflag:$0x7] =	stream.indirect.gather [hbm4b:s4+s22], $0x40, s10, s22, $0xb8;
	[tilespmem:$0x1EF00] =	vst v63  }
0xa0: {  	s10 =	sadd.s32 $0x380, s16  }
0xa1: {  	[tilespmem:s30], [sflag:$0x8] =	stream.indirect.gather [hbm4b:s4+s22], $0x40, s10, s22, $0xb8;
	[tilespmem:$0x1EF00] =	vst v63  }
0xa2: {  	_ =	swait.ge [sflag:s20], $0x2000  }
0xa3: {  	[sflag:s20] =	ssyncset.done $0x0  }
0xa4: {  	s10 =	sadd.s32 $0x2780, s16;
	[sflag:s20] =	ssyncadd.s32 $0xFFFFE000  }
0xa5: {  	[spmem:s1] =	stream.indirect.scatter.add.f32 [tilespmem:s18], [sflag:$0x9], $0x40, s10, s22, $0xb8;
	[tilespmem:$0x1EF00] =	vst v63  }
0xa6: {  	_ =	swait.ge [sflag:s21], $0x2000  }
0xa7: {  	[sflag:s21] =	ssyncset.done $0x0  }
0xa8: {  	s10 =	sadd.s32 $0x2800, s16;
	[sflag:s21] =	ssyncadd.s32 $0xFFFFE000  }
0xa9: {  	[spmem:s1] =	stream.indirect.scatter.add.f32 [tilespmem:s23], [sflag:$0xA], $0x40, s10, s22, $0xb8;
	[tilespmem:$0x1EF00] =	vst v63  }
0xaa: {  	_ =	swait.ge [sflag:s31], $0x2000  }
0xab: {  	[sflag:s31] =	ssyncset.done $0x0  }
0xac: {  	s10 =	sadd.s32 $0x2880, s16;
	[sflag:s31] =	ssyncadd.s32 $0xFFFFE000  }
0xad: {  	[spmem:s1] =	stream.indirect.scatter.add.f32 [tilespmem:s24], [sflag:$0xB], $0x40, s10, s22, $0xb8;
	[tilespmem:$0x1EF00] =	vst v63  }
0xae: {  	_ =	swait.ge [sflag:s0], $0x2000  }
0xaf: {  	[sflag:s0] =	ssyncset.done $0x0  }
0xb0: {  	s10 =	sadd.s32 $0x2900, s16;
	[sflag:s0] =	ssyncadd.s32 $0xFFFFE000  }
0xb1: {  	[spmem:s1] =	stream.indirect.scatter.add.f32 [tilespmem:s25], [sflag:$0xC], $0x40, s10, s22, $0xb8;
	[tilespmem:$0x1EF00] =	vst v63  }
0xb2: {  	_ =	swait.ge [sflag:s17], $0x2000  }
0xb3: {  	[sflag:s17] =	ssyncset.done $0x0  }
0xb4: {  	s10 =	sadd.s32 $0x2980, s16;
	[sflag:s17] =	ssyncadd.s32 $0xFFFFE000  }
0xb5: {  	[spmem:s1] =	stream.indirect.scatter.add.f32 [tilespmem:s26], [sflag:$0xD], $0x40, s10, s22, $0xb8;
	[tilespmem:$0x1EF00] =	vst v63  }
0xb6: {  	_ =	swait.ge [sflag:s2], $0x2000  }
0xb7: {  	[sflag:s2] =	ssyncset.done $0x0  }
0xb8: {  	s10 =	sadd.s32 $0x2A00, s16;
	[sflag:s2] =	ssyncadd.s32 $0xFFFFE000  }
0xb9: {  	[spmem:s1] =	stream.indirect.scatter.add.f32 [tilespmem:s28], [sflag:$0xE], $0x40, s10, s22, $0xb8;
	[tilespmem:$0x1EF00] =	vst v63  }
0xba: {  	_ =	swait.ge [sflag:s5], $0x2000  }
0xbb: {  	[sflag:s5] =	ssyncset.done $0x0  }
0xbc: {  	s10 =	sadd.s32 $0x2A80, s16;
	[sflag:s5] =	ssyncadd.s32 $0xFFFFE000  }
0xbd: {  	[spmem:s1] =	stream.indirect.scatter.add.f32 [tilespmem:s29], [sflag:$0xF], $0x40, s10, s22, $0xb8;
	[tilespmem:$0x1EF00] =	vst v63  }
0xbe: {  	_ =	swait.ge [sflag:s6], $0x2000  }
0xbf: {  	[sflag:s6] =	ssyncset.done $0x0  }
0xc0: {  	s10 =	sadd.s32 $0x2B00, s16;
	[sflag:s6] =	ssyncadd.s32 $0xFFFFE000  }
0xc1: {  	[spmem:s1] =	stream.indirect.scatter.add.f32 [tilespmem:s30], [sflag:$0x10], $0x40, s10, s22, $0xb8;
	[tilespmem:$0x1EF00] =	vst v63  }
0xc2: {  	_ =	swait.ge [sflag:s7], $0x2000  }
0xc3: {  	[sflag:s7] =	ssyncset.done $0x0  }
0xc4: {  	[sflag:s7] =	ssyncadd.s32 $0xFFFFE000  }
0xc5: {  	_ =	swait.ge [sflag:s8], $0x2000  }
0xc6: {  	[sflag:s8] =	ssyncset.done $0x0  }
0xc7: {  	[sflag:s8] =	ssyncadd.s32 $0xFFFFE000  }
0xc8: {  	_ =	swait.ge [sflag:s9], $0x2000  }
0xc9: {  	[sflag:s9] =	ssyncset.done $0x0  }
0xca: {  	[sflag:s9] =	ssyncadd.s32 $0xFFFFE000  }
0xcb: {  	_ =	swait.ge [sflag:s11], $0x2000  }
0xcc: {  	[sflag:s11] =	ssyncset.done $0x0  }
0xcd: {  	[sflag:s11] =	ssyncadd.s32 $0xFFFFE000  }
0xce: {  	_ =	swait.ge [sflag:s12], $0x2000  }
0xcf: {  	[sflag:s12] =	ssyncset.done $0x0  }
0xd0: {  	[sflag:s12] =	ssyncadd.s32 $0xFFFFE000  }
0xd1: {  	_ =	swait.ge [sflag:s13], $0x2000  }
0xd2: {  	[sflag:s13] =	ssyncset.done $0x0  }
0xd3: {  	[sflag:s13] =	ssyncadd.s32 $0xFFFFE000  }
.Ltmp0:
0xd4: {  	_ =	swait.ge [sflag:s14], $0x2000;
	(pc) =	sbr.rel @p1 .LBB2_2-.Ltmp0, $4  }
0xd5: {  	[sflag:s14] =	ssyncset.done $0x0  }
0xd6: {  	[sflag:s14] =	ssyncadd.s32 $0xFFFFE000  }
0xd7: {  	_ =	swait.ge [sflag:s15], $0x2000  }
0xd8: {  	s10 =	smov.u32 s19;
	[sflag:s15] =	ssyncset.done $0x0  }
0xd9: {  	s3 =	sshra.s32 s3, $0x2;
	[sflag:s15] =	ssyncadd.s32 $0xFFFFE000  }
0xda: {  	[tilespmem:s18], [sflag:$0x1] =	stream.indirect.gather [hbm4b:s4+s22], $0x40, s3, s22, $0xb8;
	[tilespmem:$0x1EF00] =	vst v63  }
0xdb: {  	s10 =	sadd.s32 $0x80, s3  }
0xdc: {  	[tilespmem:s23], [sflag:$0x2] =	stream.indirect.gather [hbm4b:s4+s22], $0x40, s10, s22, $0xb8;
	[tilespmem:$0x1EF00] =	vst v63  }
0xdd: {  	s16 =	sadd.s32 $0x100, s3  }
0xde: {  	[tilespmem:s24], [sflag:$0x3] =	stream.indirect.gather [hbm4b:s4+s22], $0x40, s16, s22, $0xb8;
	[tilespmem:$0x1EF00] =	vst v63  }
0xdf: {  	s19 =	sadd.s32 $0x180, s3  }
0xe0: {  	[tilespmem:s25], [sflag:$0x4] =	stream.indirect.gather [hbm4b:s4+s22], $0x40, s19, s22, $0xb8;
	[tilespmem:$0x1EF00] =	vst v63  }
0xe1: {  	s16 =	sadd.s32 $0x200, s3  }
0xe2: {  	[tilespmem:s26], [sflag:$0x5] =	stream.indirect.gather [hbm4b:s4+s22], $0x40, s16, s22, $0xb8;
	[tilespmem:$0x1EF00] =	vst v63  }
0xe3: {  	s19 =	sadd.s32 $0x280, s3  }
0xe4: {  	[tilespmem:s28], [sflag:$0x6] =	stream.indirect.gather [hbm4b:s4+s22], $0x40, s19, s22, $0xb8;
	[tilespmem:$0x1EF00] =	vst v63  }
0xe5: {  	s16 =	sadd.s32 $0x300, s3  }
0xe6: {  	[tilespmem:s29], [sflag:$0x7] =	stream.indirect.gather [hbm4b:s4+s22], $0x40, s16, s22, $0xb8;
	[tilespmem:$0x1EF00] =	vst v63  }
0xe7: {  	s19 =	sadd.s32 $0x380, s3  }
0xe8: {  	[tilespmem:s30], [sflag:$0x8] =	stream.indirect.gather [hbm4b:s4+s22], $0x40, s19, s22, $0xb8;
	[tilespmem:$0x1EF00] =	vst v63  }
0xe9: {  	_ =	swait.ge [sflag:s20], $0x2000  }
0xea: {  	[sflag:s20] =	ssyncset.done $0x0  }
0xeb: {  	s16 =	sadd.s32 $0x2780, s3;
	[sflag:s20] =	ssyncadd.s32 $0xFFFFE000  }
0xec: {  	[spmem:s1] =	stream.indirect.scatter.add.f32 [tilespmem:s18], [sflag:$0x9], $0x40, s16, s22, $0xb8;
	[tilespmem:$0x1EF00] =	vst v63  }
0xed: {  	_ =	swait.ge [sflag:s21], $0x2000  }
0xee: {  	[sflag:s21] =	ssyncset.done $0x0  }
0xef: {  	s19 =	sadd.s32 $0x2800, s3;
	[sflag:s21] =	ssyncadd.s32 $0xFFFFE000  }
0xf0: {  	[spmem:s1] =	stream.indirect.scatter.add.f32 [tilespmem:s23], [sflag:$0xA], $0x40, s19, s22, $0xb8;
	[tilespmem:$0x1EF00] =	vst v63  }
0xf1: {  	_ =	swait.ge [sflag:s31], $0x2000  }
0xf2: {  	[sflag:s31] =	ssyncset.done $0x0  }
0xf3: {  	s16 =	sadd.s32 $0x2880, s3;
	[sflag:s31] =	ssyncadd.s32 $0xFFFFE000  }
0xf4: {  	[spmem:s1] =	stream.indirect.scatter.add.f32 [tilespmem:s24], [sflag:$0xB], $0x40, s16, s22, $0xb8;
	[tilespmem:$0x1EF00] =	vst v63  }
0xf5: {  	_ =	swait.ge [sflag:s0], $0x2000  }
0xf6: {  	[sflag:s0] =	ssyncset.done $0x0  }
0xf7: {  	s19 =	sadd.s32 $0x2900, s3;
	[sflag:s0] =	ssyncadd.s32 $0xFFFFE000  }
0xf8: {  	[spmem:s1] =	stream.indirect.scatter.add.f32 [tilespmem:s25], [sflag:$0xC], $0x40, s19, s22, $0xb8;
	[tilespmem:$0x1EF00] =	vst v63  }
0xf9: {  	_ =	swait.ge [sflag:s17], $0x2000  }
0xfa: {  	[sflag:s17] =	ssyncset.done $0x0  }
0xfb: {  	s16 =	sadd.s32 $0x2980, s3;
	[sflag:s17] =	ssyncadd.s32 $0xFFFFE000  }
0xfc: {  	[spmem:s1] =	stream.indirect.scatter.add.f32 [tilespmem:s26], [sflag:$0xD], $0x40, s16, s22, $0xb8;
	[tilespmem:$0x1EF00] =	vst v63  }
0xfd: {  	_ =	swait.ge [sflag:s2], $0x2000  }
0xfe: {  	[sflag:s2] =	ssyncset.done $0x0  }
0xff: {  	s19 =	sadd.s32 $0x2A00, s3;
	[sflag:s2] =	ssyncadd.s32 $0xFFFFE000  }
0x100: {  	[spmem:s1] =	stream.indirect.scatter.add.f32 [tilespmem:s28], [sflag:$0xE], $0x40, s19, s22, $0xb8;
	[tilespmem:$0x1EF00] =	vst v63  }
0x101: {  	_ =	swait.ge [sflag:s5], $0x2000  }
0x102: {  	[sflag:s5] =	ssyncset.done $0x0  }
0x103: {  	s16 =	sadd.s32 $0x2A80, s3;
	[sflag:s5] =	ssyncadd.s32 $0xFFFFE000  }
0x104: {  	[spmem:s1] =	stream.indirect.scatter.add.f32 [tilespmem:s29], [sflag:$0xF], $0x40, s16, s22, $0xb8;
	[tilespmem:$0x1EF00] =	vst v63  }
0x105: {  	_ =	swait.ge [sflag:s6], $0x2000  }
0x106: {  	[sflag:s6] =	ssyncset.done $0x0  }
0x107: {  	s3 =	sadd.s32 $0x2B00, s3;
	[sflag:s6] =	ssyncadd.s32 $0xFFFFE000  }
0x108: {  	[spmem:s1] =	stream.indirect.scatter.add.f32 [tilespmem:s30], [sflag:$0x10], $0x40, s3, s22, $0xb8;
	[tilespmem:$0x1EF00] =	vst v63  }
0x109: {  	_ =	swait.ge [sflag:s7], $0x2000  }
0x10a: {  	[sflag:s7] =	ssyncset.done $0x0  }
0x10b: {  	[sflag:s7] =	ssyncadd.s32 $0xFFFFE000  }
0x10c: {  	_ =	swait.ge [sflag:s8], $0x2000  }
0x10d: {  	[sflag:s8] =	ssyncset.done $0x0  }
0x10e: {  	[sflag:s8] =	ssyncadd.s32 $0xFFFFE000  }
0x10f: {  	_ =	swait.ge [sflag:s9], $0x2000  }
0x110: {  	[sflag:s9] =	ssyncset.done $0x0  }
0x111: {  	[sflag:s9] =	ssyncadd.s32 $0xFFFFE000  }
0x112: {  	_ =	swait.ge [sflag:s11], $0x2000  }
0x113: {  	[sflag:s11] =	ssyncset.done $0x0  }
0x114: {  	[sflag:s11] =	ssyncadd.s32 $0xFFFFE000  }
0x115: {  	_ =	swait.ge [sflag:s12], $0x2000  }
0x116: {  	[sflag:s12] =	ssyncset.done $0x0  }
0x117: {  	[sflag:s12] =	ssyncadd.s32 $0xFFFFE000  }
0x118: {  	_ =	swait.ge [sflag:s13], $0x2000  }
0x119: {  	[sflag:s13] =	ssyncset.done $0x0  }
0x11a: {  	[sflag:s13] =	ssyncadd.s32 $0xFFFFE000  }
0x11b: {  	_ =	swait.ge [sflag:s14], $0x2000  }
0x11c: {  	[sflag:s14] =	ssyncset.done $0x0  }
0x11d: {  	[sflag:s14] =	ssyncadd.s32 $0xFFFFE000  }
0x11e: {  	_ =	swait.ge [sflag:s15], $0x2000  }
0x11f: {  	[sflag:s15] =	ssyncset.done $0x0  }
0x120: {  	s19 =	simm.s32 $0x2400;
	[sflag:s15] =	ssyncadd.s32 $0xFFFFE000  }
0x121: {  	[tilespmem:s18], [sflag:$0x1] =	stream.indirect.gather [hbm4b:s4+s22], $0x40, s19, s22, $0xb8;
	[tilespmem:$0x1EF00] =	vst v63  }
0x122: {  	s10 =	simm.s32 $0x2480  }
0x123: {  	[tilespmem:s23], [sflag:$0x2] =	stream.indirect.gather [hbm4b:s4+s22], $0x40, s10, s22, $0xb8;
	[tilespmem:$0x1EF00] =	vst v63  }
0x124: {  	s16 =	simm.s32 $0x2500  }
0x125: {  	[tilespmem:s24], [sflag:$0x3] =	stream.indirect.gather [hbm4b:s4+s22], $0x40, s16, s22, $0xb8;
	[tilespmem:$0x1EF00] =	vst v63  }
0x126: {  	s19 =	simm.s32 $0x2580  }
0x127: {  	[tilespmem:s25], [sflag:$0x4] =	stream.indirect.gather [hbm4b:s4+s22], $0x40, s19, s22, $0xb8;
	[tilespmem:$0x1EF00] =	vst v63  }
0x128: {  	s10 =	simm.s32 $0x2600  }
0x129: {  	[tilespmem:s26], [sflag:$0x5] =	stream.indirect.gather [hbm4b:s4+s22], $0x40, s10, s22, $0xb8;
	[tilespmem:$0x1EF00] =	vst v63  }
0x12a: {  	s16 =	simm.s32 $0x2680  }
0x12b: {  	[tilespmem:s28], [sflag:$0x6] =	stream.indirect.gather [hbm4b:s4+s22], $0x40, s16, s22, $0xb8;
	[tilespmem:$0x1EF00] =	vst v63  }
0x12c: {  	_ =	swait.ge [sflag:s20], $0x2000  }
0x12d: {  	[sflag:s20] =	ssyncset.done $0x0  }
0x12e: {  	s19 =	simm.s32 $0x4B80;
	[sflag:s20] =	ssyncadd.s32 $0xFFFFE000  }
0x12f: {  	[spmem:s1] =	stream.indirect.scatter.add.f32 [tilespmem:s18], [sflag:$0x9], $0x40, s19, s22, $0xb8;
	[tilespmem:$0x1EF00] =	vst v63  }
0x130: {  	_ =	swait.ge [sflag:s21], $0x2000  }
0x131: {  	[sflag:s21] =	ssyncset.done $0x0  }
0x132: {  	s10 =	simm.s32 $0x4C00;
	[sflag:s21] =	ssyncadd.s32 $0xFFFFE000  }
0x133: {  	[spmem:s1] =	stream.indirect.scatter.add.f32 [tilespmem:s23], [sflag:$0xA], $0x40, s10, s22, $0xb8;
	[tilespmem:$0x1EF00] =	vst v63  }
0x134: {  	_ =	swait.ge [sflag:s31], $0x2000  }
0x135: {  	[sflag:s31] =	ssyncset.done $0x0  }
0x136: {  	s16 =	simm.s32 $0x4C80;
	[sflag:s31] =	ssyncadd.s32 $0xFFFFE000  }
0x137: {  	[spmem:s1] =	stream.indirect.scatter.add.f32 [tilespmem:s24], [sflag:$0xB], $0x40, s16, s22, $0xb8;
	[tilespmem:$0x1EF00] =	vst v63  }
0x138: {  	_ =	swait.ge [sflag:s0], $0x2000  }
0x139: {  	[sflag:s0] =	ssyncset.done $0x0  }
0x13a: {  	s19 =	simm.s32 $0x4D00;
	[sflag:s0] =	ssyncadd.s32 $0xFFFFE000  }
0x13b: {  	[spmem:s1] =	stream.indirect.scatter.add.f32 [tilespmem:s25], [sflag:$0xC], $0x40, s19, s22, $0xb8;
	[tilespmem:$0x1EF00] =	vst v63  }
0x13c: {  	_ =	swait.ge [sflag:s17], $0x2000  }
0x13d: {  	[sflag:s17] =	ssyncset.done $0x0  }
0x13e: {  	s10 =	simm.s32 $0x4D80;
	[sflag:s17] =	ssyncadd.s32 $0xFFFFE000  }
0x13f: {  	[spmem:s1] =	stream.indirect.scatter.add.f32 [tilespmem:s26], [sflag:$0xD], $0x40, s10, s22, $0xb8;
	[tilespmem:$0x1EF00] =	vst v63  }
0x140: {  	_ =	swait.ge [sflag:s2], $0x2000  }
0x141: {  	[sflag:s2] =	ssyncset.done $0x0  }
0x142: {  	s16 =	simm.s32 $0x4E00;
	[sflag:s2] =	ssyncadd.s32 $0xFFFFE000  }
0x143: {  	[spmem:s1] =	stream.indirect.scatter.add.f32 [tilespmem:s28], [sflag:$0xE], $0x40, s16, s22, $0xb8;
	[tilespmem:$0x1EF00] =	vst v63  }
0x144: {  	_ =	swait.ge [sflag:s7], $0x2000  }
0x145: {  	[sflag:s7] =	ssyncset.done $0x0  }
0x146: {  	[sflag:s7] =	ssyncadd.s32 $0xFFFFE000  }
0x147: {  	_ =	swait.ge [sflag:s8], $0x2000  }
0x148: {  	[sflag:s8] =	ssyncset.done $0x0  }
0x149: {  	[sflag:s8] =	ssyncadd.s32 $0xFFFFE000  }
0x14a: {  	_ =	swait.ge [sflag:s9], $0x2000  }
0x14b: {  	[sflag:s9] =	ssyncset.done $0x0  }
0x14c: {  	[sflag:s9] =	ssyncadd.s32 $0xFFFFE000  }
0x14d: {  	_ =	swait.ge [sflag:s11], $0x2000  }
0x14e: {  	[sflag:s11] =	ssyncset.done $0x0  }
0x14f: {  	[sflag:s11] =	ssyncadd.s32 $0xFFFFE000  }
0x150: {  	_ =	swait.ge [sflag:s12], $0x2000  }
0x151: {  	[sflag:s12] =	ssyncset.done $0x0  }
0x152: {  	[sflag:s12] =	ssyncadd.s32 $0xFFFFE000  }
0x153: {  	_ =	swait.ge [sflag:s13], $0x2000  }
0x154: {  	s3 =	simm.s32 @!p0 $0x80;
	[sflag:s13] =	ssyncset.done $0x0  }
0x155: {  	s10 =	simm.s32 @!p0 $0x2700;
	s16 =	simm.s32 @!p0 $0x4F00;
	[sflag:s13] =	ssyncadd.s32 $0xFFFFE000  }
0x156: {  	[tilespmem:s16], [sflag:$0x1] =	stream.indirect.gather @!p0 [hbm4b:s4+s3], $0x40, s10, s3, $0xb8;
	[tilespmem:$0x1EF00] =	vst v63  }
0x157: {  	s10 =	simm.s32 @!p0 $0x1  }
0x158: {  	_ =	swait.ge @!p0 [sflag:s10], $0x2000  }
0x159: {  	[sflag:s10] =	ssyncset.done @!p0 $0x0  }
0x15a: {  	[sflag:s10] =	ssyncadd.s32 @!p0 $0xFFFFE000;
	s10 =	simm.s32 @!p0 $0x4E80  }
0x15b: {  	[spmem:s1] =	stream.indirect.scatter.add.f32 @!p0 [tilespmem:s16], [sflag:$0x11], $0x40, s10, s3, $0xb8;
	[tilespmem:$0x1EF00] =	vst v63  }
0x15c: {  	s3 =	simm.s32 @!p0 $0x11  }
0x15d: {  	_ =	swait.ge @!p0 [sflag:s3], $0x2000  }
0x15e: {  	[sflag:s3] =	ssyncset.done @!p0 $0x0  }
0x15f: {  	s19 =	stileid.u32;
	[sflag:s3] =	ssyncadd.s32 @!p0 $0xFFFFE000  }
0x160: {  	s3 =	sshll.u32 s19, $0x6;
	[bflag:$0x0] =	sbarrier.arrive $0xFFFF  }
0x161: {  	s3 =	sor.u32 $0x1C11, s3;
	s10 =	rddreg [dreg:$0x8]  }
0x162: {  	s19 =	rddreg [dreg:$0xd];
	s16 =	sshrl.u32 s10, $0x3;
	s10 =	simm.s32 $0x11  }
0x163: {  	[hbm:s19], [sflag:s3] =	dma.local [spmem:s16], $0x1400  }
0x164: {  	_ =	swait.ge [sflag:s10], $0x1400  }
0x165: {  	s3 =	rddreg [dreg:$0xf]  }
0x166: {  	s16 =	rddreg [dreg:$0xe];
	s19 =	sadd.s32 $0x1, s3  }
0x167: {  	p1 =	sne.s32 s19, s16  }
.Ltmp1:
0x168: {  	_ = 	snop;
	(pc) =	sbr.rel @p1 .LBB2_1-.Ltmp1, $3  }
0x169: {  	_ =	sdelay $0x1  }
0x16a: {  	[sflag:s10] =	ssyncset.done $0x0  }
0x16b: {  	[sflag:s10] =	ssyncadd.s32 $0xFFFFEC00  }
0x16c: {  	_ =	sfence.sel $0x180000  }
0x16d: {  	[bflag:$0x0] =	sbarrier.arrive $0xFFFF  }
0x16e: {  	_ =	strace $0x9000004A  }
0x16f: {  	s0 =	stileid.u32;
	[bflag:$0x2] =	sbarrier.arrive $0xFFFF  }
0x170: {  	p0 =	sne.s32 s0, $0x0;
	s0 =	rddreg [dreg:$0x2]  }
0x171: {  	s0 =	sadd.s32 @!p0 $0x100000, s0  }
0x172: {  	[sflag:s0] =	ssyncadd.tile.s32 @!p0 $0x1;
	_ =	shalt  }
.Lfunc_end2:
_tile_overlayer_lowered:
.L_overlay_start_2:
0x173: {  	(tag) =	ssettag $0x2  }
0x174: {  	s0 =	rddreg [dreg:$0x0];
	s2 =	stileid.u32  }
0x175: {  	s1 =	rddreg [dreg:$0x1];
	p0 =	sne.s32 s2, $0x0  }
0x176: {  	s3 =	rddreg [dreg:$0x2];
	[bflag:$0x3] =	sbarrier.arrive $0xFFFF;
	s2 =	simm.s32 @!p0 $0x1C11  }
0x177: {  	[timem:s3], [sflag:s2] =	dma.local @!p0 [hbm:s0], s1  }
0x178: {  	s0 =	simm.s32 @!p0 $0x11  }
0x179: {  	_ =	swait.ge @!p0 [sflag:s0], s1  }
0x17a: {  	s1 =	ssub.s32 @!p0 $0x0, s1;
	[sflag:s0] =	ssyncset.done @!p0 $0x0  }
0x17b: {  	[sflag:s0] =	ssyncadd.s32 @!p0 s1  }
0x17c: {  	[bflag:$0x3] =	sbarrier.arrive $0xFFFF  }
0x17d: {  	_ =	shalt  }

// kernel: kernel.16.cloned.1.call-start
scs
__scs_entry_jumppad:
0x0: {  	(pc) =	sbr.rel $0x88, $3  }
0x1: {  	(tag) =	ssettag $0x0;
	lr =	simm.s32 $0x1  }
0x2: {  	[smem:$0x3F92] =	sst lr;
	_ =	strace $0xD0000000  }
0x3: {  	_ = 	snop  }
0x4: {  	_ = 	snop  }
0x5: {  	_ = 	snop  }
0x6: {  	_ = 	snop  }
0x7: {  	_ = 	snop  }
__scs_overlays_trampoline_lowered:
0x8: {  	[smem:$0x3FA1] =	sst s0  }
0x9: {  	[smem:$0x3FA2] =	sst s1  }
0xa: {  	[smem:$0x3FA3] =	sst s2  }
0xb: {  	[smem:$0x3FA4] =	sst s3  }
0xc: {  	[smem:$0x3FA5] =	sst s4  }
0xd: {  	[smem:$0x3FA6] =	sst s5  }
0xe: {  	[smem:$0x3FA7] =	sst s6  }
0xf: {  	[smem:$0x3FA8] =	sst s7  }
0x10: {  	[smem:$0x3FA9] =	sst s8  }
0x11: {  	[smem:$0x3FAA] =	sst s9;
	s0 =	simm.s32 @!p0 $0x0  }
0x12: {  	s1 =	sld [smem:$0x3F90];
	s0 =	simm.s32 @p0 $0x1  }
0x13: {  	[smem:$0x3FAB] =	sst s0;
	s0 =	simm.s32 @!p1 $0x0  }
0x14: {  	s2 =	sld [smem:$0x3F8F];
	s0 =	simm.s32 @p1 $0x1  }
0x15: {  	[smem:$0x3FAC] =	sst s0;
	s0 =	simm.s32 @!p2 $0x0  }
0x16: {  	s3 =	sld [smem:$0x3FDB];
	s0 =	simm.s32 @p2 $0x1  }
0x17: {  	s4 =	simm.s32 $0x1BF5;
	[smem:$0x3FAE] =	sst s0  }
0x18: {  	s0 =	sld [smem:$0x3F91];
	_ =	swait.ge [sflag:s4], $0x0  }
0x19: {  	s7 =	sld [smem:$0x3F92]  }
0x1a: {  	s8 =	sadd.s32 $0xFFFFE003, lr  }
0x1b: {  	s9 =	sadd.s32 $0xFFFFFEF7, lr;
	s5 =	simm.s32 $0xFFFFFFFF;
	p2 =	slt.u32 s8, $0xFFFFF086  }
0x1c: {  	p1 =	slt.u32 s9, $0xF7A;
	s5 =	simm.s32 @!p2 $0x0  }
0x1d: {  	s5 =	simm.s32 @p1 $0x1;
	p0 =	seq.s32 s7, s2  }
0x1e: {  	s7 =	smul.u32 @!p0 $0xF7A, s2;
	p2 =	seq.s32 @!p0 s5, $0x0  }
0x1f: {  	s9 =	smul.u32 $0xF7A, s1;
	s8 =	simm.s32 @!p0 $0x1BF5;
	p2 =	por !p2, p0  }
0x20: {  	[sflag:s8] =	ssyncset.s32 @!p0 $0xFFFFF086;
	s6 =	sadd.s32 @!p0 s3, s7;
	s7 =	simm.s32 @!p0 $0x108  }
0x21: {  	s3 =	sadd.s32 s3, s9;
	s6 =	sadd.s32 @!p0 $0x88, s6;
	s7 =	simm.s32 @p2 $0x1082  }
0x22: {  	[simem:s7], [sflag:s8] =	dma.local @!p0 [hbm:s6], $0xF7A  }
0x23: {  	s9 =	sor.u32 $0xD0000000, s2;
	s6 =	simm.s32 $0x108;
	_ =	swait.ge @!p0 [sflag:s8], $0x0  }
0x24: {  	s3 =	sadd.s32 $0x88, s3;
	s6 =	simm.s32 @!p1 $0x1082;
	[sflag:s4] =	ssyncset.s32 $0xFFFFF086  }
0x25: {  	[simem:s6], [sflag:s4] =	dma.local [hbm:s3], $0xF7A  }
0x26: {  	[smem:$0x3F92] =	sst s1;
	(tag) =	ssettag s2;
	_ =	strace s9  }
0x27: {  	s1 =	sld [smem:$0x3FA2]  }
0x28: {  	s2 =	sld [smem:$0x3FA3]  }
0x29: {  	s4 =	sld [smem:$0x3FA5]  }
0x2a: {  	p0 =	seq.s32 s5, $0x0;
	s5 =	sld [smem:$0x3FA6]  }
0x2b: {  	s6 =	sld [smem:$0x3FA7]  }
0x2c: {  	s7 =	sld [smem:$0x3FA8]  }
0x2d: {  	s3 =	simm.s32 $0x108;
	s8 =	sld [smem:$0x3FA9]  }
0x2e: {  	s3 =	simm.s32 @!p0 $0x1082;
	s9 =	sld [smem:$0x3FAA]  }
0x2f: {  	lr =	sadd.s32 s0, s3;
	s0 =	sld [smem:$0x3FA1]  }
0x30: {  	s3 =	sld [smem:$0x3FA4]  }
0x31: {  	[smem:$0x3FAD] =	sst s10  }
0x32: {  	s10 =	sld [smem:$0x3FAB];
	_ =	sdelay $0x3  }
0x33: {  	p0 =	seq.s32 s10, $0x1;
	s10 =	sld [smem:$0x3FAD];
	_ =	sdelay $0x3  }
0x34: {  	[smem:$0x3FAD] =	sst s10  }
0x35: {  	s10 =	sld [smem:$0x3FAC];
	_ =	sdelay $0x3  }
0x36: {  	p1 =	seq.s32 s10, $0x1;
	s10 =	sld [smem:$0x3FAD];
	_ =	sdelay $0x3  }
0x37: {  	[smem:$0x3FAD] =	sst s10  }
0x38: {  	s10 =	sld [smem:$0x3FAE]  }
0x39: {  	_ = 	snop;
	(pc) =	sbr.ind lr, $3  }
0x3a: {  	_ = 	snop  }
0x3b: {  	_ = 	snop  }
0x3c: {  	p2 =	seq.s32 s10, $0x1;
	s10 =	sld [smem:$0x3FAD]  }
0x3d: {  	_ =	shalt  }
0x3e: {  	_ =	shalt  }
0x3f: {  	_ =	shalt  }
0x40: {  	_ =	shalt  }
0x41: {  	_ =	shalt  }
0x42: {  	_ =	shalt  }
0x43: {  	_ =	shalt  }
0x44: {  	_ =	shalt  }
0x45: {  	_ =	shalt  }
0x46: {  	_ =	shalt  }
0x47: {  	_ =	shalt  }
0x48: {  	_ =	shalt  }
0x49: {  	_ =	shalt  }
0x4a: {  	_ =	shalt  }
0x4b: {  	_ =	shalt  }
0x4c: {  	_ =	shalt  }
0x4d: {  	_ =	shalt  }
0x4e: {  	_ =	shalt  }
0x4f: {  	_ =	shalt  }
0x50: {  	_ =	shalt  }
0x51: {  	_ =	shalt  }
0x52: {  	_ =	shalt  }
0x53: {  	_ =	shalt  }
0x54: {  	_ =	shalt  }
0x55: {  	_ =	shalt  }
0x56: {  	_ =	shalt  }
0x57: {  	_ =	shalt  }
0x58: {  	_ =	shalt  }
0x59: {  	_ =	shalt  }
0x5a: {  	_ =	shalt  }
0x5b: {  	_ =	shalt  }
0x5c: {  	_ =	shalt  }
0x5d: {  	_ =	shalt  }
0x5e: {  	_ =	shalt  }
0x5f: {  	_ =	shalt  }
0x60: {  	_ =	shalt  }
0x61: {  	_ =	shalt  }
0x62: {  	_ =	shalt  }
0x63: {  	_ =	shalt  }
0x64: {  	_ =	shalt  }
0x65: {  	_ =	shalt  }
0x66: {  	_ =	shalt  }
0x67: {  	_ =	shalt  }
0x68: {  	_ =	shalt  }
0x69: {  	_ =	shalt  }
0x6a: {  	_ =	shalt  }
0x6b: {  	_ =	shalt  }
0x6c: {  	_ =	shalt  }
0x6d: {  	_ =	shalt  }
0x6e: {  	_ =	shalt  }
0x6f: {  	_ =	shalt  }
0x70: {  	_ =	shalt  }
0x71: {  	_ =	shalt  }
0x72: {  	_ =	shalt  }
0x73: {  	_ =	shalt  }
0x74: {  	_ =	shalt  }
0x75: {  	_ =	shalt  }
0x76: {  	_ =	shalt  }
0x77: {  	_ =	shalt  }
0x78: {  	_ =	shalt  }
0x79: {  	_ =	shalt  }
0x7a: {  	_ =	shalt  }
0x7b: {  	_ =	shalt  }
0x7c: {  	_ =	shalt  }
0x7d: {  	_ =	shalt  }
0x7e: {  	_ =	shalt  }
0x7f: {  	_ =	shalt  }
0x80: {  	_ =	shalt  }
0x81: {  	_ =	shalt  }
0x82: {  	_ =	shalt  }
0x83: {  	_ =	shalt  }
0x84: {  	_ =	shalt  }
0x85: {  	_ =	shalt  }
0x86: {  	_ =	shalt  }
0x87: {  	_ =	shalt  }
.Lfunc_end0:
.L_simem_size_0:
called_computation.2_lowered:
.L_overlay_start_0:
0x88: {  	s2 =	sld [smem:$0x3FD9]  }
0x89: {  	s3 =	sld [smem:$0x3FFE];
	_ =	sdelay $0x1  }
0x8a: {  	s1 =	srdreg.scid  }
0x8b: {  	s0 =	sand.u32 $0x1, s1  }
0x8c: {  	s16 =	sshll.u32 s0, $0xA;
	s2 =	sadd.s32 s3, s2  }
0x8d: {  	s2 =	sadd.s32 s2, s16  }
0x8e: {  	[smem:$0x3FB9] =	sst s2  }
0x8f: {  	_ = 	snop  }
0x90: {  	(tm) =	ssettm $0x1  }
0x91: {  	s17 =	sld [smem:$0x3FFB];
	_ =	sdelay $0x3  }
0x92: {  	_ =	strace s17  }
0x93: {  	s2 =	sld [smem:$0x3FFC];
	_ =	sdelay $0x3  }
0x94: {  	_ =	strace s2  }
0x95: {  	s2 =	sld [smem:$0x3FFD];
	_ =	sdelay $0x3  }
0x96: {  	_ =	strace s2  }
0x97: {  	_ =	strace $0x8FFFFFFF  }
0x98: {  	s18 =	sld [smem:$0x3FDB];
	_ =	sdelay $0x1  }
0x99: {  	s19 =	simm.s32 $_scs_section_size  }
0x9a: {  	s4 =	simm.s32 $_size__tile_overlayer_lowered;
	s5 =	simm.s32 $_tile_overlayer_lowered  }
0x9b: {  	s22 =	simm.s32 $0x1BFF;
	s21 =	sshll.u32 s5, $0x1;
	s2 =	sadd.s32 s19, s18  }
0x9c: {  	s6 =	simm.s32 $0x0;
	s20 =	sshll.u32 s4, $0x1;
	s4 =	sadd.s32 s21, s2  }
0x9d: {  	[timem:s6], [sflag:s22] =	dma.local [hbm:s4], s20  }
0x9e: {  	_ =	swait.ge [sflag:s22], s20  }
0x9f: {  	s3 =	ssub.s32 $0x0, s20;
	[sflag:s22] =	ssyncset.done $0x0  }
0xa0: {  	[sflag:s22] =	ssyncadd.s32 s3;
	_ =	sdelay $0x1  }
0xa1: {  	s23 =	simm.s32 $0x1B8B  }
0xa2: {  	_ =	swait.ge [sflag:s23], $0x1  }
0xa3: {  	[sflag:s23] =	ssyncset.done $0x0  }
0xa4: {  	s25 =	simm.s32 $0x1B8E;
	s24 =	sld [smem:$0x3FFE];
	[sflag:s23] =	ssyncadd.s32 $0xFFFFFFFF  }
0xa5: {  	s26 =	simm.s32 $execute0_lowered;
	[smem:$0x3FD2] =	sst s25  }
0xa6: {  	s4 =	sshll.u32 s26, $0x1;
	_ =	strace $0x8000004C;
	[dreg:$0x1] =	wrdreg $0xFFFFFFFF  }
0xa7: {  	s28 =	simm.s32 $_size_execute0_lowered;
	s2 =	sadd.s32 s2, s4;
	[dreg:$0x0] =	wrdreg $0x0  }
0xa8: {  	s4 =	sshll.u32 s28, $0x1;
	[dreg:$0x2] =	wrdreg s2  }
0xa9: {  	[dreg:$0x3] =	wrdreg s4  }
0xaa: {  	[dreg:$0x4] =	wrdreg $0xC0  }
0xab: {  	_ =	task [dreg:s6], $0x5FFFF  }
0xac: {  	[dreg:$0x1] =	wrdreg $0xFFFFFFFF  }
0xad: {  	[dreg:$0x0] =	wrdreg $0x60  }
0xae: {  	[dreg:$0x2] =	wrdreg s24  }
0xaf: {  	[dreg:$0x3] =	wrdreg $0x14F000  }
0xb0: {  	[dreg:$0x4] =	wrdreg $0x9  }
0xb1: {  	_ =	task.clear_ibuf [dreg:s6], $0x5FFFF;
	_ =	strace $0x9000004C  }
0xb2: {  	s29 =	simm.s32 $0x9;
	_ =	strace $0x8000004E  }
0xb3: {  	_ =	swait.ge [sflag:s29], $0x1  }
0xb4: {  	[sflag:s29] =	ssyncadd.s32 $0xFFFFFFFF  }
0xb5: {  	_ =	strace $0x9000004E  }
0xb6: {  	_ =	sfence  }
0xb7: {  	s30 =	sld [smem:$0x0];
	_ =	sdelay $0x2  }
0xb8: {  	s31 =	sshll.u32 s1, $0xD;
	s1 =	sshrl.u32 s1, $0x2  }
0xb9: {  	s3 =	sand.u32 $0x4000, s31;
	s1 =	sadd.s32 s1, s30  }
0xba: {  	s0 =	sor.u32 s3, s0;
	s1 =	sshll.u32 s1, $0x11  }
0xbb: {  	s0 =	sor.u32 s1, s0  }
0xbc: {  	s0 =	sadd.s32 $0x8F2B, s0  }
0xbd: {  	[sflag:s0] =	ssyncadd.remote.s32 $0x1  }
0xbe: {  	_ =	sfence.sel $0xFFFF  }
0xbf: {  	[dreg:$0x0] =	wrdreg $0xFFFFFFFF;
	(pc) =	sbr.abs _section_cstart, $3  }
0xc0: {  	[dreg:$0x1] =	wrdreg $0xFFFFFFFF  }
0xc1: {  	_ =	task.clear_ibuf [dreg:s6], $0x2FFFF;
	_ =	strace $0x9FFFFFFF  }
0xc2: {  	(tm) =	ssettm $0x7FFFFFFF  }
0xc3: {  	_ =	shalt  }
tec
execute0_lowered:
.L_overlay_start_1:
0x0: {  	(tag) =	ssettag $0x1  }
0x1: {  	s0 =	rddreg [dreg:$0x0]  }
0x2: {  	s1 =	rddreg [dreg:$0x1]  }
0x3: {  	s2 =	simm.s32 $0x0;
	s15 =	srdreg.scid;
	s11 =	stileid.u32  }
0x4: {  	s28 =	simm.s32 $0xEF00;
	s29 =	simm.s32 $0x10F00;
	s30 =	simm.s32 $0x12F00  }
0x5: {  	s31 =	simm.s32 $0x3;
	s12 =	simm.s32 $0xD;
	s13 =	simm.s32 $0xE  }
0x6: {  	s14 =	simm.s32 $0xF;
	[smem:$0x7FF] =	sst s2;
	s2 =	sand.u32 $0x1, s15  }
0x7: {  	s3 =	smul.u32 $0xA000, s11;
	s5 =	sshll.u32 s11, $0x1;
	s4 =	sadd.s32 $0x16800, s0  }
0x8: {  	s7 =	sadd.s32 $0x2C00, s0;
	s8 =	sadd.s32 $0xCA00, s0;
	s10 =	sadd.s32 $0x2A200, s0  }
0x9: {  	s17 =	smul.u32 $0x28000, s11;
	p0 =	sgt.u32 s11, $0x1;
	s11 =	simm.s32 $0xC  }
0xa: {  	s15 =	simm.s32 $0x10;
	_ =	strace $0x8000004D;
	s6 =	smul.u32 $0xA0000, s2  }
0xb: {  	s5 =	sor.u32 s2, s5;
	[dreg:$0x3] =	wrdreg s10;
	s2 =	ssub.s32 $0x2, s2  }
0xc: {  	s9 =	smul.u32 $0x4E, s5;
	s5 =	smin.u32 s5, $0x4;
	s16 =	sshrl.u32 s2, $0x1  }
0xd: {  	s20 =	sshrl.u32 s17, $0x2;
	s17 =	simm.s32 $0x5;
	s6 =	sadd.s32 s3, s6  }
0xe: {  	s2 =	ssub.s32 s2, s16;
	s21 =	sadd.s32 s20, s1;
	s16 =	sadd.s32 s3, s1  }
0xf: {  	s20 =	simm.s32 $0x1;
	s6 =	sshrl.u32 s6, $0x3;
	s5 =	sadd.s32 s5, s9  }
0x10: {  	s22 =	sadd.s32 $0x2000, s21;
	s23 =	sadd.s32 $0x4000, s21;
	[dreg:$0x8] =	wrdreg s16  }
0x11: {  	s24 =	sadd.s32 $0x6000, s21;
	s25 =	sadd.s32 $0x8000, s21;
	[dreg:$0x9] =	wrdreg s22  }
0x12: {  	s26 =	smax.u32 s2, $0x1;
	s21 =	simm.s32 $0x2;
	[dreg:$0xa] =	wrdreg s23  }
0x13: {  	s2 =	simm.s32 $0x6;
	s9 =	simm.s32 $0xB;
	[dreg:$0xb] =	wrdreg s24  }
0x14: {  	s5 =	sshll.u32 s5, $0x4;
	s0 =	sadd.s32 s6, s0;
	[dreg:$0xc] =	wrdreg s25  }
0x15: {  	[dreg:$0xe] =	wrdreg s26;
	s22 =	simm.s32 $0x80;
	s23 =	simm.s32 $0x6F00  }
0x16: {  	s24 =	simm.s32 $0x8F00;
	s25 =	simm.s32 $0xAF00;
	s26 =	simm.s32 $0xCF00  }
0x17: {  	s6 =	simm.s32 $0x8;
	s18 =	sadd.s32 s7, s5;
	s19 =	sadd.s32 s8, s5  }
0x18: {  	s5 =	sadd.s32 $0x4E0, s5;
	s0 =	sadd.s32 $0x2A600, s0;
	[dreg:$0x4] =	wrdreg s18  }
0x19: {  	[dreg:$0x5] =	wrdreg s19;
	s7 =	sadd.s32 s7, s5;
	s5 =	sadd.s32 s8, s5  }
0x1a: {  	[dreg:$0xd] =	wrdreg s0;
	s18 =	simm.s32 $0x4F00;
	s0 =	simm.s32 $0x4  }
0x1b: {  	s8 =	simm.s32 $0xA;
	s19 =	simm.s32 $0x0;
	[dreg:$0x6] =	wrdreg s7  }
0x1c: {  	[dreg:$0x7] =	wrdreg s5;
	s5 =	simm.s32 $0x7;
	s7 =	simm.s32 $0x9  }
.LBB2_1:
0x1d: {  	s10 =	simm.s32 $0x0;
	s3 =	rddreg [dreg:$0x4]  }
0x1e: {  	[tilespmem:s10], [sflag:$0x1] =	stream.linear.gather [hbm4b:s3+s10], $0x2700, $0x38;
	[tilespmem:$0x1EF00] =	vst v63  }
0x1f: {  	s16 =	simm.s32 $0x0;
	s3 =	rddreg [dreg:$0x5];
	s10 =	simm.s32 $0x2780  }
0x20: {  	[tilespmem:s10], [sflag:$0x2] =	stream.linear.gather [hbm4b:s3+s16], $0x2700, $0x38;
	[tilespmem:$0x1EF00] =	vst v63  }
0x21: {  	s3 =	simm.s32 @!p0 $0x0;
	s10 =	simm.s32 @!p0 $0x2700;
	s16 =	rddreg [dreg:$0x6]  }
0x22: {  	[tilespmem:s10], [sflag:$0x11] =	stream.linear.gather @!p0 [hbm4b:s16+s3], $0x80, $0x38;
	[tilespmem:$0x1EF00] =	vst v63  }
0x23: {  	[dreg:$0xf] =	wrdreg s19;
	s3 =	simm.s32 @!p0 $0x11  }
0x24: {  	_ =	swait.ge @!p0 [sflag:s3], $0x80  }
0x25: {  	s16 =	simm.s32 @!p0 $0x4E80;
	[sflag:s3] =	ssyncset.done @!p0 $0x0  }
0x26: {  	s10 =	simm.s32 @!p0 $0x0;
	[sflag:s3] =	ssyncadd.s32 @!p0 $0xFFFFFF80;
	s3 =	rddreg [dreg:$0x7]  }
0x27: {  	[tilespmem:s16], [sflag:$0x11] =	stream.linear.gather @!p0 [hbm4b:s3+s10], $0x80, $0x38;
	[tilespmem:$0x1EF00] =	vst v63  }
0x28: {  	s3 =	simm.s32 @!p0 $0x11  }
0x29: {  	_ =	swait.ge @!p0 [sflag:s3], $0x80  }
0x2a: {  	s19 =	simm.s32 $0x11;
	[sflag:s3] =	ssyncset.done @!p0 $0x0  }
0x2b: {  	s16 =	simm.s32 $0x0;
	s10 =	rddreg [dreg:$0x3];
	[sflag:s3] =	ssyncadd.s32 @!p0 $0xFFFFFF80  }
0x2c: {  	[tilespmem:s18], [sflag:$0x11] =	stream.linear.gather [hbm4b:s10+s16], $0x2000, $0x38;
	[tilespmem:$0x1EF00] =	vst v63  }
0x2d: {  	_ =	swait.ge [sflag:s19], $0x2000  }
0x2e: {  	[sflag:s19] =	ssyncset.done $0x0  }
0x2f: {  	s16 =	rddreg [dreg:$0x8];
	[sflag:s19] =	ssyncadd.s32 $0xFFFFE000  }
0x30: {  	[spmem:s16] =	stream.linear.scatter [tilespmem:s18], [sflag:$0x11], $0x2000, $0x38;
	[tilespmem:$0x1EF00] =	vst v63  }
0x31: {  	_ =	swait.ge [sflag:s19], $0x2000  }
0x32: {  	[sflag:s19] =	ssyncset.done $0x0  }
0x33: {  	s10 =	rddreg [dreg:$0x9];
	[sflag:s19] =	ssyncadd.s32 $0xFFFFE000  }
0x34: {  	[spmem:s10] =	stream.linear.scatter [tilespmem:s18], [sflag:$0x11], $0x2000, $0x38;
	[tilespmem:$0x1EF00] =	vst v63  }
0x35: {  	_ =	swait.ge [sflag:s19], $0x2000  }
0x36: {  	[sflag:s19] =	ssyncset.done $0x0  }
0x37: {  	s16 =	rddreg [dreg:$0xa];
	[sflag:s19] =	ssyncadd.s32 $0xFFFFE000  }
0x38: {  	[spmem:s16] =	stream.linear.scatter [tilespmem:s18], [sflag:$0x11], $0x2000, $0x38;
	[tilespmem:$0x1EF00] =	vst v63  }
0x39: {  	_ =	swait.ge [sflag:s19], $0x2000  }
0x3a: {  	[sflag:s19] =	ssyncset.done $0x0  }
0x3b: {  	s10 =	rddreg [dreg:$0xb];
	[sflag:s19] =	ssyncadd.s32 $0xFFFFE000  }
0x3c: {  	[spmem:s10] =	stream.linear.scatter [tilespmem:s18], [sflag:$0x11], $0x2000, $0x38;
	[tilespmem:$0x1EF00] =	vst v63  }
0x3d: {  	_ =	swait.ge [sflag:s19], $0x2000  }
0x3e: {  	[sflag:s19] =	ssyncset.done $0x0  }
0x3f: {  	s16 =	rddreg [dreg:$0xc];
	[sflag:s19] =	ssyncadd.s32 $0xFFFFE000  }
0x40: {  	[spmem:s16] =	stream.linear.scatter [tilespmem:s18], [sflag:$0x11], $0x2000, $0x38;
	[tilespmem:$0x1EF00] =	vst v63  }
0x41: {  	_ =	swait.ge [sflag:s19], $0x2000  }
0x42: {  	[sflag:s19] =	ssyncset.done $0x0  }
0x43: {  	[sflag:s19] =	ssyncadd.s32 $0xFFFFE000  }
0x44: {  	_ =	swait.ge [sflag:s20], $0x2700  }
0x45: {  	[sflag:s20] =	ssyncset.done $0x0  }
0x46: {  	[sflag:s20] =	ssyncadd.s32 $0xFFFFD900  }
0x47: {  	_ =	swait.ge [sflag:s21], $0x2700  }
0x48: {  	[sflag:s21] =	ssyncset.done $0x0  }
0x49: {  	[sflag:s21] =	ssyncadd.s32 $0xFFFFD900  }
0x4a: {  	s19 =	simm.s32 $0x0;
	[bflag:$0x0] =	sbarrier.arrive $0xFFFF  }
0x4b: {  	[tilespmem:s18], [sflag:$0x1] =	stream.indirect.gather [hbm4b:s4+s22], $0x40, s19, s22, $0xb8;
	[tilespmem:$0x1EF00] =	vst v63  }
0x4c: {  	s10 =	simm.s32 $0x80  }
0x4d: {  	[tilespmem:s23], [sflag:$0x2] =	stream.indirect.gather [hbm4b:s4+s22], $0x40, s10, s22, $0xb8;
	[tilespmem:$0x1EF00] =	vst v63  }
0x4e: {  	s16 =	simm.s32 $0x100  }
0x4f: {  	[tilespmem:s24], [sflag:$0x3] =	stream.indirect.gather [hbm4b:s4+s22], $0x40, s16, s22, $0xb8;
	[tilespmem:$0x1EF00] =	vst v63  }
0x50: {  	s19 =	simm.s32 $0x180  }
0x51: {  	[tilespmem:s25], [sflag:$0x4] =	stream.indirect.gather [hbm4b:s4+s22], $0x40, s19, s22, $0xb8;
	[tilespmem:$0x1EF00] =	vst v63  }
0x52: {  	s10 =	simm.s32 $0x200  }
0x53: {  	[tilespmem:s26], [sflag:$0x5] =	stream.indirect.gather [hbm4b:s4+s22], $0x40, s10, s22, $0xb8;
	[tilespmem:$0x1EF00] =	vst v63  }
0x54: {  	s16 =	simm.s32 $0x280  }
0x55: {  	[tilespmem:s28], [sflag:$0x6] =	stream.indirect.gather [hbm4b:s4+s22], $0x40, s16, s22, $0xb8;
	[tilespmem:$0x1EF00] =	vst v63  }
0x56: {  	s19 =	simm.s32 $0x300  }
0x57: {  	[tilespmem:s29], [sflag:$0x7] =	stream.indirect.gather [hbm4b:s4+s22], $0x40, s19, s22, $0xb8;
	[tilespmem:$0x1EF00] =	vst v63  }
0x58: {  	s10 =	simm.s32 $0x380  }
0x59: {  	[tilespmem:s30], [sflag:$0x8] =	stream.indirect.gather [hbm4b:s4+s22], $0x40, s10, s22, $0xb8;
	[tilespmem:$0x1EF00] =	vst v63  }
0x5a: {  	_ =	swait.ge [sflag:s20], $0x2000  }
0x5b: {  	[sflag:s20] =	ssyncset.done $0x0  }
0x5c: {  	s16 =	simm.s32 $0x2780;
	[sflag:s20] =	ssyncadd.s32 $0xFFFFE000  }
0x5d: {  	[spmem:s1] =	stream.indirect.scatter.add.f32 [tilespmem:s18], [sflag:$0x9], $0x40, s16, s22, $0xb8;
	[tilespmem:$0x1EF00] =	vst v63  }
0x5e: {  	_ =	swait.ge [sflag:s21], $0x2000  }
0x5f: {  	[sflag:s21] =	ssyncset.done $0x0  }
0x60: {  	s19 =	simm.s32 $0x2800;
	[sflag:s21] =	ssyncadd.s32 $0xFFFFE000  }
0x61: {  	[spmem:s1] =	stream.indirect.scatter.add.f32 [tilespmem:s23], [sflag:$0xA], $0x40, s19, s22, $0xb8;
	[tilespmem:$0x1EF00] =	vst v63  }
0x62: {  	_ =	swait.ge [sflag:s31], $0x2000  }
0x63: {  	[sflag:s31] =	ssyncset.done $0x0  }
0x64: {  	s10 =	simm.s32 $0x2880;
	[sflag:s31] =	ssyncadd.s32 $0xFFFFE000  }
0x65: {  	[spmem:s1] =	stream.indirect.scatter.add.f32 [tilespmem:s24], [sflag:$0xB], $0x40, s10, s22, $0xb8;
	[tilespmem:$0x1EF00] =	vst v63  }
0x66: {  	_ =	swait.ge [sflag:s0], $0x2000  }
0x67: {  	[sflag:s0] =	ssyncset.done $0x0  }
0x68: {  	s16 =	simm.s32 $0x2900;
	[sflag:s0] =	ssyncadd.s32 $0xFFFFE000  }
0x69: {  	[spmem:s1] =	stream.indirect.scatter.add.f32 [tilespmem:s25], [sflag:$0xC], $0x40, s16, s22, $0xb8;
	[tilespmem:$0x1EF00] =	vst v63  }
0x6a: {  	_ =	swait.ge [sflag:s17], $0x2000  }
0x6b: {  	[sflag:s17] =	ssyncset.done $0x0  }
0x6c: {  	s19 =	simm.s32 $0x2980;
	[sflag:s17] =	ssyncadd.s32 $0xFFFFE000  }
0x6d: {  	[spmem:s1] =	stream.indirect.scatter.add.f32 [tilespmem:s26], [sflag:$0xD], $0x40, s19, s22, $0xb8;
	[tilespmem:$0x1EF00] =	vst v63  }
0x6e: {  	_ =	swait.ge [sflag:s2], $0x2000  }
0x6f: {  	[sflag:s2] =	ssyncset.done $0x0  }
0x70: {  	s10 =	simm.s32 $0x2A00;
	[sflag:s2] =	ssyncadd.s32 $0xFFFFE000  }
0x71: {  	[spmem:s1] =	stream.indirect.scatter.add.f32 [tilespmem:s28], [sflag:$0xE], $0x40, s10, s22, $0xb8;
	[tilespmem:$0x1EF00] =	vst v63  }
0x72: {  	_ =	swait.ge [sflag:s5], $0x2000  }
0x73: {  	[sflag:s5] =	ssyncset.done $0x0  }
0x74: {  	s16 =	simm.s32 $0x2A80;
	[sflag:s5] =	ssyncadd.s32 $0xFFFFE000  }
0x75: {  	[spmem:s1] =	stream.indirect.scatter.add.f32 [tilespmem:s29], [sflag:$0xF], $0x40, s16, s22, $0xb8;
	[tilespmem:$0x1EF00] =	vst v63  }
0x76: {  	_ =	swait.ge [sflag:s6], $0x2000  }
0x77: {  	[sflag:s6] =	ssyncset.done $0x0  }
0x78: {  	s19 =	simm.s32 $0x2B00;
	[sflag:s6] =	ssyncadd.s32 $0xFFFFE000  }
0x79: {  	[spmem:s1] =	stream.indirect.scatter.add.f32 [tilespmem:s30], [sflag:$0x10], $0x40, s19, s22, $0xb8;
	[tilespmem:$0x1EF00] =	vst v63  }
0x7a: {  	_ =	swait.ge [sflag:s7], $0x2000  }
0x7b: {  	[sflag:s7] =	ssyncset.done $0x0  }
0x7c: {  	[sflag:s7] =	ssyncadd.s32 $0xFFFFE000  }
0x7d: {  	_ =	swait.ge [sflag:s8], $0x2000  }
0x7e: {  	[sflag:s8] =	ssyncset.done $0x0  }
0x7f: {  	[sflag:s8] =	ssyncadd.s32 $0xFFFFE000  }
0x80: {  	_ =	swait.ge [sflag:s9], $0x2000  }
0x81: {  	[sflag:s9] =	ssyncset.done $0x0  }
0x82: {  	[sflag:s9] =	ssyncadd.s32 $0xFFFFE000  }
0x83: {  	_ =	swait.ge [sflag:s11], $0x2000  }
0x84: {  	[sflag:s11] =	ssyncset.done $0x0  }
0x85: {  	[sflag:s11] =	ssyncadd.s32 $0xFFFFE000  }
0x86: {  	_ =	swait.ge [sflag:s12], $0x2000  }
0x87: {  	[sflag:s12] =	ssyncset.done $0x0  }
0x88: {  	[sflag:s12] =	ssyncadd.s32 $0xFFFFE000  }
0x89: {  	_ =	swait.ge [sflag:s13], $0x2000  }
0x8a: {  	[sflag:s13] =	ssyncset.done $0x0  }
0x8b: {  	[sflag:s13] =	ssyncadd.s32 $0xFFFFE000  }
0x8c: {  	_ =	swait.ge [sflag:s14], $0x2000  }
0x8d: {  	[sflag:s14] =	ssyncset.done $0x0  }
0x8e: {  	[sflag:s14] =	ssyncadd.s32 $0xFFFFE000  }
0x8f: {  	_ =	swait.ge [sflag:s15], $0x2000  }
0x90: {  	s3 =	simm.s32 $0x1000;
	s10 =	simm.s32 $0x2000;
	[sflag:s15] =	ssyncset.done $0x0  }
.LBB2_2:
0x91: {  	s16 =	sshra.s32 s3, $0x2  }
0x92: {  	[sflag:s15] =	ssyncadd.s32 $0xFFFFE000;
	s3 =	smov.u32 s10;
	s19 =	sadd.s32 $0x1000, s10  }
0x93: {  	[tilespmem:s18], [sflag:$0x1] =	stream.indirect.gather [hbm4b:s4+s22], $0x40, s16, s22, $0xb8;
	[tilespmem:$0x1EF00] =	vst v63  }
0x94: {  	p1 =	sne.s32 s10, $0x8000;
	s10 =	sadd.s32 $0x80, s16  }
0x95: {  	[tilespmem:s23], [sflag:$0x2] =	stream.indirect.gather [hbm4b:s4+s22], $0x40, s10, s22, $0xb8;
	[tilespmem:$0x1EF00] =	vst v63  }
0x96: {  	s10 =	sadd.s32 $0x100, s16  }
0x97: {  	[tilespmem:s24], [sflag:$0x3] =	stream.indirect.gather [hbm4b:s4+s22], $0x40, s10, s22, $0xb8;
	[tilespmem:$0x1EF00] =	vst v63  }
0x98: {  	s10 =	sadd.s32 $0x180, s16  }
0x99: {  	[tilespmem:s25], [sflag:$0x4] =	stream.indirect.gather [hbm4b:s4+s22], $0x40, s10, s22, $0xb8;
	[tilespmem:$0x1EF00] =	vst v63  }
0x9a: {  	s10 =	sadd.s32 $0x200, s16  }
0x9b: {  	[tilespmem:s26], [sflag:$0x5] =	stream.indirect.gather [hbm4b:s4+s22], $0x40, s10, s22, $0xb8;
	[tilespmem:$0x1EF00] =	vst v63  }
0x9c: {  	s10 =	sadd.s32 $0x280, s16  }
0x9d: {  	[tilespmem:s28], [sflag:$0x6] =	stream.indirect.gather [hbm4b:s4+s22], $0x40, s10, s22, $0xb8;
	[tilespmem:$0x1EF00] =	vst v63  }
0x9e: {  	s10 =	sadd.s32 $0x300, s16  }
0x9f: {  	[tilespmem:s29], [sflag:$0x7] =	stream.indirect.gather [hbm4b:s4+s22], $0x40, s10, s22, $0xb8;
	[tilespmem:$0x1EF00] =	vst v63  }
0xa0: {  	s10 =	sadd.s32 $0x380, s16  }
0xa1: {  	[tilespmem:s30], [sflag:$0x8] =	stream.indirect.gather [hbm4b:s4+s22], $0x40, s10, s22, $0xb8;
	[tilespmem:$0x1EF00] =	vst v63  }
0xa2: {  	_ =	swait.ge [sflag:s20], $0x2000  }
0xa3: {  	[sflag:s20] =	ssyncset.done $0x0  }
0xa4: {  	s10 =	sadd.s32 $0x2780, s16;
	[sflag:s20] =	ssyncadd.s32 $0xFFFFE000  }
0xa5: {  	[spmem:s1] =	stream.indirect.scatter.add.f32 [tilespmem:s18], [sflag:$0x9], $0x40, s10, s22, $0xb8;
	[tilespmem:$0x1EF00] =	vst v63  }
0xa6: {  	_ =	swait.ge [sflag:s21], $0x2000  }
0xa7: {  	[sflag:s21] =	ssyncset.done $0x0  }
0xa8: {  	s10 =	sadd.s32 $0x2800, s16;
	[sflag:s21] =	ssyncadd.s32 $0xFFFFE000  }
0xa9: {  	[spmem:s1] =	stream.indirect.scatter.add.f32 [tilespmem:s23], [sflag:$0xA], $0x40, s10, s22, $0xb8;
	[tilespmem:$0x1EF00] =	vst v63  }
0xaa: {  	_ =	swait.ge [sflag:s31], $0x2000  }
0xab: {  	[sflag:s31] =	ssyncset.done $0x0  }
0xac: {  	s10 =	sadd.s32 $0x2880, s16;
	[sflag:s31] =	ssyncadd.s32 $0xFFFFE000  }
0xad: {  	[spmem:s1] =	stream.indirect.scatter.add.f32 [tilespmem:s24], [sflag:$0xB], $0x40, s10, s22, $0xb8;
	[tilespmem:$0x1EF00] =	vst v63  }
0xae: {  	_ =	swait.ge [sflag:s0], $0x2000  }
0xaf: {  	[sflag:s0] =	ssyncset.done $0x0  }
0xb0: {  	s10 =	sadd.s32 $0x2900, s16;
	[sflag:s0] =	ssyncadd.s32 $0xFFFFE000  }
0xb1: {  	[spmem:s1] =	stream.indirect.scatter.add.f32 [tilespmem:s25], [sflag:$0xC], $0x40, s10, s22, $0xb8;
	[tilespmem:$0x1EF00] =	vst v63  }
0xb2: {  	_ =	swait.ge [sflag:s17], $0x2000  }
0xb3: {  	[sflag:s17] =	ssyncset.done $0x0  }
0xb4: {  	s10 =	sadd.s32 $0x2980, s16;
	[sflag:s17] =	ssyncadd.s32 $0xFFFFE000  }
0xb5: {  	[spmem:s1] =	stream.indirect.scatter.add.f32 [tilespmem:s26], [sflag:$0xD], $0x40, s10, s22, $0xb8;
	[tilespmem:$0x1EF00] =	vst v63  }
0xb6: {  	_ =	swait.ge [sflag:s2], $0x2000  }
0xb7: {  	[sflag:s2] =	ssyncset.done $0x0  }
0xb8: {  	s10 =	sadd.s32 $0x2A00, s16;
	[sflag:s2] =	ssyncadd.s32 $0xFFFFE000  }
0xb9: {  	[spmem:s1] =	stream.indirect.scatter.add.f32 [tilespmem:s28], [sflag:$0xE], $0x40, s10, s22, $0xb8;
	[tilespmem:$0x1EF00] =	vst v63  }
0xba: {  	_ =	swait.ge [sflag:s5], $0x2000  }
0xbb: {  	[sflag:s5] =	ssyncset.done $0x0  }
0xbc: {  	s10 =	sadd.s32 $0x2A80, s16;
	[sflag:s5] =	ssyncadd.s32 $0xFFFFE000  }
0xbd: {  	[spmem:s1] =	stream.indirect.scatter.add.f32 [tilespmem:s29], [sflag:$0xF], $0x40, s10, s22, $0xb8;
	[tilespmem:$0x1EF00] =	vst v63  }
0xbe: {  	_ =	swait.ge [sflag:s6], $0x2000  }
0xbf: {  	[sflag:s6] =	ssyncset.done $0x0  }
0xc0: {  	s10 =	sadd.s32 $0x2B00, s16;
	[sflag:s6] =	ssyncadd.s32 $0xFFFFE000  }
0xc1: {  	[spmem:s1] =	stream.indirect.scatter.add.f32 [tilespmem:s30], [sflag:$0x10], $0x40, s10, s22, $0xb8;
	[tilespmem:$0x1EF00] =	vst v63  }
0xc2: {  	_ =	swait.ge [sflag:s7], $0x2000  }
0xc3: {  	[sflag:s7] =	ssyncset.done $0x0  }
0xc4: {  	[sflag:s7] =	ssyncadd.s32 $0xFFFFE000  }
0xc5: {  	_ =	swait.ge [sflag:s8], $0x2000  }
0xc6: {  	[sflag:s8] =	ssyncset.done $0x0  }
0xc7: {  	[sflag:s8] =	ssyncadd.s32 $0xFFFFE000  }
0xc8: {  	_ =	swait.ge [sflag:s9], $0x2000  }
0xc9: {  	[sflag:s9] =	ssyncset.done $0x0  }
0xca: {  	[sflag:s9] =	ssyncadd.s32 $0xFFFFE000  }
0xcb: {  	_ =	swait.ge [sflag:s11], $0x2000  }
0xcc: {  	[sflag:s11] =	ssyncset.done $0x0  }
0xcd: {  	[sflag:s11] =	ssyncadd.s32 $0xFFFFE000  }
0xce: {  	_ =	swait.ge [sflag:s12], $0x2000  }
0xcf: {  	[sflag:s12] =	ssyncset.done $0x0  }
0xd0: {  	[sflag:s12] =	ssyncadd.s32 $0xFFFFE000  }
0xd1: {  	_ =	swait.ge [sflag:s13], $0x2000  }
0xd2: {  	[sflag:s13] =	ssyncset.done $0x0  }
0xd3: {  	[sflag:s13] =	ssyncadd.s32 $0xFFFFE000  }
.Ltmp0:
0xd4: {  	_ =	swait.ge [sflag:s14], $0x2000;
	(pc) =	sbr.rel @p1 .LBB2_2-.Ltmp0, $4  }
0xd5: {  	[sflag:s14] =	ssyncset.done $0x0  }
0xd6: {  	[sflag:s14] =	ssyncadd.s32 $0xFFFFE000  }
0xd7: {  	_ =	swait.ge [sflag:s15], $0x2000  }
0xd8: {  	s10 =	smov.u32 s19;
	[sflag:s15] =	ssyncset.done $0x0  }
0xd9: {  	s3 =	sshra.s32 s3, $0x2;
	[sflag:s15] =	ssyncadd.s32 $0xFFFFE000  }
0xda: {  	[tilespmem:s18], [sflag:$0x1] =	stream.indirect.gather [hbm4b:s4+s22], $0x40, s3, s22, $0xb8;
	[tilespmem:$0x1EF00] =	vst v63  }
0xdb: {  	s10 =	sadd.s32 $0x80, s3  }
0xdc: {  	[tilespmem:s23], [sflag:$0x2] =	stream.indirect.gather [hbm4b:s4+s22], $0x40, s10, s22, $0xb8;
	[tilespmem:$0x1EF00] =	vst v63  }
0xdd: {  	s16 =	sadd.s32 $0x100, s3  }
0xde: {  	[tilespmem:s24], [sflag:$0x3] =	stream.indirect.gather [hbm4b:s4+s22], $0x40, s16, s22, $0xb8;
	[tilespmem:$0x1EF00] =	vst v63  }
0xdf: {  	s19 =	sadd.s32 $0x180, s3  }
0xe0: {  	[tilespmem:s25], [sflag:$0x4] =	stream.indirect.gather [hbm4b:s4+s22], $0x40, s19, s22, $0xb8;
	[tilespmem:$0x1EF00] =	vst v63  }
0xe1: {  	s16 =	sadd.s32 $0x200, s3  }
0xe2: {  	[tilespmem:s26], [sflag:$0x5] =	stream.indirect.gather [hbm4b:s4+s22], $0x40, s16, s22, $0xb8;
	[tilespmem:$0x1EF00] =	vst v63  }
0xe3: {  	s19 =	sadd.s32 $0x280, s3  }
0xe4: {  	[tilespmem:s28], [sflag:$0x6] =	stream.indirect.gather [hbm4b:s4+s22], $0x40, s19, s22, $0xb8;
	[tilespmem:$0x1EF00] =	vst v63  }
0xe5: {  	s16 =	sadd.s32 $0x300, s3  }
0xe6: {  	[tilespmem:s29], [sflag:$0x7] =	stream.indirect.gather [hbm4b:s4+s22], $0x40, s16, s22, $0xb8;
	[tilespmem:$0x1EF00] =	vst v63  }
0xe7: {  	s19 =	sadd.s32 $0x380, s3  }
0xe8: {  	[tilespmem:s30], [sflag:$0x8] =	stream.indirect.gather [hbm4b:s4+s22], $0x40, s19, s22, $0xb8;
	[tilespmem:$0x1EF00] =	vst v63  }
0xe9: {  	_ =	swait.ge [sflag:s20], $0x2000  }
0xea: {  	[sflag:s20] =	ssyncset.done $0x0  }
0xeb: {  	s16 =	sadd.s32 $0x2780, s3;
	[sflag:s20] =	ssyncadd.s32 $0xFFFFE000  }
0xec: {  	[spmem:s1] =	stream.indirect.scatter.add.f32 [tilespmem:s18], [sflag:$0x9], $0x40, s16, s22, $0xb8;
	[tilespmem:$0x1EF00] =	vst v63  }
0xed: {  	_ =	swait.ge [sflag:s21], $0x2000  }
0xee: {  	[sflag:s21] =	ssyncset.done $0x0  }
0xef: {  	s19 =	sadd.s32 $0x2800, s3;
	[sflag:s21] =	ssyncadd.s32 $0xFFFFE000  }
0xf0: {  	[spmem:s1] =	stream.indirect.scatter.add.f32 [tilespmem:s23], [sflag:$0xA], $0x40, s19, s22, $0xb8;
	[tilespmem:$0x1EF00] =	vst v63  }
0xf1: {  	_ =	swait.ge [sflag:s31], $0x2000  }
0xf2: {  	[sflag:s31] =	ssyncset.done $0x0  }
0xf3: {  	s16 =	sadd.s32 $0x2880, s3;
	[sflag:s31] =	ssyncadd.s32 $0xFFFFE000  }
0xf4: {  	[spmem:s1] =	stream.indirect.scatter.add.f32 [tilespmem:s24], [sflag:$0xB], $0x40, s16, s22, $0xb8;
	[tilespmem:$0x1EF00] =	vst v63  }
0xf5: {  	_ =	swait.ge [sflag:s0], $0x2000  }
0xf6: {  	[sflag:s0] =	ssyncset.done $0x0  }
0xf7: {  	s19 =	sadd.s32 $0x2900, s3;
	[sflag:s0] =	ssyncadd.s32 $0xFFFFE000  }
0xf8: {  	[spmem:s1] =	stream.indirect.scatter.add.f32 [tilespmem:s25], [sflag:$0xC], $0x40, s19, s22, $0xb8;
	[tilespmem:$0x1EF00] =	vst v63  }
0xf9: {  	_ =	swait.ge [sflag:s17], $0x2000  }
0xfa: {  	[sflag:s17] =	ssyncset.done $0x0  }
0xfb: {  	s16 =	sadd.s32 $0x2980, s3;
	[sflag:s17] =	ssyncadd.s32 $0xFFFFE000  }
0xfc: {  	[spmem:s1] =	stream.indirect.scatter.add.f32 [tilespmem:s26], [sflag:$0xD], $0x40, s16, s22, $0xb8;
	[tilespmem:$0x1EF00] =	vst v63  }
0xfd: {  	_ =	swait.ge [sflag:s2], $0x2000  }
0xfe: {  	[sflag:s2] =	ssyncset.done $0x0  }
0xff: {  	s19 =	sadd.s32 $0x2A00, s3;
	[sflag:s2] =	ssyncadd.s32 $0xFFFFE000  }
0x100: {  	[spmem:s1] =	stream.indirect.scatter.add.f32 [tilespmem:s28], [sflag:$0xE], $0x40, s19, s22, $0xb8;
	[tilespmem:$0x1EF00] =	vst v63  }
0x101: {  	_ =	swait.ge [sflag:s5], $0x2000  }
0x102: {  	[sflag:s5] =	ssyncset.done $0x0  }
0x103: {  	s16 =	sadd.s32 $0x2A80, s3;
	[sflag:s5] =	ssyncadd.s32 $0xFFFFE000  }
0x104: {  	[spmem:s1] =	stream.indirect.scatter.add.f32 [tilespmem:s29], [sflag:$0xF], $0x40, s16, s22, $0xb8;
	[tilespmem:$0x1EF00] =	vst v63  }
0x105: {  	_ =	swait.ge [sflag:s6], $0x2000  }
0x106: {  	[sflag:s6] =	ssyncset.done $0x0  }
0x107: {  	s3 =	sadd.s32 $0x2B00, s3;
	[sflag:s6] =	ssyncadd.s32 $0xFFFFE000  }
0x108: {  	[spmem:s1] =	stream.indirect.scatter.add.f32 [tilespmem:s30], [sflag:$0x10], $0x40, s3, s22, $0xb8;
	[tilespmem:$0x1EF00] =	vst v63  }
0x109: {  	_ =	swait.ge [sflag:s7], $0x2000  }
0x10a: {  	[sflag:s7] =	ssyncset.done $0x0  }
0x10b: {  	[sflag:s7] =	ssyncadd.s32 $0xFFFFE000  }
0x10c: {  	_ =	swait.ge [sflag:s8], $0x2000  }
0x10d: {  	[sflag:s8] =	ssyncset.done $0x0  }
0x10e: {  	[sflag:s8] =	ssyncadd.s32 $0xFFFFE000  }
0x10f: {  	_ =	swait.ge [sflag:s9], $0x2000  }
0x110: {  	[sflag:s9] =	ssyncset.done $0x0  }
0x111: {  	[sflag:s9] =	ssyncadd.s32 $0xFFFFE000  }
0x112: {  	_ =	swait.ge [sflag:s11], $0x2000  }
0x113: {  	[sflag:s11] =	ssyncset.done $0x0  }
0x114: {  	[sflag:s11] =	ssyncadd.s32 $0xFFFFE000  }
0x115: {  	_ =	swait.ge [sflag:s12], $0x2000  }
0x116: {  	[sflag:s12] =	ssyncset.done $0x0  }
0x117: {  	[sflag:s12] =	ssyncadd.s32 $0xFFFFE000  }
0x118: {  	_ =	swait.ge [sflag:s13], $0x2000  }
0x119: {  	[sflag:s13] =	ssyncset.done $0x0  }
0x11a: {  	[sflag:s13] =	ssyncadd.s32 $0xFFFFE000  }
0x11b: {  	_ =	swait.ge [sflag:s14], $0x2000  }
0x11c: {  	[sflag:s14] =	ssyncset.done $0x0  }
0x11d: {  	[sflag:s14] =	ssyncadd.s32 $0xFFFFE000  }
0x11e: {  	_ =	swait.ge [sflag:s15], $0x2000  }
0x11f: {  	[sflag:s15] =	ssyncset.done $0x0  }
0x120: {  	s19 =	simm.s32 $0x2400;
	[sflag:s15] =	ssyncadd.s32 $0xFFFFE000  }
0x121: {  	[tilespmem:s18], [sflag:$0x1] =	stream.indirect.gather [hbm4b:s4+s22], $0x40, s19, s22, $0xb8;
	[tilespmem:$0x1EF00] =	vst v63  }
0x122: {  	s10 =	simm.s32 $0x2480  }
0x123: {  	[tilespmem:s23], [sflag:$0x2] =	stream.indirect.gather [hbm4b:s4+s22], $0x40, s10, s22, $0xb8;
	[tilespmem:$0x1EF00] =	vst v63  }
0x124: {  	s16 =	simm.s32 $0x2500  }
0x125: {  	[tilespmem:s24], [sflag:$0x3] =	stream.indirect.gather [hbm4b:s4+s22], $0x40, s16, s22, $0xb8;
	[tilespmem:$0x1EF00] =	vst v63  }
0x126: {  	s19 =	simm.s32 $0x2580  }
0x127: {  	[tilespmem:s25], [sflag:$0x4] =	stream.indirect.gather [hbm4b:s4+s22], $0x40, s19, s22, $0xb8;
	[tilespmem:$0x1EF00] =	vst v63  }
0x128: {  	s10 =	simm.s32 $0x2600  }
0x129: {  	[tilespmem:s26], [sflag:$0x5] =	stream.indirect.gather [hbm4b:s4+s22], $0x40, s10, s22, $0xb8;
	[tilespmem:$0x1EF00] =	vst v63  }
0x12a: {  	s16 =	simm.s32 $0x2680  }
0x12b: {  	[tilespmem:s28], [sflag:$0x6] =	stream.indirect.gather [hbm4b:s4+s22], $0x40, s16, s22, $0xb8;
	[tilespmem:$0x1EF00] =	vst v63  }
0x12c: {  	_ =	swait.ge [sflag:s20], $0x2000  }
0x12d: {  	[sflag:s20] =	ssyncset.done $0x0  }
0x12e: {  	s19 =	simm.s32 $0x4B80;
	[sflag:s20] =	ssyncadd.s32 $0xFFFFE000  }
0x12f: {  	[spmem:s1] =	stream.indirect.scatter.add.f32 [tilespmem:s18], [sflag:$0x9], $0x40, s19, s22, $0xb8;
	[tilespmem:$0x1EF00] =	vst v63  }
0x130: {  	_ =	swait.ge [sflag:s21], $0x2000  }
0x131: {  	[sflag:s21] =	ssyncset.done $0x0  }
0x132: {  	s10 =	simm.s32 $0x4C00;
	[sflag:s21] =	ssyncadd.s32 $0xFFFFE000  }
0x133: {  	[spmem:s1] =	stream.indirect.scatter.add.f32 [tilespmem:s23], [sflag:$0xA], $0x40, s10, s22, $0xb8;
	[tilespmem:$0x1EF00] =	vst v63  }
0x134: {  	_ =	swait.ge [sflag:s31], $0x2000  }
0x135: {  	[sflag:s31] =	ssyncset.done $0x0  }
0x136: {  	s16 =	simm.s32 $0x4C80;
	[sflag:s31] =	ssyncadd.s32 $0xFFFFE000  }
0x137: {  	[spmem:s1] =	stream.indirect.scatter.add.f32 [tilespmem:s24], [sflag:$0xB], $0x40, s16, s22, $0xb8;
	[tilespmem:$0x1EF00] =	vst v63  }
0x138: {  	_ =	swait.ge [sflag:s0], $0x2000  }
0x139: {  	[sflag:s0] =	ssyncset.done $0x0  }
0x13a: {  	s19 =	simm.s32 $0x4D00;
	[sflag:s0] =	ssyncadd.s32 $0xFFFFE000  }
0x13b: {  	[spmem:s1] =	stream.indirect.scatter.add.f32 [tilespmem:s25], [sflag:$0xC], $0x40, s19, s22, $0xb8;
	[tilespmem:$0x1EF00] =	vst v63  }
0x13c: {  	_ =	swait.ge [sflag:s17], $0x2000  }
0x13d: {  	[sflag:s17] =	ssyncset.done $0x0  }
0x13e: {  	s10 =	simm.s32 $0x4D80;
	[sflag:s17] =	ssyncadd.s32 $0xFFFFE000  }
0x13f: {  	[spmem:s1] =	stream.indirect.scatter.add.f32 [tilespmem:s26], [sflag:$0xD], $0x40, s10, s22, $0xb8;
	[tilespmem:$0x1EF00] =	vst v63  }
0x140: {  	_ =	swait.ge [sflag:s2], $0x2000  }
0x141: {  	[sflag:s2] =	ssyncset.done $0x0  }
0x142: {  	s16 =	simm.s32 $0x4E00;
	[sflag:s2] =	ssyncadd.s32 $0xFFFFE000  }
0x143: {  	[spmem:s1] =	stream.indirect.scatter.add.f32 [tilespmem:s28], [sflag:$0xE], $0x40, s16, s22, $0xb8;
	[tilespmem:$0x1EF00] =	vst v63  }
0x144: {  	_ =	swait.ge [sflag:s7], $0x2000  }
0x145: {  	[sflag:s7] =	ssyncset.done $0x0  }
0x146: {  	[sflag:s7] =	ssyncadd.s32 $0xFFFFE000  }
0x147: {  	_ =	swait.ge [sflag:s8], $0x2000  }
0x148: {  	[sflag:s8] =	ssyncset.done $0x0  }
0x149: {  	[sflag:s8] =	ssyncadd.s32 $0xFFFFE000  }
0x14a: {  	_ =	swait.ge [sflag:s9], $0x2000  }
0x14b: {  	[sflag:s9] =	ssyncset.done $0x0  }
0x14c: {  	[sflag:s9] =	ssyncadd.s32 $0xFFFFE000  }
0x14d: {  	_ =	swait.ge [sflag:s11], $0x2000  }
0x14e: {  	[sflag:s11] =	ssyncset.done $0x0  }
0x14f: {  	[sflag:s11] =	ssyncadd.s32 $0xFFFFE000  }
0x150: {  	_ =	swait.ge [sflag:s12], $0x2000  }
0x151: {  	[sflag:s12] =	ssyncset.done $0x0  }
0x152: {  	[sflag:s12] =	ssyncadd.s32 $0xFFFFE000  }
0x153: {  	_ =	swait.ge [sflag:s13], $0x2000  }
0x154: {  	s3 =	simm.s32 @!p0 $0x80;
	[sflag:s13] =	ssyncset.done $0x0  }
0x155: {  	s10 =	simm.s32 @!p0 $0x2700;
	s16 =	simm.s32 @!p0 $0x4F00;
	[sflag:s13] =	ssyncadd.s32 $0xFFFFE000  }
0x156: {  	[tilespmem:s16], [sflag:$0x1] =	stream.indirect.gather @!p0 [hbm4b:s4+s3], $0x40, s10, s3, $0xb8;
	[tilespmem:$0x1EF00] =	vst v63  }
0x157: {  	s10 =	simm.s32 @!p0 $0x1  }
0x158: {  	_ =	swait.ge @!p0 [sflag:s10], $0x2000  }
0x159: {  	[sflag:s10] =	ssyncset.done @!p0 $0x0  }
0x15a: {  	[sflag:s10] =	ssyncadd.s32 @!p0 $0xFFFFE000;
	s10 =	simm.s32 @!p0 $0x4E80  }
0x15b: {  	[spmem:s1] =	stream.indirect.scatter.add.f32 @!p0 [tilespmem:s16], [sflag:$0x11], $0x40, s10, s3, $0xb8;
	[tilespmem:$0x1EF00] =	vst v63  }
0x15c: {  	s3 =	simm.s32 @!p0 $0x11  }
0x15d: {  	_ =	swait.ge @!p0 [sflag:s3], $0x2000  }
0x15e: {  	[sflag:s3] =	ssyncset.done @!p0 $0x0  }
0x15f: {  	s19 =	stileid.u32;
	[sflag:s3] =	ssyncadd.s32 @!p0 $0xFFFFE000  }
0x160: {  	s3 =	sshll.u32 s19, $0x6;
	[bflag:$0x0] =	sbarrier.arrive $0xFFFF  }
0x161: {  	s3 =	sor.u32 $0x1C11, s3;
	s10 =	rddreg [dreg:$0x8]  }
0x162: {  	s19 =	rddreg [dreg:$0xd];
	s16 =	sshrl.u32 s10, $0x3;
	s10 =	simm.s32 $0x11  }
0x163: {  	[hbm:s19], [sflag:s3] =	dma.local [spmem:s16], $0x1400  }
0x164: {  	_ =	swait.ge [sflag:s10], $0x1400  }
0x165: {  	s3 =	rddreg [dreg:$0xf]  }
0x166: {  	s16 =	rddreg [dreg:$0xe];
	s19 =	sadd.s32 $0x1, s3  }
0x167: {  	p1 =	sne.s32 s19, s16  }
.Ltmp1:
0x168: {  	_ = 	snop;
	(pc) =	sbr.rel @p1 .LBB2_1-.Ltmp1, $3  }
0x169: {  	_ =	sdelay $0x1  }
0x16a: {  	[sflag:s10] =	ssyncset.done $0x0  }
0x16b: {  	[sflag:s10] =	ssyncadd.s32 $0xFFFFEC00  }
0x16c: {  	_ =	sfence.sel $0x180000  }
0x16d: {  	[bflag:$0x0] =	sbarrier.arrive $0xFFFF  }
0x16e: {  	_ =	strace $0x9000004D  }
0x16f: {  	s0 =	stileid.u32;
	[bflag:$0x2] =	sbarrier.arrive $0xFFFF  }
0x170: {  	p0 =	sne.s32 s0, $0x0;
	s0 =	rddreg [dreg:$0x2]  }
0x171: {  	s0 =	sadd.s32 @!p0 $0x100000, s0  }
0x172: {  	[sflag:s0] =	ssyncadd.tile.s32 @!p0 $0x1;
	_ =	shalt  }
.Lfunc_end2:
_tile_overlayer_lowered:
.L_overlay_start_2:
0x173: {  	(tag) =	ssettag $0x2  }
0x174: {  	s0 =	rddreg [dreg:$0x0];
	s2 =	stileid.u32  }
0x175: {  	s1 =	rddreg [dreg:$0x1];
	p0 =	sne.s32 s2, $0x0  }
0x176: {  	s3 =	rddreg [dreg:$0x2];
	[bflag:$0x3] =	sbarrier.arrive $0xFFFF;
	s2 =	simm.s32 @!p0 $0x1C11  }
0x177: {  	[timem:s3], [sflag:s2] =	dma.local @!p0 [hbm:s0], s1  }
0x178: {  	s0 =	simm.s32 @!p0 $0x11  }
0x179: {  	_ =	swait.ge @!p0 [sflag:s0], s1  }
0x17a: {  	s1 =	ssub.s32 @!p0 $0x0, s1;
	[sflag:s0] =	ssyncset.done @!p0 $0x0  }
0x17b: {  	[sflag:s0] =	ssyncadd.s32 @!p0 s1  }
0x17c: {  	[bflag:$0x3] =	sbarrier.arrive $0xFFFF  }
0x17d: {  	_ =	shalt  }

// kernel: kernel.19.cloned.1.call-start
scs
__scs_entry_jumppad:
0x0: {  	(pc) =	sbr.rel $0x88, $3  }
0x1: {  	(tag) =	ssettag $0x0;
	lr =	simm.s32 $0x1  }
0x2: {  	[smem:$0x3F92] =	sst lr;
	_ =	strace $0xD0000000  }
0x3: {  	_ = 	snop  }
0x4: {  	_ = 	snop  }
0x5: {  	_ = 	snop  }
0x6: {  	_ = 	snop  }
0x7: {  	_ = 	snop  }
__scs_overlays_trampoline_lowered:
0x8: {  	[smem:$0x3FA1] =	sst s0  }
0x9: {  	[smem:$0x3FA2] =	sst s1  }
0xa: {  	[smem:$0x3FA3] =	sst s2  }
0xb: {  	[smem:$0x3FA4] =	sst s3  }
0xc: {  	[smem:$0x3FA5] =	sst s4  }
0xd: {  	[smem:$0x3FA6] =	sst s5  }
0xe: {  	[smem:$0x3FA7] =	sst s6  }
0xf: {  	[smem:$0x3FA8] =	sst s7  }
0x10: {  	[smem:$0x3FA9] =	sst s8  }
0x11: {  	[smem:$0x3FAA] =	sst s9;
	s0 =	simm.s32 @!p0 $0x0  }
0x12: {  	s1 =	sld [smem:$0x3F90];
	s0 =	simm.s32 @p0 $0x1  }
0x13: {  	[smem:$0x3FAB] =	sst s0;
	s0 =	simm.s32 @!p1 $0x0  }
0x14: {  	s2 =	sld [smem:$0x3F8F];
	s0 =	simm.s32 @p1 $0x1  }
0x15: {  	[smem:$0x3FAC] =	sst s0;
	s0 =	simm.s32 @!p2 $0x0  }
0x16: {  	s3 =	sld [smem:$0x3FDB];
	s0 =	simm.s32 @p2 $0x1  }
0x17: {  	s4 =	simm.s32 $0x1BF5;
	[smem:$0x3FAE] =	sst s0  }
0x18: {  	s0 =	sld [smem:$0x3F91];
	_ =	swait.ge [sflag:s4], $0x0  }
0x19: {  	s7 =	sld [smem:$0x3F92]  }
0x1a: {  	s8 =	sadd.s32 $0xFFFFE003, lr  }
0x1b: {  	s9 =	sadd.s32 $0xFFFFFEF7, lr;
	s5 =	simm.s32 $0xFFFFFFFF;
	p2 =	slt.u32 s8, $0xFFFFF086  }
0x1c: {  	p1 =	slt.u32 s9, $0xF7A;
	s5 =	simm.s32 @!p2 $0x0  }
0x1d: {  	s5 =	simm.s32 @p1 $0x1;
	p0 =	seq.s32 s7, s2  }
0x1e: {  	s7 =	smul.u32 @!p0 $0xF7A, s2;
	p2 =	seq.s32 @!p0 s5, $0x0  }
0x1f: {  	s9 =	smul.u32 $0xF7A, s1;
	s8 =	simm.s32 @!p0 $0x1BF5;
	p2 =	por !p2, p0  }
0x20: {  	[sflag:s8] =	ssyncset.s32 @!p0 $0xFFFFF086;
	s6 =	sadd.s32 @!p0 s3, s7;
	s7 =	simm.s32 @!p0 $0x108  }
0x21: {  	s3 =	sadd.s32 s3, s9;
	s6 =	sadd.s32 @!p0 $0x88, s6;
	s7 =	simm.s32 @p2 $0x1082  }
0x22: {  	[simem:s7], [sflag:s8] =	dma.local @!p0 [hbm:s6], $0xF7A  }
0x23: {  	s9 =	sor.u32 $0xD0000000, s2;
	s6 =	simm.s32 $0x108;
	_ =	swait.ge @!p0 [sflag:s8], $0x0  }
0x24: {  	s3 =	sadd.s32 $0x88, s3;
	s6 =	simm.s32 @!p1 $0x1082;
	[sflag:s4] =	ssyncset.s32 $0xFFFFF086  }
0x25: {  	[simem:s6], [sflag:s4] =	dma.local [hbm:s3], $0xF7A  }
0x26: {  	[smem:$0x3F92] =	sst s1;
	(tag) =	ssettag s2;
	_ =	strace s9  }
0x27: {  	s1 =	sld [smem:$0x3FA2]  }
0x28: {  	s2 =	sld [smem:$0x3FA3]  }
0x29: {  	s4 =	sld [smem:$0x3FA5]  }
0x2a: {  	p0 =	seq.s32 s5, $0x0;
	s5 =	sld [smem:$0x3FA6]  }
0x2b: {  	s6 =	sld [smem:$0x3FA7]  }
0x2c: {  	s7 =	sld [smem:$0x3FA8]  }
0x2d: {  	s3 =	simm.s32 $0x108;
	s8 =	sld [smem:$0x3FA9]  }
0x2e: {  	s3 =	simm.s32 @!p0 $0x1082;
	s9 =	sld [smem:$0x3FAA]  }
0x2f: {  	lr =	sadd.s32 s0, s3;
	s0 =	sld [smem:$0x3FA1]  }
0x30: {  	s3 =	sld [smem:$0x3FA4]  }
0x31: {  	[smem:$0x3FAD] =	sst s10  }
0x32: {  	s10 =	sld [smem:$0x3FAB];
	_ =	sdelay $0x3  }
0x33: {  	p0 =	seq.s32 s10, $0x1;
	s10 =	sld [smem:$0x3FAD];
	_ =	sdelay $0x3  }
0x34: {  	[smem:$0x3FAD] =	sst s10  }
0x35: {  	s10 =	sld [smem:$0x3FAC];
	_ =	sdelay $0x3  }
0x36: {  	p1 =	seq.s32 s10, $0x1;
	s10 =	sld [smem:$0x3FAD];
	_ =	sdelay $0x3  }
0x37: {  	[smem:$0x3FAD] =	sst s10  }
0x38: {  	s10 =	sld [smem:$0x3FAE]  }
0x39: {  	_ = 	snop;
	(pc) =	sbr.ind lr, $3  }
0x3a: {  	_ = 	snop  }
0x3b: {  	_ = 	snop  }
0x3c: {  	p2 =	seq.s32 s10, $0x1;
	s10 =	sld [smem:$0x3FAD]  }
0x3d: {  	_ =	shalt  }
0x3e: {  	_ =	shalt  }
0x3f: {  	_ =	shalt  }
0x40: {  	_ =	shalt  }
0x41: {  	_ =	shalt  }
0x42: {  	_ =	shalt  }
0x43: {  	_ =	shalt  }
0x44: {  	_ =	shalt  }
0x45: {  	_ =	shalt  }
0x46: {  	_ =	shalt  }
0x47: {  	_ =	shalt  }
0x48: {  	_ =	shalt  }
0x49: {  	_ =	shalt  }
0x4a: {  	_ =	shalt  }
0x4b: {  	_ =	shalt  }
0x4c: {  	_ =	shalt  }
0x4d: {  	_ =	shalt  }
0x4e: {  	_ =	shalt  }
0x4f: {  	_ =	shalt  }
0x50: {  	_ =	shalt  }
0x51: {  	_ =	shalt  }
0x52: {  	_ =	shalt  }
0x53: {  	_ =	shalt  }
0x54: {  	_ =	shalt  }
0x55: {  	_ =	shalt  }
0x56: {  	_ =	shalt  }
0x57: {  	_ =	shalt  }
0x58: {  	_ =	shalt  }
0x59: {  	_ =	shalt  }
0x5a: {  	_ =	shalt  }
0x5b: {  	_ =	shalt  }
0x5c: {  	_ =	shalt  }
0x5d: {  	_ =	shalt  }
0x5e: {  	_ =	shalt  }
0x5f: {  	_ =	shalt  }
0x60: {  	_ =	shalt  }
0x61: {  	_ =	shalt  }
0x62: {  	_ =	shalt  }
0x63: {  	_ =	shalt  }
0x64: {  	_ =	shalt  }
0x65: {  	_ =	shalt  }
0x66: {  	_ =	shalt  }
0x67: {  	_ =	shalt  }
0x68: {  	_ =	shalt  }
0x69: {  	_ =	shalt  }
0x6a: {  	_ =	shalt  }
0x6b: {  	_ =	shalt  }
0x6c: {  	_ =	shalt  }
0x6d: {  	_ =	shalt  }
0x6e: {  	_ =	shalt  }
0x6f: {  	_ =	shalt  }
0x70: {  	_ =	shalt  }
0x71: {  	_ =	shalt  }
0x72: {  	_ =	shalt  }
0x73: {  	_ =	shalt  }
0x74: {  	_ =	shalt  }
0x75: {  	_ =	shalt  }
0x76: {  	_ =	shalt  }
0x77: {  	_ =	shalt  }
0x78: {  	_ =	shalt  }
0x79: {  	_ =	shalt  }
0x7a: {  	_ =	shalt  }
0x7b: {  	_ =	shalt  }
0x7c: {  	_ =	shalt  }
0x7d: {  	_ =	shalt  }
0x7e: {  	_ =	shalt  }
0x7f: {  	_ =	shalt  }
0x80: {  	_ =	shalt  }
0x81: {  	_ =	shalt  }
0x82: {  	_ =	shalt  }
0x83: {  	_ =	shalt  }
0x84: {  	_ =	shalt  }
0x85: {  	_ =	shalt  }
0x86: {  	_ =	shalt  }
0x87: {  	_ =	shalt  }
.Lfunc_end0:
.L_simem_size_0:
called_computation.3_lowered:
.L_overlay_start_0:
0x88: {  	s2 =	sld [smem:$0x3FD9]  }
0x89: {  	s3 =	sld [smem:$0x3FFE];
	_ =	sdelay $0x1  }
0x8a: {  	s1 =	srdreg.scid  }
0x8b: {  	s0 =	sand.u32 $0x1, s1  }
0x8c: {  	s16 =	sshll.u32 s0, $0xA;
	s2 =	sadd.s32 s3, s2  }
0x8d: {  	s2 =	sadd.s32 s2, s16  }
0x8e: {  	[smem:$0x3FB9] =	sst s2  }
0x8f: {  	_ = 	snop  }
0x90: {  	(tm) =	ssettm $0x1  }
0x91: {  	s17 =	sld [smem:$0x3FFB];
	_ =	sdelay $0x3  }
0x92: {  	_ =	strace s17  }
0x93: {  	s2 =	sld [smem:$0x3FFC];
	_ =	sdelay $0x3  }
0x94: {  	_ =	strace s2  }
0x95: {  	s2 =	sld [smem:$0x3FFD];
	_ =	sdelay $0x3  }
0x96: {  	_ =	strace s2  }
0x97: {  	_ =	strace $0x8FFFFFFF  }
0x98: {  	s18 =	sld [smem:$0x3FDB];
	_ =	sdelay $0x1  }
0x99: {  	s19 =	simm.s32 $_scs_section_size  }
0x9a: {  	s4 =	simm.s32 $_size__tile_overlayer_lowered;
	s5 =	simm.s32 $_tile_overlayer_lowered  }
0x9b: {  	s22 =	simm.s32 $0x1BFF;
	s21 =	sshll.u32 s5, $0x1;
	s2 =	sadd.s32 s19, s18  }
0x9c: {  	s6 =	simm.s32 $0x0;
	s20 =	sshll.u32 s4, $0x1;
	s4 =	sadd.s32 s21, s2  }
0x9d: {  	[timem:s6], [sflag:s22] =	dma.local [hbm:s4], s20  }
0x9e: {  	_ =	swait.ge [sflag:s22], s20  }
0x9f: {  	s3 =	ssub.s32 $0x0, s20;
	[sflag:s22] =	ssyncset.done $0x0  }
0xa0: {  	[sflag:s22] =	ssyncadd.s32 s3;
	_ =	sdelay $0x1  }
0xa1: {  	s23 =	simm.s32 $0x1B8B  }
0xa2: {  	_ =	swait.ge [sflag:s23], $0x1  }
0xa3: {  	[sflag:s23] =	ssyncset.done $0x0  }
0xa4: {  	s25 =	simm.s32 $0x1B8E;
	s24 =	sld [smem:$0x3FFE];
	[sflag:s23] =	ssyncadd.s32 $0xFFFFFFFF  }
0xa5: {  	s26 =	simm.s32 $execute0_lowered;
	[smem:$0x3FD2] =	sst s25  }
0xa6: {  	s4 =	sshll.u32 s26, $0x1;
	_ =	strace $0x8000004F;
	[dreg:$0x1] =	wrdreg $0xFFFFFFFF  }
0xa7: {  	s28 =	simm.s32 $_size_execute0_lowered;
	s2 =	sadd.s32 s2, s4;
	[dreg:$0x0] =	wrdreg $0x0  }
0xa8: {  	s4 =	sshll.u32 s28, $0x1;
	[dreg:$0x2] =	wrdreg s2  }
0xa9: {  	[dreg:$0x3] =	wrdreg s4  }
0xaa: {  	[dreg:$0x4] =	wrdreg $0xC0  }
0xab: {  	_ =	task [dreg:s6], $0x5FFFF  }
0xac: {  	[dreg:$0x1] =	wrdreg $0xFFFFFFFF  }
0xad: {  	[dreg:$0x0] =	wrdreg $0x60  }
0xae: {  	[dreg:$0x2] =	wrdreg s24  }
0xaf: {  	[dreg:$0x3] =	wrdreg $0x10F000  }
0xb0: {  	[dreg:$0x4] =	wrdreg $0x9  }
0xb1: {  	_ =	task.clear_ibuf [dreg:s6], $0x5FFFF;
	_ =	strace $0x9000004F  }
0xb2: {  	s29 =	simm.s32 $0x9;
	_ =	strace $0x80000051  }
0xb3: {  	_ =	swait.ge [sflag:s29], $0x1  }
0xb4: {  	[sflag:s29] =	ssyncadd.s32 $0xFFFFFFFF  }
0xb5: {  	_ =	strace $0x90000051  }
0xb6: {  	_ =	sfence  }
0xb7: {  	s30 =	sld [smem:$0x0];
	_ =	sdelay $0x2  }
0xb8: {  	s31 =	sshll.u32 s1, $0xD;
	s1 =	sshrl.u32 s1, $0x2  }
0xb9: {  	s3 =	sand.u32 $0x4000, s31;
	s1 =	sadd.s32 s1, s30  }
0xba: {  	s0 =	sor.u32 s3, s0;
	s1 =	sshll.u32 s1, $0x11  }
0xbb: {  	s0 =	sor.u32 s1, s0  }
0xbc: {  	s0 =	sadd.s32 $0x8F2B, s0  }
0xbd: {  	[sflag:s0] =	ssyncadd.remote.s32 $0x1  }
0xbe: {  	_ =	sfence.sel $0xFFFF  }
0xbf: {  	[dreg:$0x0] =	wrdreg $0xFFFFFFFF;
	(pc) =	sbr.abs _section_cstart, $3  }
0xc0: {  	[dreg:$0x1] =	wrdreg $0xFFFFFFFF  }
0xc1: {  	_ =	task.clear_ibuf [dreg:s6], $0x2FFFF;
	_ =	strace $0x9FFFFFFF  }
0xc2: {  	(tm) =	ssettm $0x7FFFFFFF  }
0xc3: {  	_ =	shalt  }
tec
execute0_lowered:
.L_overlay_start_1:
0x0: {  	(tag) =	ssettag $0x1  }
0x1: {  	s0 =	rddreg [dreg:$0x0]  }
0x2: {  	s1 =	rddreg [dreg:$0x1];
	s2 =	simm.s32 $0x0  }
0x3: {  	s16 =	srdreg.scid;
	s11 =	stileid.u32;
	s28 =	simm.s32 $0x16  }
0x4: {  	s29 =	simm.s32 $0x17;
	s30 =	simm.s32 $0x18;
	[smem:$0x7FF] =	sst s2  }
0x5: {  	s2 =	sand.u32 $0x1, s16;
	s3 =	smul.u32 $0x5000, s11;
	s5 =	sshll.u32 s11, $0x1  }
0x6: {  	s4 =	sadd.s32 $0x16800, s0;
	s7 =	sadd.s32 $0x2C00, s0;
	s8 =	sadd.s32 $0xCA00, s0  }
0x7: {  	s10 =	sadd.s32 $0x20600, s0;
	s18 =	smul.u32 $0x14000, s11;
	p0 =	sgt.u32 s11, $0x1  }
0x8: {  	s16 =	simm.s32 $0xD;
	_ =	strace $0x80000050;
	s6 =	smul.u32 $0x50000, s2  }
0x9: {  	s5 =	sor.u32 s2, s5;
	[dreg:$0x3] =	wrdreg s10;
	s2 =	ssub.s32 $0x2, s2  }
0xa: {  	s10 =	simm.s32 $0xF;
	s9 =	smul.u32 $0x4E, s5;
	s5 =	smin.u32 s5, $0x4  }
0xb: {  	s17 =	sshrl.u32 s2, $0x1;
	s21 =	sshrl.u32 s18, $0x2;
	s18 =	simm.s32 $0x11  }
0xc: {  	s6 =	sadd.s32 s3, s6;
	s2 =	ssub.s32 s2, s17;
	s22 =	sadd.s32 s21, s1  }
0xd: {  	s17 =	sadd.s32 s3, s1;
	s3 =	simm.s32 $0xE;
	s6 =	sshrl.u32 s6, $0x3  }
0xe: {  	s5 =	sadd.s32 s5, s9;
	s23 =	sadd.s32 $0x1000, s22;
	[dreg:$0x8] =	wrdreg s17  }
0xf: {  	s24 =	sadd.s32 $0x2000, s22;
	s25 =	sadd.s32 $0x3000, s22;
	[dreg:$0x9] =	wrdreg s23  }
0x10: {  	s26 =	sadd.s32 $0x4000, s22;
	s31 =	smax.u32 s2, $0x1;
	[dreg:$0xa] =	wrdreg s24  }
0x11: {  	s22 =	simm.s32 $0x80;
	s2 =	simm.s32 $0x0;
	[dreg:$0xb] =	wrdreg s25  }
0x12: {  	s5 =	sshll.u32 s5, $0x4;
	s0 =	sadd.s32 s6, s0;
	[dreg:$0xc] =	wrdreg s26  }
0x13: {  	[dreg:$0xe] =	wrdreg s31;
	s23 =	simm.s32 $0x12;
	s19 =	sadd.s32 s7, s5  }
0x14: {  	s24 =	simm.s32 $0x13;
	s20 =	sadd.s32 s8, s5;
	[dreg:$0x4] =	wrdreg s19  }
0x15: {  	s5 =	sadd.s32 $0x4E0, s5;
	s0 =	sadd.s32 $0x20800, s0;
	[dreg:$0x5] =	wrdreg s20  }
0x16: {  	s25 =	simm.s32 $0x14;
	s7 =	sadd.s32 s7, s5;
	[dreg:$0xd] =	wrdreg s0  }
0x17: {  	s26 =	simm.s32 $0x15;
	s5 =	sadd.s32 s8, s5;
	[dreg:$0x6] =	wrdreg s7  }
0x18: {  	s20 =	simm.s32 $0x19;
	s19 =	simm.s32 $0x10;
	[dreg:$0x7] =	wrdreg s5  }
.LBB2_1:
0x19: {  	[dreg:$0xf] =	wrdreg s2  }
0x1a: {  	s5 =	simm.s32 $0x0;
	s0 =	rddreg [dreg:$0x4]  }
0x1b: {  	[tilespmem:s5], [sflag:$0x1] =	stream.linear.gather [hbm4b:s0+s5], $0x2700, $0x38;
	[tilespmem:$0x15F00] =	vst v63  }
0x1c: {  	s9 =	rddreg [dreg:$0x5];
	s11 =	simm.s32 $0x2780;
	s6 =	simm.s32 @!p0 $0x0  }
0x1d: {  	[tilespmem:s11], [sflag:$0x2] =	stream.linear.gather [hbm4b:s9+s5], $0x2700, $0x38;
	[tilespmem:$0x15F00] =	vst v63  }
0x1e: {  	s2 =	simm.s32 @!p0 $0x2700;
	s31 =	smov.u32 s17;
	s17 =	rddreg [dreg:$0x6]  }
0x1f: {  	[tilespmem:s2], [sflag:$0x19] =	stream.linear.gather @!p0 [hbm4b:s17+s6], $0x80, $0x38;
	[tilespmem:$0x15F00] =	vst v63  }
0x20: {  	s2 =	simm.s32 @!p0 $0x19  }
0x21: {  	_ =	swait.ge @!p0 [sflag:s2], $0x80  }
0x22: {  	[sflag:s2] =	ssyncset.done @!p0 $0x0  }
0x23: {  	s17 =	simm.s32 @!p0 $0x4E80;
	s0 =	rddreg [dreg:$0x7];
	[sflag:s2] =	ssyncadd.s32 @!p0 $0xFFFFFF80  }
0x24: {  	[tilespmem:s17], [sflag:$0x19] =	stream.linear.gather @!p0 [hbm4b:s0+s6], $0x80, $0x38;
	[tilespmem:$0x15F00] =	vst v63  }
0x25: {  	_ =	swait.ge @!p0 [sflag:s2], $0x80  }
0x26: {  	[sflag:s2] =	ssyncset.done @!p0 $0x0  }
0x27: {  	s12 =	rddreg [dreg:$0x3];
	[sflag:s2] =	ssyncadd.s32 @!p0 $0xFFFFFF80;
	s2 =	simm.s32 $0x4F00  }
0x28: {  	[tilespmem:s2], [sflag:$0x19] =	stream.linear.gather [hbm4b:s12+s5], $0x1000, $0x38;
	[tilespmem:$0x15F00] =	vst v63  }
0x29: {  	_ =	swait.ge [sflag:s20], $0x1000  }
0x2a: {  	[sflag:s20] =	ssyncset.done $0x0  }
0x2b: {  	[sflag:s20] =	ssyncadd.s32 $0xFFFFF000  }
0x2c: {  	[spmem:s31] =	stream.linear.scatter [tilespmem:s2], [sflag:$0x19], $0x1000, $0x38;
	[tilespmem:$0x15F00] =	vst v63  }
0x2d: {  	_ =	swait.ge [sflag:s20], $0x1000  }
0x2e: {  	[sflag:s20] =	ssyncset.done $0x0  }
0x2f: {  	s13 =	rddreg [dreg:$0x9];
	[sflag:s20] =	ssyncadd.s32 $0xFFFFF000  }
0x30: {  	[spmem:s13] =	stream.linear.scatter [tilespmem:s2], [sflag:$0x19], $0x1000, $0x38;
	[tilespmem:$0x15F00] =	vst v63  }
0x31: {  	_ =	swait.ge [sflag:s20], $0x1000  }
0x32: {  	[sflag:s20] =	ssyncset.done $0x0  }
0x33: {  	s14 =	rddreg [dreg:$0xa];
	[sflag:s20] =	ssyncadd.s32 $0xFFFFF000  }
0x34: {  	[spmem:s14] =	stream.linear.scatter [tilespmem:s2], [sflag:$0x19], $0x1000, $0x38;
	[tilespmem:$0x15F00] =	vst v63  }
0x35: {  	_ =	swait.ge [sflag:s20], $0x1000  }
0x36: {  	[sflag:s20] =	ssyncset.done $0x0  }
0x37: {  	s15 =	rddreg [dreg:$0xb];
	[sflag:s20] =	ssyncadd.s32 $0xFFFFF000  }
0x38: {  	[spmem:s15] =	stream.linear.scatter [tilespmem:s2], [sflag:$0x19], $0x1000, $0x38;
	[tilespmem:$0x15F00] =	vst v63  }
0x39: {  	_ =	swait.ge [sflag:s20], $0x1000  }
0x3a: {  	[sflag:s20] =	ssyncset.done $0x0  }
0x3b: {  	s17 =	rddreg [dreg:$0xc];
	[sflag:s20] =	ssyncadd.s32 $0xFFFFF000  }
0x3c: {  	[spmem:s17] =	stream.linear.scatter [tilespmem:s2], [sflag:$0x19], $0x1000, $0x38;
	[tilespmem:$0x15F00] =	vst v63  }
0x3d: {  	_ =	swait.ge [sflag:s20], $0x1000  }
0x3e: {  	[sflag:s20] =	ssyncset.done $0x0  }
0x3f: {  	s17 =	simm.s32 $0x1;
	[sflag:s20] =	ssyncadd.s32 $0xFFFFF000  }
0x40: {  	_ =	swait.ge [sflag:s17], $0x2700  }
0x41: {  	[sflag:s17] =	ssyncset.done $0x0  }
0x42: {  	s21 =	simm.s32 $0x2;
	[sflag:s17] =	ssyncadd.s32 $0xFFFFD900  }
0x43: {  	_ =	swait.ge [sflag:s21], $0x2700  }
0x44: {  	[sflag:s21] =	ssyncset.done $0x0  }
0x45: {  	[sflag:s21] =	ssyncadd.s32 $0xFFFFD900  }
0x46: {  	s20 =	simm.s32 $0x0;
	[bflag:$0x0] =	sbarrier.arrive $0xFFFF  }
0x47: {  	[tilespmem:s2], [sflag:$0x1] =	stream.indirect.gather [hbm4b:s4+s22], $0x20, s20, s22, $0xb8;
	[tilespmem:$0x15F00] =	vst v63  }
0x48: {  	s5 =	simm.s32 $0x80;
	s20 =	simm.s32 $0x5F00  }
0x49: {  	[tilespmem:s20], [sflag:$0x2] =	stream.indirect.gather [hbm4b:s4+s22], $0x20, s5, s22, $0xb8;
	[tilespmem:$0x15F00] =	vst v63  }
0x4a: {  	s6 =	simm.s32 $0x100;
	s5 =	simm.s32 $0x6F00  }
0x4b: {  	[tilespmem:s5], [sflag:$0x3] =	stream.indirect.gather [hbm4b:s4+s22], $0x20, s6, s22, $0xb8;
	[tilespmem:$0x15F00] =	vst v63  }
0x4c: {  	s7 =	simm.s32 $0x180;
	s6 =	simm.s32 $0x7F00  }
0x4d: {  	[tilespmem:s6], [sflag:$0x4] =	stream.indirect.gather [hbm4b:s4+s22], $0x20, s7, s22, $0xb8;
	[tilespmem:$0x15F00] =	vst v63  }
0x4e: {  	s8 =	simm.s32 $0x200;
	s7 =	simm.s32 $0x8F00  }
0x4f: {  	[tilespmem:s7], [sflag:$0x5] =	stream.indirect.gather [hbm4b:s4+s22], $0x20, s8, s22, $0xb8;
	[tilespmem:$0x15F00] =	vst v63  }
0x50: {  	s9 =	simm.s32 $0x280;
	s8 =	simm.s32 $0x9F00  }
0x51: {  	[tilespmem:s8], [sflag:$0x6] =	stream.indirect.gather [hbm4b:s4+s22], $0x20, s9, s22, $0xb8;
	[tilespmem:$0x15F00] =	vst v63  }
0x52: {  	s11 =	simm.s32 $0x300;
	s9 =	simm.s32 $0xAF00  }
0x53: {  	[tilespmem:s9], [sflag:$0x7] =	stream.indirect.gather [hbm4b:s4+s22], $0x20, s11, s22, $0xb8;
	[tilespmem:$0x15F00] =	vst v63  }
0x54: {  	s12 =	simm.s32 $0x380;
	s11 =	simm.s32 $0xBF00  }
0x55: {  	[tilespmem:s11], [sflag:$0x8] =	stream.indirect.gather [hbm4b:s4+s22], $0x20, s12, s22, $0xb8;
	[tilespmem:$0x15F00] =	vst v63  }
0x56: {  	s13 =	simm.s32 $0x400;
	s12 =	simm.s32 $0xCF00  }
0x57: {  	[tilespmem:s12], [sflag:$0x9] =	stream.indirect.gather [hbm4b:s4+s22], $0x20, s13, s22, $0xb8;
	[tilespmem:$0x15F00] =	vst v63  }
0x58: {  	s14 =	simm.s32 $0x480;
	s13 =	simm.s32 $0xDF00  }
0x59: {  	[tilespmem:s13], [sflag:$0xA] =	stream.indirect.gather [hbm4b:s4+s22], $0x20, s14, s22, $0xb8;
	[tilespmem:$0x15F00] =	vst v63  }
0x5a: {  	s15 =	simm.s32 $0x500;
	s14 =	simm.s32 $0xEF00  }
0x5b: {  	[tilespmem:s14], [sflag:$0xB] =	stream.indirect.gather [hbm4b:s4+s22], $0x20, s15, s22, $0xb8;
	[tilespmem:$0x15F00] =	vst v63  }
0x5c: {  	s0 =	simm.s32 $0x580;
	s15 =	simm.s32 $0xFF00  }
0x5d: {  	[tilespmem:s15], [sflag:$0xC] =	stream.indirect.gather [hbm4b:s4+s22], $0x20, s0, s22, $0xb8;
	[tilespmem:$0x15F00] =	vst v63  }
0x5e: {  	_ =	swait.ge [sflag:s17], $0x1000  }
0x5f: {  	[sflag:s17] =	ssyncset.done $0x0  }
0x60: {  	[sflag:s17] =	ssyncadd.s32 $0xFFFFF000;
	s17 =	simm.s32 $0x2780  }
0x61: {  	[spmem:s1] =	stream.indirect.scatter.add.f32 [tilespmem:s2], [sflag:$0xD], $0x20, s17, s22, $0xb8;
	[tilespmem:$0x15F00] =	vst v63  }
0x62: {  	_ =	swait.ge [sflag:s21], $0x1000  }
0x63: {  	[sflag:s21] =	ssyncset.done $0x0  }
0x64: {  	s17 =	simm.s32 $0x2800;
	[sflag:s21] =	ssyncadd.s32 $0xFFFFF000  }
0x65: {  	[spmem:s1] =	stream.indirect.scatter.add.f32 [tilespmem:s20], [sflag:$0xE], $0x20, s17, s22, $0xb8;
	[tilespmem:$0x15F00] =	vst v63  }
0x66: {  	s20 =	simm.s32 $0x3  }
0x67: {  	_ =	swait.ge [sflag:s20], $0x1000  }
0x68: {  	[sflag:s20] =	ssyncset.done $0x0  }
0x69: {  	s2 =	simm.s32 $0x4;
	s21 =	simm.s32 $0x2880;
	[sflag:s20] =	ssyncadd.s32 $0xFFFFF000  }
0x6a: {  	[spmem:s1] =	stream.indirect.scatter.add.f32 [tilespmem:s5], [sflag:$0xF], $0x20, s21, s22, $0xb8;
	[tilespmem:$0x15F00] =	vst v63  }
0x6b: {  	_ =	swait.ge [sflag:s2], $0x1000  }
0x6c: {  	[sflag:s2] =	ssyncset.done $0x0  }
0x6d: {  	s5 =	simm.s32 $0x2900;
	[sflag:s2] =	ssyncadd.s32 $0xFFFFF000  }
0x6e: {  	[spmem:s1] =	stream.indirect.scatter.add.f32 [tilespmem:s6], [sflag:$0x10], $0x20, s5, s22, $0xb8;
	[tilespmem:$0x15F00] =	vst v63  }
0x6f: {  	s6 =	simm.s32 $0x5  }
0x70: {  	_ =	swait.ge [sflag:s6], $0x1000  }
0x71: {  	[sflag:s6] =	ssyncset.done $0x0  }
0x72: {  	s17 =	simm.s32 $0x2980;
	s20 =	simm.s32 $0x6;
	[sflag:s6] =	ssyncadd.s32 $0xFFFFF000  }
0x73: {  	[spmem:s1] =	stream.indirect.scatter.add.f32 [tilespmem:s7], [sflag:$0x11], $0x20, s17, s22, $0xb8;
	[tilespmem:$0x15F00] =	vst v63  }
0x74: {  	_ =	swait.ge [sflag:s20], $0x1000  }
0x75: {  	[sflag:s20] =	ssyncset.done $0x0  }
0x76: {  	s21 =	simm.s32 $0x2A00;
	s2 =	simm.s32 $0x7;
	[sflag:s20] =	ssyncadd.s32 $0xFFFFF000  }
0x77: {  	[spmem:s1] =	stream.indirect.scatter.add.f32 [tilespmem:s8], [sflag:$0x12], $0x20, s21, s22, $0xb8;
	[tilespmem:$0x15F00] =	vst v63  }
0x78: {  	_ =	swait.ge [sflag:s2], $0x1000  }
0x79: {  	[sflag:s2] =	ssyncset.done $0x0  }
0x7a: {  	s5 =	simm.s32 $0x2A80;
	s6 =	simm.s32 $0x8;
	[sflag:s2] =	ssyncadd.s32 $0xFFFFF000  }
0x7b: {  	[spmem:s1] =	stream.indirect.scatter.add.f32 [tilespmem:s9], [sflag:$0x13], $0x20, s5, s22, $0xb8;
	[tilespmem:$0x15F00] =	vst v63  }
0x7c: {  	_ =	swait.ge [sflag:s6], $0x1000  }
0x7d: {  	[sflag:s6] =	ssyncset.done $0x0  }
0x7e: {  	s7 =	simm.s32 $0x2B00;
	s8 =	simm.s32 $0x9;
	[sflag:s6] =	ssyncadd.s32 $0xFFFFF000  }
0x7f: {  	[spmem:s1] =	stream.indirect.scatter.add.f32 [tilespmem:s11], [sflag:$0x14], $0x20, s7, s22, $0xb8;
	[tilespmem:$0x15F00] =	vst v63  }
0x80: {  	_ =	swait.ge [sflag:s8], $0x1000  }
0x81: {  	[sflag:s8] =	ssyncset.done $0x0  }
0x82: {  	s9 =	simm.s32 $0x2B80;
	s11 =	simm.s32 $0xA;
	[sflag:s8] =	ssyncadd.s32 $0xFFFFF000  }
0x83: {  	[spmem:s1] =	stream.indirect.scatter.add.f32 [tilespmem:s12], [sflag:$0x15], $0x20, s9, s22, $0xb8;
	[tilespmem:$0x15F00] =	vst v63  }
0x84: {  	_ =	swait.ge [sflag:s11], $0x1000  }
0x85: {  	[sflag:s11] =	ssyncset.done $0x0  }
0x86: {  	s12 =	simm.s32 $0x2C00;
	[sflag:s11] =	ssyncadd.s32 $0xFFFFF000  }
0x87: {  	[spmem:s1] =	stream.indirect.scatter.add.f32 [tilespmem:s13], [sflag:$0x16], $0x20, s12, s22, $0xb8;
	[tilespmem:$0x15F00] =	vst v63  }
0x88: {  	s13 =	simm.s32 $0xB  }
0x89: {  	_ =	swait.ge [sflag:s13], $0x1000  }
0x8a: {  	[sflag:s13] =	ssyncset.done $0x0  }
0x8b: {  	s17 =	simm.s32 $0x2C80;
	s20 =	simm.s32 $0xC;
	[sflag:s13] =	ssyncadd.s32 $0xFFFFF000  }
0x8c: {  	[spmem:s1] =	stream.indirect.scatter.add.f32 [tilespmem:s14], [sflag:$0x17], $0x20, s17, s22, $0xb8;
	[tilespmem:$0x15F00] =	vst v63  }
0x8d: {  	_ =	swait.ge [sflag:s20], $0x1000  }
0x8e: {  	[sflag:s20] =	ssyncset.done $0x0  }
0x8f: {  	s21 =	simm.s32 $0x2D00;
	[sflag:s20] =	ssyncadd.s32 $0xFFFFF000  }
0x90: {  	[spmem:s1] =	stream.indirect.scatter.add.f32 [tilespmem:s15], [sflag:$0x18], $0x20, s21, s22, $0xb8;
	[tilespmem:$0x15F00] =	vst v63  }
0x91: {  	_ =	swait.ge [sflag:s16], $0x1000  }
0x92: {  	[sflag:s16] =	ssyncset.done $0x0  }
0x93: {  	[sflag:s16] =	ssyncadd.s32 $0xFFFFF000  }
0x94: {  	_ =	swait.ge [sflag:s3], $0x1000  }
0x95: {  	[sflag:s3] =	ssyncset.done $0x0  }
0x96: {  	[sflag:s3] =	ssyncadd.s32 $0xFFFFF000  }
0x97: {  	_ =	swait.ge [sflag:s10], $0x1000  }
0x98: {  	[sflag:s10] =	ssyncset.done $0x0  }
0x99: {  	[sflag:s10] =	ssyncadd.s32 $0xFFFFF000  }
0x9a: {  	_ =	swait.ge [sflag:s19], $0x1000  }
0x9b: {  	[sflag:s19] =	ssyncset.done $0x0  }
0x9c: {  	[sflag:s19] =	ssyncadd.s32 $0xFFFFF000  }
0x9d: {  	_ =	swait.ge [sflag:s18], $0x1000  }
0x9e: {  	[sflag:s18] =	ssyncset.done $0x0  }
0x9f: {  	[sflag:s18] =	ssyncadd.s32 $0xFFFFF000  }
0xa0: {  	_ =	swait.ge [sflag:s23], $0x1000  }
0xa1: {  	[sflag:s23] =	ssyncset.done $0x0  }
0xa2: {  	[sflag:s23] =	ssyncadd.s32 $0xFFFFF000  }
0xa3: {  	_ =	swait.ge [sflag:s24], $0x1000  }
0xa4: {  	[sflag:s24] =	ssyncset.done $0x0  }
0xa5: {  	[sflag:s24] =	ssyncadd.s32 $0xFFFFF000  }
0xa6: {  	_ =	swait.ge [sflag:s25], $0x1000  }
0xa7: {  	[sflag:s25] =	ssyncset.done $0x0  }
0xa8: {  	[sflag:s25] =	ssyncadd.s32 $0xFFFFF000  }
0xa9: {  	_ =	swait.ge [sflag:s26], $0x1000  }
0xaa: {  	[sflag:s26] =	ssyncset.done $0x0  }
0xab: {  	[sflag:s26] =	ssyncadd.s32 $0xFFFFF000  }
0xac: {  	_ =	swait.ge [sflag:s28], $0x1000  }
0xad: {  	[sflag:s28] =	ssyncset.done $0x0  }
0xae: {  	[sflag:s28] =	ssyncadd.s32 $0xFFFFF000  }
0xaf: {  	_ =	swait.ge [sflag:s29], $0x1000  }
0xb0: {  	[sflag:s29] =	ssyncset.done $0x0  }
0xb1: {  	[sflag:s29] =	ssyncadd.s32 $0xFFFFF000  }
0xb2: {  	_ =	swait.ge [sflag:s30], $0x1000  }
0xb3: {  	s31 =	simm.s32 $0x1800;
	s0 =	simm.s32 $0x3000;
	[sflag:s30] =	ssyncset.done $0x0  }
.LBB2_2:
0xb4: {  	s17 =	sshra.s32 s31, $0x2;
	[sflag:s30] =	ssyncadd.s32 $0xFFFFF000  }
0xb5: {  	s31 =	smov.u32 s0;
	s2 =	sadd.s32 $0x1800, s0;
	s20 =	simm.s32 $0x4F00  }
0xb6: {  	[tilespmem:s20], [sflag:$0x1] =	stream.indirect.gather [hbm4b:s4+s22], $0x20, s17, s22, $0xb8;
	[tilespmem:$0x15F00] =	vst v63  }
0xb7: {  	p1 =	sne.s32 s0, $0x7800;
	s21 =	simm.s32 $0x5F00;
	s0 =	sadd.s32 $0x80, s17  }
0xb8: {  	[tilespmem:s21], [sflag:$0x2] =	stream.indirect.gather [hbm4b:s4+s22], $0x20, s0, s22, $0xb8;
	[tilespmem:$0x15F00] =	vst v63  }
0xb9: {  	s5 =	simm.s32 $0x6F00;
	s0 =	sadd.s32 $0x100, s17  }
0xba: {  	[tilespmem:s5], [sflag:$0x3] =	stream.indirect.gather [hbm4b:s4+s22], $0x20, s0, s22, $0xb8;
	[tilespmem:$0x15F00] =	vst v63  }
0xbb: {  	s6 =	simm.s32 $0x7F00;
	s0 =	sadd.s32 $0x180, s17  }
0xbc: {  	[tilespmem:s6], [sflag:$0x4] =	stream.indirect.gather [hbm4b:s4+s22], $0x20, s0, s22, $0xb8;
	[tilespmem:$0x15F00] =	vst v63  }
0xbd: {  	s7 =	simm.s32 $0x8F00;
	s0 =	sadd.s32 $0x200, s17  }
0xbe: {  	[tilespmem:s7], [sflag:$0x5] =	stream.indirect.gather [hbm4b:s4+s22], $0x20, s0, s22, $0xb8;
	[tilespmem:$0x15F00] =	vst v63  }
0xbf: {  	s8 =	simm.s32 $0x9F00;
	s0 =	sadd.s32 $0x280, s17  }
0xc0: {  	[tilespmem:s8], [sflag:$0x6] =	stream.indirect.gather [hbm4b:s4+s22], $0x20, s0, s22, $0xb8;
	[tilespmem:$0x15F00] =	vst v63  }
0xc1: {  	s9 =	simm.s32 $0xAF00;
	s0 =	sadd.s32 $0x300, s17  }
0xc2: {  	[tilespmem:s9], [sflag:$0x7] =	stream.indirect.gather [hbm4b:s4+s22], $0x20, s0, s22, $0xb8;
	[tilespmem:$0x15F00] =	vst v63  }
0xc3: {  	s11 =	simm.s32 $0xBF00;
	s0 =	sadd.s32 $0x380, s17  }
0xc4: {  	[tilespmem:s11], [sflag:$0x8] =	stream.indirect.gather [hbm4b:s4+s22], $0x20, s0, s22, $0xb8;
	[tilespmem:$0x15F00] =	vst v63  }
0xc5: {  	s12 =	simm.s32 $0xCF00;
	s0 =	sadd.s32 $0x400, s17  }
0xc6: {  	[tilespmem:s12], [sflag:$0x9] =	stream.indirect.gather [hbm4b:s4+s22], $0x20, s0, s22, $0xb8;
	[tilespmem:$0x15F00] =	vst v63  }
0xc7: {  	s13 =	simm.s32 $0xDF00;
	s0 =	sadd.s32 $0x480, s17  }
0xc8: {  	[tilespmem:s13], [sflag:$0xA] =	stream.indirect.gather [hbm4b:s4+s22], $0x20, s0, s22, $0xb8;
	[tilespmem:$0x15F00] =	vst v63  }
0xc9: {  	s14 =	simm.s32 $0xEF00;
	s0 =	sadd.s32 $0x500, s17  }
0xca: {  	[tilespmem:s14], [sflag:$0xB] =	stream.indirect.gather [hbm4b:s4+s22], $0x20, s0, s22, $0xb8;
	[tilespmem:$0x15F00] =	vst v63  }
0xcb: {  	s15 =	simm.s32 $0xFF00;
	s0 =	sadd.s32 $0x580, s17  }
0xcc: {  	[tilespmem:s15], [sflag:$0xC] =	stream.indirect.gather [hbm4b:s4+s22], $0x20, s0, s22, $0xb8;
	[tilespmem:$0x15F00] =	vst v63  }
0xcd: {  	s0 =	simm.s32 $0x1  }
0xce: {  	_ =	swait.ge [sflag:s0], $0x1000  }
0xcf: {  	[sflag:s0] =	ssyncset.done $0x0  }
0xd0: {  	[sflag:s0] =	ssyncadd.s32 $0xFFFFF000;
	s0 =	sadd.s32 $0x2780, s17  }
0xd1: {  	[spmem:s1] =	stream.indirect.scatter.add.f32 [tilespmem:s20], [sflag:$0xD], $0x20, s0, s22, $0xb8;
	[tilespmem:$0x15F00] =	vst v63  }
0xd2: {  	s0 =	simm.s32 $0x2  }
0xd3: {  	_ =	swait.ge [sflag:s0], $0x1000  }
0xd4: {  	[sflag:s0] =	ssyncset.done $0x0  }
0xd5: {  	[sflag:s0] =	ssyncadd.s32 $0xFFFFF000;
	s0 =	sadd.s32 $0x2800, s17  }
0xd6: {  	[spmem:s1] =	stream.indirect.scatter.add.f32 [tilespmem:s21], [sflag:$0xE], $0x20, s0, s22, $0xb8;
	[tilespmem:$0x15F00] =	vst v63  }
0xd7: {  	s0 =	simm.s32 $0x3  }
0xd8: {  	_ =	swait.ge [sflag:s0], $0x1000  }
0xd9: {  	[sflag:s0] =	ssyncset.done $0x0  }
0xda: {  	[sflag:s0] =	ssyncadd.s32 $0xFFFFF000;
	s0 =	sadd.s32 $0x2880, s17  }
0xdb: {  	[spmem:s1] =	stream.indirect.scatter.add.f32 [tilespmem:s5], [sflag:$0xF], $0x20, s0, s22, $0xb8;
	[tilespmem:$0x15F00] =	vst v63  }
0xdc: {  	s0 =	simm.s32 $0x4  }
0xdd: {  	_ =	swait.ge [sflag:s0], $0x1000  }
0xde: {  	[sflag:s0] =	ssyncset.done $0x0  }
0xdf: {  	[sflag:s0] =	ssyncadd.s32 $0xFFFFF000;
	s0 =	sadd.s32 $0x2900, s17  }
0xe0: {  	[spmem:s1] =	stream.indirect.scatter.add.f32 [tilespmem:s6], [sflag:$0x10], $0x20, s0, s22, $0xb8;
	[tilespmem:$0x15F00] =	vst v63  }
0xe1: {  	s0 =	simm.s32 $0x5  }
0xe2: {  	_ =	swait.ge [sflag:s0], $0x1000  }
0xe3: {  	[sflag:s0] =	ssyncset.done $0x0  }
0xe4: {  	[sflag:s0] =	ssyncadd.s32 $0xFFFFF000;
	s0 =	sadd.s32 $0x2980, s17  }
0xe5: {  	[spmem:s1] =	stream.indirect.scatter.add.f32 [tilespmem:s7], [sflag:$0x11], $0x20, s0, s22, $0xb8;
	[tilespmem:$0x15F00] =	vst v63  }
0xe6: {  	s0 =	simm.s32 $0x6  }
0xe7: {  	_ =	swait.ge [sflag:s0], $0x1000  }
0xe8: {  	[sflag:s0] =	ssyncset.done $0x0  }
0xe9: {  	[sflag:s0] =	ssyncadd.s32 $0xFFFFF000;
	s0 =	sadd.s32 $0x2A00, s17  }
0xea: {  	[spmem:s1] =	stream.indirect.scatter.add.f32 [tilespmem:s8], [sflag:$0x12], $0x20, s0, s22, $0xb8;
	[tilespmem:$0x15F00] =	vst v63  }
0xeb: {  	s0 =	simm.s32 $0x7  }
0xec: {  	_ =	swait.ge [sflag:s0], $0x1000  }
0xed: {  	[sflag:s0] =	ssyncset.done $0x0  }
0xee: {  	[sflag:s0] =	ssyncadd.s32 $0xFFFFF000;
	s0 =	sadd.s32 $0x2A80, s17  }
0xef: {  	[spmem:s1] =	stream.indirect.scatter.add.f32 [tilespmem:s9], [sflag:$0x13], $0x20, s0, s22, $0xb8;
	[tilespmem:$0x15F00] =	vst v63  }
0xf0: {  	s0 =	simm.s32 $0x8  }
0xf1: {  	_ =	swait.ge [sflag:s0], $0x1000  }
0xf2: {  	[sflag:s0] =	ssyncset.done $0x0  }
0xf3: {  	[sflag:s0] =	ssyncadd.s32 $0xFFFFF000;
	s0 =	sadd.s32 $0x2B00, s17  }
0xf4: {  	[spmem:s1] =	stream.indirect.scatter.add.f32 [tilespmem:s11], [sflag:$0x14], $0x20, s0, s22, $0xb8;
	[tilespmem:$0x15F00] =	vst v63  }
0xf5: {  	s0 =	simm.s32 $0x9  }
0xf6: {  	_ =	swait.ge [sflag:s0], $0x1000  }
0xf7: {  	[sflag:s0] =	ssyncset.done $0x0  }
0xf8: {  	[sflag:s0] =	ssyncadd.s32 $0xFFFFF000;
	s0 =	sadd.s32 $0x2B80, s17  }
0xf9: {  	[spmem:s1] =	stream.indirect.scatter.add.f32 [tilespmem:s12], [sflag:$0x15], $0x20, s0, s22, $0xb8;
	[tilespmem:$0x15F00] =	vst v63  }
0xfa: {  	s0 =	simm.s32 $0xA  }
0xfb: {  	_ =	swait.ge [sflag:s0], $0x1000  }
0xfc: {  	[sflag:s0] =	ssyncset.done $0x0  }
0xfd: {  	[sflag:s0] =	ssyncadd.s32 $0xFFFFF000;
	s0 =	sadd.s32 $0x2C00, s17  }
0xfe: {  	[spmem:s1] =	stream.indirect.scatter.add.f32 [tilespmem:s13], [sflag:$0x16], $0x20, s0, s22, $0xb8;
	[tilespmem:$0x15F00] =	vst v63  }
0xff: {  	s0 =	simm.s32 $0xB  }
0x100: {  	_ =	swait.ge [sflag:s0], $0x1000  }
0x101: {  	[sflag:s0] =	ssyncset.done $0x0  }
0x102: {  	[sflag:s0] =	ssyncadd.s32 $0xFFFFF000;
	s0 =	sadd.s32 $0x2C80, s17  }
0x103: {  	[spmem:s1] =	stream.indirect.scatter.add.f32 [tilespmem:s14], [sflag:$0x17], $0x20, s0, s22, $0xb8;
	[tilespmem:$0x15F00] =	vst v63  }
0x104: {  	s0 =	simm.s32 $0xC  }
0x105: {  	_ =	swait.ge [sflag:s0], $0x1000  }
0x106: {  	[sflag:s0] =	ssyncset.done $0x0  }
0x107: {  	[sflag:s0] =	ssyncadd.s32 $0xFFFFF000;
	s0 =	sadd.s32 $0x2D00, s17  }
0x108: {  	[spmem:s1] =	stream.indirect.scatter.add.f32 [tilespmem:s15], [sflag:$0x18], $0x20, s0, s22, $0xb8;
	[tilespmem:$0x15F00] =	vst v63  }
0x109: {  	_ =	swait.ge [sflag:s16], $0x1000  }
0x10a: {  	[sflag:s16] =	ssyncset.done $0x0  }
0x10b: {  	[sflag:s16] =	ssyncadd.s32 $0xFFFFF000  }
0x10c: {  	_ =	swait.ge [sflag:s3], $0x1000  }
0x10d: {  	[sflag:s3] =	ssyncset.done $0x0  }
0x10e: {  	[sflag:s3] =	ssyncadd.s32 $0xFFFFF000  }
0x10f: {  	_ =	swait.ge [sflag:s10], $0x1000  }
0x110: {  	[sflag:s10] =	ssyncset.done $0x0  }
0x111: {  	[sflag:s10] =	ssyncadd.s32 $0xFFFFF000  }
0x112: {  	_ =	swait.ge [sflag:s19], $0x1000  }
0x113: {  	[sflag:s19] =	ssyncset.done $0x0  }
0x114: {  	[sflag:s19] =	ssyncadd.s32 $0xFFFFF000  }
0x115: {  	_ =	swait.ge [sflag:s18], $0x1000  }
0x116: {  	[sflag:s18] =	ssyncset.done $0x0  }
0x117: {  	[sflag:s18] =	ssyncadd.s32 $0xFFFFF000  }
0x118: {  	_ =	swait.ge [sflag:s23], $0x1000  }
0x119: {  	[sflag:s23] =	ssyncset.done $0x0  }
0x11a: {  	[sflag:s23] =	ssyncadd.s32 $0xFFFFF000  }
0x11b: {  	_ =	swait.ge [sflag:s24], $0x1000  }
0x11c: {  	[sflag:s24] =	ssyncset.done $0x0  }
0x11d: {  	[sflag:s24] =	ssyncadd.s32 $0xFFFFF000  }
0x11e: {  	_ =	swait.ge [sflag:s25], $0x1000  }
0x11f: {  	[sflag:s25] =	ssyncset.done $0x0  }
0x120: {  	[sflag:s25] =	ssyncadd.s32 $0xFFFFF000  }
0x121: {  	_ =	swait.ge [sflag:s26], $0x1000  }
0x122: {  	[sflag:s26] =	ssyncset.done $0x0  }
0x123: {  	[sflag:s26] =	ssyncadd.s32 $0xFFFFF000  }
0x124: {  	_ =	swait.ge [sflag:s28], $0x1000  }
0x125: {  	[sflag:s28] =	ssyncset.done $0x0  }
0x126: {  	[sflag:s28] =	ssyncadd.s32 $0xFFFFF000  }
.Ltmp0:
0x127: {  	_ =	swait.ge [sflag:s29], $0x1000;
	(pc) =	sbr.rel @p1 .LBB2_2-.Ltmp0, $4  }
0x128: {  	[sflag:s29] =	ssyncset.done $0x0  }
0x129: {  	[sflag:s29] =	ssyncadd.s32 $0xFFFFF000  }
0x12a: {  	_ =	swait.ge [sflag:s30], $0x1000  }
0x12b: {  	s0 =	smov.u32 s2;
	[sflag:s30] =	ssyncset.done $0x0  }
0x12c: {  	s0 =	sshra.s32 s31, $0x2;
	[sflag:s30] =	ssyncadd.s32 $0xFFFFF000;
	s17 =	simm.s32 $0x4F00  }
0x12d: {  	[tilespmem:s17], [sflag:$0x1] =	stream.indirect.gather [hbm4b:s4+s22], $0x20, s0, s22, $0xb8;
	[tilespmem:$0x15F00] =	vst v63  }
0x12e: {  	s5 =	simm.s32 $0x5F00;
	s2 =	sadd.s32 $0x80, s0  }
0x12f: {  	[tilespmem:s5], [sflag:$0x2] =	stream.indirect.gather [hbm4b:s4+s22], $0x20, s2, s22, $0xb8;
	[tilespmem:$0x15F00] =	vst v63  }
0x130: {  	s13 =	simm.s32 $0x6F00;
	s12 =	sadd.s32 $0x100, s0  }
0x131: {  	[tilespmem:s13], [sflag:$0x3] =	stream.indirect.gather [hbm4b:s4+s22], $0x20, s12, s22, $0xb8;
	[tilespmem:$0x15F00] =	vst v63  }
0x132: {  	s20 =	simm.s32 $0x7F00;
	s14 =	sadd.s32 $0x180, s0  }
0x133: {  	[tilespmem:s20], [sflag:$0x4] =	stream.indirect.gather [hbm4b:s4+s22], $0x20, s14, s22, $0xb8;
	[tilespmem:$0x15F00] =	vst v63  }
0x134: {  	s31 =	simm.s32 $0x8F00;
	s21 =	sadd.s32 $0x200, s0  }
0x135: {  	[tilespmem:s31], [sflag:$0x5] =	stream.indirect.gather [hbm4b:s4+s22], $0x20, s21, s22, $0xb8;
	[tilespmem:$0x15F00] =	vst v63  }
0x136: {  	s8 =	simm.s32 $0x9F00;
	s5 =	sadd.s32 $0x280, s0  }
0x137: {  	[tilespmem:s8], [sflag:$0x6] =	stream.indirect.gather [hbm4b:s4+s22], $0x20, s5, s22, $0xb8;
	[tilespmem:$0x15F00] =	vst v63  }
0x138: {  	s9 =	sadd.s32 $0x300, s0;
	s8 =	simm.s32 $0xAF00  }
0x139: {  	[tilespmem:s8], [sflag:$0x7] =	stream.indirect.gather [hbm4b:s4+s22], $0x20, s9, s22, $0xb8;
	[tilespmem:$0x15F00] =	vst v63  }
0x13a: {  	s11 =	sadd.s32 $0x380, s0;
	s9 =	simm.s32 $0xBF00  }
0x13b: {  	[tilespmem:s9], [sflag:$0x8] =	stream.indirect.gather [hbm4b:s4+s22], $0x20, s11, s22, $0xb8;
	[tilespmem:$0x15F00] =	vst v63  }
0x13c: {  	s12 =	sadd.s32 $0x400, s0;
	s11 =	simm.s32 $0xCF00  }
0x13d: {  	[tilespmem:s11], [sflag:$0x9] =	stream.indirect.gather [hbm4b:s4+s22], $0x20, s12, s22, $0xb8;
	[tilespmem:$0x15F00] =	vst v63  }
0x13e: {  	s13 =	sadd.s32 $0x480, s0;
	s12 =	simm.s32 $0xDF00  }
0x13f: {  	[tilespmem:s12], [sflag:$0xA] =	stream.indirect.gather [hbm4b:s4+s22], $0x20, s13, s22, $0xb8;
	[tilespmem:$0x15F00] =	vst v63  }
0x140: {  	s14 =	sadd.s32 $0x500, s0;
	s13 =	simm.s32 $0xEF00  }
0x141: {  	[tilespmem:s13], [sflag:$0xB] =	stream.indirect.gather [hbm4b:s4+s22], $0x20, s14, s22, $0xb8;
	[tilespmem:$0x15F00] =	vst v63  }
0x142: {  	s20 =	sadd.s32 $0x580, s0;
	s14 =	simm.s32 $0xFF00  }
0x143: {  	[tilespmem:s14], [sflag:$0xC] =	stream.indirect.gather [hbm4b:s4+s22], $0x20, s20, s22, $0xb8;
	[tilespmem:$0x15F00] =	vst v63  }
0x144: {  	s20 =	simm.s32 $0x1  }
0x145: {  	_ =	swait.ge [sflag:s20], $0x1000  }
0x146: {  	[sflag:s20] =	ssyncset.done $0x0  }
0x147: {  	s21 =	sadd.s32 $0x2780, s0;
	[sflag:s20] =	ssyncadd.s32 $0xFFFFF000  }
0x148: {  	[spmem:s1] =	stream.indirect.scatter.add.f32 [tilespmem:s17], [sflag:$0xD], $0x20, s21, s22, $0xb8;
	[tilespmem:$0x15F00] =	vst v63  }
0x149: {  	s21 =	simm.s32 $0x2  }
0x14a: {  	_ =	swait.ge [sflag:s21], $0x1000  }
0x14b: {  	[sflag:s21] =	ssyncset.done $0x0  }
0x14c: {  	s15 =	simm.s32 $0x5F00;
	s5 =	sadd.s32 $0x2800, s0;
	[sflag:s21] =	ssyncadd.s32 $0xFFFFF000  }
0x14d: {  	[spmem:s1] =	stream.indirect.scatter.add.f32 [tilespmem:s15], [sflag:$0xE], $0x20, s5, s22, $0xb8;
	[tilespmem:$0x15F00] =	vst v63  }
0x14e: {  	s15 =	simm.s32 $0x3  }
0x14f: {  	_ =	swait.ge [sflag:s15], $0x1000  }
0x150: {  	[sflag:s15] =	ssyncset.done $0x0  }
0x151: {  	s7 =	simm.s32 $0x6F00;
	s5 =	sadd.s32 $0x2880, s0;
	[sflag:s15] =	ssyncadd.s32 $0xFFFFF000  }
0x152: {  	[spmem:s1] =	stream.indirect.scatter.add.f32 [tilespmem:s7], [sflag:$0xF], $0x20, s5, s22, $0xb8;
	[tilespmem:$0x15F00] =	vst v63  }
0x153: {  	s7 =	simm.s32 $0x4  }
0x154: {  	_ =	swait.ge [sflag:s7], $0x1000  }
0x155: {  	[sflag:s7] =	ssyncset.done $0x0  }
0x156: {  	s6 =	simm.s32 $0x7F00;
	s5 =	sadd.s32 $0x2900, s0;
	[sflag:s7] =	ssyncadd.s32 $0xFFFFF000  }
0x157: {  	[spmem:s1] =	stream.indirect.scatter.add.f32 [tilespmem:s6], [sflag:$0x10], $0x20, s5, s22, $0xb8;
	[tilespmem:$0x15F00] =	vst v63  }
0x158: {  	s6 =	simm.s32 $0x5  }
0x159: {  	_ =	swait.ge [sflag:s6], $0x1000  }
0x15a: {  	[sflag:s6] =	ssyncset.done $0x0  }
0x15b: {  	s31 =	simm.s32 $0x8F00;
	s5 =	sadd.s32 $0x2980, s0;
	[sflag:s6] =	ssyncadd.s32 $0xFFFFF000  }
0x15c: {  	[spmem:s1] =	stream.indirect.scatter.add.f32 [tilespmem:s31], [sflag:$0x11], $0x20, s5, s22, $0xb8;
	[tilespmem:$0x15F00] =	vst v63  }
0x15d: {  	s5 =	simm.s32 $0x6  }
0x15e: {  	_ =	swait.ge [sflag:s5], $0x1000  }
0x15f: {  	[sflag:s5] =	ssyncset.done $0x0  }
0x160: {  	s2 =	sadd.s32 $0x2A00, s0;
	s31 =	simm.s32 $0x9F00;
	[sflag:s5] =	ssyncadd.s32 $0xFFFFF000  }
0x161: {  	[spmem:s1] =	stream.indirect.scatter.add.f32 [tilespmem:s31], [sflag:$0x12], $0x20, s2, s22, $0xb8;
	[tilespmem:$0x15F00] =	vst v63  }
0x162: {  	s31 =	simm.s32 $0x7  }
0x163: {  	_ =	swait.ge [sflag:s31], $0x1000  }
0x164: {  	[sflag:s31] =	ssyncset.done $0x0  }
0x165: {  	[sflag:s31] =	ssyncadd.s32 $0xFFFFF000;
	s31 =	sadd.s32 $0x2A80, s0  }
0x166: {  	[spmem:s1] =	stream.indirect.scatter.add.f32 [tilespmem:s8], [sflag:$0x13], $0x20, s31, s22, $0xb8;
	[tilespmem:$0x15F00] =	vst v63  }
0x167: {  	s31 =	simm.s32 $0x8  }
0x168: {  	_ =	swait.ge [sflag:s31], $0x1000  }
0x169: {  	[sflag:s31] =	ssyncset.done $0x0  }
0x16a: {  	s8 =	sadd.s32 $0x2B00, s0;
	[sflag:s31] =	ssyncadd.s32 $0xFFFFF000  }
0x16b: {  	[spmem:s1] =	stream.indirect.scatter.add.f32 [tilespmem:s9], [sflag:$0x14], $0x20, s8, s22, $0xb8;
	[tilespmem:$0x15F00] =	vst v63  }
0x16c: {  	s9 =	simm.s32 $0x9  }
0x16d: {  	_ =	swait.ge [sflag:s9], $0x1000  }
0x16e: {  	[sflag:s9] =	ssyncset.done $0x0  }
0x16f: {  	s31 =	sadd.s32 $0x2B80, s0;
	s8 =	simm.s32 $0xA;
	[sflag:s9] =	ssyncadd.s32 $0xFFFFF000  }
0x170: {  	[spmem:s1] =	stream.indirect.scatter.add.f32 [tilespmem:s11], [sflag:$0x15], $0x20, s31, s22, $0xb8;
	[tilespmem:$0x15F00] =	vst v63  }
0x171: {  	_ =	swait.ge [sflag:s8], $0x1000  }
0x172: {  	[sflag:s8] =	ssyncset.done $0x0  }
0x173: {  	s9 =	sadd.s32 $0x2C00, s0;
	s11 =	simm.s32 $0xB;
	[sflag:s8] =	ssyncadd.s32 $0xFFFFF000  }
0x174: {  	[spmem:s1] =	stream.indirect.scatter.add.f32 [tilespmem:s12], [sflag:$0x16], $0x20, s9, s22, $0xb8;
	[tilespmem:$0x15F00] =	vst v63  }
0x175: {  	_ =	swait.ge [sflag:s11], $0x1000  }
0x176: {  	[sflag:s11] =	ssyncset.done $0x0  }
0x177: {  	s31 =	simm.s32 $0xC;
	s12 =	sadd.s32 $0x2C80, s0;
	[sflag:s11] =	ssyncadd.s32 $0xFFFFF000  }
0x178: {  	[spmem:s1] =	stream.indirect.scatter.add.f32 [tilespmem:s13], [sflag:$0x17], $0x20, s12, s22, $0xb8;
	[tilespmem:$0x15F00] =	vst v63  }
0x179: {  	_ =	swait.ge [sflag:s31], $0x1000  }
0x17a: {  	[sflag:s31] =	ssyncset.done $0x0  }
0x17b: {  	s0 =	sadd.s32 $0x2D00, s0;
	[sflag:s31] =	ssyncadd.s32 $0xFFFFF000  }
0x17c: {  	[spmem:s1] =	stream.indirect.scatter.add.f32 [tilespmem:s14], [sflag:$0x18], $0x20, s0, s22, $0xb8;
	[tilespmem:$0x15F00] =	vst v63  }
0x17d: {  	_ =	swait.ge [sflag:s16], $0x1000  }
0x17e: {  	[sflag:s16] =	ssyncset.done $0x0  }
0x17f: {  	[sflag:s16] =	ssyncadd.s32 $0xFFFFF000  }
0x180: {  	_ =	swait.ge [sflag:s3], $0x1000  }
0x181: {  	[sflag:s3] =	ssyncset.done $0x0  }
0x182: {  	[sflag:s3] =	ssyncadd.s32 $0xFFFFF000  }
0x183: {  	_ =	swait.ge [sflag:s10], $0x1000  }
0x184: {  	[sflag:s10] =	ssyncset.done $0x0  }
0x185: {  	[sflag:s10] =	ssyncadd.s32 $0xFFFFF000  }
0x186: {  	_ =	swait.ge [sflag:s19], $0x1000  }
0x187: {  	[sflag:s19] =	ssyncset.done $0x0  }
0x188: {  	[sflag:s19] =	ssyncadd.s32 $0xFFFFF000  }
0x189: {  	_ =	swait.ge [sflag:s18], $0x1000  }
0x18a: {  	[sflag:s18] =	ssyncset.done $0x0  }
0x18b: {  	[sflag:s18] =	ssyncadd.s32 $0xFFFFF000  }
0x18c: {  	_ =	swait.ge [sflag:s23], $0x1000  }
0x18d: {  	[sflag:s23] =	ssyncset.done $0x0  }
0x18e: {  	[sflag:s23] =	ssyncadd.s32 $0xFFFFF000  }
0x18f: {  	_ =	swait.ge [sflag:s24], $0x1000  }
0x190: {  	[sflag:s24] =	ssyncset.done $0x0  }
0x191: {  	[sflag:s24] =	ssyncadd.s32 $0xFFFFF000  }
0x192: {  	_ =	swait.ge [sflag:s25], $0x1000  }
0x193: {  	[sflag:s25] =	ssyncset.done $0x0  }
0x194: {  	[sflag:s25] =	ssyncadd.s32 $0xFFFFF000  }
0x195: {  	_ =	swait.ge [sflag:s26], $0x1000  }
0x196: {  	[sflag:s26] =	ssyncset.done $0x0  }
0x197: {  	[sflag:s26] =	ssyncadd.s32 $0xFFFFF000  }
0x198: {  	_ =	swait.ge [sflag:s28], $0x1000  }
0x199: {  	[sflag:s28] =	ssyncset.done $0x0  }
0x19a: {  	[sflag:s28] =	ssyncadd.s32 $0xFFFFF000  }
0x19b: {  	_ =	swait.ge [sflag:s29], $0x1000  }
0x19c: {  	[sflag:s29] =	ssyncset.done $0x0  }
0x19d: {  	[sflag:s29] =	ssyncadd.s32 $0xFFFFF000  }
0x19e: {  	_ =	swait.ge [sflag:s30], $0x1000  }
0x19f: {  	[sflag:s30] =	ssyncset.done $0x0  }
0x1a0: {  	s2 =	simm.s32 $0x2400;
	[sflag:s30] =	ssyncadd.s32 $0xFFFFF000  }
0x1a1: {  	[tilespmem:s17], [sflag:$0x1] =	stream.indirect.gather [hbm4b:s4+s22], $0x20, s2, s22, $0xb8;
	[tilespmem:$0x15F00] =	vst v63  }
0x1a2: {  	s8 =	simm.s32 $0x2480;
	s12 =	simm.s32 $0x5F00  }
0x1a3: {  	[tilespmem:s12], [sflag:$0x2] =	stream.indirect.gather [hbm4b:s4+s22], $0x20, s8, s22, $0xb8;
	[tilespmem:$0x15F00] =	vst v63  }
0x1a4: {  	s9 =	simm.s32 $0x2500;
	s11 =	simm.s32 $0x6F00  }
0x1a5: {  	[tilespmem:s11], [sflag:$0x3] =	stream.indirect.gather [hbm4b:s4+s22], $0x20, s9, s22, $0xb8;
	[tilespmem:$0x15F00] =	vst v63  }
0x1a6: {  	s2 =	simm.s32 $0x2580;
	s8 =	simm.s32 $0x7F00  }
0x1a7: {  	[tilespmem:s8], [sflag:$0x4] =	stream.indirect.gather [hbm4b:s4+s22], $0x20, s2, s22, $0xb8;
	[tilespmem:$0x15F00] =	vst v63  }
0x1a8: {  	s31 =	simm.s32 $0x2600;
	s2 =	simm.s32 $0x8F00  }
0x1a9: {  	[tilespmem:s2], [sflag:$0x5] =	stream.indirect.gather [hbm4b:s4+s22], $0x20, s31, s22, $0xb8;
	[tilespmem:$0x15F00] =	vst v63  }
0x1aa: {  	s13 =	simm.s32 $0x2680;
	s14 =	simm.s32 $0x9F00  }
0x1ab: {  	[tilespmem:s14], [sflag:$0x6] =	stream.indirect.gather [hbm4b:s4+s22], $0x20, s13, s22, $0xb8;
	[tilespmem:$0x15F00] =	vst v63  }
0x1ac: {  	_ =	swait.ge [sflag:s20], $0x1000  }
0x1ad: {  	[sflag:s20] =	ssyncset.done $0x0  }
0x1ae: {  	[sflag:s20] =	ssyncadd.s32 $0xFFFFF000;
	s20 =	simm.s32 $0x4B80  }
0x1af: {  	[spmem:s1] =	stream.indirect.scatter.add.f32 [tilespmem:s17], [sflag:$0xD], $0x20, s20, s22, $0xb8;
	[tilespmem:$0x15F00] =	vst v63  }
0x1b0: {  	_ =	swait.ge [sflag:s21], $0x1000  }
0x1b1: {  	[sflag:s21] =	ssyncset.done $0x0  }
0x1b2: {  	[sflag:s21] =	ssyncadd.s32 $0xFFFFF000;
	s21 =	simm.s32 $0x4C00  }
0x1b3: {  	[spmem:s1] =	stream.indirect.scatter.add.f32 [tilespmem:s12], [sflag:$0xE], $0x20, s21, s22, $0xb8;
	[tilespmem:$0x15F00] =	vst v63  }
0x1b4: {  	_ =	swait.ge [sflag:s15], $0x1000  }
0x1b5: {  	[sflag:s15] =	ssyncset.done $0x0  }
0x1b6: {  	s31 =	simm.s32 $0x4C80;
	[sflag:s15] =	ssyncadd.s32 $0xFFFFF000  }
0x1b7: {  	[spmem:s1] =	stream.indirect.scatter.add.f32 [tilespmem:s11], [sflag:$0xF], $0x20, s31, s22, $0xb8;
	[tilespmem:$0x15F00] =	vst v63  }
0x1b8: {  	_ =	swait.ge [sflag:s7], $0x1000  }
0x1b9: {  	[sflag:s7] =	ssyncset.done $0x0  }
0x1ba: {  	s9 =	simm.s32 $0x4D00;
	[sflag:s7] =	ssyncadd.s32 $0xFFFFF000  }
0x1bb: {  	[spmem:s1] =	stream.indirect.scatter.add.f32 [tilespmem:s8], [sflag:$0x10], $0x20, s9, s22, $0xb8;
	[tilespmem:$0x15F00] =	vst v63  }
0x1bc: {  	_ =	swait.ge [sflag:s6], $0x1000  }
0x1bd: {  	[sflag:s6] =	ssyncset.done $0x0  }
0x1be: {  	s12 =	simm.s32 $0x4D80;
	[sflag:s6] =	ssyncadd.s32 $0xFFFFF000  }
0x1bf: {  	[spmem:s1] =	stream.indirect.scatter.add.f32 [tilespmem:s2], [sflag:$0x11], $0x20, s12, s22, $0xb8;
	[tilespmem:$0x15F00] =	vst v63  }
0x1c0: {  	_ =	swait.ge [sflag:s5], $0x1000  }
0x1c1: {  	[sflag:s5] =	ssyncset.done $0x0  }
0x1c2: {  	s13 =	simm.s32 $0x4E00;
	[sflag:s5] =	ssyncadd.s32 $0xFFFFF000  }
0x1c3: {  	[spmem:s1] =	stream.indirect.scatter.add.f32 [tilespmem:s14], [sflag:$0x12], $0x20, s13, s22, $0xb8;
	[tilespmem:$0x15F00] =	vst v63  }
0x1c4: {  	_ =	swait.ge [sflag:s16], $0x1000  }
0x1c5: {  	[sflag:s16] =	ssyncset.done $0x0  }
0x1c6: {  	[sflag:s16] =	ssyncadd.s32 $0xFFFFF000  }
0x1c7: {  	_ =	swait.ge [sflag:s3], $0x1000  }
0x1c8: {  	[sflag:s3] =	ssyncset.done $0x0  }
0x1c9: {  	[sflag:s3] =	ssyncadd.s32 $0xFFFFF000  }
0x1ca: {  	_ =	swait.ge [sflag:s10], $0x1000  }
0x1cb: {  	[sflag:s10] =	ssyncset.done $0x0  }
0x1cc: {  	[sflag:s10] =	ssyncadd.s32 $0xFFFFF000  }
0x1cd: {  	_ =	swait.ge [sflag:s19], $0x1000  }
0x1ce: {  	[sflag:s19] =	ssyncset.done $0x0  }
0x1cf: {  	[sflag:s19] =	ssyncadd.s32 $0xFFFFF000  }
0x1d0: {  	_ =	swait.ge [sflag:s18], $0x1000  }
0x1d1: {  	[sflag:s18] =	ssyncset.done $0x0  }
0x1d2: {  	[sflag:s18] =	ssyncadd.s32 $0xFFFFF000  }
0x1d3: {  	_ =	swait.ge [sflag:s23], $0x1000  }
0x1d4: {  	s0 =	simm.s32 @!p0 $0x80;
	[sflag:s23] =	ssyncset.done $0x0  }
0x1d5: {  	s17 =	simm.s32 @!p0 $0x4F00;
	s2 =	simm.s32 @!p0 $0x2700;
	[sflag:s23] =	ssyncadd.s32 $0xFFFFF000  }
0x1d6: {  	[tilespmem:s17], [sflag:$0x1] =	stream.indirect.gather @!p0 [hbm4b:s4+s0], $0x20, s2, s0, $0xb8;
	[tilespmem:$0x15F00] =	vst v63  }
0x1d7: {  	s2 =	simm.s32 @!p0 $0x1  }
0x1d8: {  	_ =	swait.ge @!p0 [sflag:s2], $0x1000  }
0x1d9: {  	[sflag:s2] =	ssyncset.done @!p0 $0x0  }
0x1da: {  	[sflag:s2] =	ssyncadd.s32 @!p0 $0xFFFFF000;
	s2 =	simm.s32 @!p0 $0x4E80  }
0x1db: {  	[spmem:s1] =	stream.indirect.scatter.add.f32 @!p0 [tilespmem:s17], [sflag:$0x19], $0x20, s2, s0, $0xb8;
	[tilespmem:$0x15F00] =	vst v63  }
0x1dc: {  	s0 =	simm.s32 @!p0 $0x19  }
0x1dd: {  	_ =	swait.ge @!p0 [sflag:s0], $0x1000  }
0x1de: {  	[sflag:s0] =	ssyncset.done @!p0 $0x0  }
0x1df: {  	[sflag:s0] =	ssyncadd.s32 @!p0 $0xFFFFF000  }
0x1e0: {  	s14 =	stileid.u32;
	[bflag:$0x0] =	sbarrier.arrive $0xFFFF  }
0x1e1: {  	s0 =	sshll.u32 s14, $0x6;
	s17 =	rddreg [dreg:$0x8]  }
0x1e2: {  	s0 =	sor.u32 $0x1C19, s0;
	s20 =	rddreg [dreg:$0xd];
	s15 =	sshrl.u32 s17, $0x3  }
0x1e3: {  	[hbm:s20], [sflag:s0] =	dma.local [spmem:s15], $0xA00  }
0x1e4: {  	s20 =	simm.s32 $0x19  }
0x1e5: {  	_ =	swait.ge [sflag:s20], $0xA00  }
0x1e6: {  	s21 =	rddreg [dreg:$0xf]  }
0x1e7: {  	s31 =	rddreg [dreg:$0xe];
	s2 =	sadd.s32 $0x1, s21  }
0x1e8: {  	p1 =	sne.s32 s2, s31  }
.Ltmp1:
0x1e9: {  	_ = 	snop;
	(pc) =	sbr.rel @p1 .LBB2_1-.Ltmp1, $3  }
0x1ea: {  	_ =	sdelay $0x1  }
0x1eb: {  	[sflag:s20] =	ssyncset.done $0x0  }
0x1ec: {  	[sflag:s20] =	ssyncadd.s32 $0xFFFFF600  }
0x1ed: {  	_ =	sfence.sel $0x180000  }
0x1ee: {  	[bflag:$0x0] =	sbarrier.arrive $0xFFFF  }
0x1ef: {  	_ =	strace $0x90000050  }
0x1f0: {  	s0 =	stileid.u32;
	[bflag:$0x2] =	sbarrier.arrive $0xFFFF  }
0x1f1: {  	p0 =	sne.s32 s0, $0x0;
	s0 =	rddreg [dreg:$0x2]  }
0x1f2: {  	s0 =	sadd.s32 @!p0 $0x100000, s0  }
0x1f3: {  	[sflag:s0] =	ssyncadd.tile.s32 @!p0 $0x1;
	_ =	shalt  }
.Lfunc_end2:
_tile_overlayer_lowered:
.L_overlay_start_2:
0x1f4: {  	(tag) =	ssettag $0x2  }
0x1f5: {  	s0 =	rddreg [dreg:$0x0];
	s2 =	stileid.u32  }
0x1f6: {  	s1 =	rddreg [dreg:$0x1];
	p0 =	sne.s32 s2, $0x0  }
0x1f7: {  	s3 =	rddreg [dreg:$0x2];
	[bflag:$0x3] =	sbarrier.arrive $0xFFFF;
	s2 =	simm.s32 @!p0 $0x1C19  }
0x1f8: {  	[timem:s3], [sflag:s2] =	dma.local @!p0 [hbm:s0], s1  }
0x1f9: {  	s0 =	simm.s32 @!p0 $0x19  }
0x1fa: {  	_ =	swait.ge @!p0 [sflag:s0], s1  }
0x1fb: {  	s1 =	ssub.s32 @!p0 $0x0, s1;
	[sflag:s0] =	ssyncset.done @!p0 $0x0  }
0x1fc: {  	[sflag:s0] =	ssyncadd.s32 @!p0 s1  }
0x1fd: {  	[bflag:$0x3] =	sbarrier.arrive $0xFFFF  }
0x1fe: {  	_ =	shalt  }

</sc_bundles>
